<compile_context>
chip_gen: v7x
topology: tpu7x:2x2x1
jax: 0.10.2.dev20260603
libtpu: 0.0.44.dev20260713+nightly
codegen_flags: <defaults>
</compile_context>

<pallas_src>
import functools

import jax
import jax.numpy as jnp
import numpy as np
from jax import lax
from jax.experimental import pallas as pl
from jax.experimental.pallas import tpu as pltpu
from jax.experimental.pallas import tpu_sc as plsc

N = 1024
IN_DIM = 32
LATENT = 64
RL = 128
NBLK = N // RL
NW = 32
RPW = N // NW
W = 64
MINI32 = np.int32(-2147483648)


def _k_body(x_ref, wm1_ref, bm1_ref, wm2_ref, bm2_ref, wp_ref, bp_ref, k_ref):
    xb = x_ref[...]
    h = lax.dot_general(xb, wm1_ref[...], (((1,), (1,)), ((), ())),
                        preferred_element_type=jnp.float32) + bm1_ref[...]
    h = jnp.maximum(h, 0.0)
    m = lax.dot_general(h, wm2_ref[...], (((1,), (1,)), ((), ())),
                        preferred_element_type=jnp.float32) + bm2_ref[...]
    kv = jnp.sum(m * wp_ref[...], axis=1, keepdims=True)
    k_ref[...] = (kv + bp_ref[...]) + 1.0


def _k_call(x2, W_m1, b_m1, W_m2, b_m2, W_p, b_p):
    return pl.pallas_call(
        _k_body,
        out_shape=jax.ShapeDtypeStruct((N, 1), jnp.float32),
    )(x2, W_m1, b_m1, W_m2, b_m2, W_p, b_p)


def _gumbel(u, i):
    eps = 1e-20
    g = -jnp.log(-jnp.log(u + eps) + eps)
    cid = lax.broadcasted_iota(jnp.int32, (N, RL), 0)
    rid = i * RL + lax.broadcasted_iota(jnp.int32, (N, RL), 1)
    return jnp.where(cid == rid, 0.0, g), cid


TAU0 = 3.53


def _bisect_body(noise_ref, g_ref, dest_ref, cnt_ref):
    i = pl.program_id(0)
    g, cid = _gumbel(noise_ref[...], i)
    g_ref[...] = g

    m = g >= TAU0
    ps = m.astype(jnp.int32)
    for sh in (1, 2, 4, 8, 16, 32, 64, 128, 256, 512):
        ps = ps + jnp.where(cid >= sh, jnp.roll(ps, sh, axis=0), 0)
    rid = i * RL + lax.broadcasted_iota(jnp.int32, (N, RL), 1)
    dest_ref[...] = jnp.where(m, (rid & (RPW - 1)) * W + ps - 1, -1)
    cnt_ref[...] = ps[N - 1:N, :]


def _bisect_call(noise_t):
    return pl.pallas_call(
        _bisect_body,
        grid=(NBLK,),
        in_specs=[pl.BlockSpec((N, RL), lambda i: (0, i))],
        out_specs=[
            pl.BlockSpec((N, RL), lambda i: (0, i)),
            pl.BlockSpec((N, RL), lambda i: (0, i)),
            pl.BlockSpec((1, RL), lambda i: (0, i)),
        ],
        out_shape=[
            jax.ShapeDtypeStruct((N, N), jnp.float32),
            jax.ShapeDtypeStruct((N, N), jnp.int32),
            jax.ShapeDtypeStruct((1, N), jnp.int32),
        ],
    )(noise_t)


def _make_sc_compact():
    mesh = plsc.VectorSubcoreMesh(core_axis_name="c", subcore_axis_name="s")

    @functools.partial(
        pl.kernel,
        out_type=[
            jax.ShapeDtypeStruct((N * W,), jnp.float32),
            jax.ShapeDtypeStruct((N * W,), jnp.int32),
        ],
        mesh=mesh,
        compiler_params=pltpu.CompilerParams(needs_layout_passes=False),
        scratch_types=[
            pltpu.VMEM((RPW * N,), jnp.float32),
            pltpu.VMEM((RPW * N,), jnp.int32),
            pltpu.VMEM((RPW * W,), jnp.float32),
            pltpu.VMEM((RPW * W,), jnp.int32),
        ],
    )
    def sc_compact(g_hbm, dest_hbm, vals_hbm, cols_hbm, g_v, d_v, vb, cb):
        wid = lax.axis_index("s") * 2 + lax.axis_index("c")
        base = wid * RPW * N
        pltpu.sync_copy(g_hbm.at[pl.ds(base, RPW * N)], g_v)
        pltpu.sync_copy(dest_hbm.at[pl.ds(base, RPW * N)], d_v)

        neg_inf = jnp.full((16,), -jnp.inf, jnp.float32)
        neg_one = jnp.full((16,), -1, jnp.int32)

        def fill(r, carry):
            for q in range(8):
                vb[pl.ds((r * 8 + q) * 16, 16)] = neg_inf
                cb[pl.ds((r * 8 + q) * 16, 16)] = neg_one
            return carry

        lax.fori_loop(0, RPW * W // 128, fill, 0)

        lane = lax.iota(jnp.int32, 16)

        def chunk(jc, carry):
            for q in range(8):
                fc = jc * 8 + q
                gv = g_v[pl.ds(fc * 16, 16)]
                dv = d_v[pl.ds(fc * 16, 16)]
                m = dv >= 0
                addr = jnp.minimum(dv, RPW * W - 1)
                col = (fc % (N // 16)) * 16 + lane
                plsc.store_scatter(vb, [addr], gv, mask=m)
                plsc.store_scatter(cb, [addr], col, mask=m)
            return carry

        lax.fori_loop(0, RPW * N // 128, chunk, 0)
        pltpu.sync_copy(vb, vals_hbm.at[pl.ds(wid * RPW * W, RPW * W)])
        pltpu.sync_copy(cb, cols_hbm.at[pl.ds(wid * RPW * W, RPW * W)])

    return sc_compact


def _window_body(v_ref, c_ref, k_ref, out_ref):
    v = v_ref[...]
    cidx = c_ref[...]
    vi = v[:, None, :]
    vj = v[None, :, :]
    ci = cidx[:, None, :]
    cj = cidx[None, :, :]
    before = (vj > vi) | ((vj == vi) & (cj < ci))
    rank = jnp.sum(before.astype(jnp.int32), axis=1)
    x_support = 2.0 - 7.0 * rank.astype(jnp.float32)
    shift = -(k_ref[...] - 1.0) * (-7.0)
    w = jax.nn.sigmoid(x_support + shift)
    out_ref[...] = jnp.where(cidx < 0, 0.0, v * w)


def _window_call(wvals_t, wcols_t, k_t):
    return pl.pallas_call(
        _window_body,
        grid=(NBLK,),
        in_specs=[
            pl.BlockSpec((W, RL), lambda i: (0, i)),
            pl.BlockSpec((W, RL), lambda i: (0, i)),
            pl.BlockSpec((1, RL), lambda i: (0, i)),
        ],
        out_specs=pl.BlockSpec((W, RL), lambda i: (0, i)),
        out_shape=jax.ShapeDtypeStruct((W, N), jnp.float32),
    )(wvals_t, wcols_t, k_t)


def _make_sc_scatter_sparse():
    mesh = plsc.VectorSubcoreMesh(core_axis_name="c", subcore_axis_name="s")

    @functools.partial(
        pl.kernel,
        out_type=jax.ShapeDtypeStruct((N, N), jnp.float32),
        mesh=mesh,
        compiler_params=pltpu.CompilerParams(needs_layout_passes=False),
        scratch_types=[
            pltpu.VMEM((RPW, W), jnp.float32),
            pltpu.VMEM((RPW, W), jnp.int32),
            pltpu.VMEM((RPW, N), jnp.float32),
        ],
    )
    def sc_scatter_sparse(fkp_hbm, cols_hbm, zeros_hbm, adj_hbm, vb, cb,
                          out_v):
        wid = lax.axis_index("s") * 2 + lax.axis_index("c")
        base = wid * RPW
        pltpu.sync_copy(fkp_hbm.at[pl.ds(base, RPW)], vb)
        pltpu.sync_copy(cols_hbm.at[pl.ds(base, RPW)], cb)
        pltpu.sync_copy(zeros_hbm, out_v)

        def row_body(r, carry):
            row_vec = jnp.zeros((16,), jnp.int32) + r
            for q in range(W // 16):
                ids = cb[r, pl.ds(q * 16, 16)]
                vals = vb[r, pl.ds(q * 16, 16)]
                plsc.store_scatter(out_v, [row_vec, ids], vals,
                                   mask=ids >= 0)
            return carry

        lax.fori_loop(0, RPW, row_body, 0)
        pltpu.sync_copy(out_v, adj_hbm.at[pl.ds(base, RPW)])

    return sc_scatter_sparse


def _sort_body(noise_ref, k_ref, fkp_ref, idx_ref):
    i = pl.program_id(0)
    g, cid = _gumbel(noise_ref[...], i)

    key = -g
    idx = cid
    for K in range(1, 11):
        for j in range(K - 1, -1, -1):
            s = 1 << j
            if s < 128:
                S = 8 * s
                G = N // (2 * S)
                k4 = key.reshape(G, 2, S, RL)
                i4 = idx.reshape(G, 2, S, RL)
                ak, bk = k4[:, 0], k4[:, 1]
                ai, bi = i4[:, 0], i4[:, 1]
                c = (ak < bk) | ((ak == bk) & (ai < bi))
                if K == 10:
                    keep = c
                elif K <= 6:
                    ga = lax.broadcasted_iota(jnp.int32, (G, S, RL), 0)
                    asc = ((ga >> (K - j - 1)) & 1) == 0
                    keep = c == asc
                else:
                    ta = lax.broadcasted_iota(jnp.int32, (G, S, RL), 1)
                    asc = ((ta >> (K - 7)) & 1) == 0
                    keep = c == asc
                nak = jnp.where(keep, ak, bk)
                nbk = jnp.where(keep, bk, ak)
                nai = jnp.where(keep, ai, bi)
                nbi = jnp.where(keep, bi, ai)
                key = jnp.concatenate(
                    [nak[:, None], nbk[:, None]], axis=1).reshape(N, RL)
                idx = jnp.concatenate(
                    [nai[:, None], nbi[:, None]], axis=1).reshape(N, RL)
            else:
                sig = s // 128
                is_lo = (cid & sig) == 0
                pk = jnp.where(is_lo, jnp.roll(key, -sig, axis=0),
                               jnp.roll(key, sig, axis=0))
                pi = jnp.where(is_lo, jnp.roll(idx, -sig, axis=0),
                               jnp.roll(idx, sig, axis=0))
                c = (key < pk) | ((key == pk) & (idx < pi))
                if K == 10:
                    asc = jnp.ones((N, RL), jnp.bool_)
                else:
                    asc = ((cid >> (K - 7)) & 1) == 0
                keep = c ^ asc ^ is_lo
                key = jnp.where(keep, key, pk)
                idx = jnp.where(keep, idx, pi)

    pos = ((cid % 8) * 128 + cid // 8).astype(jnp.float32)
    x_support = 2.0 - 7.0 * pos
    shift = -(k_ref[...] - 1.0) * (-7.0)
    first_k = jax.nn.sigmoid(x_support + shift)
    fkp_ref[...] = (-key) * first_k
    idx_ref[...] = idx


def _sort_call(noise_t, k_t):
    return pl.pallas_call(
        _sort_body,
        grid=(NBLK,),
        in_specs=[
            pl.BlockSpec((N, RL), lambda i: (0, i)),
            pl.BlockSpec((1, RL), lambda i: (0, i)),
        ],
        out_specs=[
            pl.BlockSpec((N, RL), lambda i: (0, i)),
            pl.BlockSpec((N, RL), lambda i: (0, i)),
        ],
        out_shape=[
            jax.ShapeDtypeStruct((N, N), jnp.float32),
            jax.ShapeDtypeStruct((N, N), jnp.int32),
        ],
    )(noise_t, k_t)


def _make_sc_scatter_dense():
    mesh = plsc.VectorSubcoreMesh(core_axis_name="c", subcore_axis_name="s")

    @functools.partial(
        pl.kernel,
        out_type=jax.ShapeDtypeStruct((N, N), jnp.float32),
        mesh=mesh,
        compiler_params=pltpu.CompilerParams(needs_layout_passes=False),
        scratch_types=[
            pltpu.VMEM((RPW, N), jnp.float32),
            pltpu.VMEM((RPW, N), jnp.int32),
            pltpu.VMEM((RPW, N), jnp.float32),
        ],
    )
    def sc_scatter(fkp_hbm, idx_hbm, adj_hbm, vals_v, ids_v, out_v):
        wid = lax.axis_index("s") * 2 + lax.axis_index("c")
        base = wid * RPW
        pltpu.sync_copy(fkp_hbm.at[pl.ds(base, RPW)], vals_v)
        pltpu.sync_copy(idx_hbm.at[pl.ds(base, RPW)], ids_v)

        def row_body(row, carry):
            row_vec = jnp.zeros((16,), jnp.int32) + row

            def chunk(jc, carry2):
                for uu in range(4):
                    off = (jc * 4 + uu) * 16
                    ids = ids_v[row, pl.ds(off, 16)]
                    vals = vals_v[row, pl.ds(off, 16)]
                    plsc.store_scatter(out_v, [row_vec, ids], vals)
                return carry2

            lax.fori_loop(0, N // 64, chunk, 0)
            return carry

        lax.fori_loop(0, RPW, row_body, 0)
        pltpu.sync_copy(out_v, adj_hbm.at[pl.ds(base, RPW)])

    return sc_scatter


@functools.cache
def _sc_kernels():
    return (_make_sc_compact(), _make_sc_scatter_sparse(),
            _make_sc_scatter_dense())


def kernel(x, W_in, b_in, W_d, b_d, W_m1, b_m1, W_m2, b_m2, W_p, b_p,
           noise_u, temp):
    sc_compact, sc_scatter_sparse, sc_scatter_dense = _sc_kernels()

    x2 = x.reshape(N, IN_DIM)
    noise_t = noise_u.reshape(N, N).T
    kv = _k_call(x2, W_m1, b_m1.reshape(1, LATENT), W_m2,
                 b_m2.reshape(1, LATENT), W_p.reshape(1, LATENT),
                 b_p.reshape(1, 1))
    k_t = kv.reshape(1, N)

    g_t, dest_t, cnt = _bisect_call(noise_t)
    ok = (jnp.max(cnt) <= W) & \
        ((jnp.max(kv) + 6.0) <= jnp.min(cnt).astype(jnp.float32))

    def fast(ops):
        g_t_, dest_t_, kv_ = ops
        wvals_f, wcols_f = sc_compact(g_t_.T.reshape(N * N),
                                      dest_t_.T.reshape(N * N))
        wvals = wvals_f.reshape(N, W)
        wcols = wcols_f.reshape(N, W)
        wfkp_t = _window_call(wvals.T, wcols.T, kv_.reshape(1, N))
        zeros = jnp.zeros((RPW, N), jnp.float32)
        return sc_scatter_sparse(wfkp_t.T, wcols, zeros)

    def slow(ops):
        g_t_, dest_t_, kv_ = ops
        fkp_t, idx_t = _sort_call(noise_t, kv_.reshape(1, N))
        return sc_scatter_dense(fkp_t.T, idx_t.T)

    adj = lax.cond(ok, fast, slow, (g_t, dest_t, kv))
    return adj.reshape(1, N, N), kv.reshape(1, N, 1)

# --- scband reference (transcript-rebuilt; emitter-appended) ---
"""Pipeline reference for scband-dgg-learnable-k-sdd-47536698032964 (READ-ONLY COPY).

The authoritative reference and input builder live on the scoring server;
editing this copy changes nothing except your own understanding.
"""

import jax, jax.numpy as jnp
import numpy as np

IN_DIM = 32
LATENT = 64
K_BIAS = 1.0
HS_START = 2
INTERVAL = 7  # hs_start - hs_end = 2 - (-5)
B, N = 1, 1024


def _linear_params(key, fan_in, fan_out):
    bound = 1.0 / np.sqrt(fan_in)
    kw, kb = jax.random.split(key)
    W = jax.random.uniform(kw, (fan_out, fan_in), minval=-bound, maxval=bound, dtype=jnp.float32)
    b = jax.random.uniform(kb, (fan_out,), minval=-bound, maxval=bound, dtype=jnp.float32)
    return W, b


def setup_inputs(seed: int = 0) -> dict:
    key = jax.random.key(seed)
    ks = jax.random.split(key, 8)
    x = jax.random.normal(ks[0], (B, N, IN_DIM), dtype=jnp.float32)
    W_in, b_in = _linear_params(ks[1], IN_DIM, LATENT)
    W_d, b_d = _linear_params(ks[2], LATENT * 2, 1)
    W_m1, b_m1 = _linear_params(ks[3], IN_DIM, LATENT)
    W_m2, b_m2 = _linear_params(ks[4], LATENT, LATENT)
    W_p, b_p = _linear_params(ks[5], LATENT, 1)
    noise_u = jax.random.uniform(ks[6], (B, N, N), dtype=jnp.float32)
    return {
        'x': x,
        'W_in': W_in, 'b_in': b_in,
        'W_d': W_d, 'b_d': b_d,
        'W_m1': W_m1, 'b_m1': b_m1,
        'W_m2': W_m2, 'b_m2': b_m2,
        'W_p': W_p, 'b_p': b_p,
        'noise_u': noise_u,
        'temp': 1,
    }


def _leaky(v):
    return jnp.where(v >= 0, v, 0.01 * v)


def reference(x, W_in, b_in, W_d, b_d, W_m1, b_m1, W_m2, b_m2, W_p, b_p, noise_u, temp):
    Bn, Nn, _ = x.shape
    # input_project: Linear -> LeakyReLU -> Softmax(dim=-1)
    h = x @ W_in.T + b_in
    x_proj = jax.nn.softmax(_leaky(h), axis=-1)
    # pairwise concat [B, N, N, 2*latent]
    a = jnp.broadcast_to(x_proj[:, :, None, :], (Bn, Nn, Nn, LATENT))
    bb = jnp.broadcast_to(x_proj[:, None, :, :], (Bn, Nn, Nn, LATENT))
    x_pair = jnp.concatenate([a, bb], axis=-1)
    # distance: Linear(2*latent,1) -> LeakyReLU -> Softmax(dim=-1) over size-1 dim
    d = _leaky(x_pair @ W_d.T + b_d)
    prob = jax.nn.softmax(d, axis=-1)[..., 0]  # [B, N, N]
    log_p = jnp.log(prob)
    # gumbel noise with zeroed self-loops (self_loops_noise=False)
    eps = 1e-20
    gumbel = -jnp.log(-jnp.log(noise_u + eps) + eps)
    mask = 1.0 - jnp.eye(Nn, dtype=jnp.float32)
    edge_prob = log_p + gumbel * mask[None, :, :]
    # descending sort
    idxs = jnp.argsort(-edge_prob, axis=-1)
    sorted_ep = jnp.take_along_axis(edge_prob, idxs, axis=-1)
    # k_net on raw x: k_mu = Linear->ReLU->Linear, then k_project = Linear
    m = jnp.maximum(x @ W_m1.T + b_m1, 0.0)
    m = m @ W_m2.T + b_m2
    k = m @ W_p.T + b_p  # [B, N, 1]
    k = k + K_BIAS
    x_support = jnp.arange(HS_START, -INTERVAL * (Nn - 1), -INTERVAL).astype(jnp.float32)  # [N]
    shift = -(k - 1.0) * (-float(INTERVAL))  # [B, N, 1]
    shift_support = x_support[None, None, :] + shift  # [B, N, N]
    first_k = jax.nn.sigmoid(shift_support)
    first_k_prob = sorted_ep * first_k
    # scatter back to original column order (idxs is a permutation per row)
    inv = jnp.argsort(idxs, axis=-1)
    adj = jnp.take_along_axis(first_k_prob, inv, axis=-1)
    return (adj, k)

if __name__ == "__main__":
    import jax
    _d = setup_inputs()
    print(jax.jit(kernel)(*tuple(_d.values())))

</pallas_src>

<mosaic_0001>
#map = affine_map<(d0, d1) -> (0)>
module attributes {stable_mosaic.version = 14 : i64} {
  func.func @sc_compact(%arg0: i32, %arg1: i32, %arg2: memref<1048576xf32, #tpu.memory_space<hbm>>, %arg3: memref<1048576xi32, #tpu.memory_space<hbm>>, %arg4: memref<65536xf32, #tpu.memory_space<hbm>>, %arg5: memref<65536xi32, #tpu.memory_space<hbm>>, %arg6: memref<32768xf32, #tpu.memory_space<vmem>>, %arg7: memref<32768xi32, #tpu.memory_space<vmem>>, %arg8: memref<2048xf32, #tpu.memory_space<vmem>>, %arg9: memref<2048xi32, #tpu.memory_space<vmem>>) attributes {dimension_semantics = [#tpu.dimension_semantics<core_parallel>, #tpu.dimension_semantics<subcore_parallel>], iteration_bounds = array<i64: 2, 16>, scalar_prefetch = 0 : i64, scratch_operands = 4 : i64, tpu.core_type = #tpu.core_type<sc_vector_subcore>, window_params = [{transform_indices = #map}, {transform_indices = #map}, {transform_indices = #map}, {transform_indices = #map}]} {
    %mul3A = arith.constant 2 : i32
    %mul3A_0 = arith.muli %arg1, %mul3A : i32
    %add3A = arith.addi %mul3A_0, %arg0 : i32
    %mul3A_1 = arith.constant 32 : i32
    %mul3A_2 = arith.muli %add3A, %mul3A_1 : i32
    %mul3A_3 = arith.constant 1024 : i32
    %mul3A_4 = arith.muli %mul3A_2, %mul3A_3 : i32
    "tpu.region"() ({
      %run_scoped3A = tpu.sem_alloc : memref<!tpu.dma_semaphore, #tpu.memory_space<semaphore_mem>>
      %dma_start3A = tpu.memref_slice %arg2[%mul3A_4] : memref<1048576xf32, #tpu.memory_space<hbm>> -> memref<32768xf32, #tpu.memory_space<hbm>>
      %dma_start3A_27 = tpu.memref_slice %arg2[%mul3A_4] : memref<1048576xf32, #tpu.memory_space<hbm>> -> memref<32768xf32, #tpu.memory_space<hbm>>
      tpu.enqueue_dma source(%dma_start3A_27 : memref<32768xf32, #tpu.memory_space<hbm>>) target(%arg6 : memref<32768xf32, #tpu.memory_space<vmem>>) target_semaphore(%run_scoped3A : memref<!tpu.dma_semaphore, #tpu.memory_space<semaphore_mem>>)
      %dma_wait3A = tpu.memref_slice %arg2[%mul3A_4] : memref<1048576xf32, #tpu.memory_space<hbm>> -> memref<32768xf32, #tpu.memory_space<hbm>>
      %dma_wait3A_28 = tpu.memref_slice %arg2[%mul3A_4] : memref<1048576xf32, #tpu.memory_space<hbm>> -> memref<32768xf32, #tpu.memory_space<hbm>>
      tpu.wait_dma2 semaphore(%run_scoped3A : memref<!tpu.dma_semaphore, #tpu.memory_space<semaphore_mem>>) src(%dma_wait3A_28 : memref<32768xf32, #tpu.memory_space<hbm>>) dst(%arg6 : memref<32768xf32, #tpu.memory_space<vmem>>)
      tpu.yield
    }) : () -> ()
    "tpu.region"() ({
      %run_scoped3A = tpu.sem_alloc : memref<!tpu.dma_semaphore, #tpu.memory_space<semaphore_mem>>
      %dma_start3A = tpu.memref_slice %arg3[%mul3A_4] : memref<1048576xi32, #tpu.memory_space<hbm>> -> memref<32768xi32, #tpu.memory_space<hbm>>
      %dma_start3A_27 = tpu.memref_slice %arg3[%mul3A_4] : memref<1048576xi32, #tpu.memory_space<hbm>> -> memref<32768xi32, #tpu.memory_space<hbm>>
      tpu.enqueue_dma source(%dma_start3A_27 : memref<32768xi32, #tpu.memory_space<hbm>>) target(%arg7 : memref<32768xi32, #tpu.memory_space<vmem>>) target_semaphore(%run_scoped3A : memref<!tpu.dma_semaphore, #tpu.memory_space<semaphore_mem>>)
      %dma_wait3A = tpu.memref_slice %arg3[%mul3A_4] : memref<1048576xi32, #tpu.memory_space<hbm>> -> memref<32768xi32, #tpu.memory_space<hbm>>
      %dma_wait3A_28 = tpu.memref_slice %arg3[%mul3A_4] : memref<1048576xi32, #tpu.memory_space<hbm>> -> memref<32768xi32, #tpu.memory_space<hbm>>
      tpu.wait_dma2 semaphore(%run_scoped3A : memref<!tpu.dma_semaphore, #tpu.memory_space<semaphore_mem>>) src(%dma_wait3A_28 : memref<32768xi32, #tpu.memory_space<hbm>>) dst(%arg7 : memref<32768xi32, #tpu.memory_space<vmem>>)
      tpu.yield
    }) : () -> ()
    %broadcast_in_dim3A = arith.constant 0xFF800000 : f32
    %broadcast_in_dim3A_5 = vector.broadcast %broadcast_in_dim3A : f32 to vector<16xf32>
    %broadcast_in_dim3A_6 = arith.constant -1 : i32
    %broadcast_in_dim3A_7 = vector.broadcast %broadcast_in_dim3A_6 : i32 to vector<16xi32>
    %scan3A = arith.constant 0 : i32
    %scan3A_8 = arith.constant 0 : i32
    %scan3A_9 = arith.constant 16 : i32
    %scan3A_10 = arith.addi %scan3A_8, %scan3A_9 : i32
    %scan3A_11 = arith.constant 1 : i32
    scf.for %scan3A_27 = %scan3A_8 to %scan3A_10 step %scan3A_11  : i32 {
      %mul3A_28 = arith.constant 8 : i32
      %mul3A_29 = arith.muli %scan3A_27, %mul3A_28 : i32
      %add3A_30 = arith.constant 0 : i32
      %add3A_31 = arith.addi %mul3A_29, %add3A_30 : i32
      %mul3A_32 = arith.constant 16 : i32
      %mul3A_33 = arith.muli %add3A_31, %mul3A_32 : i32
      %swap3A = arith.index_cast %mul3A_33 : i32 to index
      %swap3A_34 = tpu.vector_load %arg8[%swap3A] {strides = array<i32>} : memref<2048xf32, #tpu.memory_space<vmem>>, vector<16xf32>,
      tpu.vector_store %arg8[%swap3A], %broadcast_in_dim3A_5 {strides = array<i32>} : memref<2048xf32, #tpu.memory_space<vmem>>, vector<16xf32>,
      %mul3A_35 = arith.constant 8 : i32
      %mul3A_36 = arith.muli %scan3A_27, %mul3A_35 : i32
      %add3A_37 = arith.constant 0 : i32
      %add3A_38 = arith.addi %mul3A_36, %add3A_37 : i32
      %mul3A_39 = arith.constant 16 : i32
      %mul3A_40 = arith.muli %add3A_38, %mul3A_39 : i32
      %swap3A_41 = arith.index_cast %mul3A_40 : i32 to index
      %swap3A_42 = tpu.vector_load %arg9[%swap3A_41] {strides = array<i32>} : memref<2048xi32, #tpu.memory_space<vmem>>, vector<16xi32>,
      tpu.vector_store %arg9[%swap3A_41], %broadcast_in_dim3A_7 {strides = array<i32>} : memref<2048xi32, #tpu.memory_space<vmem>>, vector<16xi32>,
      %mul3A_43 = arith.constant 8 : i32
      %mul3A_44 = arith.muli %scan3A_27, %mul3A_43 : i32
      %add3A_45 = arith.constant 1 : i32
      %add3A_46 = arith.addi %mul3A_44, %add3A_45 : i32
      %mul3A_47 = arith.constant 16 : i32
      %mul3A_48 = arith.muli %add3A_46, %mul3A_47 : i32
      %swap3A_49 = arith.index_cast %mul3A_48 : i32 to index
      %swap3A_50 = tpu.vector_load %arg8[%swap3A_49] {strides = array<i32>} : memref<2048xf32, #tpu.memory_space<vmem>>, vector<16xf32>,
      tpu.vector_store %arg8[%swap3A_49], %broadcast_in_dim3A_5 {strides = array<i32>} : memref<2048xf32, #tpu.memory_space<vmem>>, vector<16xf32>,
      %mul3A_51 = arith.constant 8 : i32
      %mul3A_52 = arith.muli %scan3A_27, %mul3A_51 : i32
      %add3A_53 = arith.constant 1 : i32
      %add3A_54 = arith.addi %mul3A_52, %add3A_53 : i32
      %mul3A_55 = arith.constant 16 : i32
      %mul3A_56 = arith.muli %add3A_54, %mul3A_55 : i32
      %swap3A_57 = arith.index_cast %mul3A_56 : i32 to index
      %swap3A_58 = tpu.vector_load %arg9[%swap3A_57] {strides = array<i32>} : memref<2048xi32, #tpu.memory_space<vmem>>, vector<16xi32>,
      tpu.vector_store %arg9[%swap3A_57], %broadcast_in_dim3A_7 {strides = array<i32>} : memref<2048xi32, #tpu.memory_space<vmem>>, vector<16xi32>,
      %mul3A_59 = arith.constant 8 : i32
      %mul3A_60 = arith.muli %scan3A_27, %mul3A_59 : i32
      %add3A_61 = arith.constant 2 : i32
      %add3A_62 = arith.addi %mul3A_60, %add3A_61 : i32
      %mul3A_63 = arith.constant 16 : i32
      %mul3A_64 = arith.muli %add3A_62, %mul3A_63 : i32
      %swap3A_65 = arith.index_cast %mul3A_64 : i32 to index
      %swap3A_66 = tpu.vector_load %arg8[%swap3A_65] {strides = array<i32>} : memref<2048xf32, #tpu.memory_space<vmem>>, vector<16xf32>,
      tpu.vector_store %arg8[%swap3A_65], %broadcast_in_dim3A_5 {strides = array<i32>} : memref<2048xf32, #tpu.memory_space<vmem>>, vector<16xf32>,
      %mul3A_67 = arith.constant 8 : i32
      %mul3A_68 = arith.muli %scan3A_27, %mul3A_67 : i32
      %add3A_69 = arith.constant 2 : i32
      %add3A_70 = arith.addi %mul3A_68, %add3A_69 : i32
      %mul3A_71 = arith.constant 16 : i32
      %mul3A_72 = arith.muli %add3A_70, %mul3A_71 : i32
      %swap3A_73 = arith.index_cast %mul3A_72 : i32 to index
      %swap3A_74 = tpu.vector_load %arg9[%swap3A_73] {strides = array<i32>} : memref<2048xi32, #tpu.memory_space<vmem>>, vector<16xi32>,
      tpu.vector_store %arg9[%swap3A_73], %broadcast_in_dim3A_7 {strides = array<i32>} : memref<2048xi32, #tpu.memory_space<vmem>>, vector<16xi32>,
      %mul3A_75 = arith.constant 8 : i32
      %mul3A_76 = arith.muli %scan3A_27, %mul3A_75 : i32
      %add3A_77 = arith.constant 3 : i32
      %add3A_78 = arith.addi %mul3A_76, %add3A_77 : i32
      %mul3A_79 = arith.constant 16 : i32
      %mul3A_80 = arith.muli %add3A_78, %mul3A_79 : i32
      %swap3A_81 = arith.index_cast %mul3A_80 : i32 to index
      %swap3A_82 = tpu.vector_load %arg8[%swap3A_81] {strides = array<i32>} : memref<2048xf32, #tpu.memory_space<vmem>>, vector<16xf32>,
      tpu.vector_store %arg8[%swap3A_81], %broadcast_in_dim3A_5 {strides = array<i32>} : memref<2048xf32, #tpu.memory_space<vmem>>, vector<16xf32>,
      %mul3A_83 = arith.constant 8 : i32
      %mul3A_84 = arith.muli %scan3A_27, %mul3A_83 : i32
      %add3A_85 = arith.constant 3 : i32
      %add3A_86 = arith.addi %mul3A_84, %add3A_85 : i32
      %mul3A_87 = arith.constant 16 : i32
      %mul3A_88 = arith.muli %add3A_86, %mul3A_87 : i32
      %swap3A_89 = arith.index_cast %mul3A_88 : i32 to index
      %swap3A_90 = tpu.vector_load %arg9[%swap3A_89] {strides = array<i32>} : memref<2048xi32, #tpu.memory_space<vmem>>, vector<16xi32>,
      tpu.vector_store %arg9[%swap3A_89], %broadcast_in_dim3A_7 {strides = array<i32>} : memref<2048xi32, #tpu.memory_space<vmem>>, vector<16xi32>,
      %mul3A_91 = arith.constant 8 : i32
      %mul3A_92 = arith.muli %scan3A_27, %mul3A_91 : i32
      %add3A_93 = arith.constant 4 : i32
      %add3A_94 = arith.addi %mul3A_92, %add3A_93 : i32
      %mul3A_95 = arith.constant 16 : i32
      %mul3A_96 = arith.muli %add3A_94, %mul3A_95 : i32
      %swap3A_97 = arith.index_cast %mul3A_96 : i32 to index
      %swap3A_98 = tpu.vector_load %arg8[%swap3A_97] {strides = array<i32>} : memref<2048xf32, #tpu.memory_space<vmem>>, vector<16xf32>,
      tpu.vector_store %arg8[%swap3A_97], %broadcast_in_dim3A_5 {strides = array<i32>} : memref<2048xf32, #tpu.memory_space<vmem>>, vector<16xf32>,
      %mul3A_99 = arith.constant 8 : i32
      %mul3A_100 = arith.muli %scan3A_27, %mul3A_99 : i32
      %add3A_101 = arith.constant 4 : i32
      %add3A_102 = arith.addi %mul3A_100, %add3A_101 : i32
      %mul3A_103 = arith.constant 16 : i32
      %mul3A_104 = arith.muli %add3A_102, %mul3A_103 : i32
      %swap3A_105 = arith.index_cast %mul3A_104 : i32 to index
      %swap3A_106 = tpu.vector_load %arg9[%swap3A_105] {strides = array<i32>} : memref<2048xi32, #tpu.memory_space<vmem>>, vector<16xi32>,
      tpu.vector_store %arg9[%swap3A_105], %broadcast_in_dim3A_7 {strides = array<i32>} : memref<2048xi32, #tpu.memory_space<vmem>>, vector<16xi32>,
      %mul3A_107 = arith.constant 8 : i32
      %mul3A_108 = arith.muli %scan3A_27, %mul3A_107 : i32
      %add3A_109 = arith.constant 5 : i32
      %add3A_110 = arith.addi %mul3A_108, %add3A_109 : i32
      %mul3A_111 = arith.constant 16 : i32
      %mul3A_112 = arith.muli %add3A_110, %mul3A_111 : i32
      %swap3A_113 = arith.index_cast %mul3A_112 : i32 to index
      %swap3A_114 = tpu.vector_load %arg8[%swap3A_113] {strides = array<i32>} : memref<2048xf32, #tpu.memory_space<vmem>>, vector<16xf32>,
      tpu.vector_store %arg8[%swap3A_113], %broadcast_in_dim3A_5 {strides = array<i32>} : memref<2048xf32, #tpu.memory_space<vmem>>, vector<16xf32>,
      %mul3A_115 = arith.constant 8 : i32
      %mul3A_116 = arith.muli %scan3A_27, %mul3A_115 : i32
      %add3A_117 = arith.constant 5 : i32
      %add3A_118 = arith.addi %mul3A_116, %add3A_117 : i32
      %mul3A_119 = arith.constant 16 : i32
      %mul3A_120 = arith.muli %add3A_118, %mul3A_119 : i32
      %swap3A_121 = arith.index_cast %mul3A_120 : i32 to index
      %swap3A_122 = tpu.vector_load %arg9[%swap3A_121] {strides = array<i32>} : memref<2048xi32, #tpu.memory_space<vmem>>, vector<16xi32>,
      tpu.vector_store %arg9[%swap3A_121], %broadcast_in_dim3A_7 {strides = array<i32>} : memref<2048xi32, #tpu.memory_space<vmem>>, vector<16xi32>,
      %mul3A_123 = arith.constant 8 : i32
      %mul3A_124 = arith.muli %scan3A_27, %mul3A_123 : i32
      %add3A_125 = arith.constant 6 : i32
      %add3A_126 = arith.addi %mul3A_124, %add3A_125 : i32
      %mul3A_127 = arith.constant 16 : i32
      %mul3A_128 = arith.muli %add3A_126, %mul3A_127 : i32
      %swap3A_129 = arith.index_cast %mul3A_128 : i32 to index
      %swap3A_130 = tpu.vector_load %arg8[%swap3A_129] {strides = array<i32>} : memref<2048xf32, #tpu.memory_space<vmem>>, vector<16xf32>,
      tpu.vector_store %arg8[%swap3A_129], %broadcast_in_dim3A_5 {strides = array<i32>} : memref<2048xf32, #tpu.memory_space<vmem>>, vector<16xf32>,
      %mul3A_131 = arith.constant 8 : i32
      %mul3A_132 = arith.muli %scan3A_27, %mul3A_131 : i32
      %add3A_133 = arith.constant 6 : i32
      %add3A_134 = arith.addi %mul3A_132, %add3A_133 : i32
      %mul3A_135 = arith.constant 16 : i32
      %mul3A_136 = arith.muli %add3A_134, %mul3A_135 : i32
      %swap3A_137 = arith.index_cast %mul3A_136 : i32 to index
      %swap3A_138 = tpu.vector_load %arg9[%swap3A_137] {strides = array<i32>} : memref<2048xi32, #tpu.memory_space<vmem>>, vector<16xi32>,
      tpu.vector_store %arg9[%swap3A_137], %broadcast_in_dim3A_7 {strides = array<i32>} : memref<2048xi32, #tpu.memory_space<vmem>>, vector<16xi32>,
      %mul3A_139 = arith.constant 8 : i32
      %mul3A_140 = arith.muli %scan3A_27, %mul3A_139 : i32
      %add3A_141 = arith.constant 7 : i32
      %add3A_142 = arith.addi %mul3A_140, %add3A_141 : i32
      %mul3A_143 = arith.constant 16 : i32
      %mul3A_144 = arith.muli %add3A_142, %mul3A_143 : i32
      %swap3A_145 = arith.index_cast %mul3A_144 : i32 to index
      %swap3A_146 = tpu.vector_load %arg8[%swap3A_145] {strides = array<i32>} : memref<2048xf32, #tpu.memory_space<vmem>>, vector<16xf32>,
      tpu.vector_store %arg8[%swap3A_145], %broadcast_in_dim3A_5 {strides = array<i32>} : memref<2048xf32, #tpu.memory_space<vmem>>, vector<16xf32>,
      %mul3A_147 = arith.constant 8 : i32
      %mul3A_148 = arith.muli %scan3A_27, %mul3A_147 : i32
      %add3A_149 = arith.constant 7 : i32
      %add3A_150 = arith.addi %mul3A_148, %add3A_149 : i32
      %mul3A_151 = arith.constant 16 : i32
      %mul3A_152 = arith.muli %add3A_150, %mul3A_151 : i32
      %swap3A_153 = arith.index_cast %mul3A_152 : i32 to index
      %swap3A_154 = tpu.vector_load %arg9[%swap3A_153] {strides = array<i32>} : memref<2048xi32, #tpu.memory_space<vmem>>, vector<16xi32>,
      tpu.vector_store %arg9[%swap3A_153], %broadcast_in_dim3A_7 {strides = array<i32>} : memref<2048xi32, #tpu.memory_space<vmem>>, vector<16xi32>,
    }
    %scan3A_12 = arith.constant 16 : i32
    %iota3A = tpu.iota {dimensions = array<i32: 0>} : vector<16xi32>
    %scan3A_13 = arith.constant 0 : i32
    %scan3A_14 = arith.constant 0 : i32
    %scan3A_15 = arith.constant 256 : i32
    %scan3A_16 = arith.addi %scan3A_14, %scan3A_15 : i32
    %scan3A_17 = arith.constant 1 : i32
    scf.for %scan3A_27 = %scan3A_14 to %scan3A_16 step %scan3A_17  : i32 {
      %mul3A_28 = arith.constant 8 : i32
      %mul3A_29 = arith.muli %scan3A_27, %mul3A_28 : i32
      %add3A_30 = arith.constant 0 : i32
      %add3A_31 = arith.addi %mul3A_29, %add3A_30 : i32
      %mul3A_32 = arith.constant 16 : i32
      %mul3A_33 = arith.muli %add3A_31, %mul3A_32 : i32
      %get3A = arith.index_cast %mul3A_33 : i32 to index
      %get3A_34 = tpu.vector_load %arg6[%get3A] {strides = array<i32>} : memref<32768xf32, #tpu.memory_space<vmem>>, vector<16xf32>,
      %mul3A_35 = arith.constant 16 : i32
      %mul3A_36 = arith.muli %add3A_31, %mul3A_35 : i32
      %get3A_37 = arith.index_cast %mul3A_36 : i32 to index
      %get3A_38 = tpu.vector_load %arg7[%get3A_37] {strides = array<i32>} : memref<32768xi32, #tpu.memory_space<vmem>>, vector<16xi32>,
      %ge3A = arith.constant 0 : i32
      %ge3A_39 = vector.broadcast %ge3A : i32 to vector<16xi32>
      %ge3A_40 = arith.cmpi sge, %get3A_38, %ge3A_39 : vector<16xi32>
      %min3A = arith.constant 2047 : i32
      %min3A_41 = vector.broadcast %min3A : i32 to vector<16xi32>
      %min3A_42 = arith.minsi %get3A_38, %min3A_41 : vector<16xi32>
      %jit3A = arith.constant 64 : i32
      %eq3A = arith.constant 0 : i32
      %eq3A_43 = arith.cmpi eq, %jit3A, %eq3A : i32
      %jit3A_44 = arith.constant 1 : i32
      %select_n3A = arith.select %eq3A_43, %jit3A_44, %jit3A : i32
      %rem3A = arith.remsi %add3A_31, %select_n3A : i32
      %ne3A = arith.constant 0 : i32
      %ne3A_45 = arith.cmpi ne, %rem3A, %ne3A : i32
      %lt3A = arith.constant 0 : i32
      %lt3A_46 = arith.cmpi slt, %rem3A, %lt3A : i32
      %lt3A_47 = arith.constant 0 : i32
      %lt3A_48 = arith.cmpi slt, %select_n3A, %lt3A_47 : i32
      %ne3A_49 = arith.xori %lt3A_46, %lt3A_48 : i1
      %and3A = arith.andi %ne3A_49, %ne3A_45 : i1
      %add3A_50 = arith.addi %rem3A, %select_n3A : i32
      %select_n3A_51 = arith.select %and3A, %add3A_50, %rem3A : i32
      %mul3A_52 = arith.constant 16 : i32
      %mul3A_53 = arith.muli %select_n3A_51, %mul3A_52 : i32
      %add3A_54 = vector.broadcast %mul3A_53 : i32 to vector<16xi32>
      %add3A_55 = arith.addi %add3A_54, %iota3A : vector<16xi32>
      tpu.vector_store_idx %arg8[%min3A_42], %get3A_34 masked %ge3A_40 : memref<2048xf32, #tpu.memory_space<vmem>>[vector<16xi32>], vector<16xf32>, vector<16xi1>
      tpu.vector_store_idx %arg9[%min3A_42], %add3A_55 masked %ge3A_40 : memref<2048xi32, #tpu.memory_space<vmem>>[vector<16xi32>], vector<16xi32>, vector<16xi1>
      %mul3A_56 = arith.constant 8 : i32
      %mul3A_57 = arith.muli %scan3A_27, %mul3A_56 : i32
      %add3A_58 = arith.constant 1 : i32
      %add3A_59 = arith.addi %mul3A_57, %add3A_58 : i32
      %mul3A_60 = arith.constant 16 : i32
      %mul3A_61 = arith.muli %add3A_59, %mul3A_60 : i32
      %get3A_62 = arith.index_cast %mul3A_61 : i32 to index
      %get3A_63 = tpu.vector_load %arg6[%get3A_62] {strides = array<i32>} : memref<32768xf32, #tpu.memory_space<vmem>>, vector<16xf32>,
      %mul3A_64 = arith.constant 16 : i32
      %mul3A_65 = arith.muli %add3A_59, %mul3A_64 : i32
      %get3A_66 = arith.index_cast %mul3A_65 : i32 to index
      %get3A_67 = tpu.vector_load %arg7[%get3A_66] {strides = array<i32>} : memref<32768xi32, #tpu.memory_space<vmem>>, vector<16xi32>,
      %ge3A_68 = arith.constant 0 : i32
      %ge3A_69 = vector.broadcast %ge3A_68 : i32 to vector<16xi32>
      %ge3A_70 = arith.cmpi sge, %get3A_67, %ge3A_69 : vector<16xi32>
      %min3A_71 = arith.constant 2047 : i32
      %min3A_72 = vector.broadcast %min3A_71 : i32 to vector<16xi32>
      %min3A_73 = arith.minsi %get3A_67, %min3A_72 : vector<16xi32>
      %jit3A_74 = arith.constant 64 : i32
      %eq3A_75 = arith.constant 0 : i32
      %eq3A_76 = arith.cmpi eq, %jit3A_74, %eq3A_75 : i32
      %jit3A_77 = arith.constant 1 : i32
      %select_n3A_78 = arith.select %eq3A_76, %jit3A_77, %jit3A_74 : i32
      %rem3A_79 = arith.remsi %add3A_59, %select_n3A_78 : i32
      %ne3A_80 = arith.constant 0 : i32
      %ne3A_81 = arith.cmpi ne, %rem3A_79, %ne3A_80 : i32
      %lt3A_82 = arith.constant 0 : i32
      %lt3A_83 = arith.cmpi slt, %rem3A_79, %lt3A_82 : i32
      %lt3A_84 = arith.constant 0 : i32
      %lt3A_85 = arith.cmpi slt, %select_n3A_78, %lt3A_84 : i32
      %ne3A_86 = arith.xori %lt3A_83, %lt3A_85 : i1
      %and3A_87 = arith.andi %ne3A_86, %ne3A_81 : i1
      %add3A_88 = arith.addi %rem3A_79, %select_n3A_78 : i32
      %select_n3A_89 = arith.select %and3A_87, %add3A_88, %rem3A_79 : i32
      %mul3A_90 = arith.constant 16 : i32
      %mul3A_91 = arith.muli %select_n3A_89, %mul3A_90 : i32
      %add3A_92 = vector.broadcast %mul3A_91 : i32 to vector<16xi32>
      %add3A_93 = arith.addi %add3A_92, %iota3A : vector<16xi32>
      tpu.vector_store_idx %arg8[%min3A_73], %get3A_63 masked %ge3A_70 : memref<2048xf32, #tpu.memory_space<vmem>>[vector<16xi32>], vector<16xf32>, vector<16xi1>
      tpu.vector_store_idx %arg9[%min3A_73], %add3A_93 masked %ge3A_70 : memref<2048xi32, #tpu.memory_space<vmem>>[vector<16xi32>], vector<16xi32>, vector<16xi1>
      %mul3A_94 = arith.constant 8 : i32
      %mul3A_95 = arith.muli %scan3A_27, %mul3A_94 : i32
      %add3A_96 = arith.constant 2 : i32
      %add3A_97 = arith.addi %mul3A_95, %add3A_96 : i32
      %mul3A_98 = arith.constant 16 : i32
      %mul3A_99 = arith.muli %add3A_97, %mul3A_98 : i32
      %get3A_100 = arith.index_cast %mul3A_99 : i32 to index
      %get3A_101 = tpu.vector_load %arg6[%get3A_100] {strides = array<i32>} : memref<32768xf32, #tpu.memory_space<vmem>>, vector<16xf32>,
      %mul3A_102 = arith.constant 16 : i32
      %mul3A_103 = arith.muli %add3A_97, %mul3A_102 : i32
      %get3A_104 = arith.index_cast %mul3A_103 : i32 to index
      %get3A_105 = tpu.vector_load %arg7[%get3A_104] {strides = array<i32>} : memref<32768xi32, #tpu.memory_space<vmem>>, vector<16xi32>,
      %ge3A_106 = arith.constant 0 : i32
      %ge3A_107 = vector.broadcast %ge3A_106 : i32 to vector<16xi32>
      %ge3A_108 = arith.cmpi sge, %get3A_105, %ge3A_107 : vector<16xi32>
      %min3A_109 = arith.constant 2047 : i32
      %min3A_110 = vector.broadcast %min3A_109 : i32 to vector<16xi32>
      %min3A_111 = arith.minsi %get3A_105, %min3A_110 : vector<16xi32>
      %jit3A_112 = arith.constant 64 : i32
      %eq3A_113 = arith.constant 0 : i32
      %eq3A_114 = arith.cmpi eq, %jit3A_112, %eq3A_113 : i32
      %jit3A_115 = arith.constant 1 : i32
      %select_n3A_116 = arith.select %eq3A_114, %jit3A_115, %jit3A_112 : i32
      %rem3A_117 = arith.remsi %add3A_97, %select_n3A_116 : i32
      %ne3A_118 = arith.constant 0 : i32
      %ne3A_119 = arith.cmpi ne, %rem3A_117, %ne3A_118 : i32
      %lt3A_120 = arith.constant 0 : i32
      %lt3A_121 = arith.cmpi slt, %rem3A_117, %lt3A_120 : i32
      %lt3A_122 = arith.constant 0 : i32
      %lt3A_123 = arith.cmpi slt, %select_n3A_116, %lt3A_122 : i32
      %ne3A_124 = arith.xori %lt3A_121, %lt3A_123 : i1
      %and3A_125 = arith.andi %ne3A_124, %ne3A_119 : i1
      %add3A_126 = arith.addi %rem3A_117, %select_n3A_116 : i32
      %select_n3A_127 = arith.select %and3A_125, %add3A_126, %rem3A_117 : i32
      %mul3A_128 = arith.constant 16 : i32
      %mul3A_129 = arith.muli %select_n3A_127, %mul3A_128 : i32
      %add3A_130 = vector.broadcast %mul3A_129 : i32 to vector<16xi32>
      %add3A_131 = arith.addi %add3A_130, %iota3A : vector<16xi32>
      tpu.vector_store_idx %arg8[%min3A_111], %get3A_101 masked %ge3A_108 : memref<2048xf32, #tpu.memory_space<vmem>>[vector<16xi32>], vector<16xf32>, vector<16xi1>
      tpu.vector_store_idx %arg9[%min3A_111], %add3A_131 masked %ge3A_108 : memref<2048xi32, #tpu.memory_space<vmem>>[vector<16xi32>], vector<16xi32>, vector<16xi1>
      %mul3A_132 = arith.constant 8 : i32
      %mul3A_133 = arith.muli %scan3A_27, %mul3A_132 : i32
      %add3A_134 = arith.constant 3 : i32
      %add3A_135 = arith.addi %mul3A_133, %add3A_134 : i32
      %mul3A_136 = arith.constant 16 : i32
      %mul3A_137 = arith.muli %add3A_135, %mul3A_136 : i32
      %get3A_138 = arith.index_cast %mul3A_137 : i32 to index
      %get3A_139 = tpu.vector_load %arg6[%get3A_138] {strides = array<i32>} : memref<32768xf32, #tpu.memory_space<vmem>>, vector<16xf32>,
      %mul3A_140 = arith.constant 16 : i32
      %mul3A_141 = arith.muli %add3A_135, %mul3A_140 : i32
      %get3A_142 = arith.index_cast %mul3A_141 : i32 to index
      %get3A_143 = tpu.vector_load %arg7[%get3A_142] {strides = array<i32>} : memref<32768xi32, #tpu.memory_space<vmem>>, vector<16xi32>,
      %ge3A_144 = arith.constant 0 : i32
      %ge3A_145 = vector.broadcast %ge3A_144 : i32 to vector<16xi32>
      %ge3A_146 = arith.cmpi sge, %get3A_143, %ge3A_145 : vector<16xi32>
      %min3A_147 = arith.constant 2047 : i32
      %min3A_148 = vector.broadcast %min3A_147 : i32 to vector<16xi32>
      %min3A_149 = arith.minsi %get3A_143, %min3A_148 : vector<16xi32>
      %jit3A_150 = arith.constant 64 : i32
      %eq3A_151 = arith.constant 0 : i32
      %eq3A_152 = arith.cmpi eq, %jit3A_150, %eq3A_151 : i32
      %jit3A_153 = arith.constant 1 : i32
      %select_n3A_154 = arith.select %eq3A_152, %jit3A_153, %jit3A_150 : i32
      %rem3A_155 = arith.remsi %add3A_135, %select_n3A_154 : i32
      %ne3A_156 = arith.constant 0 : i32
      %ne3A_157 = arith.cmpi ne, %rem3A_155, %ne3A_156 : i32
      %lt3A_158 = arith.constant 0 : i32
      %lt3A_159 = arith.cmpi slt, %rem3A_155, %lt3A_158 : i32
      %lt3A_160 = arith.constant 0 : i32
      %lt3A_161 = arith.cmpi slt, %select_n3A_154, %lt3A_160 : i32
      %ne3A_162 = arith.xori %lt3A_159, %lt3A_161 : i1
      %and3A_163 = arith.andi %ne3A_162, %ne3A_157 : i1
      %add3A_164 = arith.addi %rem3A_155, %select_n3A_154 : i32
      %select_n3A_165 = arith.select %and3A_163, %add3A_164, %rem3A_155 : i32
      %mul3A_166 = arith.constant 16 : i32
      %mul3A_167 = arith.muli %select_n3A_165, %mul3A_166 : i32
      %add3A_168 = vector.broadcast %mul3A_167 : i32 to vector<16xi32>
      %add3A_169 = arith.addi %add3A_168, %iota3A : vector<16xi32>
      tpu.vector_store_idx %arg8[%min3A_149], %get3A_139 masked %ge3A_146 : memref<2048xf32, #tpu.memory_space<vmem>>[vector<16xi32>], vector<16xf32>, vector<16xi1>
      tpu.vector_store_idx %arg9[%min3A_149], %add3A_169 masked %ge3A_146 : memref<2048xi32, #tpu.memory_space<vmem>>[vector<16xi32>], vector<16xi32>, vector<16xi1>
      %mul3A_170 = arith.constant 8 : i32
      %mul3A_171 = arith.muli %scan3A_27, %mul3A_170 : i32
      %add3A_172 = arith.constant 4 : i32
      %add3A_173 = arith.addi %mul3A_171, %add3A_172 : i32
      %mul3A_174 = arith.constant 16 : i32
      %mul3A_175 = arith.muli %add3A_173, %mul3A_174 : i32
      %get3A_176 = arith.index_cast %mul3A_175 : i32 to index
      %get3A_177 = tpu.vector_load %arg6[%get3A_176] {strides = array<i32>} : memref<32768xf32, #tpu.memory_space<vmem>>, vector<16xf32>,
      %mul3A_178 = arith.constant 16 : i32
      %mul3A_179 = arith.muli %add3A_173, %mul3A_178 : i32
      %get3A_180 = arith.index_cast %mul3A_179 : i32 to index
      %get3A_181 = tpu.vector_load %arg7[%get3A_180] {strides = array<i32>} : memref<32768xi32, #tpu.memory_space<vmem>>, vector<16xi32>,
      %ge3A_182 = arith.constant 0 : i32
      %ge3A_183 = vector.broadcast %ge3A_182 : i32 to vector<16xi32>
      %ge3A_184 = arith.cmpi sge, %get3A_181, %ge3A_183 : vector<16xi32>
      %min3A_185 = arith.constant 2047 : i32
      %min3A_186 = vector.broadcast %min3A_185 : i32 to vector<16xi32>
      %min3A_187 = arith.minsi %get3A_181, %min3A_186 : vector<16xi32>
      %jit3A_188 = arith.constant 64 : i32
      %eq3A_189 = arith.constant 0 : i32
      %eq3A_190 = arith.cmpi eq, %jit3A_188, %eq3A_189 : i32
      %jit3A_191 = arith.constant 1 : i32
      %select_n3A_192 = arith.select %eq3A_190, %jit3A_191, %jit3A_188 : i32
      %rem3A_193 = arith.remsi %add3A_173, %select_n3A_192 : i32
      %ne3A_194 = arith.constant 0 : i32
      %ne3A_195 = arith.cmpi ne, %rem3A_193, %ne3A_194 : i32
      %lt3A_196 = arith.constant 0 : i32
      %lt3A_197 = arith.cmpi slt, %rem3A_193, %lt3A_196 : i32
      %lt3A_198 = arith.constant 0 : i32
      %lt3A_199 = arith.cmpi slt, %select_n3A_192, %lt3A_198 : i32
      %ne3A_200 = arith.xori %lt3A_197, %lt3A_199 : i1
      %and3A_201 = arith.andi %ne3A_200, %ne3A_195 : i1
      %add3A_202 = arith.addi %rem3A_193, %select_n3A_192 : i32
      %select_n3A_203 = arith.select %and3A_201, %add3A_202, %rem3A_193 : i32
      %mul3A_204 = arith.constant 16 : i32
      %mul3A_205 = arith.muli %select_n3A_203, %mul3A_204 : i32
      %add3A_206 = vector.broadcast %mul3A_205 : i32 to vector<16xi32>
      %add3A_207 = arith.addi %add3A_206, %iota3A : vector<16xi32>
      tpu.vector_store_idx %arg8[%min3A_187], %get3A_177 masked %ge3A_184 : memref<2048xf32, #tpu.memory_space<vmem>>[vector<16xi32>], vector<16xf32>, vector<16xi1>
      tpu.vector_store_idx %arg9[%min3A_187], %add3A_207 masked %ge3A_184 : memref<2048xi32, #tpu.memory_space<vmem>>[vector<16xi32>], vector<16xi32>, vector<16xi1>
      %mul3A_208 = arith.constant 8 : i32
      %mul3A_209 = arith.muli %scan3A_27, %mul3A_208 : i32
      %add3A_210 = arith.constant 5 : i32
      %add3A_211 = arith.addi %mul3A_209, %add3A_210 : i32
      %mul3A_212 = arith.constant 16 : i32
      %mul3A_213 = arith.muli %add3A_211, %mul3A_212 : i32
      %get3A_214 = arith.index_cast %mul3A_213 : i32 to index
      %get3A_215 = tpu.vector_load %arg6[%get3A_214] {strides = array<i32>} : memref<32768xf32, #tpu.memory_space<vmem>>, vector<16xf32>,
      %mul3A_216 = arith.constant 16 : i32
      %mul3A_217 = arith.muli %add3A_211, %mul3A_216 : i32
      %get3A_218 = arith.index_cast %mul3A_217 : i32 to index
      %get3A_219 = tpu.vector_load %arg7[%get3A_218] {strides = array<i32>} : memref<32768xi32, #tpu.memory_space<vmem>>, vector<16xi32>,
      %ge3A_220 = arith.constant 0 : i32
      %ge3A_221 = vector.broadcast %ge3A_220 : i32 to vector<16xi32>
      %ge3A_222 = arith.cmpi sge, %get3A_219, %ge3A_221 : vector<16xi32>
      %min3A_223 = arith.constant 2047 : i32
      %min3A_224 = vector.broadcast %min3A_223 : i32 to vector<16xi32>
      %min3A_225 = arith.minsi %get3A_219, %min3A_224 : vector<16xi32>
      %jit3A_226 = arith.constant 64 : i32
      %eq3A_227 = arith.constant 0 : i32
      %eq3A_228 = arith.cmpi eq, %jit3A_226, %eq3A_227 : i32
      %jit3A_229 = arith.constant 1 : i32
      %select_n3A_230 = arith.select %eq3A_228, %jit3A_229, %jit3A_226 : i32
      %rem3A_231 = arith.remsi %add3A_211, %select_n3A_230 : i32
      %ne3A_232 = arith.constant 0 : i32
      %ne3A_233 = arith.cmpi ne, %rem3A_231, %ne3A_232 : i32
      %lt3A_234 = arith.constant 0 : i32
      %lt3A_235 = arith.cmpi slt, %rem3A_231, %lt3A_234 : i32
      %lt3A_236 = arith.constant 0 : i32
      %lt3A_237 = arith.cmpi slt, %select_n3A_230, %lt3A_236 : i32
      %ne3A_238 = arith.xori %lt3A_235, %lt3A_237 : i1
      %and3A_239 = arith.andi %ne3A_238, %ne3A_233 : i1
      %add3A_240 = arith.addi %rem3A_231, %select_n3A_230 : i32
      %select_n3A_241 = arith.select %and3A_239, %add3A_240, %rem3A_231 : i32
      %mul3A_242 = arith.constant 16 : i32
      %mul3A_243 = arith.muli %select_n3A_241, %mul3A_242 : i32
      %add3A_244 = vector.broadcast %mul3A_243 : i32 to vector<16xi32>
      %add3A_245 = arith.addi %add3A_244, %iota3A : vector<16xi32>
      tpu.vector_store_idx %arg8[%min3A_225], %get3A_215 masked %ge3A_222 : memref<2048xf32, #tpu.memory_space<vmem>>[vector<16xi32>], vector<16xf32>, vector<16xi1>
      tpu.vector_store_idx %arg9[%min3A_225], %add3A_245 masked %ge3A_222 : memref<2048xi32, #tpu.memory_space<vmem>>[vector<16xi32>], vector<16xi32>, vector<16xi1>
      %mul3A_246 = arith.constant 8 : i32
      %mul3A_247 = arith.muli %scan3A_27, %mul3A_246 : i32
      %add3A_248 = arith.constant 6 : i32
      %add3A_249 = arith.addi %mul3A_247, %add3A_248 : i32
      %mul3A_250 = arith.constant 16 : i32
      %mul3A_251 = arith.muli %add3A_249, %mul3A_250 : i32
      %get3A_252 = arith.index_cast %mul3A_251 : i32 to index
      %get3A_253 = tpu.vector_load %arg6[%get3A_252] {strides = array<i32>} : memref<32768xf32, #tpu.memory_space<vmem>>, vector<16xf32>,
      %mul3A_254 = arith.constant 16 : i32
      %mul3A_255 = arith.muli %add3A_249, %mul3A_254 : i32
      %get3A_256 = arith.index_cast %mul3A_255 : i32 to index
      %get3A_257 = tpu.vector_load %arg7[%get3A_256] {strides = array<i32>} : memref<32768xi32, #tpu.memory_space<vmem>>, vector<16xi32>,
      %ge3A_258 = arith.constant 0 : i32
      %ge3A_259 = vector.broadcast %ge3A_258 : i32 to vector<16xi32>
      %ge3A_260 = arith.cmpi sge, %get3A_257, %ge3A_259 : vector<16xi32>
      %min3A_261 = arith.constant 2047 : i32
      %min3A_262 = vector.broadcast %min3A_261 : i32 to vector<16xi32>
      %min3A_263 = arith.minsi %get3A_257, %min3A_262 : vector<16xi32>
      %jit3A_264 = arith.constant 64 : i32
      %eq3A_265 = arith.constant 0 : i32
      %eq3A_266 = arith.cmpi eq, %jit3A_264, %eq3A_265 : i32
      %jit3A_267 = arith.constant 1 : i32
      %select_n3A_268 = arith.select %eq3A_266, %jit3A_267, %jit3A_264 : i32
      %rem3A_269 = arith.remsi %add3A_249, %select_n3A_268 : i32
      %ne3A_270 = arith.constant 0 : i32
      %ne3A_271 = arith.cmpi ne, %rem3A_269, %ne3A_270 : i32
      %lt3A_272 = arith.constant 0 : i32
      %lt3A_273 = arith.cmpi slt, %rem3A_269, %lt3A_272 : i32
      %lt3A_274 = arith.constant 0 : i32
      %lt3A_275 = arith.cmpi slt, %select_n3A_268, %lt3A_274 : i32
      %ne3A_276 = arith.xori %lt3A_273, %lt3A_275 : i1
      %and3A_277 = arith.andi %ne3A_276, %ne3A_271 : i1
      %add3A_278 = arith.addi %rem3A_269, %select_n3A_268 : i32
      %select_n3A_279 = arith.select %and3A_277, %add3A_278, %rem3A_269 : i32
      %mul3A_280 = arith.constant 16 : i32
      %mul3A_281 = arith.muli %select_n3A_279, %mul3A_280 : i32
      %add3A_282 = vector.broadcast %mul3A_281 : i32 to vector<16xi32>
      %add3A_283 = arith.addi %add3A_282, %iota3A : vector<16xi32>
      tpu.vector_store_idx %arg8[%min3A_263], %get3A_253 masked %ge3A_260 : memref<2048xf32, #tpu.memory_space<vmem>>[vector<16xi32>], vector<16xf32>, vector<16xi1>
      tpu.vector_store_idx %arg9[%min3A_263], %add3A_283 masked %ge3A_260 : memref<2048xi32, #tpu.memory_space<vmem>>[vector<16xi32>], vector<16xi32>, vector<16xi1>
      %mul3A_284 = arith.constant 8 : i32
      %mul3A_285 = arith.muli %scan3A_27, %mul3A_284 : i32
      %add3A_286 = arith.constant 7 : i32
      %add3A_287 = arith.addi %mul3A_285, %add3A_286 : i32
      %mul3A_288 = arith.constant 16 : i32
      %mul3A_289 = arith.muli %add3A_287, %mul3A_288 : i32
      %get3A_290 = arith.index_cast %mul3A_289 : i32 to index
      %get3A_291 = tpu.vector_load %arg6[%get3A_290] {strides = array<i32>} : memref<32768xf32, #tpu.memory_space<vmem>>, vector<16xf32>,
      %mul3A_292 = arith.constant 16 : i32
      %mul3A_293 = arith.muli %add3A_287, %mul3A_292 : i32
      %get3A_294 = arith.index_cast %mul3A_293 : i32 to index
      %get3A_295 = tpu.vector_load %arg7[%get3A_294] {strides = array<i32>} : memref<32768xi32, #tpu.memory_space<vmem>>, vector<16xi32>,
      %ge3A_296 = arith.constant 0 : i32
      %ge3A_297 = vector.broadcast %ge3A_296 : i32 to vector<16xi32>
      %ge3A_298 = arith.cmpi sge, %get3A_295, %ge3A_297 : vector<16xi32>
      %min3A_299 = arith.constant 2047 : i32
      %min3A_300 = vector.broadcast %min3A_299 : i32 to vector<16xi32>
      %min3A_301 = arith.minsi %get3A_295, %min3A_300 : vector<16xi32>
      %jit3A_302 = arith.constant 64 : i32
      %eq3A_303 = arith.constant 0 : i32
      %eq3A_304 = arith.cmpi eq, %jit3A_302, %eq3A_303 : i32
      %jit3A_305 = arith.constant 1 : i32
      %select_n3A_306 = arith.select %eq3A_304, %jit3A_305, %jit3A_302 : i32
      %rem3A_307 = arith.remsi %add3A_287, %select_n3A_306 : i32
      %ne3A_308 = arith.constant 0 : i32
      %ne3A_309 = arith.cmpi ne, %rem3A_307, %ne3A_308 : i32
      %lt3A_310 = arith.constant 0 : i32
      %lt3A_311 = arith.cmpi slt, %rem3A_307, %lt3A_310 : i32
      %lt3A_312 = arith.constant 0 : i32
      %lt3A_313 = arith.cmpi slt, %select_n3A_306, %lt3A_312 : i32
      %ne3A_314 = arith.xori %lt3A_311, %lt3A_313 : i1
      %and3A_315 = arith.andi %ne3A_314, %ne3A_309 : i1
      %add3A_316 = arith.addi %rem3A_307, %select_n3A_306 : i32
      %select_n3A_317 = arith.select %and3A_315, %add3A_316, %rem3A_307 : i32
      %mul3A_318 = arith.constant 16 : i32
      %mul3A_319 = arith.muli %select_n3A_317, %mul3A_318 : i32
      %add3A_320 = vector.broadcast %mul3A_319 : i32 to vector<16xi32>
      %add3A_321 = arith.addi %add3A_320, %iota3A : vector<16xi32>
      tpu.vector_store_idx %arg8[%min3A_301], %get3A_291 masked %ge3A_298 : memref<2048xf32, #tpu.memory_space<vmem>>[vector<16xi32>], vector<16xf32>, vector<16xi1>
      tpu.vector_store_idx %arg9[%min3A_301], %add3A_321 masked %ge3A_298 : memref<2048xi32, #tpu.memory_space<vmem>>[vector<16xi32>], vector<16xi32>, vector<16xi1>
    }
    %scan3A_18 = arith.constant 256 : i32
    %mul3A_19 = arith.constant 32 : i32
    %mul3A_20 = arith.muli %add3A, %mul3A_19 : i32
    %mul3A_21 = arith.constant 64 : i32
    %mul3A_22 = arith.muli %mul3A_20, %mul3A_21 : i32
    "tpu.region"() ({
      %run_scoped3A = tpu.sem_alloc : memref<!tpu.dma_semaphore, #tpu.memory_space<semaphore_mem>>
      %dma_start3A = tpu.memref_slice %arg4[%mul3A_22] : memref<65536xf32, #tpu.memory_space<hbm>> -> memref<2048xf32, #tpu.memory_space<hbm>>
      %dma_start3A_27 = tpu.memref_slice %arg4[%mul3A_22] : memref<65536xf32, #tpu.memory_space<hbm>> -> memref<2048xf32, #tpu.memory_space<hbm>>
      tpu.enqueue_dma source(%arg8 : memref<2048xf32, #tpu.memory_space<vmem>>) target(%dma_start3A_27 : memref<2048xf32, #tpu.memory_space<hbm>>) target_semaphore(%run_scoped3A : memref<!tpu.dma_semaphore, #tpu.memory_space<semaphore_mem>>)
      %dma_wait3A = tpu.memref_slice %arg4[%mul3A_22] : memref<65536xf32, #tpu.memory_space<hbm>> -> memref<2048xf32, #tpu.memory_space<hbm>>
      %dma_wait3A_28 = tpu.memref_slice %arg4[%mul3A_22] : memref<65536xf32, #tpu.memory_space<hbm>> -> memref<2048xf32, #tpu.memory_space<hbm>>
      tpu.wait_dma2 semaphore(%run_scoped3A : memref<!tpu.dma_semaphore, #tpu.memory_space<semaphore_mem>>) src(%arg8 : memref<2048xf32, #tpu.memory_space<vmem>>) dst(%dma_wait3A_28 : memref<2048xf32, #tpu.memory_space<hbm>>)
      tpu.yield
    }) : () -> ()
    %mul3A_23 = arith.constant 32 : i32
    %mul3A_24 = arith.muli %add3A, %mul3A_23 : i32
    %mul3A_25 = arith.constant 64 : i32
    %mul3A_26 = arith.muli %mul3A_24, %mul3A_25 : i32
    "tpu.region"() ({
      %run_scoped3A = tpu.sem_alloc : memref<!tpu.dma_semaphore, #tpu.memory_space<semaphore_mem>>
      %dma_start3A = tpu.memref_slice %arg5[%mul3A_26] : memref<65536xi32, #tpu.memory_space<hbm>> -> memref<2048xi32, #tpu.memory_space<hbm>>
      %dma_start3A_27 = tpu.memref_slice %arg5[%mul3A_26] : memref<65536xi32, #tpu.memory_space<hbm>> -> memref<2048xi32, #tpu.memory_space<hbm>>
      tpu.enqueue_dma source(%arg9 : memref<2048xi32, #tpu.memory_space<vmem>>) target(%dma_start3A_27 : memref<2048xi32, #tpu.memory_space<hbm>>) target_semaphore(%run_scoped3A : memref<!tpu.dma_semaphore, #tpu.memory_space<semaphore_mem>>)
      %dma_wait3A = tpu.memref_slice %arg5[%mul3A_26] : memref<65536xi32, #tpu.memory_space<hbm>> -> memref<2048xi32, #tpu.memory_space<hbm>>
      %dma_wait3A_28 = tpu.memref_slice %arg5[%mul3A_26] : memref<65536xi32, #tpu.memory_space<hbm>> -> memref<2048xi32, #tpu.memory_space<hbm>>
      tpu.wait_dma2 semaphore(%run_scoped3A : memref<!tpu.dma_semaphore, #tpu.memory_space<semaphore_mem>>) src(%arg9 : memref<2048xi32, #tpu.memory_space<vmem>>) dst(%dma_wait3A_28 : memref<2048xi32, #tpu.memory_space<hbm>>)
      tpu.yield
    }) : () -> ()
    return
  }
}

#map = affine_map<(d0, d1) -> (0, 0)>
module attributes {stable_mosaic.version = 14 : i64} {
  func.func @sc_scatter(%arg0: i32, %arg1: i32, %arg2: memref<1024x1024xf32, #tpu.memory_space<hbm>>, %arg3: memref<1024x1024xi32, #tpu.memory_space<hbm>>, %arg4: memref<1024x1024xf32, #tpu.memory_space<hbm>>, %arg5: memref<32x1024xf32, #tpu.memory_space<vmem>>, %arg6: memref<32x1024xi32, #tpu.memory_space<vmem>>, %arg7: memref<32x1024xf32, #tpu.memory_space<vmem>>) attributes {dimension_semantics = [#tpu.dimension_semantics<core_parallel>, #tpu.dimension_semantics<subcore_parallel>], iteration_bounds = array<i64: 2, 16>, scalar_prefetch = 0 : i64, scratch_operands = 3 : i64, tpu.core_type = #tpu.core_type<sc_vector_subcore>, window_params = [{transform_indices = #map}, {transform_indices = #map}, {transform_indices = #map}]} {
    %mul3A = arith.constant 2 : i32
    %mul3A_0 = arith.muli %arg1, %mul3A : i32
    %add3A = arith.addi %mul3A_0, %arg0 : i32
    %mul3A_1 = arith.constant 32 : i32
    %mul3A_2 = arith.muli %add3A, %mul3A_1 : i32
    "tpu.region"() ({
      %run_scoped3A = tpu.sem_alloc : memref<!tpu.dma_semaphore, #tpu.memory_space<semaphore_mem>>
      %dma_start3A = arith.constant 0 : i32
      %dma_start3A_8 = tpu.memref_slice %arg2[%mul3A_2, %dma_start3A] : memref<1024x1024xf32, #tpu.memory_space<hbm>> -> memref<32x1024xf32, #tpu.memory_space<hbm>>
      %dma_start3A_9 = arith.constant 0 : i32
      %dma_start3A_10 = tpu.memref_slice %arg2[%mul3A_2, %dma_start3A_9] : memref<1024x1024xf32, #tpu.memory_space<hbm>> -> memref<32x1024xf32, #tpu.memory_space<hbm>>
      tpu.enqueue_dma source(%dma_start3A_10 : memref<32x1024xf32, #tpu.memory_space<hbm>>) target(%arg5 : memref<32x1024xf32, #tpu.memory_space<vmem>>) target_semaphore(%run_scoped3A : memref<!tpu.dma_semaphore, #tpu.memory_space<semaphore_mem>>)
      %dma_wait3A = arith.constant 0 : i32
      %dma_wait3A_11 = tpu.memref_slice %arg2[%mul3A_2, %dma_wait3A] : memref<1024x1024xf32, #tpu.memory_space<hbm>> -> memref<32x1024xf32, #tpu.memory_space<hbm>>
      %dma_wait3A_12 = arith.constant 0 : i32
      %dma_wait3A_13 = tpu.memref_slice %arg2[%mul3A_2, %dma_wait3A_12] : memref<1024x1024xf32, #tpu.memory_space<hbm>> -> memref<32x1024xf32, #tpu.memory_space<hbm>>
      tpu.wait_dma2 semaphore(%run_scoped3A : memref<!tpu.dma_semaphore, #tpu.memory_space<semaphore_mem>>) src(%dma_wait3A_13 : memref<32x1024xf32, #tpu.memory_space<hbm>>) dst(%arg5 : memref<32x1024xf32, #tpu.memory_space<vmem>>)
      tpu.yield
    }) : () -> ()
    "tpu.region"() ({
      %run_scoped3A = tpu.sem_alloc : memref<!tpu.dma_semaphore, #tpu.memory_space<semaphore_mem>>
      %dma_start3A = arith.constant 0 : i32
      %dma_start3A_8 = tpu.memref_slice %arg3[%mul3A_2, %dma_start3A] : memref<1024x1024xi32, #tpu.memory_space<hbm>> -> memref<32x1024xi32, #tpu.memory_space<hbm>>
      %dma_start3A_9 = arith.constant 0 : i32
      %dma_start3A_10 = tpu.memref_slice %arg3[%mul3A_2, %dma_start3A_9] : memref<1024x1024xi32, #tpu.memory_space<hbm>> -> memref<32x1024xi32, #tpu.memory_space<hbm>>
      tpu.enqueue_dma source(%dma_start3A_10 : memref<32x1024xi32, #tpu.memory_space<hbm>>) target(%arg6 : memref<32x1024xi32, #tpu.memory_space<vmem>>) target_semaphore(%run_scoped3A : memref<!tpu.dma_semaphore, #tpu.memory_space<semaphore_mem>>)
      %dma_wait3A = arith.constant 0 : i32
      %dma_wait3A_11 = tpu.memref_slice %arg3[%mul3A_2, %dma_wait3A] : memref<1024x1024xi32, #tpu.memory_space<hbm>> -> memref<32x1024xi32, #tpu.memory_space<hbm>>
      %dma_wait3A_12 = arith.constant 0 : i32
      %dma_wait3A_13 = tpu.memref_slice %arg3[%mul3A_2, %dma_wait3A_12] : memref<1024x1024xi32, #tpu.memory_space<hbm>> -> memref<32x1024xi32, #tpu.memory_space<hbm>>
      tpu.wait_dma2 semaphore(%run_scoped3A : memref<!tpu.dma_semaphore, #tpu.memory_space<semaphore_mem>>) src(%dma_wait3A_13 : memref<32x1024xi32, #tpu.memory_space<hbm>>) dst(%arg6 : memref<32x1024xi32, #tpu.memory_space<vmem>>)
      tpu.yield
    }) : () -> ()
    %scan3A = arith.constant 0 : i32
    %scan3A_3 = arith.constant 0 : i32
    %scan3A_4 = arith.constant 32 : i32
    %scan3A_5 = arith.addi %scan3A_3, %scan3A_4 : i32
    %scan3A_6 = arith.constant 1 : i32
    scf.for %scan3A_8 = %scan3A_3 to %scan3A_5 step %scan3A_6  : i32 {
      %broadcast_in_dim3A = arith.constant 0 : i32
      %broadcast_in_dim3A_9 = vector.broadcast %broadcast_in_dim3A : i32 to vector<16xi32>
      %add3A_10 = vector.broadcast %scan3A_8 : i32 to vector<16xi32>
      %add3A_11 = arith.addi %broadcast_in_dim3A_9, %add3A_10 : vector<16xi32>
      %scan3A_12 = arith.constant 0 : i32
      %scan3A_13 = arith.constant 0 : i32
      %scan3A_14 = arith.constant 16 : i32
      %scan3A_15 = arith.addi %scan3A_13, %scan3A_14 : i32
      %scan3A_16 = arith.constant 1 : i32
      scf.for %scan3A_18 = %scan3A_13 to %scan3A_15 step %scan3A_16  : i32 {
        %mul3A_19 = arith.constant 4 : i32
        %mul3A_20 = arith.muli %scan3A_18, %mul3A_19 : i32
        %add3A_21 = arith.constant 0 : i32
        %add3A_22 = arith.addi %mul3A_20, %add3A_21 : i32
        %mul3A_23 = arith.constant 16 : i32
        %mul3A_24 = arith.muli %add3A_22, %mul3A_23 : i32
        %get3A = arith.index_cast %scan3A_8 : i32 to index
        %get3A_25 = arith.index_cast %mul3A_24 : i32 to index
        %get3A_26 = tpu.vector_load %arg6[%get3A, %get3A_25] {strides = array<i32>} : memref<32x1024xi32, #tpu.memory_space<vmem>>, vector<16xi32>,
        %get3A_27 = arith.index_cast %scan3A_8 : i32 to index
        %get3A_28 = arith.index_cast %mul3A_24 : i32 to index
        %get3A_29 = tpu.vector_load %arg5[%get3A_27, %get3A_28] {strides = array<i32>} : memref<32x1024xf32, #tpu.memory_space<vmem>>, vector<16xf32>,
        tpu.vector_store_idx %arg7[%add3A_11, %get3A_26], %get3A_29 : memref<32x1024xf32, #tpu.memory_space<vmem>>[vector<16xi32>, vector<16xi32>], vector<16xf32>,
        %mul3A_30 = arith.constant 4 : i32
        %mul3A_31 = arith.muli %scan3A_18, %mul3A_30 : i32
        %add3A_32 = arith.constant 1 : i32
        %add3A_33 = arith.addi %mul3A_31, %add3A_32 : i32
        %mul3A_34 = arith.constant 16 : i32
        %mul3A_35 = arith.muli %add3A_33, %mul3A_34 : i32
        %get3A_36 = arith.index_cast %scan3A_8 : i32 to index
        %get3A_37 = arith.index_cast %mul3A_35 : i32 to index
        %get3A_38 = tpu.vector_load %arg6[%get3A_36, %get3A_37] {strides = array<i32>} : memref<32x1024xi32, #tpu.memory_space<vmem>>, vector<16xi32>,
        %get3A_39 = arith.index_cast %scan3A_8 : i32 to index
        %get3A_40 = arith.index_cast %mul3A_35 : i32 to index
        %get3A_41 = tpu.vector_load %arg5[%get3A_39, %get3A_40] {strides = array<i32>} : memref<32x1024xf32, #tpu.memory_space<vmem>>, vector<16xf32>,
        tpu.vector_store_idx %arg7[%add3A_11, %get3A_38], %get3A_41 : memref<32x1024xf32, #tpu.memory_space<vmem>>[vector<16xi32>, vector<16xi32>], vector<16xf32>,
        %mul3A_42 = arith.constant 4 : i32
        %mul3A_43 = arith.muli %scan3A_18, %mul3A_42 : i32
        %add3A_44 = arith.constant 2 : i32
        %add3A_45 = arith.addi %mul3A_43, %add3A_44 : i32
        %mul3A_46 = arith.constant 16 : i32
        %mul3A_47 = arith.muli %add3A_45, %mul3A_46 : i32
        %get3A_48 = arith.index_cast %scan3A_8 : i32 to index
        %get3A_49 = arith.index_cast %mul3A_47 : i32 to index
        %get3A_50 = tpu.vector_load %arg6[%get3A_48, %get3A_49] {strides = array<i32>} : memref<32x1024xi32, #tpu.memory_space<vmem>>, vector<16xi32>,
        %get3A_51 = arith.index_cast %scan3A_8 : i32 to index
        %get3A_52 = arith.index_cast %mul3A_47 : i32 to index
        %get3A_53 = tpu.vector_load %arg5[%get3A_51, %get3A_52] {strides = array<i32>} : memref<32x1024xf32, #tpu.memory_space<vmem>>, vector<16xf32>,
        tpu.vector_store_idx %arg7[%add3A_11, %get3A_50], %get3A_53 : memref<32x1024xf32, #tpu.memory_space<vmem>>[vector<16xi32>, vector<16xi32>], vector<16xf32>,
        %mul3A_54 = arith.constant 4 : i32
        %mul3A_55 = arith.muli %scan3A_18, %mul3A_54 : i32
        %add3A_56 = arith.constant 3 : i32
        %add3A_57 = arith.addi %mul3A_55, %add3A_56 : i32
        %mul3A_58 = arith.constant 16 : i32
        %mul3A_59 = arith.muli %add3A_57, %mul3A_58 : i32
        %get3A_60 = arith.index_cast %scan3A_8 : i32 to index
        %get3A_61 = arith.index_cast %mul3A_59 : i32 to index
        %get3A_62 = tpu.vector_load %arg6[%get3A_60, %get3A_61] {strides = array<i32>} : memref<32x1024xi32, #tpu.memory_space<vmem>>, vector<16xi32>,
        %get3A_63 = arith.index_cast %scan3A_8 : i32 to index
        %get3A_64 = arith.index_cast %mul3A_59 : i32 to index
        %get3A_65 = tpu.vector_load %arg5[%get3A_63, %get3A_64] {strides = array<i32>} : memref<32x1024xf32, #tpu.memory_space<vmem>>, vector<16xf32>,
        tpu.vector_store_idx %arg7[%add3A_11, %get3A_62], %get3A_65 : memref<32x1024xf32, #tpu.memory_space<vmem>>[vector<16xi32>, vector<16xi32>], vector<16xf32>,
      }
      %scan3A_17 = arith.constant 16 : i32
    }
    %scan3A_7 = arith.constant 32 : i32
    "tpu.region"() ({
      %run_scoped3A = tpu.sem_alloc : memref<!tpu.dma_semaphore, #tpu.memory_space<semaphore_mem>>
      %dma_start3A = arith.constant 0 : i32
      %dma_start3A_8 = tpu.memref_slice %arg4[%mul3A_2, %dma_start3A] : memref<1024x1024xf32, #tpu.memory_space<hbm>> -> memref<32x1024xf32, #tpu.memory_space<hbm>>
      %dma_start3A_9 = arith.constant 0 : i32
      %dma_start3A_10 = tpu.memref_slice %arg4[%mul3A_2, %dma_start3A_9] : memref<1024x1024xf32, #tpu.memory_space<hbm>> -> memref<32x1024xf32, #tpu.memory_space<hbm>>
      tpu.enqueue_dma source(%arg7 : memref<32x1024xf32, #tpu.memory_space<vmem>>) target(%dma_start3A_10 : memref<32x1024xf32, #tpu.memory_space<hbm>>) target_semaphore(%run_scoped3A : memref<!tpu.dma_semaphore, #tpu.memory_space<semaphore_mem>>)
      %dma_wait3A = arith.constant 0 : i32
      %dma_wait3A_11 = tpu.memref_slice %arg4[%mul3A_2, %dma_wait3A] : memref<1024x1024xf32, #tpu.memory_space<hbm>> -> memref<32x1024xf32, #tpu.memory_space<hbm>>
      %dma_wait3A_12 = arith.constant 0 : i32
      %dma_wait3A_13 = tpu.memref_slice %arg4[%mul3A_2, %dma_wait3A_12] : memref<1024x1024xf32, #tpu.memory_space<hbm>> -> memref<32x1024xf32, #tpu.memory_space<hbm>>
      tpu.wait_dma2 semaphore(%run_scoped3A : memref<!tpu.dma_semaphore, #tpu.memory_space<semaphore_mem>>) src(%arg7 : memref<32x1024xf32, #tpu.memory_space<vmem>>) dst(%dma_wait3A_13 : memref<32x1024xf32, #tpu.memory_space<hbm>>)
      tpu.yield
    }) : () -> ()
    return
  }
}

#map = affine_map<(d0, d1) -> (0, 0)>
module attributes {stable_mosaic.version = 14 : i64} {
  func.func @sc_scatter_sparse(%arg0: i32, %arg1: i32, %arg2: memref<1024x64xf32, #tpu.memory_space<hbm>>, %arg3: memref<1024x64xi32, #tpu.memory_space<hbm>>, %arg4: memref<32x1024xf32, #tpu.memory_space<hbm>>, %arg5: memref<1024x1024xf32, #tpu.memory_space<hbm>>, %arg6: memref<32x64xf32, #tpu.memory_space<vmem>>, %arg7: memref<32x64xi32, #tpu.memory_space<vmem>>, %arg8: memref<32x1024xf32, #tpu.memory_space<vmem>>) attributes {dimension_semantics = [#tpu.dimension_semantics<core_parallel>, #tpu.dimension_semantics<subcore_parallel>], iteration_bounds = array<i64: 2, 16>, scalar_prefetch = 0 : i64, scratch_operands = 3 : i64, tpu.core_type = #tpu.core_type<sc_vector_subcore>, window_params = [{transform_indices = #map}, {transform_indices = #map}, {transform_indices = #map}, {transform_indices = #map}]} {
    %mul3A = arith.constant 2 : i32
    %mul3A_0 = arith.muli %arg1, %mul3A : i32
    %add3A = arith.addi %mul3A_0, %arg0 : i32
    %mul3A_1 = arith.constant 32 : i32
    %mul3A_2 = arith.muli %add3A, %mul3A_1 : i32
    "tpu.region"() ({
      %run_scoped3A = tpu.sem_alloc : memref<!tpu.dma_semaphore, #tpu.memory_space<semaphore_mem>>
      %dma_start3A = arith.constant 0 : i32
      %dma_start3A_8 = tpu.memref_slice %arg2[%mul3A_2, %dma_start3A] : memref<1024x64xf32, #tpu.memory_space<hbm>> -> memref<32x64xf32, #tpu.memory_space<hbm>>
      %dma_start3A_9 = arith.constant 0 : i32
      %dma_start3A_10 = tpu.memref_slice %arg2[%mul3A_2, %dma_start3A_9] : memref<1024x64xf32, #tpu.memory_space<hbm>> -> memref<32x64xf32, #tpu.memory_space<hbm>>
      tpu.enqueue_dma source(%dma_start3A_10 : memref<32x64xf32, #tpu.memory_space<hbm>>) target(%arg6 : memref<32x64xf32, #tpu.memory_space<vmem>>) target_semaphore(%run_scoped3A : memref<!tpu.dma_semaphore, #tpu.memory_space<semaphore_mem>>)
      %dma_wait3A = arith.constant 0 : i32
      %dma_wait3A_11 = tpu.memref_slice %arg2[%mul3A_2, %dma_wait3A] : memref<1024x64xf32, #tpu.memory_space<hbm>> -> memref<32x64xf32, #tpu.memory_space<hbm>>
      %dma_wait3A_12 = arith.constant 0 : i32
      %dma_wait3A_13 = tpu.memref_slice %arg2[%mul3A_2, %dma_wait3A_12] : memref<1024x64xf32, #tpu.memory_space<hbm>> -> memref<32x64xf32, #tpu.memory_space<hbm>>
      tpu.wait_dma2 semaphore(%run_scoped3A : memref<!tpu.dma_semaphore, #tpu.memory_space<semaphore_mem>>) src(%dma_wait3A_13 : memref<32x64xf32, #tpu.memory_space<hbm>>) dst(%arg6 : memref<32x64xf32, #tpu.memory_space<vmem>>)
      tpu.yield
    }) : () -> ()
    "tpu.region"() ({
      %run_scoped3A = tpu.sem_alloc : memref<!tpu.dma_semaphore, #tpu.memory_space<semaphore_mem>>
      %dma_start3A = arith.constant 0 : i32
      %dma_start3A_8 = tpu.memref_slice %arg3[%mul3A_2, %dma_start3A] : memref<1024x64xi32, #tpu.memory_space<hbm>> -> memref<32x64xi32, #tpu.memory_space<hbm>>
      %dma_start3A_9 = arith.constant 0 : i32
      %dma_start3A_10 = tpu.memref_slice %arg3[%mul3A_2, %dma_start3A_9] : memref<1024x64xi32, #tpu.memory_space<hbm>> -> memref<32x64xi32, #tpu.memory_space<hbm>>
      tpu.enqueue_dma source(%dma_start3A_10 : memref<32x64xi32, #tpu.memory_space<hbm>>) target(%arg7 : memref<32x64xi32, #tpu.memory_space<vmem>>) target_semaphore(%run_scoped3A : memref<!tpu.dma_semaphore, #tpu.memory_space<semaphore_mem>>)
      %dma_wait3A = arith.constant 0 : i32
      %dma_wait3A_11 = tpu.memref_slice %arg3[%mul3A_2, %dma_wait3A] : memref<1024x64xi32, #tpu.memory_space<hbm>> -> memref<32x64xi32, #tpu.memory_space<hbm>>
      %dma_wait3A_12 = arith.constant 0 : i32
      %dma_wait3A_13 = tpu.memref_slice %arg3[%mul3A_2, %dma_wait3A_12] : memref<1024x64xi32, #tpu.memory_space<hbm>> -> memref<32x64xi32, #tpu.memory_space<hbm>>
      tpu.wait_dma2 semaphore(%run_scoped3A : memref<!tpu.dma_semaphore, #tpu.memory_space<semaphore_mem>>) src(%dma_wait3A_13 : memref<32x64xi32, #tpu.memory_space<hbm>>) dst(%arg7 : memref<32x64xi32, #tpu.memory_space<vmem>>)
      tpu.yield
    }) : () -> ()
    "tpu.region"() ({
      %run_scoped3A = tpu.sem_alloc : memref<!tpu.dma_semaphore, #tpu.memory_space<semaphore_mem>>
      tpu.enqueue_dma source(%arg4 : memref<32x1024xf32, #tpu.memory_space<hbm>>) target(%arg8 : memref<32x1024xf32, #tpu.memory_space<vmem>>) target_semaphore(%run_scoped3A : memref<!tpu.dma_semaphore, #tpu.memory_space<semaphore_mem>>)
      tpu.wait_dma2 semaphore(%run_scoped3A : memref<!tpu.dma_semaphore, #tpu.memory_space<semaphore_mem>>) src(%arg4 : memref<32x1024xf32, #tpu.memory_space<hbm>>) dst(%arg8 : memref<32x1024xf32, #tpu.memory_space<vmem>>)
      tpu.yield
    }) : () -> ()
    %scan3A = arith.constant 0 : i32
    %scan3A_3 = arith.constant 0 : i32
    %scan3A_4 = arith.constant 32 : i32
    %scan3A_5 = arith.addi %scan3A_3, %scan3A_4 : i32
    %scan3A_6 = arith.constant 1 : i32
    scf.for %scan3A_8 = %scan3A_3 to %scan3A_5 step %scan3A_6  : i32 {
      %broadcast_in_dim3A = arith.constant 0 : i32
      %broadcast_in_dim3A_9 = vector.broadcast %broadcast_in_dim3A : i32 to vector<16xi32>
      %add3A_10 = vector.broadcast %scan3A_8 : i32 to vector<16xi32>
      %add3A_11 = arith.addi %broadcast_in_dim3A_9, %add3A_10 : vector<16xi32>
      %get3A = arith.index_cast %scan3A_8 : i32 to index
      %get3A_12 = arith.constant 0 : index
      %get3A_13 = tpu.vector_load %arg7[%get3A, %get3A_12] {strides = array<i32>} : memref<32x64xi32, #tpu.memory_space<vmem>>, vector<16xi32>,
      %get3A_14 = arith.index_cast %scan3A_8 : i32 to index
      %get3A_15 = arith.constant 0 : index
      %get3A_16 = tpu.vector_load %arg6[%get3A_14, %get3A_15] {strides = array<i32>} : memref<32x64xf32, #tpu.memory_space<vmem>>, vector<16xf32>,
      %ge3A = arith.constant 0 : i32
      %ge3A_17 = vector.broadcast %ge3A : i32 to vector<16xi32>
      %ge3A_18 = arith.cmpi sge, %get3A_13, %ge3A_17 : vector<16xi32>
      tpu.vector_store_idx %arg8[%add3A_11, %get3A_13], %get3A_16 masked %ge3A_18 : memref<32x1024xf32, #tpu.memory_space<vmem>>[vector<16xi32>, vector<16xi32>], vector<16xf32>, vector<16xi1>
      %get3A_19 = arith.index_cast %scan3A_8 : i32 to index
      %get3A_20 = arith.constant 16 : index
      %get3A_21 = tpu.vector_load %arg7[%get3A_19, %get3A_20] {strides = array<i32>} : memref<32x64xi32, #tpu.memory_space<vmem>>, vector<16xi32>,
      %get3A_22 = arith.index_cast %scan3A_8 : i32 to index
      %get3A_23 = arith.constant 16 : index
      %get3A_24 = tpu.vector_load %arg6[%get3A_22, %get3A_23] {strides = array<i32>} : memref<32x64xf32, #tpu.memory_space<vmem>>, vector<16xf32>,
      %ge3A_25 = arith.constant 0 : i32
      %ge3A_26 = vector.broadcast %ge3A_25 : i32 to vector<16xi32>
      %ge3A_27 = arith.cmpi sge, %get3A_21, %ge3A_26 : vector<16xi32>
      tpu.vector_store_idx %arg8[%add3A_11, %get3A_21], %get3A_24 masked %ge3A_27 : memref<32x1024xf32, #tpu.memory_space<vmem>>[vector<16xi32>, vector<16xi32>], vector<16xf32>, vector<16xi1>
      %get3A_28 = arith.index_cast %scan3A_8 : i32 to index
      %get3A_29 = arith.constant 32 : index
      %get3A_30 = tpu.vector_load %arg7[%get3A_28, %get3A_29] {strides = array<i32>} : memref<32x64xi32, #tpu.memory_space<vmem>>, vector<16xi32>,
      %get3A_31 = arith.index_cast %scan3A_8 : i32 to index
      %get3A_32 = arith.constant 32 : index
      %get3A_33 = tpu.vector_load %arg6[%get3A_31, %get3A_32] {strides = array<i32>} : memref<32x64xf32, #tpu.memory_space<vmem>>, vector<16xf32>,
      %ge3A_34 = arith.constant 0 : i32
      %ge3A_35 = vector.broadcast %ge3A_34 : i32 to vector<16xi32>
      %ge3A_36 = arith.cmpi sge, %get3A_30, %ge3A_35 : vector<16xi32>
      tpu.vector_store_idx %arg8[%add3A_11, %get3A_30], %get3A_33 masked %ge3A_36 : memref<32x1024xf32, #tpu.memory_space<vmem>>[vector<16xi32>, vector<16xi32>], vector<16xf32>, vector<16xi1>
      %get3A_37 = arith.index_cast %scan3A_8 : i32 to index
      %get3A_38 = arith.constant 48 : index
      %get3A_39 = tpu.vector_load %arg7[%get3A_37, %get3A_38] {strides = array<i32>} : memref<32x64xi32, #tpu.memory_space<vmem>>, vector<16xi32>,
      %get3A_40 = arith.index_cast %scan3A_8 : i32 to index
      %get3A_41 = arith.constant 48 : index
      %get3A_42 = tpu.vector_load %arg6[%get3A_40, %get3A_41] {strides = array<i32>} : memref<32x64xf32, #tpu.memory_space<vmem>>, vector<16xf32>,
      %ge3A_43 = arith.constant 0 : i32
      %ge3A_44 = vector.broadcast %ge3A_43 : i32 to vector<16xi32>
      %ge3A_45 = arith.cmpi sge, %get3A_39, %ge3A_44 : vector<16xi32>
      tpu.vector_store_idx %arg8[%add3A_11, %get3A_39], %get3A_42 masked %ge3A_45 : memref<32x1024xf32, #tpu.memory_space<vmem>>[vector<16xi32>, vector<16xi32>], vector<16xf32>, vector<16xi1>
    }
    %scan3A_7 = arith.constant 32 : i32
    "tpu.region"() ({
      %run_scoped3A = tpu.sem_alloc : memref<!tpu.dma_semaphore, #tpu.memory_space<semaphore_mem>>
      %dma_start3A = arith.constant 0 : i32
      %dma_start3A_8 = tpu.memref_slice %arg5[%mul3A_2, %dma_start3A] : memref<1024x1024xf32, #tpu.memory_space<hbm>> -> memref<32x1024xf32, #tpu.memory_space<hbm>>
      %dma_start3A_9 = arith.constant 0 : i32
      %dma_start3A_10 = tpu.memref_slice %arg5[%mul3A_2, %dma_start3A_9] : memref<1024x1024xf32, #tpu.memory_space<hbm>> -> memref<32x1024xf32, #tpu.memory_space<hbm>>
      tpu.enqueue_dma source(%arg8 : memref<32x1024xf32, #tpu.memory_space<vmem>>) target(%dma_start3A_10 : memref<32x1024xf32, #tpu.memory_space<hbm>>) target_semaphore(%run_scoped3A : memref<!tpu.dma_semaphore, #tpu.memory_space<semaphore_mem>>)
      %dma_wait3A = arith.constant 0 : i32
      %dma_wait3A_11 = tpu.memref_slice %arg5[%mul3A_2, %dma_wait3A] : memref<1024x1024xf32, #tpu.memory_space<hbm>> -> memref<32x1024xf32, #tpu.memory_space<hbm>>
      %dma_wait3A_12 = arith.constant 0 : i32
      %dma_wait3A_13 = tpu.memref_slice %arg5[%mul3A_2, %dma_wait3A_12] : memref<1024x1024xf32, #tpu.memory_space<hbm>> -> memref<32x1024xf32, #tpu.memory_space<hbm>>
      tpu.wait_dma2 semaphore(%run_scoped3A : memref<!tpu.dma_semaphore, #tpu.memory_space<semaphore_mem>>) src(%arg8 : memref<32x1024xf32, #tpu.memory_space<vmem>>) dst(%dma_wait3A_13 : memref<32x1024xf32, #tpu.memory_space<hbm>>)
      tpu.yield
    }) : () -> ()
    return
  }
}

module attributes {stable_mosaic.version = 14 : i64} {
  func.func @_bisect_body(%arg0: i32, %arg1: memref<1024x128xf32, #tpu.memory_space<vmem>>, %arg2: memref<1024x128xf32, #tpu.memory_space<vmem>>, %arg3: memref<1024x128xi32, #tpu.memory_space<vmem>>, %arg4: memref<1x128xi32, #tpu.memory_space<vmem>>) attributes {dimension_semantics = [#tpu.dimension_semantics<arbitrary>], iteration_bounds = array<i64: 8>, scalar_prefetch = 0 : i64, scratch_operands = 0 : i64, tpu.core_type = #tpu.core_type<tc>, window_params = [{transform_indices = @transform_0, window_bounds = array<i64: 1024, 128>}, {transform_indices = @transform_1, window_bounds = array<i64: 1024, 128>}, {transform_indices = @transform_2, window_bounds = array<i64: 1024, 128>}, {transform_indices = @transform_3, window_bounds = array<i64: 1, 128>}]} {
    %get3A = arith.constant 0 : index
    %get3A_0 = arith.constant 0 : index
    %get3A_1 = vector.load %arg1[%get3A, %get3A_0] : memref<1024x128xf32, #tpu.memory_space<vmem>>, vector<1024x128xf32>
    %add3A = arith.constant 9.99999968E-21 : f32
    %add3A_2 = vector.broadcast %add3A : f32 to vector<1024x128xf32>
    %add3A_3 = arith.addf %get3A_1, %add3A_2 : vector<1024x128xf32>
    %log3A = math.log %add3A_3 : vector<1024x128xf32>
    %neg3A = arith.constant 0.000000e+00 : f32
    %neg3A_4 = vector.broadcast %neg3A : f32 to vector<1024x128xf32>
    %neg3A_5 = arith.subf %neg3A_4, %log3A : vector<1024x128xf32>
    %add3A_6 = arith.constant 9.99999968E-21 : f32
    %add3A_7 = vector.broadcast %add3A_6 : f32 to vector<1024x128xf32>
    %add3A_8 = arith.addf %neg3A_5, %add3A_7 : vector<1024x128xf32>
    %log3A_9 = math.log %add3A_8 : vector<1024x128xf32>
    %neg3A_10 = arith.constant 0.000000e+00 : f32
    %neg3A_11 = vector.broadcast %neg3A_10 : f32 to vector<1024x128xf32>
    %neg3A_12 = arith.subf %neg3A_11, %log3A_9 : vector<1024x128xf32>
    %iota3A = tpu.iota {dimensions = array<i32: 0>} : vector<1024x128xi32>
    %mul3A = arith.constant 128 : i32
    %mul3A_13 = arith.muli %arg0, %mul3A : i32
    %iota3A_14 = tpu.iota {dimensions = array<i32: 1>} : vector<1024x128xi32>
    %add3A_15 = vector.broadcast %mul3A_13 : i32 to vector<1024x128xi32>
    %add3A_16 = arith.addi %add3A_15, %iota3A_14 : vector<1024x128xi32>
    %eq3A = arith.cmpi eq, %iota3A, %add3A_16 : vector<1024x128xi32>
    %jit3A = arith.constant 0.000000e+00 : f32
    %broadcast_in_dim3A = vector.broadcast %jit3A : f32 to vector<1024x128xf32>
    %select_n3A = arith.select %eq3A, %broadcast_in_dim3A, %neg3A_12 : vector<1024x128xi1>, vector<1024x128xf32>
    %swap3A = arith.constant 0 : index
    %swap3A_17 = arith.constant 0 : index
    %swap3A_18 = vector.load %arg2[%swap3A, %swap3A_17] : memref<1024x128xf32, #tpu.memory_space<vmem>>, vector<1024x128xf32>
    tpu.vector_store %arg2[%swap3A, %swap3A_17], %select_n3A {strides = array<i32>} : memref<1024x128xf32, #tpu.memory_space<vmem>>, vector<1024x128xf32>,
    %ge3A = arith.constant 3.530000e+00 : f32
    %ge3A_19 = vector.broadcast %ge3A : f32 to vector<1024x128xf32>
    %ge3A_20 = arith.cmpf oge, %select_n3A, %ge3A_19 : vector<1024x128xf32>
    %convert_element_type3A = arith.extui %ge3A_20 : vector<1024x128xi1> to vector<1024x128xi32>
    %ge3A_21 = arith.constant 1 : i32
    %ge3A_22 = vector.broadcast %ge3A_21 : i32 to vector<1024x128xi32>
    %ge3A_23 = arith.cmpi sge, %iota3A, %ge3A_22 : vector<1024x128xi32>
    %slice3A = vector.extract_strided_slice %convert_element_type3A {offsets = [1023, 0], sizes = [1, 128], strides = [1, 1]} : vector<1024x128xi32> to vector<1x128xi32>
    %slice3A_24 = vector.extract_strided_slice %convert_element_type3A {offsets = [0, 0], sizes = [1023, 128], strides = [1, 1]} : vector<1024x128xi32> to vector<1023x128xi32>
    %concatenate3A = tpu.concatenate %slice3A, %slice3A_24 in 0 : vector<1x128xi32>, vector<1023x128xi32> -> vector<1024x128xi32>
    %jit3A_25 = arith.constant 0 : i32
    %broadcast_in_dim3A_26 = vector.broadcast %jit3A_25 : i32 to vector<1024x128xi32>
    %select_n3A_27 = arith.select %ge3A_23, %concatenate3A, %broadcast_in_dim3A_26 : vector<1024x128xi1>, vector<1024x128xi32>
    %add3A_28 = arith.addi %convert_element_type3A, %select_n3A_27 : vector<1024x128xi32>
    %ge3A_29 = arith.constant 2 : i32
    %ge3A_30 = vector.broadcast %ge3A_29 : i32 to vector<1024x128xi32>
    %ge3A_31 = arith.cmpi sge, %iota3A, %ge3A_30 : vector<1024x128xi32>
    %slice3A_32 = vector.extract_strided_slice %add3A_28 {offsets = [1022, 0], sizes = [2, 128], strides = [1, 1]} : vector<1024x128xi32> to vector<2x128xi32>
    %slice3A_33 = vector.extract_strided_slice %add3A_28 {offsets = [0, 0], sizes = [1022, 128], strides = [1, 1]} : vector<1024x128xi32> to vector<1022x128xi32>
    %concatenate3A_34 = tpu.concatenate %slice3A_32, %slice3A_33 in 0 : vector<2x128xi32>, vector<1022x128xi32> -> vector<1024x128xi32>
    %jit3A_35 = arith.constant 0 : i32
    %broadcast_in_dim3A_36 = vector.broadcast %jit3A_35 : i32 to vector<1024x128xi32>
    %select_n3A_37 = arith.select %ge3A_31, %concatenate3A_34, %broadcast_in_dim3A_36 : vector<1024x128xi1>, vector<1024x128xi32>
    %add3A_38 = arith.addi %add3A_28, %select_n3A_37 : vector<1024x128xi32>
    %ge3A_39 = arith.constant 4 : i32
    %ge3A_40 = vector.broadcast %ge3A_39 : i32 to vector<1024x128xi32>
    %ge3A_41 = arith.cmpi sge, %iota3A, %ge3A_40 : vector<1024x128xi32>
    %slice3A_42 = vector.extract_strided_slice %add3A_38 {offsets = [1020, 0], sizes = [4, 128], strides = [1, 1]} : vector<1024x128xi32> to vector<4x128xi32>
    %slice3A_43 = vector.extract_strided_slice %add3A_38 {offsets = [0, 0], sizes = [1020, 128], strides = [1, 1]} : vector<1024x128xi32> to vector<1020x128xi32>
    %concatenate3A_44 = tpu.concatenate %slice3A_42, %slice3A_43 in 0 : vector<4x128xi32>, vector<1020x128xi32> -> vector<1024x128xi32>
    %jit3A_45 = arith.constant 0 : i32
    %broadcast_in_dim3A_46 = vector.broadcast %jit3A_45 : i32 to vector<1024x128xi32>
    %select_n3A_47 = arith.select %ge3A_41, %concatenate3A_44, %broadcast_in_dim3A_46 : vector<1024x128xi1>, vector<1024x128xi32>
    %add3A_48 = arith.addi %add3A_38, %select_n3A_47 : vector<1024x128xi32>
    %ge3A_49 = arith.constant 8 : i32
    %ge3A_50 = vector.broadcast %ge3A_49 : i32 to vector<1024x128xi32>
    %ge3A_51 = arith.cmpi sge, %iota3A, %ge3A_50 : vector<1024x128xi32>
    %slice3A_52 = vector.extract_strided_slice %add3A_48 {offsets = [1016, 0], sizes = [8, 128], strides = [1, 1]} : vector<1024x128xi32> to vector<8x128xi32>
    %slice3A_53 = vector.extract_strided_slice %add3A_48 {offsets = [0, 0], sizes = [1016, 128], strides = [1, 1]} : vector<1024x128xi32> to vector<1016x128xi32>
    %concatenate3A_54 = tpu.concatenate %slice3A_52, %slice3A_53 in 0 : vector<8x128xi32>, vector<1016x128xi32> -> vector<1024x128xi32>
    %jit3A_55 = arith.constant 0 : i32
    %broadcast_in_dim3A_56 = vector.broadcast %jit3A_55 : i32 to vector<1024x128xi32>
    %select_n3A_57 = arith.select %ge3A_51, %concatenate3A_54, %broadcast_in_dim3A_56 : vector<1024x128xi1>, vector<1024x128xi32>
    %add3A_58 = arith.addi %add3A_48, %select_n3A_57 : vector<1024x128xi32>
    %ge3A_59 = arith.constant 16 : i32
    %ge3A_60 = vector.broadcast %ge3A_59 : i32 to vector<1024x128xi32>
    %ge3A_61 = arith.cmpi sge, %iota3A, %ge3A_60 : vector<1024x128xi32>
    %slice3A_62 = vector.extract_strided_slice %add3A_58 {offsets = [1008, 0], sizes = [16, 128], strides = [1, 1]} : vector<1024x128xi32> to vector<16x128xi32>
    %slice3A_63 = vector.extract_strided_slice %add3A_58 {offsets = [0, 0], sizes = [1008, 128], strides = [1, 1]} : vector<1024x128xi32> to vector<1008x128xi32>
    %concatenate3A_64 = tpu.concatenate %slice3A_62, %slice3A_63 in 0 : vector<16x128xi32>, vector<1008x128xi32> -> vector<1024x128xi32>
    %jit3A_65 = arith.constant 0 : i32
    %broadcast_in_dim3A_66 = vector.broadcast %jit3A_65 : i32 to vector<1024x128xi32>
    %select_n3A_67 = arith.select %ge3A_61, %concatenate3A_64, %broadcast_in_dim3A_66 : vector<1024x128xi1>, vector<1024x128xi32>
    %add3A_68 = arith.addi %add3A_58, %select_n3A_67 : vector<1024x128xi32>
    %ge3A_69 = arith.constant 32 : i32
    %ge3A_70 = vector.broadcast %ge3A_69 : i32 to vector<1024x128xi32>
    %ge3A_71 = arith.cmpi sge, %iota3A, %ge3A_70 : vector<1024x128xi32>
    %slice3A_72 = vector.extract_strided_slice %add3A_68 {offsets = [992, 0], sizes = [32, 128], strides = [1, 1]} : vector<1024x128xi32> to vector<32x128xi32>
    %slice3A_73 = vector.extract_strided_slice %add3A_68 {offsets = [0, 0], sizes = [992, 128], strides = [1, 1]} : vector<1024x128xi32> to vector<992x128xi32>
    %concatenate3A_74 = tpu.concatenate %slice3A_72, %slice3A_73 in 0 : vector<32x128xi32>, vector<992x128xi32> -> vector<1024x128xi32>
    %jit3A_75 = arith.constant 0 : i32
    %broadcast_in_dim3A_76 = vector.broadcast %jit3A_75 : i32 to vector<1024x128xi32>
    %select_n3A_77 = arith.select %ge3A_71, %concatenate3A_74, %broadcast_in_dim3A_76 : vector<1024x128xi1>, vector<1024x128xi32>
    %add3A_78 = arith.addi %add3A_68, %select_n3A_77 : vector<1024x128xi32>
    %ge3A_79 = arith.constant 64 : i32
    %ge3A_80 = vector.broadcast %ge3A_79 : i32 to vector<1024x128xi32>
    %ge3A_81 = arith.cmpi sge, %iota3A, %ge3A_80 : vector<1024x128xi32>
    %slice3A_82 = vector.extract_strided_slice %add3A_78 {offsets = [960, 0], sizes = [64, 128], strides = [1, 1]} : vector<1024x128xi32> to vector<64x128xi32>
    %slice3A_83 = vector.extract_strided_slice %add3A_78 {offsets = [0, 0], sizes = [960, 128], strides = [1, 1]} : vector<1024x128xi32> to vector<960x128xi32>
    %concatenate3A_84 = tpu.concatenate %slice3A_82, %slice3A_83 in 0 : vector<64x128xi32>, vector<960x128xi32> -> vector<1024x128xi32>
    %jit3A_85 = arith.constant 0 : i32
    %broadcast_in_dim3A_86 = vector.broadcast %jit3A_85 : i32 to vector<1024x128xi32>
    %select_n3A_87 = arith.select %ge3A_81, %concatenate3A_84, %broadcast_in_dim3A_86 : vector<1024x128xi1>, vector<1024x128xi32>
    %add3A_88 = arith.addi %add3A_78, %select_n3A_87 : vector<1024x128xi32>
    %ge3A_89 = arith.constant 128 : i32
    %ge3A_90 = vector.broadcast %ge3A_89 : i32 to vector<1024x128xi32>
    %ge3A_91 = arith.cmpi sge, %iota3A, %ge3A_90 : vector<1024x128xi32>
    %slice3A_92 = vector.extract_strided_slice %add3A_88 {offsets = [896, 0], sizes = [128, 128], strides = [1, 1]} : vector<1024x128xi32> to vector<128x128xi32>
    %slice3A_93 = vector.extract_strided_slice %add3A_88 {offsets = [0, 0], sizes = [896, 128], strides = [1, 1]} : vector<1024x128xi32> to vector<896x128xi32>
    %concatenate3A_94 = tpu.concatenate %slice3A_92, %slice3A_93 in 0 : vector<128x128xi32>, vector<896x128xi32> -> vector<1024x128xi32>
    %jit3A_95 = arith.constant 0 : i32
    %broadcast_in_dim3A_96 = vector.broadcast %jit3A_95 : i32 to vector<1024x128xi32>
    %select_n3A_97 = arith.select %ge3A_91, %concatenate3A_94, %broadcast_in_dim3A_96 : vector<1024x128xi1>, vector<1024x128xi32>
    %add3A_98 = arith.addi %add3A_88, %select_n3A_97 : vector<1024x128xi32>
    %ge3A_99 = arith.constant 256 : i32
    %ge3A_100 = vector.broadcast %ge3A_99 : i32 to vector<1024x128xi32>
    %ge3A_101 = arith.cmpi sge, %iota3A, %ge3A_100 : vector<1024x128xi32>
    %slice3A_102 = vector.extract_strided_slice %add3A_98 {offsets = [768, 0], sizes = [256, 128], strides = [1, 1]} : vector<1024x128xi32> to vector<256x128xi32>
    %slice3A_103 = vector.extract_strided_slice %add3A_98 {offsets = [0, 0], sizes = [768, 128], strides = [1, 1]} : vector<1024x128xi32> to vector<768x128xi32>
    %concatenate3A_104 = tpu.concatenate %slice3A_102, %slice3A_103 in 0 : vector<256x128xi32>, vector<768x128xi32> -> vector<1024x128xi32>
    %jit3A_105 = arith.constant 0 : i32
    %broadcast_in_dim3A_106 = vector.broadcast %jit3A_105 : i32 to vector<1024x128xi32>
    %select_n3A_107 = arith.select %ge3A_101, %concatenate3A_104, %broadcast_in_dim3A_106 : vector<1024x128xi1>, vector<1024x128xi32>
    %add3A_108 = arith.addi %add3A_98, %select_n3A_107 : vector<1024x128xi32>
    %ge3A_109 = arith.constant 512 : i32
    %ge3A_110 = vector.broadcast %ge3A_109 : i32 to vector<1024x128xi32>
    %ge3A_111 = arith.cmpi sge, %iota3A, %ge3A_110 : vector<1024x128xi32>
    %slice3A_112 = vector.extract_strided_slice %add3A_108 {offsets = [512, 0], sizes = [512, 128], strides = [1, 1]} : vector<1024x128xi32> to vector<512x128xi32>
    %slice3A_113 = vector.extract_strided_slice %add3A_108 {offsets = [0, 0], sizes = [512, 128], strides = [1, 1]} : vector<1024x128xi32> to vector<512x128xi32>
    %concatenate3A_114 = tpu.concatenate %slice3A_112, %slice3A_113 in 0 : vector<512x128xi32>, vector<512x128xi32> -> vector<1024x128xi32>
    %jit3A_115 = arith.constant 0 : i32
    %broadcast_in_dim3A_116 = vector.broadcast %jit3A_115 : i32 to vector<1024x128xi32>
    %select_n3A_117 = arith.select %ge3A_111, %concatenate3A_114, %broadcast_in_dim3A_116 : vector<1024x128xi1>, vector<1024x128xi32>
    %add3A_118 = arith.addi %add3A_108, %select_n3A_117 : vector<1024x128xi32>
    %mul3A_119 = arith.constant 128 : i32
    %mul3A_120 = arith.muli %arg0, %mul3A_119 : i32
    %iota3A_121 = tpu.iota {dimensions = array<i32: 1>} : vector<1024x128xi32>
    %add3A_122 = vector.broadcast %mul3A_120 : i32 to vector<1024x128xi32>
    %add3A_123 = arith.addi %add3A_122, %iota3A_121 : vector<1024x128xi32>
    %and3A = arith.constant 31 : i32
    %and3A_124 = vector.broadcast %and3A : i32 to vector<1024x128xi32>
    %and3A_125 = arith.andi %add3A_123, %and3A_124 : vector<1024x128xi32>
    %mul3A_126 = arith.constant 64 : i32
    %mul3A_127 = vector.broadcast %mul3A_126 : i32 to vector<1024x128xi32>
    %mul3A_128 = arith.muli %and3A_125, %mul3A_127 : vector<1024x128xi32>
    %add3A_129 = arith.addi %mul3A_128, %add3A_118 : vector<1024x128xi32>
    %sub3A = arith.constant 1 : i32
    %sub3A_130 = vector.broadcast %sub3A : i32 to vector<1024x128xi32>
    %sub3A_131 = arith.subi %add3A_129, %sub3A_130 : vector<1024x128xi32>
    %jit3A_132 = arith.constant -1 : i32
    %broadcast_in_dim3A_133 = vector.broadcast %jit3A_132 : i32 to vector<1024x128xi32>
    %select_n3A_134 = arith.select %ge3A_20, %sub3A_131, %broadcast_in_dim3A_133 : vector<1024x128xi1>, vector<1024x128xi32>
    %swap3A_135 = arith.constant 0 : index
    %swap3A_136 = arith.constant 0 : index
    %swap3A_137 = vector.load %arg3[%swap3A_135, %swap3A_136] : memref<1024x128xi32, #tpu.memory_space<vmem>>, vector<1024x128xi32>
    tpu.vector_store %arg3[%swap3A_135, %swap3A_136], %select_n3A_134 {strides = array<i32>} : memref<1024x128xi32, #tpu.memory_space<vmem>>, vector<1024x128xi32>,
    %slice3A_138 = vector.extract_strided_slice %add3A_118 {offsets = [1023, 0], sizes = [1, 128], strides = [1, 1]} : vector<1024x128xi32> to vector<1x128xi32>
    %swap3A_139 = arith.constant 0 : index
    %swap3A_140 = arith.constant 0 : index
    %swap3A_141 = vector.load %arg4[%swap3A_139, %swap3A_140] : memref<1x128xi32, #tpu.memory_space<vmem>>, vector<1x128xi32>
    tpu.vector_store %arg4[%swap3A_139, %swap3A_140], %slice3A_138 {strides = array<i32>} : memref<1x128xi32, #tpu.memory_space<vmem>>, vector<1x128xi32>,
    return
  }
  func.func @transform_0(%arg0: i32) -> (i32, i32) {
    %c0_i32 = arith.constant 0 : i32
    %c0_i32_0 = arith.constant 0 : i32
    return %c0_i32, %arg0 : i32, i32
  }
  func.func @transform_1(%arg0: i32) -> (i32, i32) {
    %c0_i32 = arith.constant 0 : i32
    %c0_i32_0 = arith.constant 0 : i32
    return %c0_i32, %arg0 : i32, i32
  }
  func.func @transform_2(%arg0: i32) -> (i32, i32) {
    %c0_i32 = arith.constant 0 : i32
    %c0_i32_0 = arith.constant 0 : i32
    return %c0_i32, %arg0 : i32, i32
  }
  func.func @transform_3(%arg0: i32) -> (i32, i32) {
    %c0_i32 = arith.constant 0 : i32
    %c0_i32_0 = arith.constant 0 : i32
    return %c0_i32, %arg0 : i32, i32
  }
}

module attributes {stable_mosaic.version = 14 : i64} {
  func.func @_k_body(%arg0: memref<1024x32xf32, #tpu.memory_space<vmem>>, %arg1: memref<64x32xf32, #tpu.memory_space<vmem>>, %arg2: memref<1x64xf32, #tpu.memory_space<vmem>>, %arg3: memref<64x64xf32, #tpu.memory_space<vmem>>, %arg4: memref<1x64xf32, #tpu.memory_space<vmem>>, %arg5: memref<1x64xf32, #tpu.memory_space<vmem>>, %arg6: memref<1x1xf32, #tpu.memory_space<vmem>>, %arg7: memref<1024x1xf32, #tpu.memory_space<vmem>>) attributes {dimension_semantics = [], scalar_prefetch = 0 : i64, scratch_operands = 0 : i64, tpu.core_type = #tpu.core_type<tc>} {
    %get3A = arith.constant 0 : index
    %get3A_0 = arith.constant 0 : index
    %get3A_1 = vector.load %arg0[%get3A, %get3A_0] : memref<1024x32xf32, #tpu.memory_space<vmem>>, vector<1024x32xf32>
    %get3A_2 = arith.constant 0 : index
    %get3A_3 = arith.constant 0 : index
    %get3A_4 = vector.load %arg1[%get3A_2, %get3A_3] : memref<64x32xf32, #tpu.memory_space<vmem>>, vector<64x32xf32>
    %dot_general3A = arith.constant dense<0.000000e+00> : vector<1024x64xf32>
    %dot_general3A_5 = tpu.matmul %get3A_1, %get3A_4, %dot_general3A {dimension_numbers = #tpu.dot_dimension_numbers<[1], [1], [0], [0], [0, 0, 1, 0], [], []>, transpose_lhs_hint = false} : vector<1024x32xf32>, vector<64x32xf32>, vector<1024x64xf32> -> vector<1024x64xf32>
    %get3A_6 = arith.constant 0 : index
    %get3A_7 = arith.constant 0 : index
    %get3A_8 = vector.load %arg2[%get3A_6, %get3A_7] : memref<1x64xf32, #tpu.memory_space<vmem>>, vector<1x64xf32>
    %add3A = vector.broadcast %get3A_8 : vector<1x64xf32> to vector<1024x64xf32>
    %add3A_9 = arith.addf %dot_general3A_5, %add3A : vector<1024x64xf32>
    %max3A = arith.constant 0.000000e+00 : f32
    %max3A_10 = vector.broadcast %max3A : f32 to vector<1024x64xf32>
    %max3A_11 = arith.maximumf %add3A_9, %max3A_10 : vector<1024x64xf32>
    %get3A_12 = arith.constant 0 : index
    %get3A_13 = arith.constant 0 : index
    %get3A_14 = vector.load %arg3[%get3A_12, %get3A_13] : memref<64x64xf32, #tpu.memory_space<vmem>>, vector<64x64xf32>
    %dot_general3A_15 = arith.constant dense<0.000000e+00> : vector<1024x64xf32>
    %dot_general3A_16 = tpu.matmul %max3A_11, %get3A_14, %dot_general3A_15 {dimension_numbers = #tpu.dot_dimension_numbers<[1], [1], [0], [0], [0, 0, 1, 0], [], []>, transpose_lhs_hint = false} : vector<1024x64xf32>, vector<64x64xf32>, vector<1024x64xf32> -> vector<1024x64xf32>
    %get3A_17 = arith.constant 0 : index
    %get3A_18 = arith.constant 0 : index
    %get3A_19 = vector.load %arg4[%get3A_17, %get3A_18] : memref<1x64xf32, #tpu.memory_space<vmem>>, vector<1x64xf32>
    %add3A_20 = vector.broadcast %get3A_19 : vector<1x64xf32> to vector<1024x64xf32>
    %add3A_21 = arith.addf %dot_general3A_16, %add3A_20 : vector<1024x64xf32>
    %get3A_22 = arith.constant 0 : index
    %get3A_23 = arith.constant 0 : index
    %get3A_24 = vector.load %arg5[%get3A_22, %get3A_23] : memref<1x64xf32, #tpu.memory_space<vmem>>, vector<1x64xf32>
    %mul3A = vector.broadcast %get3A_24 : vector<1x64xf32> to vector<1024x64xf32>
    %mul3A_25 = arith.mulf %add3A_21, %mul3A : vector<1024x64xf32>
    %reduce_sum3A = arith.constant dense<0.000000e+00> : vector<1024xf32>
    %reduce_sum3A_26 = vector.multi_reduction <add>, %mul3A_25, %reduce_sum3A [1] : vector<1024x64xf32> to vector<1024xf32>
    %broadcast_in_dim3A = vector.shape_cast %reduce_sum3A_26 : vector<1024xf32> to vector<1024x1xf32>
    %get3A_27 = arith.constant 0 : index
    %get3A_28 = arith.constant 0 : index
    %get3A_29 = vector.load %arg6[%get3A_27, %get3A_28] : memref<1x1xf32, #tpu.memory_space<vmem>>, vector<1x1xf32>
    %add3A_30 = vector.broadcast %get3A_29 : vector<1x1xf32> to vector<1024x1xf32>
    %add3A_31 = arith.addf %broadcast_in_dim3A, %add3A_30 : vector<1024x1xf32>
    %add3A_32 = arith.constant 1.000000e+00 : f32
    %add3A_33 = vector.broadcast %add3A_32 : f32 to vector<1024x1xf32>
    %add3A_34 = arith.addf %add3A_31, %add3A_33 : vector<1024x1xf32>
    %swap3A = arith.constant 0 : index
    %swap3A_35 = arith.constant 0 : index
    %swap3A_36 = vector.load %arg7[%swap3A, %swap3A_35] : memref<1024x1xf32, #tpu.memory_space<vmem>>, vector<1024x1xf32>
    tpu.vector_store %arg7[%swap3A, %swap3A_35], %add3A_34 {strides = array<i32>} : memref<1024x1xf32, #tpu.memory_space<vmem>>, vector<1024x1xf32>,
    return
  }
}

module attributes {stable_mosaic.version = 14 : i64} {
  func.func @_sort_body(%arg0: i32, %arg1: memref<1024x128xf32, #tpu.memory_space<vmem>>, %arg2: memref<1x128xf32, #tpu.memory_space<vmem>>, %arg3: memref<1024x128xf32, #tpu.memory_space<vmem>>, %arg4: memref<1024x128xi32, #tpu.memory_space<vmem>>) attributes {dimension_semantics = [#tpu.dimension_semantics<arbitrary>], iteration_bounds = array<i64: 8>, scalar_prefetch = 0 : i64, scratch_operands = 0 : i64, tpu.core_type = #tpu.core_type<tc>, window_params = [{transform_indices = @transform_0, window_bounds = array<i64: 1024, 128>}, {transform_indices = @transform_1, window_bounds = array<i64: 1, 128>}, {transform_indices = @transform_2, window_bounds = array<i64: 1024, 128>}, {transform_indices = @transform_3, window_bounds = array<i64: 1024, 128>}]} {
    %get3A = arith.constant 0 : index
    %get3A_0 = arith.constant 0 : index
    %get3A_1 = vector.load %arg1[%get3A, %get3A_0] : memref<1024x128xf32, #tpu.memory_space<vmem>>, vector<1024x128xf32>
    %add3A = arith.constant 9.99999968E-21 : f32
    %add3A_2 = vector.broadcast %add3A : f32 to vector<1024x128xf32>
    %add3A_3 = arith.addf %get3A_1, %add3A_2 : vector<1024x128xf32>
    %log3A = math.log %add3A_3 : vector<1024x128xf32>
    %neg3A = arith.constant 0.000000e+00 : f32
    %neg3A_4 = vector.broadcast %neg3A : f32 to vector<1024x128xf32>
    %neg3A_5 = arith.subf %neg3A_4, %log3A : vector<1024x128xf32>
    %add3A_6 = arith.constant 9.99999968E-21 : f32
    %add3A_7 = vector.broadcast %add3A_6 : f32 to vector<1024x128xf32>
    %add3A_8 = arith.addf %neg3A_5, %add3A_7 : vector<1024x128xf32>
    %log3A_9 = math.log %add3A_8 : vector<1024x128xf32>
    %neg3A_10 = arith.constant 0.000000e+00 : f32
    %neg3A_11 = vector.broadcast %neg3A_10 : f32 to vector<1024x128xf32>
    %neg3A_12 = arith.subf %neg3A_11, %log3A_9 : vector<1024x128xf32>
    %iota3A = tpu.iota {dimensions = array<i32: 0>} : vector<1024x128xi32>
    %mul3A = arith.constant 128 : i32
    %mul3A_13 = arith.muli %arg0, %mul3A : i32
    %iota3A_14 = tpu.iota {dimensions = array<i32: 1>} : vector<1024x128xi32>
    %add3A_15 = vector.broadcast %mul3A_13 : i32 to vector<1024x128xi32>
    %add3A_16 = arith.addi %add3A_15, %iota3A_14 : vector<1024x128xi32>
    %eq3A = arith.cmpi eq, %iota3A, %add3A_16 : vector<1024x128xi32>
    %jit3A = arith.constant 0.000000e+00 : f32
    %broadcast_in_dim3A = vector.broadcast %jit3A : f32 to vector<1024x128xf32>
    %select_n3A = arith.select %eq3A, %broadcast_in_dim3A, %neg3A_12 : vector<1024x128xi1>, vector<1024x128xf32>
    %neg3A_17 = arith.constant 0.000000e+00 : f32
    %neg3A_18 = vector.broadcast %neg3A_17 : f32 to vector<1024x128xf32>
    %neg3A_19 = arith.subf %neg3A_18, %select_n3A : vector<1024x128xf32>
    %reshape3A = vector.shape_cast %neg3A_19 : vector<1024x128xf32> to vector<64x2x8x128xf32>
    %reshape3A_20 = vector.shape_cast %iota3A : vector<1024x128xi32> to vector<64x2x8x128xi32>
    %slice3A = vector.extract_strided_slice %reshape3A {offsets = [0, 0, 0, 0], sizes = [64, 1, 8, 128], strides = [1, 1, 1, 1]} : vector<64x2x8x128xf32> to vector<64x1x8x128xf32>
    %squeeze3A = vector.shape_cast %slice3A : vector<64x1x8x128xf32> to vector<64x8x128xf32>
    %slice3A_21 = vector.extract_strided_slice %reshape3A {offsets = [0, 1, 0, 0], sizes = [64, 1, 8, 128], strides = [1, 1, 1, 1]} : vector<64x2x8x128xf32> to vector<64x1x8x128xf32>
    %squeeze3A_22 = vector.shape_cast %slice3A_21 : vector<64x1x8x128xf32> to vector<64x8x128xf32>
    %slice3A_23 = vector.extract_strided_slice %reshape3A_20 {offsets = [0, 0, 0, 0], sizes = [64, 1, 8, 128], strides = [1, 1, 1, 1]} : vector<64x2x8x128xi32> to vector<64x1x8x128xi32>
    %squeeze3A_24 = vector.shape_cast %slice3A_23 : vector<64x1x8x128xi32> to vector<64x8x128xi32>
    %slice3A_25 = vector.extract_strided_slice %reshape3A_20 {offsets = [0, 1, 0, 0], sizes = [64, 1, 8, 128], strides = [1, 1, 1, 1]} : vector<64x2x8x128xi32> to vector<64x1x8x128xi32>
    %squeeze3A_26 = vector.shape_cast %slice3A_25 : vector<64x1x8x128xi32> to vector<64x8x128xi32>
    %lt3A = arith.cmpf olt, %squeeze3A, %squeeze3A_22 : vector<64x8x128xf32>
    %eq3A_27 = arith.cmpf oeq, %squeeze3A, %squeeze3A_22 : vector<64x8x128xf32>
    %lt3A_28 = arith.cmpi slt, %squeeze3A_24, %squeeze3A_26 : vector<64x8x128xi32>
    %and3A = arith.andi %eq3A_27, %lt3A_28 : vector<64x8x128xi1>
    %or3A = arith.ori %lt3A, %and3A : vector<64x8x128xi1>
    %iota3A_29 = tpu.iota {dimensions = array<i32: 0>} : vector<64x8x128xi32>
    %shift_right_arithmetic3A = arith.constant 0 : i32
    %shift_right_arithmetic3A_30 = vector.broadcast %shift_right_arithmetic3A : i32 to vector<64x8x128xi32>
    %shift_right_arithmetic3A_31 = arith.shrsi %iota3A_29, %shift_right_arithmetic3A_30 : vector<64x8x128xi32>
    %and3A_32 = arith.constant 1 : i32
    %and3A_33 = vector.broadcast %and3A_32 : i32 to vector<64x8x128xi32>
    %and3A_34 = arith.andi %shift_right_arithmetic3A_31, %and3A_33 : vector<64x8x128xi32>
    %eq3A_35 = arith.constant 0 : i32
    %eq3A_36 = vector.broadcast %eq3A_35 : i32 to vector<64x8x128xi32>
    %eq3A_37 = arith.cmpi eq, %and3A_34, %eq3A_36 : vector<64x8x128xi32>
    %eq3A_38 = arith.xori %or3A, %eq3A_37 : vector<64x8x128xi1>
    %eq3A_39 = arith.constant dense<true> : vector<64x8x128xi1>
    %eq3A_40 = arith.xori %eq3A_38, %eq3A_39 : vector<64x8x128xi1>
    %select_n3A_41 = arith.select %eq3A_40, %squeeze3A, %squeeze3A_22 : vector<64x8x128xi1>, vector<64x8x128xf32>
    %select_n3A_42 = arith.select %eq3A_40, %squeeze3A_22, %squeeze3A : vector<64x8x128xi1>, vector<64x8x128xf32>
    %select_n3A_43 = arith.select %eq3A_40, %squeeze3A_24, %squeeze3A_26 : vector<64x8x128xi1>, vector<64x8x128xi32>
    %select_n3A_44 = arith.select %eq3A_40, %squeeze3A_26, %squeeze3A_24 : vector<64x8x128xi1>, vector<64x8x128xi32>
    %broadcast_in_dim3A_45 = vector.shape_cast %select_n3A_41 : vector<64x8x128xf32> to vector<64x1x8x128xf32>
    %broadcast_in_dim3A_46 = vector.shape_cast %select_n3A_42 : vector<64x8x128xf32> to vector<64x1x8x128xf32>
    %concatenate3A = tpu.concatenate %broadcast_in_dim3A_45, %broadcast_in_dim3A_46 in 1 : vector<64x1x8x128xf32>, vector<64x1x8x128xf32> -> vector<64x2x8x128xf32>
    %reshape3A_47 = vector.shape_cast %concatenate3A : vector<64x2x8x128xf32> to vector<1024x128xf32>
    %broadcast_in_dim3A_48 = vector.shape_cast %select_n3A_43 : vector<64x8x128xi32> to vector<64x1x8x128xi32>
    %broadcast_in_dim3A_49 = vector.shape_cast %select_n3A_44 : vector<64x8x128xi32> to vector<64x1x8x128xi32>
    %concatenate3A_50 = tpu.concatenate %broadcast_in_dim3A_48, %broadcast_in_dim3A_49 in 1 : vector<64x1x8x128xi32>, vector<64x1x8x128xi32> -> vector<64x2x8x128xi32>
    %reshape3A_51 = vector.shape_cast %concatenate3A_50 : vector<64x2x8x128xi32> to vector<1024x128xi32>
    %reshape3A_52 = vector.shape_cast %reshape3A_47 : vector<1024x128xf32> to vector<32x2x16x128xf32>
    %reshape3A_53 = vector.shape_cast %reshape3A_51 : vector<1024x128xi32> to vector<32x2x16x128xi32>
    %slice3A_54 = vector.extract_strided_slice %reshape3A_52 {offsets = [0, 0, 0, 0], sizes = [32, 1, 16, 128], strides = [1, 1, 1, 1]} : vector<32x2x16x128xf32> to vector<32x1x16x128xf32>
    %squeeze3A_55 = vector.shape_cast %slice3A_54 : vector<32x1x16x128xf32> to vector<32x16x128xf32>
    %slice3A_56 = vector.extract_strided_slice %reshape3A_52 {offsets = [0, 1, 0, 0], sizes = [32, 1, 16, 128], strides = [1, 1, 1, 1]} : vector<32x2x16x128xf32> to vector<32x1x16x128xf32>
    %squeeze3A_57 = vector.shape_cast %slice3A_56 : vector<32x1x16x128xf32> to vector<32x16x128xf32>
    %slice3A_58 = vector.extract_strided_slice %reshape3A_53 {offsets = [0, 0, 0, 0], sizes = [32, 1, 16, 128], strides = [1, 1, 1, 1]} : vector<32x2x16x128xi32> to vector<32x1x16x128xi32>
    %squeeze3A_59 = vector.shape_cast %slice3A_58 : vector<32x1x16x128xi32> to vector<32x16x128xi32>
    %slice3A_60 = vector.extract_strided_slice %reshape3A_53 {offsets = [0, 1, 0, 0], sizes = [32, 1, 16, 128], strides = [1, 1, 1, 1]} : vector<32x2x16x128xi32> to vector<32x1x16x128xi32>
    %squeeze3A_61 = vector.shape_cast %slice3A_60 : vector<32x1x16x128xi32> to vector<32x16x128xi32>
    %lt3A_62 = arith.cmpf olt, %squeeze3A_55, %squeeze3A_57 : vector<32x16x128xf32>
    %eq3A_63 = arith.cmpf oeq, %squeeze3A_55, %squeeze3A_57 : vector<32x16x128xf32>
    %lt3A_64 = arith.cmpi slt, %squeeze3A_59, %squeeze3A_61 : vector<32x16x128xi32>
    %and3A_65 = arith.andi %eq3A_63, %lt3A_64 : vector<32x16x128xi1>
    %or3A_66 = arith.ori %lt3A_62, %and3A_65 : vector<32x16x128xi1>
    %iota3A_67 = tpu.iota {dimensions = array<i32: 0>} : vector<32x16x128xi32>
    %shift_right_arithmetic3A_68 = arith.constant 0 : i32
    %shift_right_arithmetic3A_69 = vector.broadcast %shift_right_arithmetic3A_68 : i32 to vector<32x16x128xi32>
    %shift_right_arithmetic3A_70 = arith.shrsi %iota3A_67, %shift_right_arithmetic3A_69 : vector<32x16x128xi32>
    %and3A_71 = arith.constant 1 : i32
    %and3A_72 = vector.broadcast %and3A_71 : i32 to vector<32x16x128xi32>
    %and3A_73 = arith.andi %shift_right_arithmetic3A_70, %and3A_72 : vector<32x16x128xi32>
    %eq3A_74 = arith.constant 0 : i32
    %eq3A_75 = vector.broadcast %eq3A_74 : i32 to vector<32x16x128xi32>
    %eq3A_76 = arith.cmpi eq, %and3A_73, %eq3A_75 : vector<32x16x128xi32>
    %eq3A_77 = arith.xori %or3A_66, %eq3A_76 : vector<32x16x128xi1>
    %eq3A_78 = arith.constant dense<true> : vector<32x16x128xi1>
    %eq3A_79 = arith.xori %eq3A_77, %eq3A_78 : vector<32x16x128xi1>
    %select_n3A_80 = arith.select %eq3A_79, %squeeze3A_55, %squeeze3A_57 : vector<32x16x128xi1>, vector<32x16x128xf32>
    %select_n3A_81 = arith.select %eq3A_79, %squeeze3A_57, %squeeze3A_55 : vector<32x16x128xi1>, vector<32x16x128xf32>
    %select_n3A_82 = arith.select %eq3A_79, %squeeze3A_59, %squeeze3A_61 : vector<32x16x128xi1>, vector<32x16x128xi32>
    %select_n3A_83 = arith.select %eq3A_79, %squeeze3A_61, %squeeze3A_59 : vector<32x16x128xi1>, vector<32x16x128xi32>
    %broadcast_in_dim3A_84 = vector.shape_cast %select_n3A_80 : vector<32x16x128xf32> to vector<32x1x16x128xf32>
    %broadcast_in_dim3A_85 = vector.shape_cast %select_n3A_81 : vector<32x16x128xf32> to vector<32x1x16x128xf32>
    %concatenate3A_86 = tpu.concatenate %broadcast_in_dim3A_84, %broadcast_in_dim3A_85 in 1 : vector<32x1x16x128xf32>, vector<32x1x16x128xf32> -> vector<32x2x16x128xf32>
    %reshape3A_87 = vector.shape_cast %concatenate3A_86 : vector<32x2x16x128xf32> to vector<1024x128xf32>
    %broadcast_in_dim3A_88 = vector.shape_cast %select_n3A_82 : vector<32x16x128xi32> to vector<32x1x16x128xi32>
    %broadcast_in_dim3A_89 = vector.shape_cast %select_n3A_83 : vector<32x16x128xi32> to vector<32x1x16x128xi32>
    %concatenate3A_90 = tpu.concatenate %broadcast_in_dim3A_88, %broadcast_in_dim3A_89 in 1 : vector<32x1x16x128xi32>, vector<32x1x16x128xi32> -> vector<32x2x16x128xi32>
    %reshape3A_91 = vector.shape_cast %concatenate3A_90 : vector<32x2x16x128xi32> to vector<1024x128xi32>
    %reshape3A_92 = vector.shape_cast %reshape3A_87 : vector<1024x128xf32> to vector<64x2x8x128xf32>
    %reshape3A_93 = vector.shape_cast %reshape3A_91 : vector<1024x128xi32> to vector<64x2x8x128xi32>
    %slice3A_94 = vector.extract_strided_slice %reshape3A_92 {offsets = [0, 0, 0, 0], sizes = [64, 1, 8, 128], strides = [1, 1, 1, 1]} : vector<64x2x8x128xf32> to vector<64x1x8x128xf32>
    %squeeze3A_95 = vector.shape_cast %slice3A_94 : vector<64x1x8x128xf32> to vector<64x8x128xf32>
    %slice3A_96 = vector.extract_strided_slice %reshape3A_92 {offsets = [0, 1, 0, 0], sizes = [64, 1, 8, 128], strides = [1, 1, 1, 1]} : vector<64x2x8x128xf32> to vector<64x1x8x128xf32>
    %squeeze3A_97 = vector.shape_cast %slice3A_96 : vector<64x1x8x128xf32> to vector<64x8x128xf32>
    %slice3A_98 = vector.extract_strided_slice %reshape3A_93 {offsets = [0, 0, 0, 0], sizes = [64, 1, 8, 128], strides = [1, 1, 1, 1]} : vector<64x2x8x128xi32> to vector<64x1x8x128xi32>
    %squeeze3A_99 = vector.shape_cast %slice3A_98 : vector<64x1x8x128xi32> to vector<64x8x128xi32>
    %slice3A_100 = vector.extract_strided_slice %reshape3A_93 {offsets = [0, 1, 0, 0], sizes = [64, 1, 8, 128], strides = [1, 1, 1, 1]} : vector<64x2x8x128xi32> to vector<64x1x8x128xi32>
    %squeeze3A_101 = vector.shape_cast %slice3A_100 : vector<64x1x8x128xi32> to vector<64x8x128xi32>
    %lt3A_102 = arith.cmpf olt, %squeeze3A_95, %squeeze3A_97 : vector<64x8x128xf32>
    %eq3A_103 = arith.cmpf oeq, %squeeze3A_95, %squeeze3A_97 : vector<64x8x128xf32>
    %lt3A_104 = arith.cmpi slt, %squeeze3A_99, %squeeze3A_101 : vector<64x8x128xi32>
    %and3A_105 = arith.andi %eq3A_103, %lt3A_104 : vector<64x8x128xi1>
    %or3A_106 = arith.ori %lt3A_102, %and3A_105 : vector<64x8x128xi1>
    %iota3A_107 = tpu.iota {dimensions = array<i32: 0>} : vector<64x8x128xi32>
    %shift_right_arithmetic3A_108 = arith.constant 1 : i32
    %shift_right_arithmetic3A_109 = vector.broadcast %shift_right_arithmetic3A_108 : i32 to vector<64x8x128xi32>
    %shift_right_arithmetic3A_110 = arith.shrsi %iota3A_107, %shift_right_arithmetic3A_109 : vector<64x8x128xi32>
    %and3A_111 = arith.constant 1 : i32
    %and3A_112 = vector.broadcast %and3A_111 : i32 to vector<64x8x128xi32>
    %and3A_113 = arith.andi %shift_right_arithmetic3A_110, %and3A_112 : vector<64x8x128xi32>
    %eq3A_114 = arith.constant 0 : i32
    %eq3A_115 = vector.broadcast %eq3A_114 : i32 to vector<64x8x128xi32>
    %eq3A_116 = arith.cmpi eq, %and3A_113, %eq3A_115 : vector<64x8x128xi32>
    %eq3A_117 = arith.xori %or3A_106, %eq3A_116 : vector<64x8x128xi1>
    %eq3A_118 = arith.constant dense<true> : vector<64x8x128xi1>
    %eq3A_119 = arith.xori %eq3A_117, %eq3A_118 : vector<64x8x128xi1>
    %select_n3A_120 = arith.select %eq3A_119, %squeeze3A_95, %squeeze3A_97 : vector<64x8x128xi1>, vector<64x8x128xf32>
    %select_n3A_121 = arith.select %eq3A_119, %squeeze3A_97, %squeeze3A_95 : vector<64x8x128xi1>, vector<64x8x128xf32>
    %select_n3A_122 = arith.select %eq3A_119, %squeeze3A_99, %squeeze3A_101 : vector<64x8x128xi1>, vector<64x8x128xi32>
    %select_n3A_123 = arith.select %eq3A_119, %squeeze3A_101, %squeeze3A_99 : vector<64x8x128xi1>, vector<64x8x128xi32>
    %broadcast_in_dim3A_124 = vector.shape_cast %select_n3A_120 : vector<64x8x128xf32> to vector<64x1x8x128xf32>
    %broadcast_in_dim3A_125 = vector.shape_cast %select_n3A_121 : vector<64x8x128xf32> to vector<64x1x8x128xf32>
    %concatenate3A_126 = tpu.concatenate %broadcast_in_dim3A_124, %broadcast_in_dim3A_125 in 1 : vector<64x1x8x128xf32>, vector<64x1x8x128xf32> -> vector<64x2x8x128xf32>
    %reshape3A_127 = vector.shape_cast %concatenate3A_126 : vector<64x2x8x128xf32> to vector<1024x128xf32>
    %broadcast_in_dim3A_128 = vector.shape_cast %select_n3A_122 : vector<64x8x128xi32> to vector<64x1x8x128xi32>
    %broadcast_in_dim3A_129 = vector.shape_cast %select_n3A_123 : vector<64x8x128xi32> to vector<64x1x8x128xi32>
    %concatenate3A_130 = tpu.concatenate %broadcast_in_dim3A_128, %broadcast_in_dim3A_129 in 1 : vector<64x1x8x128xi32>, vector<64x1x8x128xi32> -> vector<64x2x8x128xi32>
    %reshape3A_131 = vector.shape_cast %concatenate3A_130 : vector<64x2x8x128xi32> to vector<1024x128xi32>
    %reshape3A_132 = vector.shape_cast %reshape3A_127 : vector<1024x128xf32> to vector<16x2x32x128xf32>
    %reshape3A_133 = vector.shape_cast %reshape3A_131 : vector<1024x128xi32> to vector<16x2x32x128xi32>
    %slice3A_134 = vector.extract_strided_slice %reshape3A_132 {offsets = [0, 0, 0, 0], sizes = [16, 1, 32, 128], strides = [1, 1, 1, 1]} : vector<16x2x32x128xf32> to vector<16x1x32x128xf32>
    %squeeze3A_135 = vector.shape_cast %slice3A_134 : vector<16x1x32x128xf32> to vector<16x32x128xf32>
    %slice3A_136 = vector.extract_strided_slice %reshape3A_132 {offsets = [0, 1, 0, 0], sizes = [16, 1, 32, 128], strides = [1, 1, 1, 1]} : vector<16x2x32x128xf32> to vector<16x1x32x128xf32>
    %squeeze3A_137 = vector.shape_cast %slice3A_136 : vector<16x1x32x128xf32> to vector<16x32x128xf32>
    %slice3A_138 = vector.extract_strided_slice %reshape3A_133 {offsets = [0, 0, 0, 0], sizes = [16, 1, 32, 128], strides = [1, 1, 1, 1]} : vector<16x2x32x128xi32> to vector<16x1x32x128xi32>
    %squeeze3A_139 = vector.shape_cast %slice3A_138 : vector<16x1x32x128xi32> to vector<16x32x128xi32>
    %slice3A_140 = vector.extract_strided_slice %reshape3A_133 {offsets = [0, 1, 0, 0], sizes = [16, 1, 32, 128], strides = [1, 1, 1, 1]} : vector<16x2x32x128xi32> to vector<16x1x32x128xi32>
    %squeeze3A_141 = vector.shape_cast %slice3A_140 : vector<16x1x32x128xi32> to vector<16x32x128xi32>
    %lt3A_142 = arith.cmpf olt, %squeeze3A_135, %squeeze3A_137 : vector<16x32x128xf32>
    %eq3A_143 = arith.cmpf oeq, %squeeze3A_135, %squeeze3A_137 : vector<16x32x128xf32>
    %lt3A_144 = arith.cmpi slt, %squeeze3A_139, %squeeze3A_141 : vector<16x32x128xi32>
    %and3A_145 = arith.andi %eq3A_143, %lt3A_144 : vector<16x32x128xi1>
    %or3A_146 = arith.ori %lt3A_142, %and3A_145 : vector<16x32x128xi1>
    %iota3A_147 = tpu.iota {dimensions = array<i32: 0>} : vector<16x32x128xi32>
    %shift_right_arithmetic3A_148 = arith.constant 0 : i32
    %shift_right_arithmetic3A_149 = vector.broadcast %shift_right_arithmetic3A_148 : i32 to vector<16x32x128xi32>
    %shift_right_arithmetic3A_150 = arith.shrsi %iota3A_147, %shift_right_arithmetic3A_149 : vector<16x32x128xi32>
    %and3A_151 = arith.constant 1 : i32
    %and3A_152 = vector.broadcast %and3A_151 : i32 to vector<16x32x128xi32>
    %and3A_153 = arith.andi %shift_right_arithmetic3A_150, %and3A_152 : vector<16x32x128xi32>
    %eq3A_154 = arith.constant 0 : i32
    %eq3A_155 = vector.broadcast %eq3A_154 : i32 to vector<16x32x128xi32>
    %eq3A_156 = arith.cmpi eq, %and3A_153, %eq3A_155 : vector<16x32x128xi32>
    %eq3A_157 = arith.xori %or3A_146, %eq3A_156 : vector<16x32x128xi1>
    %eq3A_158 = arith.constant dense<true> : vector<16x32x128xi1>
    %eq3A_159 = arith.xori %eq3A_157, %eq3A_158 : vector<16x32x128xi1>
    %select_n3A_160 = arith.select %eq3A_159, %squeeze3A_135, %squeeze3A_137 : vector<16x32x128xi1>, vector<16x32x128xf32>
    %select_n3A_161 = arith.select %eq3A_159, %squeeze3A_137, %squeeze3A_135 : vector<16x32x128xi1>, vector<16x32x128xf32>
    %select_n3A_162 = arith.select %eq3A_159, %squeeze3A_139, %squeeze3A_141 : vector<16x32x128xi1>, vector<16x32x128xi32>
    %select_n3A_163 = arith.select %eq3A_159, %squeeze3A_141, %squeeze3A_139 : vector<16x32x128xi1>, vector<16x32x128xi32>
    %broadcast_in_dim3A_164 = vector.shape_cast %select_n3A_160 : vector<16x32x128xf32> to vector<16x1x32x128xf32>
    %broadcast_in_dim3A_165 = vector.shape_cast %select_n3A_161 : vector<16x32x128xf32> to vector<16x1x32x128xf32>
    %concatenate3A_166 = tpu.concatenate %broadcast_in_dim3A_164, %broadcast_in_dim3A_165 in 1 : vector<16x1x32x128xf32>, vector<16x1x32x128xf32> -> vector<16x2x32x128xf32>
    %reshape3A_167 = vector.shape_cast %concatenate3A_166 : vector<16x2x32x128xf32> to vector<1024x128xf32>
    %broadcast_in_dim3A_168 = vector.shape_cast %select_n3A_162 : vector<16x32x128xi32> to vector<16x1x32x128xi32>
    %broadcast_in_dim3A_169 = vector.shape_cast %select_n3A_163 : vector<16x32x128xi32> to vector<16x1x32x128xi32>
    %concatenate3A_170 = tpu.concatenate %broadcast_in_dim3A_168, %broadcast_in_dim3A_169 in 1 : vector<16x1x32x128xi32>, vector<16x1x32x128xi32> -> vector<16x2x32x128xi32>
    %reshape3A_171 = vector.shape_cast %concatenate3A_170 : vector<16x2x32x128xi32> to vector<1024x128xi32>
    %reshape3A_172 = vector.shape_cast %reshape3A_167 : vector<1024x128xf32> to vector<32x2x16x128xf32>
    %reshape3A_173 = vector.shape_cast %reshape3A_171 : vector<1024x128xi32> to vector<32x2x16x128xi32>
    %slice3A_174 = vector.extract_strided_slice %reshape3A_172 {offsets = [0, 0, 0, 0], sizes = [32, 1, 16, 128], strides = [1, 1, 1, 1]} : vector<32x2x16x128xf32> to vector<32x1x16x128xf32>
    %squeeze3A_175 = vector.shape_cast %slice3A_174 : vector<32x1x16x128xf32> to vector<32x16x128xf32>
    %slice3A_176 = vector.extract_strided_slice %reshape3A_172 {offsets = [0, 1, 0, 0], sizes = [32, 1, 16, 128], strides = [1, 1, 1, 1]} : vector<32x2x16x128xf32> to vector<32x1x16x128xf32>
    %squeeze3A_177 = vector.shape_cast %slice3A_176 : vector<32x1x16x128xf32> to vector<32x16x128xf32>
    %slice3A_178 = vector.extract_strided_slice %reshape3A_173 {offsets = [0, 0, 0, 0], sizes = [32, 1, 16, 128], strides = [1, 1, 1, 1]} : vector<32x2x16x128xi32> to vector<32x1x16x128xi32>
    %squeeze3A_179 = vector.shape_cast %slice3A_178 : vector<32x1x16x128xi32> to vector<32x16x128xi32>
    %slice3A_180 = vector.extract_strided_slice %reshape3A_173 {offsets = [0, 1, 0, 0], sizes = [32, 1, 16, 128], strides = [1, 1, 1, 1]} : vector<32x2x16x128xi32> to vector<32x1x16x128xi32>
    %squeeze3A_181 = vector.shape_cast %slice3A_180 : vector<32x1x16x128xi32> to vector<32x16x128xi32>
    %lt3A_182 = arith.cmpf olt, %squeeze3A_175, %squeeze3A_177 : vector<32x16x128xf32>
    %eq3A_183 = arith.cmpf oeq, %squeeze3A_175, %squeeze3A_177 : vector<32x16x128xf32>
    %lt3A_184 = arith.cmpi slt, %squeeze3A_179, %squeeze3A_181 : vector<32x16x128xi32>
    %and3A_185 = arith.andi %eq3A_183, %lt3A_184 : vector<32x16x128xi1>
    %or3A_186 = arith.ori %lt3A_182, %and3A_185 : vector<32x16x128xi1>
    %iota3A_187 = tpu.iota {dimensions = array<i32: 0>} : vector<32x16x128xi32>
    %shift_right_arithmetic3A_188 = arith.constant 1 : i32
    %shift_right_arithmetic3A_189 = vector.broadcast %shift_right_arithmetic3A_188 : i32 to vector<32x16x128xi32>
    %shift_right_arithmetic3A_190 = arith.shrsi %iota3A_187, %shift_right_arithmetic3A_189 : vector<32x16x128xi32>
    %and3A_191 = arith.constant 1 : i32
    %and3A_192 = vector.broadcast %and3A_191 : i32 to vector<32x16x128xi32>
    %and3A_193 = arith.andi %shift_right_arithmetic3A_190, %and3A_192 : vector<32x16x128xi32>
    %eq3A_194 = arith.constant 0 : i32
    %eq3A_195 = vector.broadcast %eq3A_194 : i32 to vector<32x16x128xi32>
    %eq3A_196 = arith.cmpi eq, %and3A_193, %eq3A_195 : vector<32x16x128xi32>
    %eq3A_197 = arith.xori %or3A_186, %eq3A_196 : vector<32x16x128xi1>
    %eq3A_198 = arith.constant dense<true> : vector<32x16x128xi1>
    %eq3A_199 = arith.xori %eq3A_197, %eq3A_198 : vector<32x16x128xi1>
    %select_n3A_200 = arith.select %eq3A_199, %squeeze3A_175, %squeeze3A_177 : vector<32x16x128xi1>, vector<32x16x128xf32>
    %select_n3A_201 = arith.select %eq3A_199, %squeeze3A_177, %squeeze3A_175 : vector<32x16x128xi1>, vector<32x16x128xf32>
    %select_n3A_202 = arith.select %eq3A_199, %squeeze3A_179, %squeeze3A_181 : vector<32x16x128xi1>, vector<32x16x128xi32>
    %select_n3A_203 = arith.select %eq3A_199, %squeeze3A_181, %squeeze3A_179 : vector<32x16x128xi1>, vector<32x16x128xi32>
    %broadcast_in_dim3A_204 = vector.shape_cast %select_n3A_200 : vector<32x16x128xf32> to vector<32x1x16x128xf32>
    %broadcast_in_dim3A_205 = vector.shape_cast %select_n3A_201 : vector<32x16x128xf32> to vector<32x1x16x128xf32>
    %concatenate3A_206 = tpu.concatenate %broadcast_in_dim3A_204, %broadcast_in_dim3A_205 in 1 : vector<32x1x16x128xf32>, vector<32x1x16x128xf32> -> vector<32x2x16x128xf32>
    %reshape3A_207 = vector.shape_cast %concatenate3A_206 : vector<32x2x16x128xf32> to vector<1024x128xf32>
    %broadcast_in_dim3A_208 = vector.shape_cast %select_n3A_202 : vector<32x16x128xi32> to vector<32x1x16x128xi32>
    %broadcast_in_dim3A_209 = vector.shape_cast %select_n3A_203 : vector<32x16x128xi32> to vector<32x1x16x128xi32>
    %concatenate3A_210 = tpu.concatenate %broadcast_in_dim3A_208, %broadcast_in_dim3A_209 in 1 : vector<32x1x16x128xi32>, vector<32x1x16x128xi32> -> vector<32x2x16x128xi32>
    %reshape3A_211 = vector.shape_cast %concatenate3A_210 : vector<32x2x16x128xi32> to vector<1024x128xi32>
    %reshape3A_212 = vector.shape_cast %reshape3A_207 : vector<1024x128xf32> to vector<64x2x8x128xf32>
    %reshape3A_213 = vector.shape_cast %reshape3A_211 : vector<1024x128xi32> to vector<64x2x8x128xi32>
    %slice3A_214 = vector.extract_strided_slice %reshape3A_212 {offsets = [0, 0, 0, 0], sizes = [64, 1, 8, 128], strides = [1, 1, 1, 1]} : vector<64x2x8x128xf32> to vector<64x1x8x128xf32>
    %squeeze3A_215 = vector.shape_cast %slice3A_214 : vector<64x1x8x128xf32> to vector<64x8x128xf32>
    %slice3A_216 = vector.extract_strided_slice %reshape3A_212 {offsets = [0, 1, 0, 0], sizes = [64, 1, 8, 128], strides = [1, 1, 1, 1]} : vector<64x2x8x128xf32> to vector<64x1x8x128xf32>
    %squeeze3A_217 = vector.shape_cast %slice3A_216 : vector<64x1x8x128xf32> to vector<64x8x128xf32>
    %slice3A_218 = vector.extract_strided_slice %reshape3A_213 {offsets = [0, 0, 0, 0], sizes = [64, 1, 8, 128], strides = [1, 1, 1, 1]} : vector<64x2x8x128xi32> to vector<64x1x8x128xi32>
    %squeeze3A_219 = vector.shape_cast %slice3A_218 : vector<64x1x8x128xi32> to vector<64x8x128xi32>
    %slice3A_220 = vector.extract_strided_slice %reshape3A_213 {offsets = [0, 1, 0, 0], sizes = [64, 1, 8, 128], strides = [1, 1, 1, 1]} : vector<64x2x8x128xi32> to vector<64x1x8x128xi32>
    %squeeze3A_221 = vector.shape_cast %slice3A_220 : vector<64x1x8x128xi32> to vector<64x8x128xi32>
    %lt3A_222 = arith.cmpf olt, %squeeze3A_215, %squeeze3A_217 : vector<64x8x128xf32>
    %eq3A_223 = arith.cmpf oeq, %squeeze3A_215, %squeeze3A_217 : vector<64x8x128xf32>
    %lt3A_224 = arith.cmpi slt, %squeeze3A_219, %squeeze3A_221 : vector<64x8x128xi32>
    %and3A_225 = arith.andi %eq3A_223, %lt3A_224 : vector<64x8x128xi1>
    %or3A_226 = arith.ori %lt3A_222, %and3A_225 : vector<64x8x128xi1>
    %iota3A_227 = tpu.iota {dimensions = array<i32: 0>} : vector<64x8x128xi32>
    %shift_right_arithmetic3A_228 = arith.constant 2 : i32
    %shift_right_arithmetic3A_229 = vector.broadcast %shift_right_arithmetic3A_228 : i32 to vector<64x8x128xi32>
    %shift_right_arithmetic3A_230 = arith.shrsi %iota3A_227, %shift_right_arithmetic3A_229 : vector<64x8x128xi32>
    %and3A_231 = arith.constant 1 : i32
    %and3A_232 = vector.broadcast %and3A_231 : i32 to vector<64x8x128xi32>
    %and3A_233 = arith.andi %shift_right_arithmetic3A_230, %and3A_232 : vector<64x8x128xi32>
    %eq3A_234 = arith.constant 0 : i32
    %eq3A_235 = vector.broadcast %eq3A_234 : i32 to vector<64x8x128xi32>
    %eq3A_236 = arith.cmpi eq, %and3A_233, %eq3A_235 : vector<64x8x128xi32>
    %eq3A_237 = arith.xori %or3A_226, %eq3A_236 : vector<64x8x128xi1>
    %eq3A_238 = arith.constant dense<true> : vector<64x8x128xi1>
    %eq3A_239 = arith.xori %eq3A_237, %eq3A_238 : vector<64x8x128xi1>
    %select_n3A_240 = arith.select %eq3A_239, %squeeze3A_215, %squeeze3A_217 : vector<64x8x128xi1>, vector<64x8x128xf32>
    %select_n3A_241 = arith.select %eq3A_239, %squeeze3A_217, %squeeze3A_215 : vector<64x8x128xi1>, vector<64x8x128xf32>
    %select_n3A_242 = arith.select %eq3A_239, %squeeze3A_219, %squeeze3A_221 : vector<64x8x128xi1>, vector<64x8x128xi32>
    %select_n3A_243 = arith.select %eq3A_239, %squeeze3A_221, %squeeze3A_219 : vector<64x8x128xi1>, vector<64x8x128xi32>
    %broadcast_in_dim3A_244 = vector.shape_cast %select_n3A_240 : vector<64x8x128xf32> to vector<64x1x8x128xf32>
    %broadcast_in_dim3A_245 = vector.shape_cast %select_n3A_241 : vector<64x8x128xf32> to vector<64x1x8x128xf32>
    %concatenate3A_246 = tpu.concatenate %broadcast_in_dim3A_244, %broadcast_in_dim3A_245 in 1 : vector<64x1x8x128xf32>, vector<64x1x8x128xf32> -> vector<64x2x8x128xf32>
    %reshape3A_247 = vector.shape_cast %concatenate3A_246 : vector<64x2x8x128xf32> to vector<1024x128xf32>
    %broadcast_in_dim3A_248 = vector.shape_cast %select_n3A_242 : vector<64x8x128xi32> to vector<64x1x8x128xi32>
    %broadcast_in_dim3A_249 = vector.shape_cast %select_n3A_243 : vector<64x8x128xi32> to vector<64x1x8x128xi32>
    %concatenate3A_250 = tpu.concatenate %broadcast_in_dim3A_248, %broadcast_in_dim3A_249 in 1 : vector<64x1x8x128xi32>, vector<64x1x8x128xi32> -> vector<64x2x8x128xi32>
    %reshape3A_251 = vector.shape_cast %concatenate3A_250 : vector<64x2x8x128xi32> to vector<1024x128xi32>
    %reshape3A_252 = vector.shape_cast %reshape3A_247 : vector<1024x128xf32> to vector<8x2x64x128xf32>
    %reshape3A_253 = vector.shape_cast %reshape3A_251 : vector<1024x128xi32> to vector<8x2x64x128xi32>
    %slice3A_254 = vector.extract_strided_slice %reshape3A_252 {offsets = [0, 0, 0, 0], sizes = [8, 1, 64, 128], strides = [1, 1, 1, 1]} : vector<8x2x64x128xf32> to vector<8x1x64x128xf32>
    %squeeze3A_255 = vector.shape_cast %slice3A_254 : vector<8x1x64x128xf32> to vector<8x64x128xf32>
    %slice3A_256 = vector.extract_strided_slice %reshape3A_252 {offsets = [0, 1, 0, 0], sizes = [8, 1, 64, 128], strides = [1, 1, 1, 1]} : vector<8x2x64x128xf32> to vector<8x1x64x128xf32>
    %squeeze3A_257 = vector.shape_cast %slice3A_256 : vector<8x1x64x128xf32> to vector<8x64x128xf32>
    %slice3A_258 = vector.extract_strided_slice %reshape3A_253 {offsets = [0, 0, 0, 0], sizes = [8, 1, 64, 128], strides = [1, 1, 1, 1]} : vector<8x2x64x128xi32> to vector<8x1x64x128xi32>
    %squeeze3A_259 = vector.shape_cast %slice3A_258 : vector<8x1x64x128xi32> to vector<8x64x128xi32>
    %slice3A_260 = vector.extract_strided_slice %reshape3A_253 {offsets = [0, 1, 0, 0], sizes = [8, 1, 64, 128], strides = [1, 1, 1, 1]} : vector<8x2x64x128xi32> to vector<8x1x64x128xi32>
    %squeeze3A_261 = vector.shape_cast %slice3A_260 : vector<8x1x64x128xi32> to vector<8x64x128xi32>
    %lt3A_262 = arith.cmpf olt, %squeeze3A_255, %squeeze3A_257 : vector<8x64x128xf32>
    %eq3A_263 = arith.cmpf oeq, %squeeze3A_255, %squeeze3A_257 : vector<8x64x128xf32>
    %lt3A_264 = arith.cmpi slt, %squeeze3A_259, %squeeze3A_261 : vector<8x64x128xi32>
    %and3A_265 = arith.andi %eq3A_263, %lt3A_264 : vector<8x64x128xi1>
    %or3A_266 = arith.ori %lt3A_262, %and3A_265 : vector<8x64x128xi1>
    %iota3A_267 = tpu.iota {dimensions = array<i32: 0>} : vector<8x64x128xi32>
    %shift_right_arithmetic3A_268 = arith.constant 0 : i32
    %shift_right_arithmetic3A_269 = vector.broadcast %shift_right_arithmetic3A_268 : i32 to vector<8x64x128xi32>
    %shift_right_arithmetic3A_270 = arith.shrsi %iota3A_267, %shift_right_arithmetic3A_269 : vector<8x64x128xi32>
    %and3A_271 = arith.constant 1 : i32
    %and3A_272 = vector.broadcast %and3A_271 : i32 to vector<8x64x128xi32>
    %and3A_273 = arith.andi %shift_right_arithmetic3A_270, %and3A_272 : vector<8x64x128xi32>
    %eq3A_274 = arith.constant 0 : i32
    %eq3A_275 = vector.broadcast %eq3A_274 : i32 to vector<8x64x128xi32>
    %eq3A_276 = arith.cmpi eq, %and3A_273, %eq3A_275 : vector<8x64x128xi32>
    %eq3A_277 = arith.xori %or3A_266, %eq3A_276 : vector<8x64x128xi1>
    %eq3A_278 = arith.constant dense<true> : vector<8x64x128xi1>
    %eq3A_279 = arith.xori %eq3A_277, %eq3A_278 : vector<8x64x128xi1>
    %select_n3A_280 = arith.select %eq3A_279, %squeeze3A_255, %squeeze3A_257 : vector<8x64x128xi1>, vector<8x64x128xf32>
    %select_n3A_281 = arith.select %eq3A_279, %squeeze3A_257, %squeeze3A_255 : vector<8x64x128xi1>, vector<8x64x128xf32>
    %select_n3A_282 = arith.select %eq3A_279, %squeeze3A_259, %squeeze3A_261 : vector<8x64x128xi1>, vector<8x64x128xi32>
    %select_n3A_283 = arith.select %eq3A_279, %squeeze3A_261, %squeeze3A_259 : vector<8x64x128xi1>, vector<8x64x128xi32>
    %broadcast_in_dim3A_284 = vector.shape_cast %select_n3A_280 : vector<8x64x128xf32> to vector<8x1x64x128xf32>
    %broadcast_in_dim3A_285 = vector.shape_cast %select_n3A_281 : vector<8x64x128xf32> to vector<8x1x64x128xf32>
    %concatenate3A_286 = tpu.concatenate %broadcast_in_dim3A_284, %broadcast_in_dim3A_285 in 1 : vector<8x1x64x128xf32>, vector<8x1x64x128xf32> -> vector<8x2x64x128xf32>
    %reshape3A_287 = vector.shape_cast %concatenate3A_286 : vector<8x2x64x128xf32> to vector<1024x128xf32>
    %broadcast_in_dim3A_288 = vector.shape_cast %select_n3A_282 : vector<8x64x128xi32> to vector<8x1x64x128xi32>
    %broadcast_in_dim3A_289 = vector.shape_cast %select_n3A_283 : vector<8x64x128xi32> to vector<8x1x64x128xi32>
    %concatenate3A_290 = tpu.concatenate %broadcast_in_dim3A_288, %broadcast_in_dim3A_289 in 1 : vector<8x1x64x128xi32>, vector<8x1x64x128xi32> -> vector<8x2x64x128xi32>
    %reshape3A_291 = vector.shape_cast %concatenate3A_290 : vector<8x2x64x128xi32> to vector<1024x128xi32>
    %reshape3A_292 = vector.shape_cast %reshape3A_287 : vector<1024x128xf32> to vector<16x2x32x128xf32>
    %reshape3A_293 = vector.shape_cast %reshape3A_291 : vector<1024x128xi32> to vector<16x2x32x128xi32>
    %slice3A_294 = vector.extract_strided_slice %reshape3A_292 {offsets = [0, 0, 0, 0], sizes = [16, 1, 32, 128], strides = [1, 1, 1, 1]} : vector<16x2x32x128xf32> to vector<16x1x32x128xf32>
    %squeeze3A_295 = vector.shape_cast %slice3A_294 : vector<16x1x32x128xf32> to vector<16x32x128xf32>
    %slice3A_296 = vector.extract_strided_slice %reshape3A_292 {offsets = [0, 1, 0, 0], sizes = [16, 1, 32, 128], strides = [1, 1, 1, 1]} : vector<16x2x32x128xf32> to vector<16x1x32x128xf32>
    %squeeze3A_297 = vector.shape_cast %slice3A_296 : vector<16x1x32x128xf32> to vector<16x32x128xf32>
    %slice3A_298 = vector.extract_strided_slice %reshape3A_293 {offsets = [0, 0, 0, 0], sizes = [16, 1, 32, 128], strides = [1, 1, 1, 1]} : vector<16x2x32x128xi32> to vector<16x1x32x128xi32>
    %squeeze3A_299 = vector.shape_cast %slice3A_298 : vector<16x1x32x128xi32> to vector<16x32x128xi32>
    %slice3A_300 = vector.extract_strided_slice %reshape3A_293 {offsets = [0, 1, 0, 0], sizes = [16, 1, 32, 128], strides = [1, 1, 1, 1]} : vector<16x2x32x128xi32> to vector<16x1x32x128xi32>
    %squeeze3A_301 = vector.shape_cast %slice3A_300 : vector<16x1x32x128xi32> to vector<16x32x128xi32>
    %lt3A_302 = arith.cmpf olt, %squeeze3A_295, %squeeze3A_297 : vector<16x32x128xf32>
    %eq3A_303 = arith.cmpf oeq, %squeeze3A_295, %squeeze3A_297 : vector<16x32x128xf32>
    %lt3A_304 = arith.cmpi slt, %squeeze3A_299, %squeeze3A_301 : vector<16x32x128xi32>
    %and3A_305 = arith.andi %eq3A_303, %lt3A_304 : vector<16x32x128xi1>
    %or3A_306 = arith.ori %lt3A_302, %and3A_305 : vector<16x32x128xi1>
    %iota3A_307 = tpu.iota {dimensions = array<i32: 0>} : vector<16x32x128xi32>
    %shift_right_arithmetic3A_308 = arith.constant 1 : i32
    %shift_right_arithmetic3A_309 = vector.broadcast %shift_right_arithmetic3A_308 : i32 to vector<16x32x128xi32>
    %shift_right_arithmetic3A_310 = arith.shrsi %iota3A_307, %shift_right_arithmetic3A_309 : vector<16x32x128xi32>
    %and3A_311 = arith.constant 1 : i32
    %and3A_312 = vector.broadcast %and3A_311 : i32 to vector<16x32x128xi32>
    %and3A_313 = arith.andi %shift_right_arithmetic3A_310, %and3A_312 : vector<16x32x128xi32>
    %eq3A_314 = arith.constant 0 : i32
    %eq3A_315 = vector.broadcast %eq3A_314 : i32 to vector<16x32x128xi32>
    %eq3A_316 = arith.cmpi eq, %and3A_313, %eq3A_315 : vector<16x32x128xi32>
    %eq3A_317 = arith.xori %or3A_306, %eq3A_316 : vector<16x32x128xi1>
    %eq3A_318 = arith.constant dense<true> : vector<16x32x128xi1>
    %eq3A_319 = arith.xori %eq3A_317, %eq3A_318 : vector<16x32x128xi1>
    %select_n3A_320 = arith.select %eq3A_319, %squeeze3A_295, %squeeze3A_297 : vector<16x32x128xi1>, vector<16x32x128xf32>
    %select_n3A_321 = arith.select %eq3A_319, %squeeze3A_297, %squeeze3A_295 : vector<16x32x128xi1>, vector<16x32x128xf32>
    %select_n3A_322 = arith.select %eq3A_319, %squeeze3A_299, %squeeze3A_301 : vector<16x32x128xi1>, vector<16x32x128xi32>
    %select_n3A_323 = arith.select %eq3A_319, %squeeze3A_301, %squeeze3A_299 : vector<16x32x128xi1>, vector<16x32x128xi32>
    %broadcast_in_dim3A_324 = vector.shape_cast %select_n3A_320 : vector<16x32x128xf32> to vector<16x1x32x128xf32>
    %broadcast_in_dim3A_325 = vector.shape_cast %select_n3A_321 : vector<16x32x128xf32> to vector<16x1x32x128xf32>
    %concatenate3A_326 = tpu.concatenate %broadcast_in_dim3A_324, %broadcast_in_dim3A_325 in 1 : vector<16x1x32x128xf32>, vector<16x1x32x128xf32> -> vector<16x2x32x128xf32>
    %reshape3A_327 = vector.shape_cast %concatenate3A_326 : vector<16x2x32x128xf32> to vector<1024x128xf32>
    %broadcast_in_dim3A_328 = vector.shape_cast %select_n3A_322 : vector<16x32x128xi32> to vector<16x1x32x128xi32>
    %broadcast_in_dim3A_329 = vector.shape_cast %select_n3A_323 : vector<16x32x128xi32> to vector<16x1x32x128xi32>
    %concatenate3A_330 = tpu.concatenate %broadcast_in_dim3A_328, %broadcast_in_dim3A_329 in 1 : vector<16x1x32x128xi32>, vector<16x1x32x128xi32> -> vector<16x2x32x128xi32>
    %reshape3A_331 = vector.shape_cast %concatenate3A_330 : vector<16x2x32x128xi32> to vector<1024x128xi32>
    %reshape3A_332 = vector.shape_cast %reshape3A_327 : vector<1024x128xf32> to vector<32x2x16x128xf32>
    %reshape3A_333 = vector.shape_cast %reshape3A_331 : vector<1024x128xi32> to vector<32x2x16x128xi32>
    %slice3A_334 = vector.extract_strided_slice %reshape3A_332 {offsets = [0, 0, 0, 0], sizes = [32, 1, 16, 128], strides = [1, 1, 1, 1]} : vector<32x2x16x128xf32> to vector<32x1x16x128xf32>
    %squeeze3A_335 = vector.shape_cast %slice3A_334 : vector<32x1x16x128xf32> to vector<32x16x128xf32>
    %slice3A_336 = vector.extract_strided_slice %reshape3A_332 {offsets = [0, 1, 0, 0], sizes = [32, 1, 16, 128], strides = [1, 1, 1, 1]} : vector<32x2x16x128xf32> to vector<32x1x16x128xf32>
    %squeeze3A_337 = vector.shape_cast %slice3A_336 : vector<32x1x16x128xf32> to vector<32x16x128xf32>
    %slice3A_338 = vector.extract_strided_slice %reshape3A_333 {offsets = [0, 0, 0, 0], sizes = [32, 1, 16, 128], strides = [1, 1, 1, 1]} : vector<32x2x16x128xi32> to vector<32x1x16x128xi32>
    %squeeze3A_339 = vector.shape_cast %slice3A_338 : vector<32x1x16x128xi32> to vector<32x16x128xi32>
    %slice3A_340 = vector.extract_strided_slice %reshape3A_333 {offsets = [0, 1, 0, 0], sizes = [32, 1, 16, 128], strides = [1, 1, 1, 1]} : vector<32x2x16x128xi32> to vector<32x1x16x128xi32>
    %squeeze3A_341 = vector.shape_cast %slice3A_340 : vector<32x1x16x128xi32> to vector<32x16x128xi32>
    %lt3A_342 = arith.cmpf olt, %squeeze3A_335, %squeeze3A_337 : vector<32x16x128xf32>
    %eq3A_343 = arith.cmpf oeq, %squeeze3A_335, %squeeze3A_337 : vector<32x16x128xf32>
    %lt3A_344 = arith.cmpi slt, %squeeze3A_339, %squeeze3A_341 : vector<32x16x128xi32>
    %and3A_345 = arith.andi %eq3A_343, %lt3A_344 : vector<32x16x128xi1>
    %or3A_346 = arith.ori %lt3A_342, %and3A_345 : vector<32x16x128xi1>
    %iota3A_347 = tpu.iota {dimensions = array<i32: 0>} : vector<32x16x128xi32>
    %shift_right_arithmetic3A_348 = arith.constant 2 : i32
    %shift_right_arithmetic3A_349 = vector.broadcast %shift_right_arithmetic3A_348 : i32 to vector<32x16x128xi32>
    %shift_right_arithmetic3A_350 = arith.shrsi %iota3A_347, %shift_right_arithmetic3A_349 : vector<32x16x128xi32>
    %and3A_351 = arith.constant 1 : i32
    %and3A_352 = vector.broadcast %and3A_351 : i32 to vector<32x16x128xi32>
    %and3A_353 = arith.andi %shift_right_arithmetic3A_350, %and3A_352 : vector<32x16x128xi32>
    %eq3A_354 = arith.constant 0 : i32
    %eq3A_355 = vector.broadcast %eq3A_354 : i32 to vector<32x16x128xi32>
    %eq3A_356 = arith.cmpi eq, %and3A_353, %eq3A_355 : vector<32x16x128xi32>
    %eq3A_357 = arith.xori %or3A_346, %eq3A_356 : vector<32x16x128xi1>
    %eq3A_358 = arith.constant dense<true> : vector<32x16x128xi1>
    %eq3A_359 = arith.xori %eq3A_357, %eq3A_358 : vector<32x16x128xi1>
    %select_n3A_360 = arith.select %eq3A_359, %squeeze3A_335, %squeeze3A_337 : vector<32x16x128xi1>, vector<32x16x128xf32>
    %select_n3A_361 = arith.select %eq3A_359, %squeeze3A_337, %squeeze3A_335 : vector<32x16x128xi1>, vector<32x16x128xf32>
    %select_n3A_362 = arith.select %eq3A_359, %squeeze3A_339, %squeeze3A_341 : vector<32x16x128xi1>, vector<32x16x128xi32>
    %select_n3A_363 = arith.select %eq3A_359, %squeeze3A_341, %squeeze3A_339 : vector<32x16x128xi1>, vector<32x16x128xi32>
    %broadcast_in_dim3A_364 = vector.shape_cast %select_n3A_360 : vector<32x16x128xf32> to vector<32x1x16x128xf32>
    %broadcast_in_dim3A_365 = vector.shape_cast %select_n3A_361 : vector<32x16x128xf32> to vector<32x1x16x128xf32>
    %concatenate3A_366 = tpu.concatenate %broadcast_in_dim3A_364, %broadcast_in_dim3A_365 in 1 : vector<32x1x16x128xf32>, vector<32x1x16x128xf32> -> vector<32x2x16x128xf32>
    %reshape3A_367 = vector.shape_cast %concatenate3A_366 : vector<32x2x16x128xf32> to vector<1024x128xf32>
    %broadcast_in_dim3A_368 = vector.shape_cast %select_n3A_362 : vector<32x16x128xi32> to vector<32x1x16x128xi32>
    %broadcast_in_dim3A_369 = vector.shape_cast %select_n3A_363 : vector<32x16x128xi32> to vector<32x1x16x128xi32>
    %concatenate3A_370 = tpu.concatenate %broadcast_in_dim3A_368, %broadcast_in_dim3A_369 in 1 : vector<32x1x16x128xi32>, vector<32x1x16x128xi32> -> vector<32x2x16x128xi32>
    %reshape3A_371 = vector.shape_cast %concatenate3A_370 : vector<32x2x16x128xi32> to vector<1024x128xi32>
    %reshape3A_372 = vector.shape_cast %reshape3A_367 : vector<1024x128xf32> to vector<64x2x8x128xf32>
    %reshape3A_373 = vector.shape_cast %reshape3A_371 : vector<1024x128xi32> to vector<64x2x8x128xi32>
    %slice3A_374 = vector.extract_strided_slice %reshape3A_372 {offsets = [0, 0, 0, 0], sizes = [64, 1, 8, 128], strides = [1, 1, 1, 1]} : vector<64x2x8x128xf32> to vector<64x1x8x128xf32>
    %squeeze3A_375 = vector.shape_cast %slice3A_374 : vector<64x1x8x128xf32> to vector<64x8x128xf32>
    %slice3A_376 = vector.extract_strided_slice %reshape3A_372 {offsets = [0, 1, 0, 0], sizes = [64, 1, 8, 128], strides = [1, 1, 1, 1]} : vector<64x2x8x128xf32> to vector<64x1x8x128xf32>
    %squeeze3A_377 = vector.shape_cast %slice3A_376 : vector<64x1x8x128xf32> to vector<64x8x128xf32>
    %slice3A_378 = vector.extract_strided_slice %reshape3A_373 {offsets = [0, 0, 0, 0], sizes = [64, 1, 8, 128], strides = [1, 1, 1, 1]} : vector<64x2x8x128xi32> to vector<64x1x8x128xi32>
    %squeeze3A_379 = vector.shape_cast %slice3A_378 : vector<64x1x8x128xi32> to vector<64x8x128xi32>
    %slice3A_380 = vector.extract_strided_slice %reshape3A_373 {offsets = [0, 1, 0, 0], sizes = [64, 1, 8, 128], strides = [1, 1, 1, 1]} : vector<64x2x8x128xi32> to vector<64x1x8x128xi32>
    %squeeze3A_381 = vector.shape_cast %slice3A_380 : vector<64x1x8x128xi32> to vector<64x8x128xi32>
    %lt3A_382 = arith.cmpf olt, %squeeze3A_375, %squeeze3A_377 : vector<64x8x128xf32>
    %eq3A_383 = arith.cmpf oeq, %squeeze3A_375, %squeeze3A_377 : vector<64x8x128xf32>
    %lt3A_384 = arith.cmpi slt, %squeeze3A_379, %squeeze3A_381 : vector<64x8x128xi32>
    %and3A_385 = arith.andi %eq3A_383, %lt3A_384 : vector<64x8x128xi1>
    %or3A_386 = arith.ori %lt3A_382, %and3A_385 : vector<64x8x128xi1>
    %iota3A_387 = tpu.iota {dimensions = array<i32: 0>} : vector<64x8x128xi32>
    %shift_right_arithmetic3A_388 = arith.constant 3 : i32
    %shift_right_arithmetic3A_389 = vector.broadcast %shift_right_arithmetic3A_388 : i32 to vector<64x8x128xi32>
    %shift_right_arithmetic3A_390 = arith.shrsi %iota3A_387, %shift_right_arithmetic3A_389 : vector<64x8x128xi32>
    %and3A_391 = arith.constant 1 : i32
    %and3A_392 = vector.broadcast %and3A_391 : i32 to vector<64x8x128xi32>
    %and3A_393 = arith.andi %shift_right_arithmetic3A_390, %and3A_392 : vector<64x8x128xi32>
    %eq3A_394 = arith.constant 0 : i32
    %eq3A_395 = vector.broadcast %eq3A_394 : i32 to vector<64x8x128xi32>
    %eq3A_396 = arith.cmpi eq, %and3A_393, %eq3A_395 : vector<64x8x128xi32>
    %eq3A_397 = arith.xori %or3A_386, %eq3A_396 : vector<64x8x128xi1>
    %eq3A_398 = arith.constant dense<true> : vector<64x8x128xi1>
    %eq3A_399 = arith.xori %eq3A_397, %eq3A_398 : vector<64x8x128xi1>
    %select_n3A_400 = arith.select %eq3A_399, %squeeze3A_375, %squeeze3A_377 : vector<64x8x128xi1>, vector<64x8x128xf32>
    %select_n3A_401 = arith.select %eq3A_399, %squeeze3A_377, %squeeze3A_375 : vector<64x8x128xi1>, vector<64x8x128xf32>
    %select_n3A_402 = arith.select %eq3A_399, %squeeze3A_379, %squeeze3A_381 : vector<64x8x128xi1>, vector<64x8x128xi32>
    %select_n3A_403 = arith.select %eq3A_399, %squeeze3A_381, %squeeze3A_379 : vector<64x8x128xi1>, vector<64x8x128xi32>
    %broadcast_in_dim3A_404 = vector.shape_cast %select_n3A_400 : vector<64x8x128xf32> to vector<64x1x8x128xf32>
    %broadcast_in_dim3A_405 = vector.shape_cast %select_n3A_401 : vector<64x8x128xf32> to vector<64x1x8x128xf32>
    %concatenate3A_406 = tpu.concatenate %broadcast_in_dim3A_404, %broadcast_in_dim3A_405 in 1 : vector<64x1x8x128xf32>, vector<64x1x8x128xf32> -> vector<64x2x8x128xf32>
    %reshape3A_407 = vector.shape_cast %concatenate3A_406 : vector<64x2x8x128xf32> to vector<1024x128xf32>
    %broadcast_in_dim3A_408 = vector.shape_cast %select_n3A_402 : vector<64x8x128xi32> to vector<64x1x8x128xi32>
    %broadcast_in_dim3A_409 = vector.shape_cast %select_n3A_403 : vector<64x8x128xi32> to vector<64x1x8x128xi32>
    %concatenate3A_410 = tpu.concatenate %broadcast_in_dim3A_408, %broadcast_in_dim3A_409 in 1 : vector<64x1x8x128xi32>, vector<64x1x8x128xi32> -> vector<64x2x8x128xi32>
    %reshape3A_411 = vector.shape_cast %concatenate3A_410 : vector<64x2x8x128xi32> to vector<1024x128xi32>
    %reshape3A_412 = vector.shape_cast %reshape3A_407 : vector<1024x128xf32> to vector<4x2x128x128xf32>
    %reshape3A_413 = vector.shape_cast %reshape3A_411 : vector<1024x128xi32> to vector<4x2x128x128xi32>
    %slice3A_414 = vector.extract_strided_slice %reshape3A_412 {offsets = [0, 0, 0, 0], sizes = [4, 1, 128, 128], strides = [1, 1, 1, 1]} : vector<4x2x128x128xf32> to vector<4x1x128x128xf32>
    %squeeze3A_415 = vector.shape_cast %slice3A_414 : vector<4x1x128x128xf32> to vector<4x128x128xf32>
    %slice3A_416 = vector.extract_strided_slice %reshape3A_412 {offsets = [0, 1, 0, 0], sizes = [4, 1, 128, 128], strides = [1, 1, 1, 1]} : vector<4x2x128x128xf32> to vector<4x1x128x128xf32>
    %squeeze3A_417 = vector.shape_cast %slice3A_416 : vector<4x1x128x128xf32> to vector<4x128x128xf32>
    %slice3A_418 = vector.extract_strided_slice %reshape3A_413 {offsets = [0, 0, 0, 0], sizes = [4, 1, 128, 128], strides = [1, 1, 1, 1]} : vector<4x2x128x128xi32> to vector<4x1x128x128xi32>
    %squeeze3A_419 = vector.shape_cast %slice3A_418 : vector<4x1x128x128xi32> to vector<4x128x128xi32>
    %slice3A_420 = vector.extract_strided_slice %reshape3A_413 {offsets = [0, 1, 0, 0], sizes = [4, 1, 128, 128], strides = [1, 1, 1, 1]} : vector<4x2x128x128xi32> to vector<4x1x128x128xi32>
    %squeeze3A_421 = vector.shape_cast %slice3A_420 : vector<4x1x128x128xi32> to vector<4x128x128xi32>
    %lt3A_422 = arith.cmpf olt, %squeeze3A_415, %squeeze3A_417 : vector<4x128x128xf32>
    %eq3A_423 = arith.cmpf oeq, %squeeze3A_415, %squeeze3A_417 : vector<4x128x128xf32>
    %lt3A_424 = arith.cmpi slt, %squeeze3A_419, %squeeze3A_421 : vector<4x128x128xi32>
    %and3A_425 = arith.andi %eq3A_423, %lt3A_424 : vector<4x128x128xi1>
    %or3A_426 = arith.ori %lt3A_422, %and3A_425 : vector<4x128x128xi1>
    %iota3A_427 = tpu.iota {dimensions = array<i32: 0>} : vector<4x128x128xi32>
    %shift_right_arithmetic3A_428 = arith.constant 0 : i32
    %shift_right_arithmetic3A_429 = vector.broadcast %shift_right_arithmetic3A_428 : i32 to vector<4x128x128xi32>
    %shift_right_arithmetic3A_430 = arith.shrsi %iota3A_427, %shift_right_arithmetic3A_429 : vector<4x128x128xi32>
    %and3A_431 = arith.constant 1 : i32
    %and3A_432 = vector.broadcast %and3A_431 : i32 to vector<4x128x128xi32>
    %and3A_433 = arith.andi %shift_right_arithmetic3A_430, %and3A_432 : vector<4x128x128xi32>
    %eq3A_434 = arith.constant 0 : i32
    %eq3A_435 = vector.broadcast %eq3A_434 : i32 to vector<4x128x128xi32>
    %eq3A_436 = arith.cmpi eq, %and3A_433, %eq3A_435 : vector<4x128x128xi32>
    %eq3A_437 = arith.xori %or3A_426, %eq3A_436 : vector<4x128x128xi1>
    %eq3A_438 = arith.constant dense<true> : vector<4x128x128xi1>
    %eq3A_439 = arith.xori %eq3A_437, %eq3A_438 : vector<4x128x128xi1>
    %select_n3A_440 = arith.select %eq3A_439, %squeeze3A_415, %squeeze3A_417 : vector<4x128x128xi1>, vector<4x128x128xf32>
    %select_n3A_441 = arith.select %eq3A_439, %squeeze3A_417, %squeeze3A_415 : vector<4x128x128xi1>, vector<4x128x128xf32>
    %select_n3A_442 = arith.select %eq3A_439, %squeeze3A_419, %squeeze3A_421 : vector<4x128x128xi1>, vector<4x128x128xi32>
    %select_n3A_443 = arith.select %eq3A_439, %squeeze3A_421, %squeeze3A_419 : vector<4x128x128xi1>, vector<4x128x128xi32>
    %broadcast_in_dim3A_444 = vector.shape_cast %select_n3A_440 : vector<4x128x128xf32> to vector<4x1x128x128xf32>
    %broadcast_in_dim3A_445 = vector.shape_cast %select_n3A_441 : vector<4x128x128xf32> to vector<4x1x128x128xf32>
    %concatenate3A_446 = tpu.concatenate %broadcast_in_dim3A_444, %broadcast_in_dim3A_445 in 1 : vector<4x1x128x128xf32>, vector<4x1x128x128xf32> -> vector<4x2x128x128xf32>
    %reshape3A_447 = vector.shape_cast %concatenate3A_446 : vector<4x2x128x128xf32> to vector<1024x128xf32>
    %broadcast_in_dim3A_448 = vector.shape_cast %select_n3A_442 : vector<4x128x128xi32> to vector<4x1x128x128xi32>
    %broadcast_in_dim3A_449 = vector.shape_cast %select_n3A_443 : vector<4x128x128xi32> to vector<4x1x128x128xi32>
    %concatenate3A_450 = tpu.concatenate %broadcast_in_dim3A_448, %broadcast_in_dim3A_449 in 1 : vector<4x1x128x128xi32>, vector<4x1x128x128xi32> -> vector<4x2x128x128xi32>
    %reshape3A_451 = vector.shape_cast %concatenate3A_450 : vector<4x2x128x128xi32> to vector<1024x128xi32>
    %reshape3A_452 = vector.shape_cast %reshape3A_447 : vector<1024x128xf32> to vector<8x2x64x128xf32>
    %reshape3A_453 = vector.shape_cast %reshape3A_451 : vector<1024x128xi32> to vector<8x2x64x128xi32>
    %slice3A_454 = vector.extract_strided_slice %reshape3A_452 {offsets = [0, 0, 0, 0], sizes = [8, 1, 64, 128], strides = [1, 1, 1, 1]} : vector<8x2x64x128xf32> to vector<8x1x64x128xf32>
    %squeeze3A_455 = vector.shape_cast %slice3A_454 : vector<8x1x64x128xf32> to vector<8x64x128xf32>
    %slice3A_456 = vector.extract_strided_slice %reshape3A_452 {offsets = [0, 1, 0, 0], sizes = [8, 1, 64, 128], strides = [1, 1, 1, 1]} : vector<8x2x64x128xf32> to vector<8x1x64x128xf32>
    %squeeze3A_457 = vector.shape_cast %slice3A_456 : vector<8x1x64x128xf32> to vector<8x64x128xf32>
    %slice3A_458 = vector.extract_strided_slice %reshape3A_453 {offsets = [0, 0, 0, 0], sizes = [8, 1, 64, 128], strides = [1, 1, 1, 1]} : vector<8x2x64x128xi32> to vector<8x1x64x128xi32>
    %squeeze3A_459 = vector.shape_cast %slice3A_458 : vector<8x1x64x128xi32> to vector<8x64x128xi32>
    %slice3A_460 = vector.extract_strided_slice %reshape3A_453 {offsets = [0, 1, 0, 0], sizes = [8, 1, 64, 128], strides = [1, 1, 1, 1]} : vector<8x2x64x128xi32> to vector<8x1x64x128xi32>
    %squeeze3A_461 = vector.shape_cast %slice3A_460 : vector<8x1x64x128xi32> to vector<8x64x128xi32>
    %lt3A_462 = arith.cmpf olt, %squeeze3A_455, %squeeze3A_457 : vector<8x64x128xf32>
    %eq3A_463 = arith.cmpf oeq, %squeeze3A_455, %squeeze3A_457 : vector<8x64x128xf32>
    %lt3A_464 = arith.cmpi slt, %squeeze3A_459, %squeeze3A_461 : vector<8x64x128xi32>
    %and3A_465 = arith.andi %eq3A_463, %lt3A_464 : vector<8x64x128xi1>
    %or3A_466 = arith.ori %lt3A_462, %and3A_465 : vector<8x64x128xi1>
    %iota3A_467 = tpu.iota {dimensions = array<i32: 0>} : vector<8x64x128xi32>
    %shift_right_arithmetic3A_468 = arith.constant 1 : i32
    %shift_right_arithmetic3A_469 = vector.broadcast %shift_right_arithmetic3A_468 : i32 to vector<8x64x128xi32>
    %shift_right_arithmetic3A_470 = arith.shrsi %iota3A_467, %shift_right_arithmetic3A_469 : vector<8x64x128xi32>
    %and3A_471 = arith.constant 1 : i32
    %and3A_472 = vector.broadcast %and3A_471 : i32 to vector<8x64x128xi32>
    %and3A_473 = arith.andi %shift_right_arithmetic3A_470, %and3A_472 : vector<8x64x128xi32>
    %eq3A_474 = arith.constant 0 : i32
    %eq3A_475 = vector.broadcast %eq3A_474 : i32 to vector<8x64x128xi32>
    %eq3A_476 = arith.cmpi eq, %and3A_473, %eq3A_475 : vector<8x64x128xi32>
    %eq3A_477 = arith.xori %or3A_466, %eq3A_476 : vector<8x64x128xi1>
    %eq3A_478 = arith.constant dense<true> : vector<8x64x128xi1>
    %eq3A_479 = arith.xori %eq3A_477, %eq3A_478 : vector<8x64x128xi1>
    %select_n3A_480 = arith.select %eq3A_479, %squeeze3A_455, %squeeze3A_457 : vector<8x64x128xi1>, vector<8x64x128xf32>
    %select_n3A_481 = arith.select %eq3A_479, %squeeze3A_457, %squeeze3A_455 : vector<8x64x128xi1>, vector<8x64x128xf32>
    %select_n3A_482 = arith.select %eq3A_479, %squeeze3A_459, %squeeze3A_461 : vector<8x64x128xi1>, vector<8x64x128xi32>
    %select_n3A_483 = arith.select %eq3A_479, %squeeze3A_461, %squeeze3A_459 : vector<8x64x128xi1>, vector<8x64x128xi32>
    %broadcast_in_dim3A_484 = vector.shape_cast %select_n3A_480 : vector<8x64x128xf32> to vector<8x1x64x128xf32>
    %broadcast_in_dim3A_485 = vector.shape_cast %select_n3A_481 : vector<8x64x128xf32> to vector<8x1x64x128xf32>
    %concatenate3A_486 = tpu.concatenate %broadcast_in_dim3A_484, %broadcast_in_dim3A_485 in 1 : vector<8x1x64x128xf32>, vector<8x1x64x128xf32> -> vector<8x2x64x128xf32>
    %reshape3A_487 = vector.shape_cast %concatenate3A_486 : vector<8x2x64x128xf32> to vector<1024x128xf32>
    %broadcast_in_dim3A_488 = vector.shape_cast %select_n3A_482 : vector<8x64x128xi32> to vector<8x1x64x128xi32>
    %broadcast_in_dim3A_489 = vector.shape_cast %select_n3A_483 : vector<8x64x128xi32> to vector<8x1x64x128xi32>
    %concatenate3A_490 = tpu.concatenate %broadcast_in_dim3A_488, %broadcast_in_dim3A_489 in 1 : vector<8x1x64x128xi32>, vector<8x1x64x128xi32> -> vector<8x2x64x128xi32>
    %reshape3A_491 = vector.shape_cast %concatenate3A_490 : vector<8x2x64x128xi32> to vector<1024x128xi32>
    %reshape3A_492 = vector.shape_cast %reshape3A_487 : vector<1024x128xf32> to vector<16x2x32x128xf32>
    %reshape3A_493 = vector.shape_cast %reshape3A_491 : vector<1024x128xi32> to vector<16x2x32x128xi32>
    %slice3A_494 = vector.extract_strided_slice %reshape3A_492 {offsets = [0, 0, 0, 0], sizes = [16, 1, 32, 128], strides = [1, 1, 1, 1]} : vector<16x2x32x128xf32> to vector<16x1x32x128xf32>
    %squeeze3A_495 = vector.shape_cast %slice3A_494 : vector<16x1x32x128xf32> to vector<16x32x128xf32>
    %slice3A_496 = vector.extract_strided_slice %reshape3A_492 {offsets = [0, 1, 0, 0], sizes = [16, 1, 32, 128], strides = [1, 1, 1, 1]} : vector<16x2x32x128xf32> to vector<16x1x32x128xf32>
    %squeeze3A_497 = vector.shape_cast %slice3A_496 : vector<16x1x32x128xf32> to vector<16x32x128xf32>
    %slice3A_498 = vector.extract_strided_slice %reshape3A_493 {offsets = [0, 0, 0, 0], sizes = [16, 1, 32, 128], strides = [1, 1, 1, 1]} : vector<16x2x32x128xi32> to vector<16x1x32x128xi32>
    %squeeze3A_499 = vector.shape_cast %slice3A_498 : vector<16x1x32x128xi32> to vector<16x32x128xi32>
    %slice3A_500 = vector.extract_strided_slice %reshape3A_493 {offsets = [0, 1, 0, 0], sizes = [16, 1, 32, 128], strides = [1, 1, 1, 1]} : vector<16x2x32x128xi32> to vector<16x1x32x128xi32>
    %squeeze3A_501 = vector.shape_cast %slice3A_500 : vector<16x1x32x128xi32> to vector<16x32x128xi32>
    %lt3A_502 = arith.cmpf olt, %squeeze3A_495, %squeeze3A_497 : vector<16x32x128xf32>
    %eq3A_503 = arith.cmpf oeq, %squeeze3A_495, %squeeze3A_497 : vector<16x32x128xf32>
    %lt3A_504 = arith.cmpi slt, %squeeze3A_499, %squeeze3A_501 : vector<16x32x128xi32>
    %and3A_505 = arith.andi %eq3A_503, %lt3A_504 : vector<16x32x128xi1>
    %or3A_506 = arith.ori %lt3A_502, %and3A_505 : vector<16x32x128xi1>
    %iota3A_507 = tpu.iota {dimensions = array<i32: 0>} : vector<16x32x128xi32>
    %shift_right_arithmetic3A_508 = arith.constant 2 : i32
    %shift_right_arithmetic3A_509 = vector.broadcast %shift_right_arithmetic3A_508 : i32 to vector<16x32x128xi32>
    %shift_right_arithmetic3A_510 = arith.shrsi %iota3A_507, %shift_right_arithmetic3A_509 : vector<16x32x128xi32>
    %and3A_511 = arith.constant 1 : i32
    %and3A_512 = vector.broadcast %and3A_511 : i32 to vector<16x32x128xi32>
    %and3A_513 = arith.andi %shift_right_arithmetic3A_510, %and3A_512 : vector<16x32x128xi32>
    %eq3A_514 = arith.constant 0 : i32
    %eq3A_515 = vector.broadcast %eq3A_514 : i32 to vector<16x32x128xi32>
    %eq3A_516 = arith.cmpi eq, %and3A_513, %eq3A_515 : vector<16x32x128xi32>
    %eq3A_517 = arith.xori %or3A_506, %eq3A_516 : vector<16x32x128xi1>
    %eq3A_518 = arith.constant dense<true> : vector<16x32x128xi1>
    %eq3A_519 = arith.xori %eq3A_517, %eq3A_518 : vector<16x32x128xi1>
    %select_n3A_520 = arith.select %eq3A_519, %squeeze3A_495, %squeeze3A_497 : vector<16x32x128xi1>, vector<16x32x128xf32>
    %select_n3A_521 = arith.select %eq3A_519, %squeeze3A_497, %squeeze3A_495 : vector<16x32x128xi1>, vector<16x32x128xf32>
    %select_n3A_522 = arith.select %eq3A_519, %squeeze3A_499, %squeeze3A_501 : vector<16x32x128xi1>, vector<16x32x128xi32>
    %select_n3A_523 = arith.select %eq3A_519, %squeeze3A_501, %squeeze3A_499 : vector<16x32x128xi1>, vector<16x32x128xi32>
    %broadcast_in_dim3A_524 = vector.shape_cast %select_n3A_520 : vector<16x32x128xf32> to vector<16x1x32x128xf32>
    %broadcast_in_dim3A_525 = vector.shape_cast %select_n3A_521 : vector<16x32x128xf32> to vector<16x1x32x128xf32>
    %concatenate3A_526 = tpu.concatenate %broadcast_in_dim3A_524, %broadcast_in_dim3A_525 in 1 : vector<16x1x32x128xf32>, vector<16x1x32x128xf32> -> vector<16x2x32x128xf32>
    %reshape3A_527 = vector.shape_cast %concatenate3A_526 : vector<16x2x32x128xf32> to vector<1024x128xf32>
    %broadcast_in_dim3A_528 = vector.shape_cast %select_n3A_522 : vector<16x32x128xi32> to vector<16x1x32x128xi32>
    %broadcast_in_dim3A_529 = vector.shape_cast %select_n3A_523 : vector<16x32x128xi32> to vector<16x1x32x128xi32>
    %concatenate3A_530 = tpu.concatenate %broadcast_in_dim3A_528, %broadcast_in_dim3A_529 in 1 : vector<16x1x32x128xi32>, vector<16x1x32x128xi32> -> vector<16x2x32x128xi32>
    %reshape3A_531 = vector.shape_cast %concatenate3A_530 : vector<16x2x32x128xi32> to vector<1024x128xi32>
    %reshape3A_532 = vector.shape_cast %reshape3A_527 : vector<1024x128xf32> to vector<32x2x16x128xf32>
    %reshape3A_533 = vector.shape_cast %reshape3A_531 : vector<1024x128xi32> to vector<32x2x16x128xi32>
    %slice3A_534 = vector.extract_strided_slice %reshape3A_532 {offsets = [0, 0, 0, 0], sizes = [32, 1, 16, 128], strides = [1, 1, 1, 1]} : vector<32x2x16x128xf32> to vector<32x1x16x128xf32>
    %squeeze3A_535 = vector.shape_cast %slice3A_534 : vector<32x1x16x128xf32> to vector<32x16x128xf32>
    %slice3A_536 = vector.extract_strided_slice %reshape3A_532 {offsets = [0, 1, 0, 0], sizes = [32, 1, 16, 128], strides = [1, 1, 1, 1]} : vector<32x2x16x128xf32> to vector<32x1x16x128xf32>
    %squeeze3A_537 = vector.shape_cast %slice3A_536 : vector<32x1x16x128xf32> to vector<32x16x128xf32>
    %slice3A_538 = vector.extract_strided_slice %reshape3A_533 {offsets = [0, 0, 0, 0], sizes = [32, 1, 16, 128], strides = [1, 1, 1, 1]} : vector<32x2x16x128xi32> to vector<32x1x16x128xi32>
    %squeeze3A_539 = vector.shape_cast %slice3A_538 : vector<32x1x16x128xi32> to vector<32x16x128xi32>
    %slice3A_540 = vector.extract_strided_slice %reshape3A_533 {offsets = [0, 1, 0, 0], sizes = [32, 1, 16, 128], strides = [1, 1, 1, 1]} : vector<32x2x16x128xi32> to vector<32x1x16x128xi32>
    %squeeze3A_541 = vector.shape_cast %slice3A_540 : vector<32x1x16x128xi32> to vector<32x16x128xi32>
    %lt3A_542 = arith.cmpf olt, %squeeze3A_535, %squeeze3A_537 : vector<32x16x128xf32>
    %eq3A_543 = arith.cmpf oeq, %squeeze3A_535, %squeeze3A_537 : vector<32x16x128xf32>
    %lt3A_544 = arith.cmpi slt, %squeeze3A_539, %squeeze3A_541 : vector<32x16x128xi32>
    %and3A_545 = arith.andi %eq3A_543, %lt3A_544 : vector<32x16x128xi1>
    %or3A_546 = arith.ori %lt3A_542, %and3A_545 : vector<32x16x128xi1>
    %iota3A_547 = tpu.iota {dimensions = array<i32: 0>} : vector<32x16x128xi32>
    %shift_right_arithmetic3A_548 = arith.constant 3 : i32
    %shift_right_arithmetic3A_549 = vector.broadcast %shift_right_arithmetic3A_548 : i32 to vector<32x16x128xi32>
    %shift_right_arithmetic3A_550 = arith.shrsi %iota3A_547, %shift_right_arithmetic3A_549 : vector<32x16x128xi32>
    %and3A_551 = arith.constant 1 : i32
    %and3A_552 = vector.broadcast %and3A_551 : i32 to vector<32x16x128xi32>
    %and3A_553 = arith.andi %shift_right_arithmetic3A_550, %and3A_552 : vector<32x16x128xi32>
    %eq3A_554 = arith.constant 0 : i32
    %eq3A_555 = vector.broadcast %eq3A_554 : i32 to vector<32x16x128xi32>
    %eq3A_556 = arith.cmpi eq, %and3A_553, %eq3A_555 : vector<32x16x128xi32>
    %eq3A_557 = arith.xori %or3A_546, %eq3A_556 : vector<32x16x128xi1>
    %eq3A_558 = arith.constant dense<true> : vector<32x16x128xi1>
    %eq3A_559 = arith.xori %eq3A_557, %eq3A_558 : vector<32x16x128xi1>
    %select_n3A_560 = arith.select %eq3A_559, %squeeze3A_535, %squeeze3A_537 : vector<32x16x128xi1>, vector<32x16x128xf32>
    %select_n3A_561 = arith.select %eq3A_559, %squeeze3A_537, %squeeze3A_535 : vector<32x16x128xi1>, vector<32x16x128xf32>
    %select_n3A_562 = arith.select %eq3A_559, %squeeze3A_539, %squeeze3A_541 : vector<32x16x128xi1>, vector<32x16x128xi32>
    %select_n3A_563 = arith.select %eq3A_559, %squeeze3A_541, %squeeze3A_539 : vector<32x16x128xi1>, vector<32x16x128xi32>
    %broadcast_in_dim3A_564 = vector.shape_cast %select_n3A_560 : vector<32x16x128xf32> to vector<32x1x16x128xf32>
    %broadcast_in_dim3A_565 = vector.shape_cast %select_n3A_561 : vector<32x16x128xf32> to vector<32x1x16x128xf32>
    %concatenate3A_566 = tpu.concatenate %broadcast_in_dim3A_564, %broadcast_in_dim3A_565 in 1 : vector<32x1x16x128xf32>, vector<32x1x16x128xf32> -> vector<32x2x16x128xf32>
    %reshape3A_567 = vector.shape_cast %concatenate3A_566 : vector<32x2x16x128xf32> to vector<1024x128xf32>
    %broadcast_in_dim3A_568 = vector.shape_cast %select_n3A_562 : vector<32x16x128xi32> to vector<32x1x16x128xi32>
    %broadcast_in_dim3A_569 = vector.shape_cast %select_n3A_563 : vector<32x16x128xi32> to vector<32x1x16x128xi32>
    %concatenate3A_570 = tpu.concatenate %broadcast_in_dim3A_568, %broadcast_in_dim3A_569 in 1 : vector<32x1x16x128xi32>, vector<32x1x16x128xi32> -> vector<32x2x16x128xi32>
    %reshape3A_571 = vector.shape_cast %concatenate3A_570 : vector<32x2x16x128xi32> to vector<1024x128xi32>
    %reshape3A_572 = vector.shape_cast %reshape3A_567 : vector<1024x128xf32> to vector<64x2x8x128xf32>
    %reshape3A_573 = vector.shape_cast %reshape3A_571 : vector<1024x128xi32> to vector<64x2x8x128xi32>
    %slice3A_574 = vector.extract_strided_slice %reshape3A_572 {offsets = [0, 0, 0, 0], sizes = [64, 1, 8, 128], strides = [1, 1, 1, 1]} : vector<64x2x8x128xf32> to vector<64x1x8x128xf32>
    %squeeze3A_575 = vector.shape_cast %slice3A_574 : vector<64x1x8x128xf32> to vector<64x8x128xf32>
    %slice3A_576 = vector.extract_strided_slice %reshape3A_572 {offsets = [0, 1, 0, 0], sizes = [64, 1, 8, 128], strides = [1, 1, 1, 1]} : vector<64x2x8x128xf32> to vector<64x1x8x128xf32>
    %squeeze3A_577 = vector.shape_cast %slice3A_576 : vector<64x1x8x128xf32> to vector<64x8x128xf32>
    %slice3A_578 = vector.extract_strided_slice %reshape3A_573 {offsets = [0, 0, 0, 0], sizes = [64, 1, 8, 128], strides = [1, 1, 1, 1]} : vector<64x2x8x128xi32> to vector<64x1x8x128xi32>
    %squeeze3A_579 = vector.shape_cast %slice3A_578 : vector<64x1x8x128xi32> to vector<64x8x128xi32>
    %slice3A_580 = vector.extract_strided_slice %reshape3A_573 {offsets = [0, 1, 0, 0], sizes = [64, 1, 8, 128], strides = [1, 1, 1, 1]} : vector<64x2x8x128xi32> to vector<64x1x8x128xi32>
    %squeeze3A_581 = vector.shape_cast %slice3A_580 : vector<64x1x8x128xi32> to vector<64x8x128xi32>
    %lt3A_582 = arith.cmpf olt, %squeeze3A_575, %squeeze3A_577 : vector<64x8x128xf32>
    %eq3A_583 = arith.cmpf oeq, %squeeze3A_575, %squeeze3A_577 : vector<64x8x128xf32>
    %lt3A_584 = arith.cmpi slt, %squeeze3A_579, %squeeze3A_581 : vector<64x8x128xi32>
    %and3A_585 = arith.andi %eq3A_583, %lt3A_584 : vector<64x8x128xi1>
    %or3A_586 = arith.ori %lt3A_582, %and3A_585 : vector<64x8x128xi1>
    %iota3A_587 = tpu.iota {dimensions = array<i32: 0>} : vector<64x8x128xi32>
    %shift_right_arithmetic3A_588 = arith.constant 4 : i32
    %shift_right_arithmetic3A_589 = vector.broadcast %shift_right_arithmetic3A_588 : i32 to vector<64x8x128xi32>
    %shift_right_arithmetic3A_590 = arith.shrsi %iota3A_587, %shift_right_arithmetic3A_589 : vector<64x8x128xi32>
    %and3A_591 = arith.constant 1 : i32
    %and3A_592 = vector.broadcast %and3A_591 : i32 to vector<64x8x128xi32>
    %and3A_593 = arith.andi %shift_right_arithmetic3A_590, %and3A_592 : vector<64x8x128xi32>
    %eq3A_594 = arith.constant 0 : i32
    %eq3A_595 = vector.broadcast %eq3A_594 : i32 to vector<64x8x128xi32>
    %eq3A_596 = arith.cmpi eq, %and3A_593, %eq3A_595 : vector<64x8x128xi32>
    %eq3A_597 = arith.xori %or3A_586, %eq3A_596 : vector<64x8x128xi1>
    %eq3A_598 = arith.constant dense<true> : vector<64x8x128xi1>
    %eq3A_599 = arith.xori %eq3A_597, %eq3A_598 : vector<64x8x128xi1>
    %select_n3A_600 = arith.select %eq3A_599, %squeeze3A_575, %squeeze3A_577 : vector<64x8x128xi1>, vector<64x8x128xf32>
    %select_n3A_601 = arith.select %eq3A_599, %squeeze3A_577, %squeeze3A_575 : vector<64x8x128xi1>, vector<64x8x128xf32>
    %select_n3A_602 = arith.select %eq3A_599, %squeeze3A_579, %squeeze3A_581 : vector<64x8x128xi1>, vector<64x8x128xi32>
    %select_n3A_603 = arith.select %eq3A_599, %squeeze3A_581, %squeeze3A_579 : vector<64x8x128xi1>, vector<64x8x128xi32>
    %broadcast_in_dim3A_604 = vector.shape_cast %select_n3A_600 : vector<64x8x128xf32> to vector<64x1x8x128xf32>
    %broadcast_in_dim3A_605 = vector.shape_cast %select_n3A_601 : vector<64x8x128xf32> to vector<64x1x8x128xf32>
    %concatenate3A_606 = tpu.concatenate %broadcast_in_dim3A_604, %broadcast_in_dim3A_605 in 1 : vector<64x1x8x128xf32>, vector<64x1x8x128xf32> -> vector<64x2x8x128xf32>
    %reshape3A_607 = vector.shape_cast %concatenate3A_606 : vector<64x2x8x128xf32> to vector<1024x128xf32>
    %broadcast_in_dim3A_608 = vector.shape_cast %select_n3A_602 : vector<64x8x128xi32> to vector<64x1x8x128xi32>
    %broadcast_in_dim3A_609 = vector.shape_cast %select_n3A_603 : vector<64x8x128xi32> to vector<64x1x8x128xi32>
    %concatenate3A_610 = tpu.concatenate %broadcast_in_dim3A_608, %broadcast_in_dim3A_609 in 1 : vector<64x1x8x128xi32>, vector<64x1x8x128xi32> -> vector<64x2x8x128xi32>
    %reshape3A_611 = vector.shape_cast %concatenate3A_610 : vector<64x2x8x128xi32> to vector<1024x128xi32>
    %reshape3A_612 = vector.shape_cast %reshape3A_607 : vector<1024x128xf32> to vector<2x2x256x128xf32>
    %reshape3A_613 = vector.shape_cast %reshape3A_611 : vector<1024x128xi32> to vector<2x2x256x128xi32>
    %slice3A_614 = vector.extract_strided_slice %reshape3A_612 {offsets = [0, 0, 0, 0], sizes = [2, 1, 256, 128], strides = [1, 1, 1, 1]} : vector<2x2x256x128xf32> to vector<2x1x256x128xf32>
    %squeeze3A_615 = vector.shape_cast %slice3A_614 : vector<2x1x256x128xf32> to vector<2x256x128xf32>
    %slice3A_616 = vector.extract_strided_slice %reshape3A_612 {offsets = [0, 1, 0, 0], sizes = [2, 1, 256, 128], strides = [1, 1, 1, 1]} : vector<2x2x256x128xf32> to vector<2x1x256x128xf32>
    %squeeze3A_617 = vector.shape_cast %slice3A_616 : vector<2x1x256x128xf32> to vector<2x256x128xf32>
    %slice3A_618 = vector.extract_strided_slice %reshape3A_613 {offsets = [0, 0, 0, 0], sizes = [2, 1, 256, 128], strides = [1, 1, 1, 1]} : vector<2x2x256x128xi32> to vector<2x1x256x128xi32>
    %squeeze3A_619 = vector.shape_cast %slice3A_618 : vector<2x1x256x128xi32> to vector<2x256x128xi32>
    %slice3A_620 = vector.extract_strided_slice %reshape3A_613 {offsets = [0, 1, 0, 0], sizes = [2, 1, 256, 128], strides = [1, 1, 1, 1]} : vector<2x2x256x128xi32> to vector<2x1x256x128xi32>
    %squeeze3A_621 = vector.shape_cast %slice3A_620 : vector<2x1x256x128xi32> to vector<2x256x128xi32>
    %lt3A_622 = arith.cmpf olt, %squeeze3A_615, %squeeze3A_617 : vector<2x256x128xf32>
    %eq3A_623 = arith.cmpf oeq, %squeeze3A_615, %squeeze3A_617 : vector<2x256x128xf32>
    %lt3A_624 = arith.cmpi slt, %squeeze3A_619, %squeeze3A_621 : vector<2x256x128xi32>
    %and3A_625 = arith.andi %eq3A_623, %lt3A_624 : vector<2x256x128xi1>
    %or3A_626 = arith.ori %lt3A_622, %and3A_625 : vector<2x256x128xi1>
    %iota3A_627 = tpu.iota {dimensions = array<i32: 0>} : vector<2x256x128xi32>
    %shift_right_arithmetic3A_628 = arith.constant 0 : i32
    %shift_right_arithmetic3A_629 = vector.broadcast %shift_right_arithmetic3A_628 : i32 to vector<2x256x128xi32>
    %shift_right_arithmetic3A_630 = arith.shrsi %iota3A_627, %shift_right_arithmetic3A_629 : vector<2x256x128xi32>
    %and3A_631 = arith.constant 1 : i32
    %and3A_632 = vector.broadcast %and3A_631 : i32 to vector<2x256x128xi32>
    %and3A_633 = arith.andi %shift_right_arithmetic3A_630, %and3A_632 : vector<2x256x128xi32>
    %eq3A_634 = arith.constant 0 : i32
    %eq3A_635 = vector.broadcast %eq3A_634 : i32 to vector<2x256x128xi32>
    %eq3A_636 = arith.cmpi eq, %and3A_633, %eq3A_635 : vector<2x256x128xi32>
    %eq3A_637 = arith.xori %or3A_626, %eq3A_636 : vector<2x256x128xi1>
    %eq3A_638 = arith.constant dense<true> : vector<2x256x128xi1>
    %eq3A_639 = arith.xori %eq3A_637, %eq3A_638 : vector<2x256x128xi1>
    %select_n3A_640 = arith.select %eq3A_639, %squeeze3A_615, %squeeze3A_617 : vector<2x256x128xi1>, vector<2x256x128xf32>
    %select_n3A_641 = arith.select %eq3A_639, %squeeze3A_617, %squeeze3A_615 : vector<2x256x128xi1>, vector<2x256x128xf32>
    %select_n3A_642 = arith.select %eq3A_639, %squeeze3A_619, %squeeze3A_621 : vector<2x256x128xi1>, vector<2x256x128xi32>
    %select_n3A_643 = arith.select %eq3A_639, %squeeze3A_621, %squeeze3A_619 : vector<2x256x128xi1>, vector<2x256x128xi32>
    %broadcast_in_dim3A_644 = vector.shape_cast %select_n3A_640 : vector<2x256x128xf32> to vector<2x1x256x128xf32>
    %broadcast_in_dim3A_645 = vector.shape_cast %select_n3A_641 : vector<2x256x128xf32> to vector<2x1x256x128xf32>
    %concatenate3A_646 = tpu.concatenate %broadcast_in_dim3A_644, %broadcast_in_dim3A_645 in 1 : vector<2x1x256x128xf32>, vector<2x1x256x128xf32> -> vector<2x2x256x128xf32>
    %reshape3A_647 = vector.shape_cast %concatenate3A_646 : vector<2x2x256x128xf32> to vector<1024x128xf32>
    %broadcast_in_dim3A_648 = vector.shape_cast %select_n3A_642 : vector<2x256x128xi32> to vector<2x1x256x128xi32>
    %broadcast_in_dim3A_649 = vector.shape_cast %select_n3A_643 : vector<2x256x128xi32> to vector<2x1x256x128xi32>
    %concatenate3A_650 = tpu.concatenate %broadcast_in_dim3A_648, %broadcast_in_dim3A_649 in 1 : vector<2x1x256x128xi32>, vector<2x1x256x128xi32> -> vector<2x2x256x128xi32>
    %reshape3A_651 = vector.shape_cast %concatenate3A_650 : vector<2x2x256x128xi32> to vector<1024x128xi32>
    %reshape3A_652 = vector.shape_cast %reshape3A_647 : vector<1024x128xf32> to vector<4x2x128x128xf32>
    %reshape3A_653 = vector.shape_cast %reshape3A_651 : vector<1024x128xi32> to vector<4x2x128x128xi32>
    %slice3A_654 = vector.extract_strided_slice %reshape3A_652 {offsets = [0, 0, 0, 0], sizes = [4, 1, 128, 128], strides = [1, 1, 1, 1]} : vector<4x2x128x128xf32> to vector<4x1x128x128xf32>
    %squeeze3A_655 = vector.shape_cast %slice3A_654 : vector<4x1x128x128xf32> to vector<4x128x128xf32>
    %slice3A_656 = vector.extract_strided_slice %reshape3A_652 {offsets = [0, 1, 0, 0], sizes = [4, 1, 128, 128], strides = [1, 1, 1, 1]} : vector<4x2x128x128xf32> to vector<4x1x128x128xf32>
    %squeeze3A_657 = vector.shape_cast %slice3A_656 : vector<4x1x128x128xf32> to vector<4x128x128xf32>
    %slice3A_658 = vector.extract_strided_slice %reshape3A_653 {offsets = [0, 0, 0, 0], sizes = [4, 1, 128, 128], strides = [1, 1, 1, 1]} : vector<4x2x128x128xi32> to vector<4x1x128x128xi32>
    %squeeze3A_659 = vector.shape_cast %slice3A_658 : vector<4x1x128x128xi32> to vector<4x128x128xi32>
    %slice3A_660 = vector.extract_strided_slice %reshape3A_653 {offsets = [0, 1, 0, 0], sizes = [4, 1, 128, 128], strides = [1, 1, 1, 1]} : vector<4x2x128x128xi32> to vector<4x1x128x128xi32>
    %squeeze3A_661 = vector.shape_cast %slice3A_660 : vector<4x1x128x128xi32> to vector<4x128x128xi32>
    %lt3A_662 = arith.cmpf olt, %squeeze3A_655, %squeeze3A_657 : vector<4x128x128xf32>
    %eq3A_663 = arith.cmpf oeq, %squeeze3A_655, %squeeze3A_657 : vector<4x128x128xf32>
    %lt3A_664 = arith.cmpi slt, %squeeze3A_659, %squeeze3A_661 : vector<4x128x128xi32>
    %and3A_665 = arith.andi %eq3A_663, %lt3A_664 : vector<4x128x128xi1>
    %or3A_666 = arith.ori %lt3A_662, %and3A_665 : vector<4x128x128xi1>
    %iota3A_667 = tpu.iota {dimensions = array<i32: 0>} : vector<4x128x128xi32>
    %shift_right_arithmetic3A_668 = arith.constant 1 : i32
    %shift_right_arithmetic3A_669 = vector.broadcast %shift_right_arithmetic3A_668 : i32 to vector<4x128x128xi32>
    %shift_right_arithmetic3A_670 = arith.shrsi %iota3A_667, %shift_right_arithmetic3A_669 : vector<4x128x128xi32>
    %and3A_671 = arith.constant 1 : i32
    %and3A_672 = vector.broadcast %and3A_671 : i32 to vector<4x128x128xi32>
    %and3A_673 = arith.andi %shift_right_arithmetic3A_670, %and3A_672 : vector<4x128x128xi32>
    %eq3A_674 = arith.constant 0 : i32
    %eq3A_675 = vector.broadcast %eq3A_674 : i32 to vector<4x128x128xi32>
    %eq3A_676 = arith.cmpi eq, %and3A_673, %eq3A_675 : vector<4x128x128xi32>
    %eq3A_677 = arith.xori %or3A_666, %eq3A_676 : vector<4x128x128xi1>
    %eq3A_678 = arith.constant dense<true> : vector<4x128x128xi1>
    %eq3A_679 = arith.xori %eq3A_677, %eq3A_678 : vector<4x128x128xi1>
    %select_n3A_680 = arith.select %eq3A_679, %squeeze3A_655, %squeeze3A_657 : vector<4x128x128xi1>, vector<4x128x128xf32>
    %select_n3A_681 = arith.select %eq3A_679, %squeeze3A_657, %squeeze3A_655 : vector<4x128x128xi1>, vector<4x128x128xf32>
    %select_n3A_682 = arith.select %eq3A_679, %squeeze3A_659, %squeeze3A_661 : vector<4x128x128xi1>, vector<4x128x128xi32>
    %select_n3A_683 = arith.select %eq3A_679, %squeeze3A_661, %squeeze3A_659 : vector<4x128x128xi1>, vector<4x128x128xi32>
    %broadcast_in_dim3A_684 = vector.shape_cast %select_n3A_680 : vector<4x128x128xf32> to vector<4x1x128x128xf32>
    %broadcast_in_dim3A_685 = vector.shape_cast %select_n3A_681 : vector<4x128x128xf32> to vector<4x1x128x128xf32>
    %concatenate3A_686 = tpu.concatenate %broadcast_in_dim3A_684, %broadcast_in_dim3A_685 in 1 : vector<4x1x128x128xf32>, vector<4x1x128x128xf32> -> vector<4x2x128x128xf32>
    %reshape3A_687 = vector.shape_cast %concatenate3A_686 : vector<4x2x128x128xf32> to vector<1024x128xf32>
    %broadcast_in_dim3A_688 = vector.shape_cast %select_n3A_682 : vector<4x128x128xi32> to vector<4x1x128x128xi32>
    %broadcast_in_dim3A_689 = vector.shape_cast %select_n3A_683 : vector<4x128x128xi32> to vector<4x1x128x128xi32>
    %concatenate3A_690 = tpu.concatenate %broadcast_in_dim3A_688, %broadcast_in_dim3A_689 in 1 : vector<4x1x128x128xi32>, vector<4x1x128x128xi32> -> vector<4x2x128x128xi32>
    %reshape3A_691 = vector.shape_cast %concatenate3A_690 : vector<4x2x128x128xi32> to vector<1024x128xi32>
    %reshape3A_692 = vector.shape_cast %reshape3A_687 : vector<1024x128xf32> to vector<8x2x64x128xf32>
    %reshape3A_693 = vector.shape_cast %reshape3A_691 : vector<1024x128xi32> to vector<8x2x64x128xi32>
    %slice3A_694 = vector.extract_strided_slice %reshape3A_692 {offsets = [0, 0, 0, 0], sizes = [8, 1, 64, 128], strides = [1, 1, 1, 1]} : vector<8x2x64x128xf32> to vector<8x1x64x128xf32>
    %squeeze3A_695 = vector.shape_cast %slice3A_694 : vector<8x1x64x128xf32> to vector<8x64x128xf32>
    %slice3A_696 = vector.extract_strided_slice %reshape3A_692 {offsets = [0, 1, 0, 0], sizes = [8, 1, 64, 128], strides = [1, 1, 1, 1]} : vector<8x2x64x128xf32> to vector<8x1x64x128xf32>
    %squeeze3A_697 = vector.shape_cast %slice3A_696 : vector<8x1x64x128xf32> to vector<8x64x128xf32>
    %slice3A_698 = vector.extract_strided_slice %reshape3A_693 {offsets = [0, 0, 0, 0], sizes = [8, 1, 64, 128], strides = [1, 1, 1, 1]} : vector<8x2x64x128xi32> to vector<8x1x64x128xi32>
    %squeeze3A_699 = vector.shape_cast %slice3A_698 : vector<8x1x64x128xi32> to vector<8x64x128xi32>
    %slice3A_700 = vector.extract_strided_slice %reshape3A_693 {offsets = [0, 1, 0, 0], sizes = [8, 1, 64, 128], strides = [1, 1, 1, 1]} : vector<8x2x64x128xi32> to vector<8x1x64x128xi32>
    %squeeze3A_701 = vector.shape_cast %slice3A_700 : vector<8x1x64x128xi32> to vector<8x64x128xi32>
    %lt3A_702 = arith.cmpf olt, %squeeze3A_695, %squeeze3A_697 : vector<8x64x128xf32>
    %eq3A_703 = arith.cmpf oeq, %squeeze3A_695, %squeeze3A_697 : vector<8x64x128xf32>
    %lt3A_704 = arith.cmpi slt, %squeeze3A_699, %squeeze3A_701 : vector<8x64x128xi32>
    %and3A_705 = arith.andi %eq3A_703, %lt3A_704 : vector<8x64x128xi1>
    %or3A_706 = arith.ori %lt3A_702, %and3A_705 : vector<8x64x128xi1>
    %iota3A_707 = tpu.iota {dimensions = array<i32: 0>} : vector<8x64x128xi32>
    %shift_right_arithmetic3A_708 = arith.constant 2 : i32
    %shift_right_arithmetic3A_709 = vector.broadcast %shift_right_arithmetic3A_708 : i32 to vector<8x64x128xi32>
    %shift_right_arithmetic3A_710 = arith.shrsi %iota3A_707, %shift_right_arithmetic3A_709 : vector<8x64x128xi32>
    %and3A_711 = arith.constant 1 : i32
    %and3A_712 = vector.broadcast %and3A_711 : i32 to vector<8x64x128xi32>
    %and3A_713 = arith.andi %shift_right_arithmetic3A_710, %and3A_712 : vector<8x64x128xi32>
    %eq3A_714 = arith.constant 0 : i32
    %eq3A_715 = vector.broadcast %eq3A_714 : i32 to vector<8x64x128xi32>
    %eq3A_716 = arith.cmpi eq, %and3A_713, %eq3A_715 : vector<8x64x128xi32>
    %eq3A_717 = arith.xori %or3A_706, %eq3A_716 : vector<8x64x128xi1>
    %eq3A_718 = arith.constant dense<true> : vector<8x64x128xi1>
    %eq3A_719 = arith.xori %eq3A_717, %eq3A_718 : vector<8x64x128xi1>
    %select_n3A_720 = arith.select %eq3A_719, %squeeze3A_695, %squeeze3A_697 : vector<8x64x128xi1>, vector<8x64x128xf32>
    %select_n3A_721 = arith.select %eq3A_719, %squeeze3A_697, %squeeze3A_695 : vector<8x64x128xi1>, vector<8x64x128xf32>
    %select_n3A_722 = arith.select %eq3A_719, %squeeze3A_699, %squeeze3A_701 : vector<8x64x128xi1>, vector<8x64x128xi32>
    %select_n3A_723 = arith.select %eq3A_719, %squeeze3A_701, %squeeze3A_699 : vector<8x64x128xi1>, vector<8x64x128xi32>
    %broadcast_in_dim3A_724 = vector.shape_cast %select_n3A_720 : vector<8x64x128xf32> to vector<8x1x64x128xf32>
    %broadcast_in_dim3A_725 = vector.shape_cast %select_n3A_721 : vector<8x64x128xf32> to vector<8x1x64x128xf32>
    %concatenate3A_726 = tpu.concatenate %broadcast_in_dim3A_724, %broadcast_in_dim3A_725 in 1 : vector<8x1x64x128xf32>, vector<8x1x64x128xf32> -> vector<8x2x64x128xf32>
    %reshape3A_727 = vector.shape_cast %concatenate3A_726 : vector<8x2x64x128xf32> to vector<1024x128xf32>
    %broadcast_in_dim3A_728 = vector.shape_cast %select_n3A_722 : vector<8x64x128xi32> to vector<8x1x64x128xi32>
    %broadcast_in_dim3A_729 = vector.shape_cast %select_n3A_723 : vector<8x64x128xi32> to vector<8x1x64x128xi32>
    %concatenate3A_730 = tpu.concatenate %broadcast_in_dim3A_728, %broadcast_in_dim3A_729 in 1 : vector<8x1x64x128xi32>, vector<8x1x64x128xi32> -> vector<8x2x64x128xi32>
    %reshape3A_731 = vector.shape_cast %concatenate3A_730 : vector<8x2x64x128xi32> to vector<1024x128xi32>
    %reshape3A_732 = vector.shape_cast %reshape3A_727 : vector<1024x128xf32> to vector<16x2x32x128xf32>
    %reshape3A_733 = vector.shape_cast %reshape3A_731 : vector<1024x128xi32> to vector<16x2x32x128xi32>
    %slice3A_734 = vector.extract_strided_slice %reshape3A_732 {offsets = [0, 0, 0, 0], sizes = [16, 1, 32, 128], strides = [1, 1, 1, 1]} : vector<16x2x32x128xf32> to vector<16x1x32x128xf32>
    %squeeze3A_735 = vector.shape_cast %slice3A_734 : vector<16x1x32x128xf32> to vector<16x32x128xf32>
    %slice3A_736 = vector.extract_strided_slice %reshape3A_732 {offsets = [0, 1, 0, 0], sizes = [16, 1, 32, 128], strides = [1, 1, 1, 1]} : vector<16x2x32x128xf32> to vector<16x1x32x128xf32>
    %squeeze3A_737 = vector.shape_cast %slice3A_736 : vector<16x1x32x128xf32> to vector<16x32x128xf32>
    %slice3A_738 = vector.extract_strided_slice %reshape3A_733 {offsets = [0, 0, 0, 0], sizes = [16, 1, 32, 128], strides = [1, 1, 1, 1]} : vector<16x2x32x128xi32> to vector<16x1x32x128xi32>
    %squeeze3A_739 = vector.shape_cast %slice3A_738 : vector<16x1x32x128xi32> to vector<16x32x128xi32>
    %slice3A_740 = vector.extract_strided_slice %reshape3A_733 {offsets = [0, 1, 0, 0], sizes = [16, 1, 32, 128], strides = [1, 1, 1, 1]} : vector<16x2x32x128xi32> to vector<16x1x32x128xi32>
    %squeeze3A_741 = vector.shape_cast %slice3A_740 : vector<16x1x32x128xi32> to vector<16x32x128xi32>
    %lt3A_742 = arith.cmpf olt, %squeeze3A_735, %squeeze3A_737 : vector<16x32x128xf32>
    %eq3A_743 = arith.cmpf oeq, %squeeze3A_735, %squeeze3A_737 : vector<16x32x128xf32>
    %lt3A_744 = arith.cmpi slt, %squeeze3A_739, %squeeze3A_741 : vector<16x32x128xi32>
    %and3A_745 = arith.andi %eq3A_743, %lt3A_744 : vector<16x32x128xi1>
    %or3A_746 = arith.ori %lt3A_742, %and3A_745 : vector<16x32x128xi1>
    %iota3A_747 = tpu.iota {dimensions = array<i32: 0>} : vector<16x32x128xi32>
    %shift_right_arithmetic3A_748 = arith.constant 3 : i32
    %shift_right_arithmetic3A_749 = vector.broadcast %shift_right_arithmetic3A_748 : i32 to vector<16x32x128xi32>
    %shift_right_arithmetic3A_750 = arith.shrsi %iota3A_747, %shift_right_arithmetic3A_749 : vector<16x32x128xi32>
    %and3A_751 = arith.constant 1 : i32
    %and3A_752 = vector.broadcast %and3A_751 : i32 to vector<16x32x128xi32>
    %and3A_753 = arith.andi %shift_right_arithmetic3A_750, %and3A_752 : vector<16x32x128xi32>
    %eq3A_754 = arith.constant 0 : i32
    %eq3A_755 = vector.broadcast %eq3A_754 : i32 to vector<16x32x128xi32>
    %eq3A_756 = arith.cmpi eq, %and3A_753, %eq3A_755 : vector<16x32x128xi32>
    %eq3A_757 = arith.xori %or3A_746, %eq3A_756 : vector<16x32x128xi1>
    %eq3A_758 = arith.constant dense<true> : vector<16x32x128xi1>
    %eq3A_759 = arith.xori %eq3A_757, %eq3A_758 : vector<16x32x128xi1>
    %select_n3A_760 = arith.select %eq3A_759, %squeeze3A_735, %squeeze3A_737 : vector<16x32x128xi1>, vector<16x32x128xf32>
    %select_n3A_761 = arith.select %eq3A_759, %squeeze3A_737, %squeeze3A_735 : vector<16x32x128xi1>, vector<16x32x128xf32>
    %select_n3A_762 = arith.select %eq3A_759, %squeeze3A_739, %squeeze3A_741 : vector<16x32x128xi1>, vector<16x32x128xi32>
    %select_n3A_763 = arith.select %eq3A_759, %squeeze3A_741, %squeeze3A_739 : vector<16x32x128xi1>, vector<16x32x128xi32>
    %broadcast_in_dim3A_764 = vector.shape_cast %select_n3A_760 : vector<16x32x128xf32> to vector<16x1x32x128xf32>
    %broadcast_in_dim3A_765 = vector.shape_cast %select_n3A_761 : vector<16x32x128xf32> to vector<16x1x32x128xf32>
    %concatenate3A_766 = tpu.concatenate %broadcast_in_dim3A_764, %broadcast_in_dim3A_765 in 1 : vector<16x1x32x128xf32>, vector<16x1x32x128xf32> -> vector<16x2x32x128xf32>
    %reshape3A_767 = vector.shape_cast %concatenate3A_766 : vector<16x2x32x128xf32> to vector<1024x128xf32>
    %broadcast_in_dim3A_768 = vector.shape_cast %select_n3A_762 : vector<16x32x128xi32> to vector<16x1x32x128xi32>
    %broadcast_in_dim3A_769 = vector.shape_cast %select_n3A_763 : vector<16x32x128xi32> to vector<16x1x32x128xi32>
    %concatenate3A_770 = tpu.concatenate %broadcast_in_dim3A_768, %broadcast_in_dim3A_769 in 1 : vector<16x1x32x128xi32>, vector<16x1x32x128xi32> -> vector<16x2x32x128xi32>
    %reshape3A_771 = vector.shape_cast %concatenate3A_770 : vector<16x2x32x128xi32> to vector<1024x128xi32>
    %reshape3A_772 = vector.shape_cast %reshape3A_767 : vector<1024x128xf32> to vector<32x2x16x128xf32>
    %reshape3A_773 = vector.shape_cast %reshape3A_771 : vector<1024x128xi32> to vector<32x2x16x128xi32>
    %slice3A_774 = vector.extract_strided_slice %reshape3A_772 {offsets = [0, 0, 0, 0], sizes = [32, 1, 16, 128], strides = [1, 1, 1, 1]} : vector<32x2x16x128xf32> to vector<32x1x16x128xf32>
    %squeeze3A_775 = vector.shape_cast %slice3A_774 : vector<32x1x16x128xf32> to vector<32x16x128xf32>
    %slice3A_776 = vector.extract_strided_slice %reshape3A_772 {offsets = [0, 1, 0, 0], sizes = [32, 1, 16, 128], strides = [1, 1, 1, 1]} : vector<32x2x16x128xf32> to vector<32x1x16x128xf32>
    %squeeze3A_777 = vector.shape_cast %slice3A_776 : vector<32x1x16x128xf32> to vector<32x16x128xf32>
    %slice3A_778 = vector.extract_strided_slice %reshape3A_773 {offsets = [0, 0, 0, 0], sizes = [32, 1, 16, 128], strides = [1, 1, 1, 1]} : vector<32x2x16x128xi32> to vector<32x1x16x128xi32>
    %squeeze3A_779 = vector.shape_cast %slice3A_778 : vector<32x1x16x128xi32> to vector<32x16x128xi32>
    %slice3A_780 = vector.extract_strided_slice %reshape3A_773 {offsets = [0, 1, 0, 0], sizes = [32, 1, 16, 128], strides = [1, 1, 1, 1]} : vector<32x2x16x128xi32> to vector<32x1x16x128xi32>
    %squeeze3A_781 = vector.shape_cast %slice3A_780 : vector<32x1x16x128xi32> to vector<32x16x128xi32>
    %lt3A_782 = arith.cmpf olt, %squeeze3A_775, %squeeze3A_777 : vector<32x16x128xf32>
    %eq3A_783 = arith.cmpf oeq, %squeeze3A_775, %squeeze3A_777 : vector<32x16x128xf32>
    %lt3A_784 = arith.cmpi slt, %squeeze3A_779, %squeeze3A_781 : vector<32x16x128xi32>
    %and3A_785 = arith.andi %eq3A_783, %lt3A_784 : vector<32x16x128xi1>
    %or3A_786 = arith.ori %lt3A_782, %and3A_785 : vector<32x16x128xi1>
    %iota3A_787 = tpu.iota {dimensions = array<i32: 0>} : vector<32x16x128xi32>
    %shift_right_arithmetic3A_788 = arith.constant 4 : i32
    %shift_right_arithmetic3A_789 = vector.broadcast %shift_right_arithmetic3A_788 : i32 to vector<32x16x128xi32>
    %shift_right_arithmetic3A_790 = arith.shrsi %iota3A_787, %shift_right_arithmetic3A_789 : vector<32x16x128xi32>
    %and3A_791 = arith.constant 1 : i32
    %and3A_792 = vector.broadcast %and3A_791 : i32 to vector<32x16x128xi32>
    %and3A_793 = arith.andi %shift_right_arithmetic3A_790, %and3A_792 : vector<32x16x128xi32>
    %eq3A_794 = arith.constant 0 : i32
    %eq3A_795 = vector.broadcast %eq3A_794 : i32 to vector<32x16x128xi32>
    %eq3A_796 = arith.cmpi eq, %and3A_793, %eq3A_795 : vector<32x16x128xi32>
    %eq3A_797 = arith.xori %or3A_786, %eq3A_796 : vector<32x16x128xi1>
    %eq3A_798 = arith.constant dense<true> : vector<32x16x128xi1>
    %eq3A_799 = arith.xori %eq3A_797, %eq3A_798 : vector<32x16x128xi1>
    %select_n3A_800 = arith.select %eq3A_799, %squeeze3A_775, %squeeze3A_777 : vector<32x16x128xi1>, vector<32x16x128xf32>
    %select_n3A_801 = arith.select %eq3A_799, %squeeze3A_777, %squeeze3A_775 : vector<32x16x128xi1>, vector<32x16x128xf32>
    %select_n3A_802 = arith.select %eq3A_799, %squeeze3A_779, %squeeze3A_781 : vector<32x16x128xi1>, vector<32x16x128xi32>
    %select_n3A_803 = arith.select %eq3A_799, %squeeze3A_781, %squeeze3A_779 : vector<32x16x128xi1>, vector<32x16x128xi32>
    %broadcast_in_dim3A_804 = vector.shape_cast %select_n3A_800 : vector<32x16x128xf32> to vector<32x1x16x128xf32>
    %broadcast_in_dim3A_805 = vector.shape_cast %select_n3A_801 : vector<32x16x128xf32> to vector<32x1x16x128xf32>
    %concatenate3A_806 = tpu.concatenate %broadcast_in_dim3A_804, %broadcast_in_dim3A_805 in 1 : vector<32x1x16x128xf32>, vector<32x1x16x128xf32> -> vector<32x2x16x128xf32>
    %reshape3A_807 = vector.shape_cast %concatenate3A_806 : vector<32x2x16x128xf32> to vector<1024x128xf32>
    %broadcast_in_dim3A_808 = vector.shape_cast %select_n3A_802 : vector<32x16x128xi32> to vector<32x1x16x128xi32>
    %broadcast_in_dim3A_809 = vector.shape_cast %select_n3A_803 : vector<32x16x128xi32> to vector<32x1x16x128xi32>
    %concatenate3A_810 = tpu.concatenate %broadcast_in_dim3A_808, %broadcast_in_dim3A_809 in 1 : vector<32x1x16x128xi32>, vector<32x1x16x128xi32> -> vector<32x2x16x128xi32>
    %reshape3A_811 = vector.shape_cast %concatenate3A_810 : vector<32x2x16x128xi32> to vector<1024x128xi32>
    %reshape3A_812 = vector.shape_cast %reshape3A_807 : vector<1024x128xf32> to vector<64x2x8x128xf32>
    %reshape3A_813 = vector.shape_cast %reshape3A_811 : vector<1024x128xi32> to vector<64x2x8x128xi32>
    %slice3A_814 = vector.extract_strided_slice %reshape3A_812 {offsets = [0, 0, 0, 0], sizes = [64, 1, 8, 128], strides = [1, 1, 1, 1]} : vector<64x2x8x128xf32> to vector<64x1x8x128xf32>
    %squeeze3A_815 = vector.shape_cast %slice3A_814 : vector<64x1x8x128xf32> to vector<64x8x128xf32>
    %slice3A_816 = vector.extract_strided_slice %reshape3A_812 {offsets = [0, 1, 0, 0], sizes = [64, 1, 8, 128], strides = [1, 1, 1, 1]} : vector<64x2x8x128xf32> to vector<64x1x8x128xf32>
    %squeeze3A_817 = vector.shape_cast %slice3A_816 : vector<64x1x8x128xf32> to vector<64x8x128xf32>
    %slice3A_818 = vector.extract_strided_slice %reshape3A_813 {offsets = [0, 0, 0, 0], sizes = [64, 1, 8, 128], strides = [1, 1, 1, 1]} : vector<64x2x8x128xi32> to vector<64x1x8x128xi32>
    %squeeze3A_819 = vector.shape_cast %slice3A_818 : vector<64x1x8x128xi32> to vector<64x8x128xi32>
    %slice3A_820 = vector.extract_strided_slice %reshape3A_813 {offsets = [0, 1, 0, 0], sizes = [64, 1, 8, 128], strides = [1, 1, 1, 1]} : vector<64x2x8x128xi32> to vector<64x1x8x128xi32>
    %squeeze3A_821 = vector.shape_cast %slice3A_820 : vector<64x1x8x128xi32> to vector<64x8x128xi32>
    %lt3A_822 = arith.cmpf olt, %squeeze3A_815, %squeeze3A_817 : vector<64x8x128xf32>
    %eq3A_823 = arith.cmpf oeq, %squeeze3A_815, %squeeze3A_817 : vector<64x8x128xf32>
    %lt3A_824 = arith.cmpi slt, %squeeze3A_819, %squeeze3A_821 : vector<64x8x128xi32>
    %and3A_825 = arith.andi %eq3A_823, %lt3A_824 : vector<64x8x128xi1>
    %or3A_826 = arith.ori %lt3A_822, %and3A_825 : vector<64x8x128xi1>
    %iota3A_827 = tpu.iota {dimensions = array<i32: 0>} : vector<64x8x128xi32>
    %shift_right_arithmetic3A_828 = arith.constant 5 : i32
    %shift_right_arithmetic3A_829 = vector.broadcast %shift_right_arithmetic3A_828 : i32 to vector<64x8x128xi32>
    %shift_right_arithmetic3A_830 = arith.shrsi %iota3A_827, %shift_right_arithmetic3A_829 : vector<64x8x128xi32>
    %and3A_831 = arith.constant 1 : i32
    %and3A_832 = vector.broadcast %and3A_831 : i32 to vector<64x8x128xi32>
    %and3A_833 = arith.andi %shift_right_arithmetic3A_830, %and3A_832 : vector<64x8x128xi32>
    %eq3A_834 = arith.constant 0 : i32
    %eq3A_835 = vector.broadcast %eq3A_834 : i32 to vector<64x8x128xi32>
    %eq3A_836 = arith.cmpi eq, %and3A_833, %eq3A_835 : vector<64x8x128xi32>
    %eq3A_837 = arith.xori %or3A_826, %eq3A_836 : vector<64x8x128xi1>
    %eq3A_838 = arith.constant dense<true> : vector<64x8x128xi1>
    %eq3A_839 = arith.xori %eq3A_837, %eq3A_838 : vector<64x8x128xi1>
    %select_n3A_840 = arith.select %eq3A_839, %squeeze3A_815, %squeeze3A_817 : vector<64x8x128xi1>, vector<64x8x128xf32>
    %select_n3A_841 = arith.select %eq3A_839, %squeeze3A_817, %squeeze3A_815 : vector<64x8x128xi1>, vector<64x8x128xf32>
    %select_n3A_842 = arith.select %eq3A_839, %squeeze3A_819, %squeeze3A_821 : vector<64x8x128xi1>, vector<64x8x128xi32>
    %select_n3A_843 = arith.select %eq3A_839, %squeeze3A_821, %squeeze3A_819 : vector<64x8x128xi1>, vector<64x8x128xi32>
    %broadcast_in_dim3A_844 = vector.shape_cast %select_n3A_840 : vector<64x8x128xf32> to vector<64x1x8x128xf32>
    %broadcast_in_dim3A_845 = vector.shape_cast %select_n3A_841 : vector<64x8x128xf32> to vector<64x1x8x128xf32>
    %concatenate3A_846 = tpu.concatenate %broadcast_in_dim3A_844, %broadcast_in_dim3A_845 in 1 : vector<64x1x8x128xf32>, vector<64x1x8x128xf32> -> vector<64x2x8x128xf32>
    %reshape3A_847 = vector.shape_cast %concatenate3A_846 : vector<64x2x8x128xf32> to vector<1024x128xf32>
    %broadcast_in_dim3A_848 = vector.shape_cast %select_n3A_842 : vector<64x8x128xi32> to vector<64x1x8x128xi32>
    %broadcast_in_dim3A_849 = vector.shape_cast %select_n3A_843 : vector<64x8x128xi32> to vector<64x1x8x128xi32>
    %concatenate3A_850 = tpu.concatenate %broadcast_in_dim3A_848, %broadcast_in_dim3A_849 in 1 : vector<64x1x8x128xi32>, vector<64x1x8x128xi32> -> vector<64x2x8x128xi32>
    %reshape3A_851 = vector.shape_cast %concatenate3A_850 : vector<64x2x8x128xi32> to vector<1024x128xi32>
    %reshape3A_852 = vector.shape_cast %reshape3A_847 : vector<1024x128xf32> to vector<1x2x512x128xf32>
    %reshape3A_853 = vector.shape_cast %reshape3A_851 : vector<1024x128xi32> to vector<1x2x512x128xi32>
    %slice3A_854 = vector.extract_strided_slice %reshape3A_852 {offsets = [0, 0, 0, 0], sizes = [1, 1, 512, 128], strides = [1, 1, 1, 1]} : vector<1x2x512x128xf32> to vector<1x1x512x128xf32>
    %squeeze3A_855 = vector.shape_cast %slice3A_854 : vector<1x1x512x128xf32> to vector<1x512x128xf32>
    %slice3A_856 = vector.extract_strided_slice %reshape3A_852 {offsets = [0, 1, 0, 0], sizes = [1, 1, 512, 128], strides = [1, 1, 1, 1]} : vector<1x2x512x128xf32> to vector<1x1x512x128xf32>
    %squeeze3A_857 = vector.shape_cast %slice3A_856 : vector<1x1x512x128xf32> to vector<1x512x128xf32>
    %slice3A_858 = vector.extract_strided_slice %reshape3A_853 {offsets = [0, 0, 0, 0], sizes = [1, 1, 512, 128], strides = [1, 1, 1, 1]} : vector<1x2x512x128xi32> to vector<1x1x512x128xi32>
    %squeeze3A_859 = vector.shape_cast %slice3A_858 : vector<1x1x512x128xi32> to vector<1x512x128xi32>
    %slice3A_860 = vector.extract_strided_slice %reshape3A_853 {offsets = [0, 1, 0, 0], sizes = [1, 1, 512, 128], strides = [1, 1, 1, 1]} : vector<1x2x512x128xi32> to vector<1x1x512x128xi32>
    %squeeze3A_861 = vector.shape_cast %slice3A_860 : vector<1x1x512x128xi32> to vector<1x512x128xi32>
    %lt3A_862 = arith.cmpf olt, %squeeze3A_855, %squeeze3A_857 : vector<1x512x128xf32>
    %eq3A_863 = arith.cmpf oeq, %squeeze3A_855, %squeeze3A_857 : vector<1x512x128xf32>
    %lt3A_864 = arith.cmpi slt, %squeeze3A_859, %squeeze3A_861 : vector<1x512x128xi32>
    %and3A_865 = arith.andi %eq3A_863, %lt3A_864 : vector<1x512x128xi1>
    %or3A_866 = arith.ori %lt3A_862, %and3A_865 : vector<1x512x128xi1>
    %iota3A_867 = tpu.iota {dimensions = array<i32: 1>} : vector<1x512x128xi32>
    %shift_right_arithmetic3A_868 = arith.constant 0 : i32
    %shift_right_arithmetic3A_869 = vector.broadcast %shift_right_arithmetic3A_868 : i32 to vector<1x512x128xi32>
    %shift_right_arithmetic3A_870 = arith.shrsi %iota3A_867, %shift_right_arithmetic3A_869 : vector<1x512x128xi32>
    %and3A_871 = arith.constant 1 : i32
    %and3A_872 = vector.broadcast %and3A_871 : i32 to vector<1x512x128xi32>
    %and3A_873 = arith.andi %shift_right_arithmetic3A_870, %and3A_872 : vector<1x512x128xi32>
    %eq3A_874 = arith.constant 0 : i32
    %eq3A_875 = vector.broadcast %eq3A_874 : i32 to vector<1x512x128xi32>
    %eq3A_876 = arith.cmpi eq, %and3A_873, %eq3A_875 : vector<1x512x128xi32>
    %eq3A_877 = arith.xori %or3A_866, %eq3A_876 : vector<1x512x128xi1>
    %eq3A_878 = arith.constant dense<true> : vector<1x512x128xi1>
    %eq3A_879 = arith.xori %eq3A_877, %eq3A_878 : vector<1x512x128xi1>
    %select_n3A_880 = arith.select %eq3A_879, %squeeze3A_855, %squeeze3A_857 : vector<1x512x128xi1>, vector<1x512x128xf32>
    %select_n3A_881 = arith.select %eq3A_879, %squeeze3A_857, %squeeze3A_855 : vector<1x512x128xi1>, vector<1x512x128xf32>
    %select_n3A_882 = arith.select %eq3A_879, %squeeze3A_859, %squeeze3A_861 : vector<1x512x128xi1>, vector<1x512x128xi32>
    %select_n3A_883 = arith.select %eq3A_879, %squeeze3A_861, %squeeze3A_859 : vector<1x512x128xi1>, vector<1x512x128xi32>
    %broadcast_in_dim3A_884 = vector.shape_cast %select_n3A_880 : vector<1x512x128xf32> to vector<1x1x512x128xf32>
    %broadcast_in_dim3A_885 = vector.shape_cast %select_n3A_881 : vector<1x512x128xf32> to vector<1x1x512x128xf32>
    %concatenate3A_886 = tpu.concatenate %broadcast_in_dim3A_884, %broadcast_in_dim3A_885 in 1 : vector<1x1x512x128xf32>, vector<1x1x512x128xf32> -> vector<1x2x512x128xf32>
    %reshape3A_887 = vector.shape_cast %concatenate3A_886 : vector<1x2x512x128xf32> to vector<1024x128xf32>
    %broadcast_in_dim3A_888 = vector.shape_cast %select_n3A_882 : vector<1x512x128xi32> to vector<1x1x512x128xi32>
    %broadcast_in_dim3A_889 = vector.shape_cast %select_n3A_883 : vector<1x512x128xi32> to vector<1x1x512x128xi32>
    %concatenate3A_890 = tpu.concatenate %broadcast_in_dim3A_888, %broadcast_in_dim3A_889 in 1 : vector<1x1x512x128xi32>, vector<1x1x512x128xi32> -> vector<1x2x512x128xi32>
    %reshape3A_891 = vector.shape_cast %concatenate3A_890 : vector<1x2x512x128xi32> to vector<1024x128xi32>
    %reshape3A_892 = vector.shape_cast %reshape3A_887 : vector<1024x128xf32> to vector<2x2x256x128xf32>
    %reshape3A_893 = vector.shape_cast %reshape3A_891 : vector<1024x128xi32> to vector<2x2x256x128xi32>
    %slice3A_894 = vector.extract_strided_slice %reshape3A_892 {offsets = [0, 0, 0, 0], sizes = [2, 1, 256, 128], strides = [1, 1, 1, 1]} : vector<2x2x256x128xf32> to vector<2x1x256x128xf32>
    %squeeze3A_895 = vector.shape_cast %slice3A_894 : vector<2x1x256x128xf32> to vector<2x256x128xf32>
    %slice3A_896 = vector.extract_strided_slice %reshape3A_892 {offsets = [0, 1, 0, 0], sizes = [2, 1, 256, 128], strides = [1, 1, 1, 1]} : vector<2x2x256x128xf32> to vector<2x1x256x128xf32>
    %squeeze3A_897 = vector.shape_cast %slice3A_896 : vector<2x1x256x128xf32> to vector<2x256x128xf32>
    %slice3A_898 = vector.extract_strided_slice %reshape3A_893 {offsets = [0, 0, 0, 0], sizes = [2, 1, 256, 128], strides = [1, 1, 1, 1]} : vector<2x2x256x128xi32> to vector<2x1x256x128xi32>
    %squeeze3A_899 = vector.shape_cast %slice3A_898 : vector<2x1x256x128xi32> to vector<2x256x128xi32>
    %slice3A_900 = vector.extract_strided_slice %reshape3A_893 {offsets = [0, 1, 0, 0], sizes = [2, 1, 256, 128], strides = [1, 1, 1, 1]} : vector<2x2x256x128xi32> to vector<2x1x256x128xi32>
    %squeeze3A_901 = vector.shape_cast %slice3A_900 : vector<2x1x256x128xi32> to vector<2x256x128xi32>
    %lt3A_902 = arith.cmpf olt, %squeeze3A_895, %squeeze3A_897 : vector<2x256x128xf32>
    %eq3A_903 = arith.cmpf oeq, %squeeze3A_895, %squeeze3A_897 : vector<2x256x128xf32>
    %lt3A_904 = arith.cmpi slt, %squeeze3A_899, %squeeze3A_901 : vector<2x256x128xi32>
    %and3A_905 = arith.andi %eq3A_903, %lt3A_904 : vector<2x256x128xi1>
    %or3A_906 = arith.ori %lt3A_902, %and3A_905 : vector<2x256x128xi1>
    %iota3A_907 = tpu.iota {dimensions = array<i32: 1>} : vector<2x256x128xi32>
    %shift_right_arithmetic3A_908 = arith.constant 0 : i32
    %shift_right_arithmetic3A_909 = vector.broadcast %shift_right_arithmetic3A_908 : i32 to vector<2x256x128xi32>
    %shift_right_arithmetic3A_910 = arith.shrsi %iota3A_907, %shift_right_arithmetic3A_909 : vector<2x256x128xi32>
    %and3A_911 = arith.constant 1 : i32
    %and3A_912 = vector.broadcast %and3A_911 : i32 to vector<2x256x128xi32>
    %and3A_913 = arith.andi %shift_right_arithmetic3A_910, %and3A_912 : vector<2x256x128xi32>
    %eq3A_914 = arith.constant 0 : i32
    %eq3A_915 = vector.broadcast %eq3A_914 : i32 to vector<2x256x128xi32>
    %eq3A_916 = arith.cmpi eq, %and3A_913, %eq3A_915 : vector<2x256x128xi32>
    %eq3A_917 = arith.xori %or3A_906, %eq3A_916 : vector<2x256x128xi1>
    %eq3A_918 = arith.constant dense<true> : vector<2x256x128xi1>
    %eq3A_919 = arith.xori %eq3A_917, %eq3A_918 : vector<2x256x128xi1>
    %select_n3A_920 = arith.select %eq3A_919, %squeeze3A_895, %squeeze3A_897 : vector<2x256x128xi1>, vector<2x256x128xf32>
    %select_n3A_921 = arith.select %eq3A_919, %squeeze3A_897, %squeeze3A_895 : vector<2x256x128xi1>, vector<2x256x128xf32>
    %select_n3A_922 = arith.select %eq3A_919, %squeeze3A_899, %squeeze3A_901 : vector<2x256x128xi1>, vector<2x256x128xi32>
    %select_n3A_923 = arith.select %eq3A_919, %squeeze3A_901, %squeeze3A_899 : vector<2x256x128xi1>, vector<2x256x128xi32>
    %broadcast_in_dim3A_924 = vector.shape_cast %select_n3A_920 : vector<2x256x128xf32> to vector<2x1x256x128xf32>
    %broadcast_in_dim3A_925 = vector.shape_cast %select_n3A_921 : vector<2x256x128xf32> to vector<2x1x256x128xf32>
    %concatenate3A_926 = tpu.concatenate %broadcast_in_dim3A_924, %broadcast_in_dim3A_925 in 1 : vector<2x1x256x128xf32>, vector<2x1x256x128xf32> -> vector<2x2x256x128xf32>
    %reshape3A_927 = vector.shape_cast %concatenate3A_926 : vector<2x2x256x128xf32> to vector<1024x128xf32>
    %broadcast_in_dim3A_928 = vector.shape_cast %select_n3A_922 : vector<2x256x128xi32> to vector<2x1x256x128xi32>
    %broadcast_in_dim3A_929 = vector.shape_cast %select_n3A_923 : vector<2x256x128xi32> to vector<2x1x256x128xi32>
    %concatenate3A_930 = tpu.concatenate %broadcast_in_dim3A_928, %broadcast_in_dim3A_929 in 1 : vector<2x1x256x128xi32>, vector<2x1x256x128xi32> -> vector<2x2x256x128xi32>
    %reshape3A_931 = vector.shape_cast %concatenate3A_930 : vector<2x2x256x128xi32> to vector<1024x128xi32>
    %reshape3A_932 = vector.shape_cast %reshape3A_927 : vector<1024x128xf32> to vector<4x2x128x128xf32>
    %reshape3A_933 = vector.shape_cast %reshape3A_931 : vector<1024x128xi32> to vector<4x2x128x128xi32>
    %slice3A_934 = vector.extract_strided_slice %reshape3A_932 {offsets = [0, 0, 0, 0], sizes = [4, 1, 128, 128], strides = [1, 1, 1, 1]} : vector<4x2x128x128xf32> to vector<4x1x128x128xf32>
    %squeeze3A_935 = vector.shape_cast %slice3A_934 : vector<4x1x128x128xf32> to vector<4x128x128xf32>
    %slice3A_936 = vector.extract_strided_slice %reshape3A_932 {offsets = [0, 1, 0, 0], sizes = [4, 1, 128, 128], strides = [1, 1, 1, 1]} : vector<4x2x128x128xf32> to vector<4x1x128x128xf32>
    %squeeze3A_937 = vector.shape_cast %slice3A_936 : vector<4x1x128x128xf32> to vector<4x128x128xf32>
    %slice3A_938 = vector.extract_strided_slice %reshape3A_933 {offsets = [0, 0, 0, 0], sizes = [4, 1, 128, 128], strides = [1, 1, 1, 1]} : vector<4x2x128x128xi32> to vector<4x1x128x128xi32>
    %squeeze3A_939 = vector.shape_cast %slice3A_938 : vector<4x1x128x128xi32> to vector<4x128x128xi32>
    %slice3A_940 = vector.extract_strided_slice %reshape3A_933 {offsets = [0, 1, 0, 0], sizes = [4, 1, 128, 128], strides = [1, 1, 1, 1]} : vector<4x2x128x128xi32> to vector<4x1x128x128xi32>
    %squeeze3A_941 = vector.shape_cast %slice3A_940 : vector<4x1x128x128xi32> to vector<4x128x128xi32>
    %lt3A_942 = arith.cmpf olt, %squeeze3A_935, %squeeze3A_937 : vector<4x128x128xf32>
    %eq3A_943 = arith.cmpf oeq, %squeeze3A_935, %squeeze3A_937 : vector<4x128x128xf32>
    %lt3A_944 = arith.cmpi slt, %squeeze3A_939, %squeeze3A_941 : vector<4x128x128xi32>
    %and3A_945 = arith.andi %eq3A_943, %lt3A_944 : vector<4x128x128xi1>
    %or3A_946 = arith.ori %lt3A_942, %and3A_945 : vector<4x128x128xi1>
    %iota3A_947 = tpu.iota {dimensions = array<i32: 1>} : vector<4x128x128xi32>
    %shift_right_arithmetic3A_948 = arith.constant 0 : i32
    %shift_right_arithmetic3A_949 = vector.broadcast %shift_right_arithmetic3A_948 : i32 to vector<4x128x128xi32>
    %shift_right_arithmetic3A_950 = arith.shrsi %iota3A_947, %shift_right_arithmetic3A_949 : vector<4x128x128xi32>
    %and3A_951 = arith.constant 1 : i32
    %and3A_952 = vector.broadcast %and3A_951 : i32 to vector<4x128x128xi32>
    %and3A_953 = arith.andi %shift_right_arithmetic3A_950, %and3A_952 : vector<4x128x128xi32>
    %eq3A_954 = arith.constant 0 : i32
    %eq3A_955 = vector.broadcast %eq3A_954 : i32 to vector<4x128x128xi32>
    %eq3A_956 = arith.cmpi eq, %and3A_953, %eq3A_955 : vector<4x128x128xi32>
    %eq3A_957 = arith.xori %or3A_946, %eq3A_956 : vector<4x128x128xi1>
    %eq3A_958 = arith.constant dense<true> : vector<4x128x128xi1>
    %eq3A_959 = arith.xori %eq3A_957, %eq3A_958 : vector<4x128x128xi1>
    %select_n3A_960 = arith.select %eq3A_959, %squeeze3A_935, %squeeze3A_937 : vector<4x128x128xi1>, vector<4x128x128xf32>
    %select_n3A_961 = arith.select %eq3A_959, %squeeze3A_937, %squeeze3A_935 : vector<4x128x128xi1>, vector<4x128x128xf32>
    %select_n3A_962 = arith.select %eq3A_959, %squeeze3A_939, %squeeze3A_941 : vector<4x128x128xi1>, vector<4x128x128xi32>
    %select_n3A_963 = arith.select %eq3A_959, %squeeze3A_941, %squeeze3A_939 : vector<4x128x128xi1>, vector<4x128x128xi32>
    %broadcast_in_dim3A_964 = vector.shape_cast %select_n3A_960 : vector<4x128x128xf32> to vector<4x1x128x128xf32>
    %broadcast_in_dim3A_965 = vector.shape_cast %select_n3A_961 : vector<4x128x128xf32> to vector<4x1x128x128xf32>
    %concatenate3A_966 = tpu.concatenate %broadcast_in_dim3A_964, %broadcast_in_dim3A_965 in 1 : vector<4x1x128x128xf32>, vector<4x1x128x128xf32> -> vector<4x2x128x128xf32>
    %reshape3A_967 = vector.shape_cast %concatenate3A_966 : vector<4x2x128x128xf32> to vector<1024x128xf32>
    %broadcast_in_dim3A_968 = vector.shape_cast %select_n3A_962 : vector<4x128x128xi32> to vector<4x1x128x128xi32>
    %broadcast_in_dim3A_969 = vector.shape_cast %select_n3A_963 : vector<4x128x128xi32> to vector<4x1x128x128xi32>
    %concatenate3A_970 = tpu.concatenate %broadcast_in_dim3A_968, %broadcast_in_dim3A_969 in 1 : vector<4x1x128x128xi32>, vector<4x1x128x128xi32> -> vector<4x2x128x128xi32>
    %reshape3A_971 = vector.shape_cast %concatenate3A_970 : vector<4x2x128x128xi32> to vector<1024x128xi32>
    %reshape3A_972 = vector.shape_cast %reshape3A_967 : vector<1024x128xf32> to vector<8x2x64x128xf32>
    %reshape3A_973 = vector.shape_cast %reshape3A_971 : vector<1024x128xi32> to vector<8x2x64x128xi32>
    %slice3A_974 = vector.extract_strided_slice %reshape3A_972 {offsets = [0, 0, 0, 0], sizes = [8, 1, 64, 128], strides = [1, 1, 1, 1]} : vector<8x2x64x128xf32> to vector<8x1x64x128xf32>
    %squeeze3A_975 = vector.shape_cast %slice3A_974 : vector<8x1x64x128xf32> to vector<8x64x128xf32>
    %slice3A_976 = vector.extract_strided_slice %reshape3A_972 {offsets = [0, 1, 0, 0], sizes = [8, 1, 64, 128], strides = [1, 1, 1, 1]} : vector<8x2x64x128xf32> to vector<8x1x64x128xf32>
    %squeeze3A_977 = vector.shape_cast %slice3A_976 : vector<8x1x64x128xf32> to vector<8x64x128xf32>
    %slice3A_978 = vector.extract_strided_slice %reshape3A_973 {offsets = [0, 0, 0, 0], sizes = [8, 1, 64, 128], strides = [1, 1, 1, 1]} : vector<8x2x64x128xi32> to vector<8x1x64x128xi32>
    %squeeze3A_979 = vector.shape_cast %slice3A_978 : vector<8x1x64x128xi32> to vector<8x64x128xi32>
    %slice3A_980 = vector.extract_strided_slice %reshape3A_973 {offsets = [0, 1, 0, 0], sizes = [8, 1, 64, 128], strides = [1, 1, 1, 1]} : vector<8x2x64x128xi32> to vector<8x1x64x128xi32>
    %squeeze3A_981 = vector.shape_cast %slice3A_980 : vector<8x1x64x128xi32> to vector<8x64x128xi32>
    %lt3A_982 = arith.cmpf olt, %squeeze3A_975, %squeeze3A_977 : vector<8x64x128xf32>
    %eq3A_983 = arith.cmpf oeq, %squeeze3A_975, %squeeze3A_977 : vector<8x64x128xf32>
    %lt3A_984 = arith.cmpi slt, %squeeze3A_979, %squeeze3A_981 : vector<8x64x128xi32>
    %and3A_985 = arith.andi %eq3A_983, %lt3A_984 : vector<8x64x128xi1>
    %or3A_986 = arith.ori %lt3A_982, %and3A_985 : vector<8x64x128xi1>
    %iota3A_987 = tpu.iota {dimensions = array<i32: 1>} : vector<8x64x128xi32>
    %shift_right_arithmetic3A_988 = arith.constant 0 : i32
    %shift_right_arithmetic3A_989 = vector.broadcast %shift_right_arithmetic3A_988 : i32 to vector<8x64x128xi32>
    %shift_right_arithmetic3A_990 = arith.shrsi %iota3A_987, %shift_right_arithmetic3A_989 : vector<8x64x128xi32>
    %and3A_991 = arith.constant 1 : i32
    %and3A_992 = vector.broadcast %and3A_991 : i32 to vector<8x64x128xi32>
    %and3A_993 = arith.andi %shift_right_arithmetic3A_990, %and3A_992 : vector<8x64x128xi32>
    %eq3A_994 = arith.constant 0 : i32
    %eq3A_995 = vector.broadcast %eq3A_994 : i32 to vector<8x64x128xi32>
    %eq3A_996 = arith.cmpi eq, %and3A_993, %eq3A_995 : vector<8x64x128xi32>
    %eq3A_997 = arith.xori %or3A_986, %eq3A_996 : vector<8x64x128xi1>
    %eq3A_998 = arith.constant dense<true> : vector<8x64x128xi1>
    %eq3A_999 = arith.xori %eq3A_997, %eq3A_998 : vector<8x64x128xi1>
    %select_n3A_1000 = arith.select %eq3A_999, %squeeze3A_975, %squeeze3A_977 : vector<8x64x128xi1>, vector<8x64x128xf32>
    %select_n3A_1001 = arith.select %eq3A_999, %squeeze3A_977, %squeeze3A_975 : vector<8x64x128xi1>, vector<8x64x128xf32>
    %select_n3A_1002 = arith.select %eq3A_999, %squeeze3A_979, %squeeze3A_981 : vector<8x64x128xi1>, vector<8x64x128xi32>
    %select_n3A_1003 = arith.select %eq3A_999, %squeeze3A_981, %squeeze3A_979 : vector<8x64x128xi1>, vector<8x64x128xi32>
    %broadcast_in_dim3A_1004 = vector.shape_cast %select_n3A_1000 : vector<8x64x128xf32> to vector<8x1x64x128xf32>
    %broadcast_in_dim3A_1005 = vector.shape_cast %select_n3A_1001 : vector<8x64x128xf32> to vector<8x1x64x128xf32>
    %concatenate3A_1006 = tpu.concatenate %broadcast_in_dim3A_1004, %broadcast_in_dim3A_1005 in 1 : vector<8x1x64x128xf32>, vector<8x1x64x128xf32> -> vector<8x2x64x128xf32>
    %reshape3A_1007 = vector.shape_cast %concatenate3A_1006 : vector<8x2x64x128xf32> to vector<1024x128xf32>
    %broadcast_in_dim3A_1008 = vector.shape_cast %select_n3A_1002 : vector<8x64x128xi32> to vector<8x1x64x128xi32>
    %broadcast_in_dim3A_1009 = vector.shape_cast %select_n3A_1003 : vector<8x64x128xi32> to vector<8x1x64x128xi32>
    %concatenate3A_1010 = tpu.concatenate %broadcast_in_dim3A_1008, %broadcast_in_dim3A_1009 in 1 : vector<8x1x64x128xi32>, vector<8x1x64x128xi32> -> vector<8x2x64x128xi32>
    %reshape3A_1011 = vector.shape_cast %concatenate3A_1010 : vector<8x2x64x128xi32> to vector<1024x128xi32>
    %reshape3A_1012 = vector.shape_cast %reshape3A_1007 : vector<1024x128xf32> to vector<16x2x32x128xf32>
    %reshape3A_1013 = vector.shape_cast %reshape3A_1011 : vector<1024x128xi32> to vector<16x2x32x128xi32>
    %slice3A_1014 = vector.extract_strided_slice %reshape3A_1012 {offsets = [0, 0, 0, 0], sizes = [16, 1, 32, 128], strides = [1, 1, 1, 1]} : vector<16x2x32x128xf32> to vector<16x1x32x128xf32>
    %squeeze3A_1015 = vector.shape_cast %slice3A_1014 : vector<16x1x32x128xf32> to vector<16x32x128xf32>
    %slice3A_1016 = vector.extract_strided_slice %reshape3A_1012 {offsets = [0, 1, 0, 0], sizes = [16, 1, 32, 128], strides = [1, 1, 1, 1]} : vector<16x2x32x128xf32> to vector<16x1x32x128xf32>
    %squeeze3A_1017 = vector.shape_cast %slice3A_1016 : vector<16x1x32x128xf32> to vector<16x32x128xf32>
    %slice3A_1018 = vector.extract_strided_slice %reshape3A_1013 {offsets = [0, 0, 0, 0], sizes = [16, 1, 32, 128], strides = [1, 1, 1, 1]} : vector<16x2x32x128xi32> to vector<16x1x32x128xi32>
    %squeeze3A_1019 = vector.shape_cast %slice3A_1018 : vector<16x1x32x128xi32> to vector<16x32x128xi32>
    %slice3A_1020 = vector.extract_strided_slice %reshape3A_1013 {offsets = [0, 1, 0, 0], sizes = [16, 1, 32, 128], strides = [1, 1, 1, 1]} : vector<16x2x32x128xi32> to vector<16x1x32x128xi32>
    %squeeze3A_1021 = vector.shape_cast %slice3A_1020 : vector<16x1x32x128xi32> to vector<16x32x128xi32>
    %lt3A_1022 = arith.cmpf olt, %squeeze3A_1015, %squeeze3A_1017 : vector<16x32x128xf32>
    %eq3A_1023 = arith.cmpf oeq, %squeeze3A_1015, %squeeze3A_1017 : vector<16x32x128xf32>
    %lt3A_1024 = arith.cmpi slt, %squeeze3A_1019, %squeeze3A_1021 : vector<16x32x128xi32>
    %and3A_1025 = arith.andi %eq3A_1023, %lt3A_1024 : vector<16x32x128xi1>
    %or3A_1026 = arith.ori %lt3A_1022, %and3A_1025 : vector<16x32x128xi1>
    %iota3A_1027 = tpu.iota {dimensions = array<i32: 1>} : vector<16x32x128xi32>
    %shift_right_arithmetic3A_1028 = arith.constant 0 : i32
    %shift_right_arithmetic3A_1029 = vector.broadcast %shift_right_arithmetic3A_1028 : i32 to vector<16x32x128xi32>
    %shift_right_arithmetic3A_1030 = arith.shrsi %iota3A_1027, %shift_right_arithmetic3A_1029 : vector<16x32x128xi32>
    %and3A_1031 = arith.constant 1 : i32
    %and3A_1032 = vector.broadcast %and3A_1031 : i32 to vector<16x32x128xi32>
    %and3A_1033 = arith.andi %shift_right_arithmetic3A_1030, %and3A_1032 : vector<16x32x128xi32>
    %eq3A_1034 = arith.constant 0 : i32
    %eq3A_1035 = vector.broadcast %eq3A_1034 : i32 to vector<16x32x128xi32>
    %eq3A_1036 = arith.cmpi eq, %and3A_1033, %eq3A_1035 : vector<16x32x128xi32>
    %eq3A_1037 = arith.xori %or3A_1026, %eq3A_1036 : vector<16x32x128xi1>
    %eq3A_1038 = arith.constant dense<true> : vector<16x32x128xi1>
    %eq3A_1039 = arith.xori %eq3A_1037, %eq3A_1038 : vector<16x32x128xi1>
    %select_n3A_1040 = arith.select %eq3A_1039, %squeeze3A_1015, %squeeze3A_1017 : vector<16x32x128xi1>, vector<16x32x128xf32>
    %select_n3A_1041 = arith.select %eq3A_1039, %squeeze3A_1017, %squeeze3A_1015 : vector<16x32x128xi1>, vector<16x32x128xf32>
    %select_n3A_1042 = arith.select %eq3A_1039, %squeeze3A_1019, %squeeze3A_1021 : vector<16x32x128xi1>, vector<16x32x128xi32>
    %select_n3A_1043 = arith.select %eq3A_1039, %squeeze3A_1021, %squeeze3A_1019 : vector<16x32x128xi1>, vector<16x32x128xi32>
    %broadcast_in_dim3A_1044 = vector.shape_cast %select_n3A_1040 : vector<16x32x128xf32> to vector<16x1x32x128xf32>
    %broadcast_in_dim3A_1045 = vector.shape_cast %select_n3A_1041 : vector<16x32x128xf32> to vector<16x1x32x128xf32>
    %concatenate3A_1046 = tpu.concatenate %broadcast_in_dim3A_1044, %broadcast_in_dim3A_1045 in 1 : vector<16x1x32x128xf32>, vector<16x1x32x128xf32> -> vector<16x2x32x128xf32>
    %reshape3A_1047 = vector.shape_cast %concatenate3A_1046 : vector<16x2x32x128xf32> to vector<1024x128xf32>
    %broadcast_in_dim3A_1048 = vector.shape_cast %select_n3A_1042 : vector<16x32x128xi32> to vector<16x1x32x128xi32>
    %broadcast_in_dim3A_1049 = vector.shape_cast %select_n3A_1043 : vector<16x32x128xi32> to vector<16x1x32x128xi32>
    %concatenate3A_1050 = tpu.concatenate %broadcast_in_dim3A_1048, %broadcast_in_dim3A_1049 in 1 : vector<16x1x32x128xi32>, vector<16x1x32x128xi32> -> vector<16x2x32x128xi32>
    %reshape3A_1051 = vector.shape_cast %concatenate3A_1050 : vector<16x2x32x128xi32> to vector<1024x128xi32>
    %reshape3A_1052 = vector.shape_cast %reshape3A_1047 : vector<1024x128xf32> to vector<32x2x16x128xf32>
    %reshape3A_1053 = vector.shape_cast %reshape3A_1051 : vector<1024x128xi32> to vector<32x2x16x128xi32>
    %slice3A_1054 = vector.extract_strided_slice %reshape3A_1052 {offsets = [0, 0, 0, 0], sizes = [32, 1, 16, 128], strides = [1, 1, 1, 1]} : vector<32x2x16x128xf32> to vector<32x1x16x128xf32>
    %squeeze3A_1055 = vector.shape_cast %slice3A_1054 : vector<32x1x16x128xf32> to vector<32x16x128xf32>
    %slice3A_1056 = vector.extract_strided_slice %reshape3A_1052 {offsets = [0, 1, 0, 0], sizes = [32, 1, 16, 128], strides = [1, 1, 1, 1]} : vector<32x2x16x128xf32> to vector<32x1x16x128xf32>
    %squeeze3A_1057 = vector.shape_cast %slice3A_1056 : vector<32x1x16x128xf32> to vector<32x16x128xf32>
    %slice3A_1058 = vector.extract_strided_slice %reshape3A_1053 {offsets = [0, 0, 0, 0], sizes = [32, 1, 16, 128], strides = [1, 1, 1, 1]} : vector<32x2x16x128xi32> to vector<32x1x16x128xi32>
    %squeeze3A_1059 = vector.shape_cast %slice3A_1058 : vector<32x1x16x128xi32> to vector<32x16x128xi32>
    %slice3A_1060 = vector.extract_strided_slice %reshape3A_1053 {offsets = [0, 1, 0, 0], sizes = [32, 1, 16, 128], strides = [1, 1, 1, 1]} : vector<32x2x16x128xi32> to vector<32x1x16x128xi32>
    %squeeze3A_1061 = vector.shape_cast %slice3A_1060 : vector<32x1x16x128xi32> to vector<32x16x128xi32>
    %lt3A_1062 = arith.cmpf olt, %squeeze3A_1055, %squeeze3A_1057 : vector<32x16x128xf32>
    %eq3A_1063 = arith.cmpf oeq, %squeeze3A_1055, %squeeze3A_1057 : vector<32x16x128xf32>
    %lt3A_1064 = arith.cmpi slt, %squeeze3A_1059, %squeeze3A_1061 : vector<32x16x128xi32>
    %and3A_1065 = arith.andi %eq3A_1063, %lt3A_1064 : vector<32x16x128xi1>
    %or3A_1066 = arith.ori %lt3A_1062, %and3A_1065 : vector<32x16x128xi1>
    %iota3A_1067 = tpu.iota {dimensions = array<i32: 1>} : vector<32x16x128xi32>
    %shift_right_arithmetic3A_1068 = arith.constant 0 : i32
    %shift_right_arithmetic3A_1069 = vector.broadcast %shift_right_arithmetic3A_1068 : i32 to vector<32x16x128xi32>
    %shift_right_arithmetic3A_1070 = arith.shrsi %iota3A_1067, %shift_right_arithmetic3A_1069 : vector<32x16x128xi32>
    %and3A_1071 = arith.constant 1 : i32
    %and3A_1072 = vector.broadcast %and3A_1071 : i32 to vector<32x16x128xi32>
    %and3A_1073 = arith.andi %shift_right_arithmetic3A_1070, %and3A_1072 : vector<32x16x128xi32>
    %eq3A_1074 = arith.constant 0 : i32
    %eq3A_1075 = vector.broadcast %eq3A_1074 : i32 to vector<32x16x128xi32>
    %eq3A_1076 = arith.cmpi eq, %and3A_1073, %eq3A_1075 : vector<32x16x128xi32>
    %eq3A_1077 = arith.xori %or3A_1066, %eq3A_1076 : vector<32x16x128xi1>
    %eq3A_1078 = arith.constant dense<true> : vector<32x16x128xi1>
    %eq3A_1079 = arith.xori %eq3A_1077, %eq3A_1078 : vector<32x16x128xi1>
    %select_n3A_1080 = arith.select %eq3A_1079, %squeeze3A_1055, %squeeze3A_1057 : vector<32x16x128xi1>, vector<32x16x128xf32>
    %select_n3A_1081 = arith.select %eq3A_1079, %squeeze3A_1057, %squeeze3A_1055 : vector<32x16x128xi1>, vector<32x16x128xf32>
    %select_n3A_1082 = arith.select %eq3A_1079, %squeeze3A_1059, %squeeze3A_1061 : vector<32x16x128xi1>, vector<32x16x128xi32>
    %select_n3A_1083 = arith.select %eq3A_1079, %squeeze3A_1061, %squeeze3A_1059 : vector<32x16x128xi1>, vector<32x16x128xi32>
    %broadcast_in_dim3A_1084 = vector.shape_cast %select_n3A_1080 : vector<32x16x128xf32> to vector<32x1x16x128xf32>
    %broadcast_in_dim3A_1085 = vector.shape_cast %select_n3A_1081 : vector<32x16x128xf32> to vector<32x1x16x128xf32>
    %concatenate3A_1086 = tpu.concatenate %broadcast_in_dim3A_1084, %broadcast_in_dim3A_1085 in 1 : vector<32x1x16x128xf32>, vector<32x1x16x128xf32> -> vector<32x2x16x128xf32>
    %reshape3A_1087 = vector.shape_cast %concatenate3A_1086 : vector<32x2x16x128xf32> to vector<1024x128xf32>
    %broadcast_in_dim3A_1088 = vector.shape_cast %select_n3A_1082 : vector<32x16x128xi32> to vector<32x1x16x128xi32>
    %broadcast_in_dim3A_1089 = vector.shape_cast %select_n3A_1083 : vector<32x16x128xi32> to vector<32x1x16x128xi32>
    %concatenate3A_1090 = tpu.concatenate %broadcast_in_dim3A_1088, %broadcast_in_dim3A_1089 in 1 : vector<32x1x16x128xi32>, vector<32x1x16x128xi32> -> vector<32x2x16x128xi32>
    %reshape3A_1091 = vector.shape_cast %concatenate3A_1090 : vector<32x2x16x128xi32> to vector<1024x128xi32>
    %reshape3A_1092 = vector.shape_cast %reshape3A_1087 : vector<1024x128xf32> to vector<64x2x8x128xf32>
    %reshape3A_1093 = vector.shape_cast %reshape3A_1091 : vector<1024x128xi32> to vector<64x2x8x128xi32>
    %slice3A_1094 = vector.extract_strided_slice %reshape3A_1092 {offsets = [0, 0, 0, 0], sizes = [64, 1, 8, 128], strides = [1, 1, 1, 1]} : vector<64x2x8x128xf32> to vector<64x1x8x128xf32>
    %squeeze3A_1095 = vector.shape_cast %slice3A_1094 : vector<64x1x8x128xf32> to vector<64x8x128xf32>
    %slice3A_1096 = vector.extract_strided_slice %reshape3A_1092 {offsets = [0, 1, 0, 0], sizes = [64, 1, 8, 128], strides = [1, 1, 1, 1]} : vector<64x2x8x128xf32> to vector<64x1x8x128xf32>
    %squeeze3A_1097 = vector.shape_cast %slice3A_1096 : vector<64x1x8x128xf32> to vector<64x8x128xf32>
    %slice3A_1098 = vector.extract_strided_slice %reshape3A_1093 {offsets = [0, 0, 0, 0], sizes = [64, 1, 8, 128], strides = [1, 1, 1, 1]} : vector<64x2x8x128xi32> to vector<64x1x8x128xi32>
    %squeeze3A_1099 = vector.shape_cast %slice3A_1098 : vector<64x1x8x128xi32> to vector<64x8x128xi32>
    %slice3A_1100 = vector.extract_strided_slice %reshape3A_1093 {offsets = [0, 1, 0, 0], sizes = [64, 1, 8, 128], strides = [1, 1, 1, 1]} : vector<64x2x8x128xi32> to vector<64x1x8x128xi32>
    %squeeze3A_1101 = vector.shape_cast %slice3A_1100 : vector<64x1x8x128xi32> to vector<64x8x128xi32>
    %lt3A_1102 = arith.cmpf olt, %squeeze3A_1095, %squeeze3A_1097 : vector<64x8x128xf32>
    %eq3A_1103 = arith.cmpf oeq, %squeeze3A_1095, %squeeze3A_1097 : vector<64x8x128xf32>
    %lt3A_1104 = arith.cmpi slt, %squeeze3A_1099, %squeeze3A_1101 : vector<64x8x128xi32>
    %and3A_1105 = arith.andi %eq3A_1103, %lt3A_1104 : vector<64x8x128xi1>
    %or3A_1106 = arith.ori %lt3A_1102, %and3A_1105 : vector<64x8x128xi1>
    %iota3A_1107 = tpu.iota {dimensions = array<i32: 1>} : vector<64x8x128xi32>
    %shift_right_arithmetic3A_1108 = arith.constant 0 : i32
    %shift_right_arithmetic3A_1109 = vector.broadcast %shift_right_arithmetic3A_1108 : i32 to vector<64x8x128xi32>
    %shift_right_arithmetic3A_1110 = arith.shrsi %iota3A_1107, %shift_right_arithmetic3A_1109 : vector<64x8x128xi32>
    %and3A_1111 = arith.constant 1 : i32
    %and3A_1112 = vector.broadcast %and3A_1111 : i32 to vector<64x8x128xi32>
    %and3A_1113 = arith.andi %shift_right_arithmetic3A_1110, %and3A_1112 : vector<64x8x128xi32>
    %eq3A_1114 = arith.constant 0 : i32
    %eq3A_1115 = vector.broadcast %eq3A_1114 : i32 to vector<64x8x128xi32>
    %eq3A_1116 = arith.cmpi eq, %and3A_1113, %eq3A_1115 : vector<64x8x128xi32>
    %eq3A_1117 = arith.xori %or3A_1106, %eq3A_1116 : vector<64x8x128xi1>
    %eq3A_1118 = arith.constant dense<true> : vector<64x8x128xi1>
    %eq3A_1119 = arith.xori %eq3A_1117, %eq3A_1118 : vector<64x8x128xi1>
    %select_n3A_1120 = arith.select %eq3A_1119, %squeeze3A_1095, %squeeze3A_1097 : vector<64x8x128xi1>, vector<64x8x128xf32>
    %select_n3A_1121 = arith.select %eq3A_1119, %squeeze3A_1097, %squeeze3A_1095 : vector<64x8x128xi1>, vector<64x8x128xf32>
    %select_n3A_1122 = arith.select %eq3A_1119, %squeeze3A_1099, %squeeze3A_1101 : vector<64x8x128xi1>, vector<64x8x128xi32>
    %select_n3A_1123 = arith.select %eq3A_1119, %squeeze3A_1101, %squeeze3A_1099 : vector<64x8x128xi1>, vector<64x8x128xi32>
    %broadcast_in_dim3A_1124 = vector.shape_cast %select_n3A_1120 : vector<64x8x128xf32> to vector<64x1x8x128xf32>
    %broadcast_in_dim3A_1125 = vector.shape_cast %select_n3A_1121 : vector<64x8x128xf32> to vector<64x1x8x128xf32>
    %concatenate3A_1126 = tpu.concatenate %broadcast_in_dim3A_1124, %broadcast_in_dim3A_1125 in 1 : vector<64x1x8x128xf32>, vector<64x1x8x128xf32> -> vector<64x2x8x128xf32>
    %reshape3A_1127 = vector.shape_cast %concatenate3A_1126 : vector<64x2x8x128xf32> to vector<1024x128xf32>
    %broadcast_in_dim3A_1128 = vector.shape_cast %select_n3A_1122 : vector<64x8x128xi32> to vector<64x1x8x128xi32>
    %broadcast_in_dim3A_1129 = vector.shape_cast %select_n3A_1123 : vector<64x8x128xi32> to vector<64x1x8x128xi32>
    %concatenate3A_1130 = tpu.concatenate %broadcast_in_dim3A_1128, %broadcast_in_dim3A_1129 in 1 : vector<64x1x8x128xi32>, vector<64x1x8x128xi32> -> vector<64x2x8x128xi32>
    %reshape3A_1131 = vector.shape_cast %concatenate3A_1130 : vector<64x2x8x128xi32> to vector<1024x128xi32>
    %and3A_1132 = arith.constant 1 : i32
    %and3A_1133 = vector.broadcast %and3A_1132 : i32 to vector<1024x128xi32>
    %and3A_1134 = arith.andi %iota3A, %and3A_1133 : vector<1024x128xi32>
    %eq3A_1135 = arith.constant 0 : i32
    %eq3A_1136 = vector.broadcast %eq3A_1135 : i32 to vector<1024x128xi32>
    %eq3A_1137 = arith.cmpi eq, %and3A_1134, %eq3A_1136 : vector<1024x128xi32>
    %slice3A_1138 = vector.extract_strided_slice %reshape3A_1127 {offsets = [1, 0], sizes = [1023, 128], strides = [1, 1]} : vector<1024x128xf32> to vector<1023x128xf32>
    %slice3A_1139 = vector.extract_strided_slice %reshape3A_1127 {offsets = [0, 0], sizes = [1, 128], strides = [1, 1]} : vector<1024x128xf32> to vector<1x128xf32>
    %concatenate3A_1140 = tpu.concatenate %slice3A_1138, %slice3A_1139 in 0 : vector<1023x128xf32>, vector<1x128xf32> -> vector<1024x128xf32>
    %slice3A_1141 = vector.extract_strided_slice %reshape3A_1127 {offsets = [1023, 0], sizes = [1, 128], strides = [1, 1]} : vector<1024x128xf32> to vector<1x128xf32>
    %slice3A_1142 = vector.extract_strided_slice %reshape3A_1127 {offsets = [0, 0], sizes = [1023, 128], strides = [1, 1]} : vector<1024x128xf32> to vector<1023x128xf32>
    %concatenate3A_1143 = tpu.concatenate %slice3A_1141, %slice3A_1142 in 0 : vector<1x128xf32>, vector<1023x128xf32> -> vector<1024x128xf32>
    %select_n3A_1144 = arith.select %eq3A_1137, %concatenate3A_1140, %concatenate3A_1143 : vector<1024x128xi1>, vector<1024x128xf32>
    %slice3A_1145 = vector.extract_strided_slice %reshape3A_1131 {offsets = [1, 0], sizes = [1023, 128], strides = [1, 1]} : vector<1024x128xi32> to vector<1023x128xi32>
    %slice3A_1146 = vector.extract_strided_slice %reshape3A_1131 {offsets = [0, 0], sizes = [1, 128], strides = [1, 1]} : vector<1024x128xi32> to vector<1x128xi32>
    %concatenate3A_1147 = tpu.concatenate %slice3A_1145, %slice3A_1146 in 0 : vector<1023x128xi32>, vector<1x128xi32> -> vector<1024x128xi32>
    %slice3A_1148 = vector.extract_strided_slice %reshape3A_1131 {offsets = [1023, 0], sizes = [1, 128], strides = [1, 1]} : vector<1024x128xi32> to vector<1x128xi32>
    %slice3A_1149 = vector.extract_strided_slice %reshape3A_1131 {offsets = [0, 0], sizes = [1023, 128], strides = [1, 1]} : vector<1024x128xi32> to vector<1023x128xi32>
    %concatenate3A_1150 = tpu.concatenate %slice3A_1148, %slice3A_1149 in 0 : vector<1x128xi32>, vector<1023x128xi32> -> vector<1024x128xi32>
    %select_n3A_1151 = arith.select %eq3A_1137, %concatenate3A_1147, %concatenate3A_1150 : vector<1024x128xi1>, vector<1024x128xi32>
    %lt3A_1152 = arith.cmpf olt, %reshape3A_1127, %select_n3A_1144 : vector<1024x128xf32>
    %eq3A_1153 = arith.cmpf oeq, %reshape3A_1127, %select_n3A_1144 : vector<1024x128xf32>
    %lt3A_1154 = arith.cmpi slt, %reshape3A_1131, %select_n3A_1151 : vector<1024x128xi32>
    %and3A_1155 = arith.andi %eq3A_1153, %lt3A_1154 : vector<1024x128xi1>
    %or3A_1156 = arith.ori %lt3A_1152, %and3A_1155 : vector<1024x128xi1>
    %shift_right_arithmetic3A_1157 = arith.constant 1 : i32
    %shift_right_arithmetic3A_1158 = vector.broadcast %shift_right_arithmetic3A_1157 : i32 to vector<1024x128xi32>
    %shift_right_arithmetic3A_1159 = arith.shrsi %iota3A, %shift_right_arithmetic3A_1158 : vector<1024x128xi32>
    %and3A_1160 = arith.constant 1 : i32
    %and3A_1161 = vector.broadcast %and3A_1160 : i32 to vector<1024x128xi32>
    %and3A_1162 = arith.andi %shift_right_arithmetic3A_1159, %and3A_1161 : vector<1024x128xi32>
    %eq3A_1163 = arith.constant 0 : i32
    %eq3A_1164 = vector.broadcast %eq3A_1163 : i32 to vector<1024x128xi32>
    %eq3A_1165 = arith.cmpi eq, %and3A_1162, %eq3A_1164 : vector<1024x128xi32>
    %xor3A = arith.xori %or3A_1156, %eq3A_1165 : vector<1024x128xi1>
    %xor3A_1166 = arith.xori %xor3A, %eq3A_1137 : vector<1024x128xi1>
    %select_n3A_1167 = arith.select %xor3A_1166, %reshape3A_1127, %select_n3A_1144 : vector<1024x128xi1>, vector<1024x128xf32>
    %select_n3A_1168 = arith.select %xor3A_1166, %reshape3A_1131, %select_n3A_1151 : vector<1024x128xi1>, vector<1024x128xi32>
    %reshape3A_1169 = vector.shape_cast %select_n3A_1167 : vector<1024x128xf32> to vector<1x2x512x128xf32>
    %reshape3A_1170 = vector.shape_cast %select_n3A_1168 : vector<1024x128xi32> to vector<1x2x512x128xi32>
    %slice3A_1171 = vector.extract_strided_slice %reshape3A_1169 {offsets = [0, 0, 0, 0], sizes = [1, 1, 512, 128], strides = [1, 1, 1, 1]} : vector<1x2x512x128xf32> to vector<1x1x512x128xf32>
    %squeeze3A_1172 = vector.shape_cast %slice3A_1171 : vector<1x1x512x128xf32> to vector<1x512x128xf32>
    %slice3A_1173 = vector.extract_strided_slice %reshape3A_1169 {offsets = [0, 1, 0, 0], sizes = [1, 1, 512, 128], strides = [1, 1, 1, 1]} : vector<1x2x512x128xf32> to vector<1x1x512x128xf32>
    %squeeze3A_1174 = vector.shape_cast %slice3A_1173 : vector<1x1x512x128xf32> to vector<1x512x128xf32>
    %slice3A_1175 = vector.extract_strided_slice %reshape3A_1170 {offsets = [0, 0, 0, 0], sizes = [1, 1, 512, 128], strides = [1, 1, 1, 1]} : vector<1x2x512x128xi32> to vector<1x1x512x128xi32>
    %squeeze3A_1176 = vector.shape_cast %slice3A_1175 : vector<1x1x512x128xi32> to vector<1x512x128xi32>
    %slice3A_1177 = vector.extract_strided_slice %reshape3A_1170 {offsets = [0, 1, 0, 0], sizes = [1, 1, 512, 128], strides = [1, 1, 1, 1]} : vector<1x2x512x128xi32> to vector<1x1x512x128xi32>
    %squeeze3A_1178 = vector.shape_cast %slice3A_1177 : vector<1x1x512x128xi32> to vector<1x512x128xi32>
    %lt3A_1179 = arith.cmpf olt, %squeeze3A_1172, %squeeze3A_1174 : vector<1x512x128xf32>
    %eq3A_1180 = arith.cmpf oeq, %squeeze3A_1172, %squeeze3A_1174 : vector<1x512x128xf32>
    %lt3A_1181 = arith.cmpi slt, %squeeze3A_1176, %squeeze3A_1178 : vector<1x512x128xi32>
    %and3A_1182 = arith.andi %eq3A_1180, %lt3A_1181 : vector<1x512x128xi1>
    %or3A_1183 = arith.ori %lt3A_1179, %and3A_1182 : vector<1x512x128xi1>
    %iota3A_1184 = tpu.iota {dimensions = array<i32: 1>} : vector<1x512x128xi32>
    %shift_right_arithmetic3A_1185 = arith.constant 1 : i32
    %shift_right_arithmetic3A_1186 = vector.broadcast %shift_right_arithmetic3A_1185 : i32 to vector<1x512x128xi32>
    %shift_right_arithmetic3A_1187 = arith.shrsi %iota3A_1184, %shift_right_arithmetic3A_1186 : vector<1x512x128xi32>
    %and3A_1188 = arith.constant 1 : i32
    %and3A_1189 = vector.broadcast %and3A_1188 : i32 to vector<1x512x128xi32>
    %and3A_1190 = arith.andi %shift_right_arithmetic3A_1187, %and3A_1189 : vector<1x512x128xi32>
    %eq3A_1191 = arith.constant 0 : i32
    %eq3A_1192 = vector.broadcast %eq3A_1191 : i32 to vector<1x512x128xi32>
    %eq3A_1193 = arith.cmpi eq, %and3A_1190, %eq3A_1192 : vector<1x512x128xi32>
    %eq3A_1194 = arith.xori %or3A_1183, %eq3A_1193 : vector<1x512x128xi1>
    %eq3A_1195 = arith.constant dense<true> : vector<1x512x128xi1>
    %eq3A_1196 = arith.xori %eq3A_1194, %eq3A_1195 : vector<1x512x128xi1>
    %select_n3A_1197 = arith.select %eq3A_1196, %squeeze3A_1172, %squeeze3A_1174 : vector<1x512x128xi1>, vector<1x512x128xf32>
    %select_n3A_1198 = arith.select %eq3A_1196, %squeeze3A_1174, %squeeze3A_1172 : vector<1x512x128xi1>, vector<1x512x128xf32>
    %select_n3A_1199 = arith.select %eq3A_1196, %squeeze3A_1176, %squeeze3A_1178 : vector<1x512x128xi1>, vector<1x512x128xi32>
    %select_n3A_1200 = arith.select %eq3A_1196, %squeeze3A_1178, %squeeze3A_1176 : vector<1x512x128xi1>, vector<1x512x128xi32>
    %broadcast_in_dim3A_1201 = vector.shape_cast %select_n3A_1197 : vector<1x512x128xf32> to vector<1x1x512x128xf32>
    %broadcast_in_dim3A_1202 = vector.shape_cast %select_n3A_1198 : vector<1x512x128xf32> to vector<1x1x512x128xf32>
    %concatenate3A_1203 = tpu.concatenate %broadcast_in_dim3A_1201, %broadcast_in_dim3A_1202 in 1 : vector<1x1x512x128xf32>, vector<1x1x512x128xf32> -> vector<1x2x512x128xf32>
    %reshape3A_1204 = vector.shape_cast %concatenate3A_1203 : vector<1x2x512x128xf32> to vector<1024x128xf32>
    %broadcast_in_dim3A_1205 = vector.shape_cast %select_n3A_1199 : vector<1x512x128xi32> to vector<1x1x512x128xi32>
    %broadcast_in_dim3A_1206 = vector.shape_cast %select_n3A_1200 : vector<1x512x128xi32> to vector<1x1x512x128xi32>
    %concatenate3A_1207 = tpu.concatenate %broadcast_in_dim3A_1205, %broadcast_in_dim3A_1206 in 1 : vector<1x1x512x128xi32>, vector<1x1x512x128xi32> -> vector<1x2x512x128xi32>
    %reshape3A_1208 = vector.shape_cast %concatenate3A_1207 : vector<1x2x512x128xi32> to vector<1024x128xi32>
    %reshape3A_1209 = vector.shape_cast %reshape3A_1204 : vector<1024x128xf32> to vector<2x2x256x128xf32>
    %reshape3A_1210 = vector.shape_cast %reshape3A_1208 : vector<1024x128xi32> to vector<2x2x256x128xi32>
    %slice3A_1211 = vector.extract_strided_slice %reshape3A_1209 {offsets = [0, 0, 0, 0], sizes = [2, 1, 256, 128], strides = [1, 1, 1, 1]} : vector<2x2x256x128xf32> to vector<2x1x256x128xf32>
    %squeeze3A_1212 = vector.shape_cast %slice3A_1211 : vector<2x1x256x128xf32> to vector<2x256x128xf32>
    %slice3A_1213 = vector.extract_strided_slice %reshape3A_1209 {offsets = [0, 1, 0, 0], sizes = [2, 1, 256, 128], strides = [1, 1, 1, 1]} : vector<2x2x256x128xf32> to vector<2x1x256x128xf32>
    %squeeze3A_1214 = vector.shape_cast %slice3A_1213 : vector<2x1x256x128xf32> to vector<2x256x128xf32>
    %slice3A_1215 = vector.extract_strided_slice %reshape3A_1210 {offsets = [0, 0, 0, 0], sizes = [2, 1, 256, 128], strides = [1, 1, 1, 1]} : vector<2x2x256x128xi32> to vector<2x1x256x128xi32>
    %squeeze3A_1216 = vector.shape_cast %slice3A_1215 : vector<2x1x256x128xi32> to vector<2x256x128xi32>
    %slice3A_1217 = vector.extract_strided_slice %reshape3A_1210 {offsets = [0, 1, 0, 0], sizes = [2, 1, 256, 128], strides = [1, 1, 1, 1]} : vector<2x2x256x128xi32> to vector<2x1x256x128xi32>
    %squeeze3A_1218 = vector.shape_cast %slice3A_1217 : vector<2x1x256x128xi32> to vector<2x256x128xi32>
    %lt3A_1219 = arith.cmpf olt, %squeeze3A_1212, %squeeze3A_1214 : vector<2x256x128xf32>
    %eq3A_1220 = arith.cmpf oeq, %squeeze3A_1212, %squeeze3A_1214 : vector<2x256x128xf32>
    %lt3A_1221 = arith.cmpi slt, %squeeze3A_1216, %squeeze3A_1218 : vector<2x256x128xi32>
    %and3A_1222 = arith.andi %eq3A_1220, %lt3A_1221 : vector<2x256x128xi1>
    %or3A_1223 = arith.ori %lt3A_1219, %and3A_1222 : vector<2x256x128xi1>
    %iota3A_1224 = tpu.iota {dimensions = array<i32: 1>} : vector<2x256x128xi32>
    %shift_right_arithmetic3A_1225 = arith.constant 1 : i32
    %shift_right_arithmetic3A_1226 = vector.broadcast %shift_right_arithmetic3A_1225 : i32 to vector<2x256x128xi32>
    %shift_right_arithmetic3A_1227 = arith.shrsi %iota3A_1224, %shift_right_arithmetic3A_1226 : vector<2x256x128xi32>
    %and3A_1228 = arith.constant 1 : i32
    %and3A_1229 = vector.broadcast %and3A_1228 : i32 to vector<2x256x128xi32>
    %and3A_1230 = arith.andi %shift_right_arithmetic3A_1227, %and3A_1229 : vector<2x256x128xi32>
    %eq3A_1231 = arith.constant 0 : i32
    %eq3A_1232 = vector.broadcast %eq3A_1231 : i32 to vector<2x256x128xi32>
    %eq3A_1233 = arith.cmpi eq, %and3A_1230, %eq3A_1232 : vector<2x256x128xi32>
    %eq3A_1234 = arith.xori %or3A_1223, %eq3A_1233 : vector<2x256x128xi1>
    %eq3A_1235 = arith.constant dense<true> : vector<2x256x128xi1>
    %eq3A_1236 = arith.xori %eq3A_1234, %eq3A_1235 : vector<2x256x128xi1>
    %select_n3A_1237 = arith.select %eq3A_1236, %squeeze3A_1212, %squeeze3A_1214 : vector<2x256x128xi1>, vector<2x256x128xf32>
    %select_n3A_1238 = arith.select %eq3A_1236, %squeeze3A_1214, %squeeze3A_1212 : vector<2x256x128xi1>, vector<2x256x128xf32>
    %select_n3A_1239 = arith.select %eq3A_1236, %squeeze3A_1216, %squeeze3A_1218 : vector<2x256x128xi1>, vector<2x256x128xi32>
    %select_n3A_1240 = arith.select %eq3A_1236, %squeeze3A_1218, %squeeze3A_1216 : vector<2x256x128xi1>, vector<2x256x128xi32>
    %broadcast_in_dim3A_1241 = vector.shape_cast %select_n3A_1237 : vector<2x256x128xf32> to vector<2x1x256x128xf32>
    %broadcast_in_dim3A_1242 = vector.shape_cast %select_n3A_1238 : vector<2x256x128xf32> to vector<2x1x256x128xf32>
    %concatenate3A_1243 = tpu.concatenate %broadcast_in_dim3A_1241, %broadcast_in_dim3A_1242 in 1 : vector<2x1x256x128xf32>, vector<2x1x256x128xf32> -> vector<2x2x256x128xf32>
    %reshape3A_1244 = vector.shape_cast %concatenate3A_1243 : vector<2x2x256x128xf32> to vector<1024x128xf32>
    %broadcast_in_dim3A_1245 = vector.shape_cast %select_n3A_1239 : vector<2x256x128xi32> to vector<2x1x256x128xi32>
    %broadcast_in_dim3A_1246 = vector.shape_cast %select_n3A_1240 : vector<2x256x128xi32> to vector<2x1x256x128xi32>
    %concatenate3A_1247 = tpu.concatenate %broadcast_in_dim3A_1245, %broadcast_in_dim3A_1246 in 1 : vector<2x1x256x128xi32>, vector<2x1x256x128xi32> -> vector<2x2x256x128xi32>
    %reshape3A_1248 = vector.shape_cast %concatenate3A_1247 : vector<2x2x256x128xi32> to vector<1024x128xi32>
    %reshape3A_1249 = vector.shape_cast %reshape3A_1244 : vector<1024x128xf32> to vector<4x2x128x128xf32>
    %reshape3A_1250 = vector.shape_cast %reshape3A_1248 : vector<1024x128xi32> to vector<4x2x128x128xi32>
    %slice3A_1251 = vector.extract_strided_slice %reshape3A_1249 {offsets = [0, 0, 0, 0], sizes = [4, 1, 128, 128], strides = [1, 1, 1, 1]} : vector<4x2x128x128xf32> to vector<4x1x128x128xf32>
    %squeeze3A_1252 = vector.shape_cast %slice3A_1251 : vector<4x1x128x128xf32> to vector<4x128x128xf32>
    %slice3A_1253 = vector.extract_strided_slice %reshape3A_1249 {offsets = [0, 1, 0, 0], sizes = [4, 1, 128, 128], strides = [1, 1, 1, 1]} : vector<4x2x128x128xf32> to vector<4x1x128x128xf32>
    %squeeze3A_1254 = vector.shape_cast %slice3A_1253 : vector<4x1x128x128xf32> to vector<4x128x128xf32>
    %slice3A_1255 = vector.extract_strided_slice %reshape3A_1250 {offsets = [0, 0, 0, 0], sizes = [4, 1, 128, 128], strides = [1, 1, 1, 1]} : vector<4x2x128x128xi32> to vector<4x1x128x128xi32>
    %squeeze3A_1256 = vector.shape_cast %slice3A_1255 : vector<4x1x128x128xi32> to vector<4x128x128xi32>
    %slice3A_1257 = vector.extract_strided_slice %reshape3A_1250 {offsets = [0, 1, 0, 0], sizes = [4, 1, 128, 128], strides = [1, 1, 1, 1]} : vector<4x2x128x128xi32> to vector<4x1x128x128xi32>
    %squeeze3A_1258 = vector.shape_cast %slice3A_1257 : vector<4x1x128x128xi32> to vector<4x128x128xi32>
    %lt3A_1259 = arith.cmpf olt, %squeeze3A_1252, %squeeze3A_1254 : vector<4x128x128xf32>
    %eq3A_1260 = arith.cmpf oeq, %squeeze3A_1252, %squeeze3A_1254 : vector<4x128x128xf32>
    %lt3A_1261 = arith.cmpi slt, %squeeze3A_1256, %squeeze3A_1258 : vector<4x128x128xi32>
    %and3A_1262 = arith.andi %eq3A_1260, %lt3A_1261 : vector<4x128x128xi1>
    %or3A_1263 = arith.ori %lt3A_1259, %and3A_1262 : vector<4x128x128xi1>
    %iota3A_1264 = tpu.iota {dimensions = array<i32: 1>} : vector<4x128x128xi32>
    %shift_right_arithmetic3A_1265 = arith.constant 1 : i32
    %shift_right_arithmetic3A_1266 = vector.broadcast %shift_right_arithmetic3A_1265 : i32 to vector<4x128x128xi32>
    %shift_right_arithmetic3A_1267 = arith.shrsi %iota3A_1264, %shift_right_arithmetic3A_1266 : vector<4x128x128xi32>
    %and3A_1268 = arith.constant 1 : i32
    %and3A_1269 = vector.broadcast %and3A_1268 : i32 to vector<4x128x128xi32>
    %and3A_1270 = arith.andi %shift_right_arithmetic3A_1267, %and3A_1269 : vector<4x128x128xi32>
    %eq3A_1271 = arith.constant 0 : i32
    %eq3A_1272 = vector.broadcast %eq3A_1271 : i32 to vector<4x128x128xi32>
    %eq3A_1273 = arith.cmpi eq, %and3A_1270, %eq3A_1272 : vector<4x128x128xi32>
    %eq3A_1274 = arith.xori %or3A_1263, %eq3A_1273 : vector<4x128x128xi1>
    %eq3A_1275 = arith.constant dense<true> : vector<4x128x128xi1>
    %eq3A_1276 = arith.xori %eq3A_1274, %eq3A_1275 : vector<4x128x128xi1>
    %select_n3A_1277 = arith.select %eq3A_1276, %squeeze3A_1252, %squeeze3A_1254 : vector<4x128x128xi1>, vector<4x128x128xf32>
    %select_n3A_1278 = arith.select %eq3A_1276, %squeeze3A_1254, %squeeze3A_1252 : vector<4x128x128xi1>, vector<4x128x128xf32>
    %select_n3A_1279 = arith.select %eq3A_1276, %squeeze3A_1256, %squeeze3A_1258 : vector<4x128x128xi1>, vector<4x128x128xi32>
    %select_n3A_1280 = arith.select %eq3A_1276, %squeeze3A_1258, %squeeze3A_1256 : vector<4x128x128xi1>, vector<4x128x128xi32>
    %broadcast_in_dim3A_1281 = vector.shape_cast %select_n3A_1277 : vector<4x128x128xf32> to vector<4x1x128x128xf32>
    %broadcast_in_dim3A_1282 = vector.shape_cast %select_n3A_1278 : vector<4x128x128xf32> to vector<4x1x128x128xf32>
    %concatenate3A_1283 = tpu.concatenate %broadcast_in_dim3A_1281, %broadcast_in_dim3A_1282 in 1 : vector<4x1x128x128xf32>, vector<4x1x128x128xf32> -> vector<4x2x128x128xf32>
    %reshape3A_1284 = vector.shape_cast %concatenate3A_1283 : vector<4x2x128x128xf32> to vector<1024x128xf32>
    %broadcast_in_dim3A_1285 = vector.shape_cast %select_n3A_1279 : vector<4x128x128xi32> to vector<4x1x128x128xi32>
    %broadcast_in_dim3A_1286 = vector.shape_cast %select_n3A_1280 : vector<4x128x128xi32> to vector<4x1x128x128xi32>
    %concatenate3A_1287 = tpu.concatenate %broadcast_in_dim3A_1285, %broadcast_in_dim3A_1286 in 1 : vector<4x1x128x128xi32>, vector<4x1x128x128xi32> -> vector<4x2x128x128xi32>
    %reshape3A_1288 = vector.shape_cast %concatenate3A_1287 : vector<4x2x128x128xi32> to vector<1024x128xi32>
    %reshape3A_1289 = vector.shape_cast %reshape3A_1284 : vector<1024x128xf32> to vector<8x2x64x128xf32>
    %reshape3A_1290 = vector.shape_cast %reshape3A_1288 : vector<1024x128xi32> to vector<8x2x64x128xi32>
    %slice3A_1291 = vector.extract_strided_slice %reshape3A_1289 {offsets = [0, 0, 0, 0], sizes = [8, 1, 64, 128], strides = [1, 1, 1, 1]} : vector<8x2x64x128xf32> to vector<8x1x64x128xf32>
    %squeeze3A_1292 = vector.shape_cast %slice3A_1291 : vector<8x1x64x128xf32> to vector<8x64x128xf32>
    %slice3A_1293 = vector.extract_strided_slice %reshape3A_1289 {offsets = [0, 1, 0, 0], sizes = [8, 1, 64, 128], strides = [1, 1, 1, 1]} : vector<8x2x64x128xf32> to vector<8x1x64x128xf32>
    %squeeze3A_1294 = vector.shape_cast %slice3A_1293 : vector<8x1x64x128xf32> to vector<8x64x128xf32>
    %slice3A_1295 = vector.extract_strided_slice %reshape3A_1290 {offsets = [0, 0, 0, 0], sizes = [8, 1, 64, 128], strides = [1, 1, 1, 1]} : vector<8x2x64x128xi32> to vector<8x1x64x128xi32>
    %squeeze3A_1296 = vector.shape_cast %slice3A_1295 : vector<8x1x64x128xi32> to vector<8x64x128xi32>
    %slice3A_1297 = vector.extract_strided_slice %reshape3A_1290 {offsets = [0, 1, 0, 0], sizes = [8, 1, 64, 128], strides = [1, 1, 1, 1]} : vector<8x2x64x128xi32> to vector<8x1x64x128xi32>
    %squeeze3A_1298 = vector.shape_cast %slice3A_1297 : vector<8x1x64x128xi32> to vector<8x64x128xi32>
    %lt3A_1299 = arith.cmpf olt, %squeeze3A_1292, %squeeze3A_1294 : vector<8x64x128xf32>
    %eq3A_1300 = arith.cmpf oeq, %squeeze3A_1292, %squeeze3A_1294 : vector<8x64x128xf32>
    %lt3A_1301 = arith.cmpi slt, %squeeze3A_1296, %squeeze3A_1298 : vector<8x64x128xi32>
    %and3A_1302 = arith.andi %eq3A_1300, %lt3A_1301 : vector<8x64x128xi1>
    %or3A_1303 = arith.ori %lt3A_1299, %and3A_1302 : vector<8x64x128xi1>
    %iota3A_1304 = tpu.iota {dimensions = array<i32: 1>} : vector<8x64x128xi32>
    %shift_right_arithmetic3A_1305 = arith.constant 1 : i32
    %shift_right_arithmetic3A_1306 = vector.broadcast %shift_right_arithmetic3A_1305 : i32 to vector<8x64x128xi32>
    %shift_right_arithmetic3A_1307 = arith.shrsi %iota3A_1304, %shift_right_arithmetic3A_1306 : vector<8x64x128xi32>
    %and3A_1308 = arith.constant 1 : i32
    %and3A_1309 = vector.broadcast %and3A_1308 : i32 to vector<8x64x128xi32>
    %and3A_1310 = arith.andi %shift_right_arithmetic3A_1307, %and3A_1309 : vector<8x64x128xi32>
    %eq3A_1311 = arith.constant 0 : i32
    %eq3A_1312 = vector.broadcast %eq3A_1311 : i32 to vector<8x64x128xi32>
    %eq3A_1313 = arith.cmpi eq, %and3A_1310, %eq3A_1312 : vector<8x64x128xi32>
    %eq3A_1314 = arith.xori %or3A_1303, %eq3A_1313 : vector<8x64x128xi1>
    %eq3A_1315 = arith.constant dense<true> : vector<8x64x128xi1>
    %eq3A_1316 = arith.xori %eq3A_1314, %eq3A_1315 : vector<8x64x128xi1>
    %select_n3A_1317 = arith.select %eq3A_1316, %squeeze3A_1292, %squeeze3A_1294 : vector<8x64x128xi1>, vector<8x64x128xf32>
    %select_n3A_1318 = arith.select %eq3A_1316, %squeeze3A_1294, %squeeze3A_1292 : vector<8x64x128xi1>, vector<8x64x128xf32>
    %select_n3A_1319 = arith.select %eq3A_1316, %squeeze3A_1296, %squeeze3A_1298 : vector<8x64x128xi1>, vector<8x64x128xi32>
    %select_n3A_1320 = arith.select %eq3A_1316, %squeeze3A_1298, %squeeze3A_1296 : vector<8x64x128xi1>, vector<8x64x128xi32>
    %broadcast_in_dim3A_1321 = vector.shape_cast %select_n3A_1317 : vector<8x64x128xf32> to vector<8x1x64x128xf32>
    %broadcast_in_dim3A_1322 = vector.shape_cast %select_n3A_1318 : vector<8x64x128xf32> to vector<8x1x64x128xf32>
    %concatenate3A_1323 = tpu.concatenate %broadcast_in_dim3A_1321, %broadcast_in_dim3A_1322 in 1 : vector<8x1x64x128xf32>, vector<8x1x64x128xf32> -> vector<8x2x64x128xf32>
    %reshape3A_1324 = vector.shape_cast %concatenate3A_1323 : vector<8x2x64x128xf32> to vector<1024x128xf32>
    %broadcast_in_dim3A_1325 = vector.shape_cast %select_n3A_1319 : vector<8x64x128xi32> to vector<8x1x64x128xi32>
    %broadcast_in_dim3A_1326 = vector.shape_cast %select_n3A_1320 : vector<8x64x128xi32> to vector<8x1x64x128xi32>
    %concatenate3A_1327 = tpu.concatenate %broadcast_in_dim3A_1325, %broadcast_in_dim3A_1326 in 1 : vector<8x1x64x128xi32>, vector<8x1x64x128xi32> -> vector<8x2x64x128xi32>
    %reshape3A_1328 = vector.shape_cast %concatenate3A_1327 : vector<8x2x64x128xi32> to vector<1024x128xi32>
    %reshape3A_1329 = vector.shape_cast %reshape3A_1324 : vector<1024x128xf32> to vector<16x2x32x128xf32>
    %reshape3A_1330 = vector.shape_cast %reshape3A_1328 : vector<1024x128xi32> to vector<16x2x32x128xi32>
    %slice3A_1331 = vector.extract_strided_slice %reshape3A_1329 {offsets = [0, 0, 0, 0], sizes = [16, 1, 32, 128], strides = [1, 1, 1, 1]} : vector<16x2x32x128xf32> to vector<16x1x32x128xf32>
    %squeeze3A_1332 = vector.shape_cast %slice3A_1331 : vector<16x1x32x128xf32> to vector<16x32x128xf32>
    %slice3A_1333 = vector.extract_strided_slice %reshape3A_1329 {offsets = [0, 1, 0, 0], sizes = [16, 1, 32, 128], strides = [1, 1, 1, 1]} : vector<16x2x32x128xf32> to vector<16x1x32x128xf32>
    %squeeze3A_1334 = vector.shape_cast %slice3A_1333 : vector<16x1x32x128xf32> to vector<16x32x128xf32>
    %slice3A_1335 = vector.extract_strided_slice %reshape3A_1330 {offsets = [0, 0, 0, 0], sizes = [16, 1, 32, 128], strides = [1, 1, 1, 1]} : vector<16x2x32x128xi32> to vector<16x1x32x128xi32>
    %squeeze3A_1336 = vector.shape_cast %slice3A_1335 : vector<16x1x32x128xi32> to vector<16x32x128xi32>
    %slice3A_1337 = vector.extract_strided_slice %reshape3A_1330 {offsets = [0, 1, 0, 0], sizes = [16, 1, 32, 128], strides = [1, 1, 1, 1]} : vector<16x2x32x128xi32> to vector<16x1x32x128xi32>
    %squeeze3A_1338 = vector.shape_cast %slice3A_1337 : vector<16x1x32x128xi32> to vector<16x32x128xi32>
    %lt3A_1339 = arith.cmpf olt, %squeeze3A_1332, %squeeze3A_1334 : vector<16x32x128xf32>
    %eq3A_1340 = arith.cmpf oeq, %squeeze3A_1332, %squeeze3A_1334 : vector<16x32x128xf32>
    %lt3A_1341 = arith.cmpi slt, %squeeze3A_1336, %squeeze3A_1338 : vector<16x32x128xi32>
    %and3A_1342 = arith.andi %eq3A_1340, %lt3A_1341 : vector<16x32x128xi1>
    %or3A_1343 = arith.ori %lt3A_1339, %and3A_1342 : vector<16x32x128xi1>
    %iota3A_1344 = tpu.iota {dimensions = array<i32: 1>} : vector<16x32x128xi32>
    %shift_right_arithmetic3A_1345 = arith.constant 1 : i32
    %shift_right_arithmetic3A_1346 = vector.broadcast %shift_right_arithmetic3A_1345 : i32 to vector<16x32x128xi32>
    %shift_right_arithmetic3A_1347 = arith.shrsi %iota3A_1344, %shift_right_arithmetic3A_1346 : vector<16x32x128xi32>
    %and3A_1348 = arith.constant 1 : i32
    %and3A_1349 = vector.broadcast %and3A_1348 : i32 to vector<16x32x128xi32>
    %and3A_1350 = arith.andi %shift_right_arithmetic3A_1347, %and3A_1349 : vector<16x32x128xi32>
    %eq3A_1351 = arith.constant 0 : i32
    %eq3A_1352 = vector.broadcast %eq3A_1351 : i32 to vector<16x32x128xi32>
    %eq3A_1353 = arith.cmpi eq, %and3A_1350, %eq3A_1352 : vector<16x32x128xi32>
    %eq3A_1354 = arith.xori %or3A_1343, %eq3A_1353 : vector<16x32x128xi1>
    %eq3A_1355 = arith.constant dense<true> : vector<16x32x128xi1>
    %eq3A_1356 = arith.xori %eq3A_1354, %eq3A_1355 : vector<16x32x128xi1>
    %select_n3A_1357 = arith.select %eq3A_1356, %squeeze3A_1332, %squeeze3A_1334 : vector<16x32x128xi1>, vector<16x32x128xf32>
    %select_n3A_1358 = arith.select %eq3A_1356, %squeeze3A_1334, %squeeze3A_1332 : vector<16x32x128xi1>, vector<16x32x128xf32>
    %select_n3A_1359 = arith.select %eq3A_1356, %squeeze3A_1336, %squeeze3A_1338 : vector<16x32x128xi1>, vector<16x32x128xi32>
    %select_n3A_1360 = arith.select %eq3A_1356, %squeeze3A_1338, %squeeze3A_1336 : vector<16x32x128xi1>, vector<16x32x128xi32>
    %broadcast_in_dim3A_1361 = vector.shape_cast %select_n3A_1357 : vector<16x32x128xf32> to vector<16x1x32x128xf32>
    %broadcast_in_dim3A_1362 = vector.shape_cast %select_n3A_1358 : vector<16x32x128xf32> to vector<16x1x32x128xf32>
    %concatenate3A_1363 = tpu.concatenate %broadcast_in_dim3A_1361, %broadcast_in_dim3A_1362 in 1 : vector<16x1x32x128xf32>, vector<16x1x32x128xf32> -> vector<16x2x32x128xf32>
    %reshape3A_1364 = vector.shape_cast %concatenate3A_1363 : vector<16x2x32x128xf32> to vector<1024x128xf32>
    %broadcast_in_dim3A_1365 = vector.shape_cast %select_n3A_1359 : vector<16x32x128xi32> to vector<16x1x32x128xi32>
    %broadcast_in_dim3A_1366 = vector.shape_cast %select_n3A_1360 : vector<16x32x128xi32> to vector<16x1x32x128xi32>
    %concatenate3A_1367 = tpu.concatenate %broadcast_in_dim3A_1365, %broadcast_in_dim3A_1366 in 1 : vector<16x1x32x128xi32>, vector<16x1x32x128xi32> -> vector<16x2x32x128xi32>
    %reshape3A_1368 = vector.shape_cast %concatenate3A_1367 : vector<16x2x32x128xi32> to vector<1024x128xi32>
    %reshape3A_1369 = vector.shape_cast %reshape3A_1364 : vector<1024x128xf32> to vector<32x2x16x128xf32>
    %reshape3A_1370 = vector.shape_cast %reshape3A_1368 : vector<1024x128xi32> to vector<32x2x16x128xi32>
    %slice3A_1371 = vector.extract_strided_slice %reshape3A_1369 {offsets = [0, 0, 0, 0], sizes = [32, 1, 16, 128], strides = [1, 1, 1, 1]} : vector<32x2x16x128xf32> to vector<32x1x16x128xf32>
    %squeeze3A_1372 = vector.shape_cast %slice3A_1371 : vector<32x1x16x128xf32> to vector<32x16x128xf32>
    %slice3A_1373 = vector.extract_strided_slice %reshape3A_1369 {offsets = [0, 1, 0, 0], sizes = [32, 1, 16, 128], strides = [1, 1, 1, 1]} : vector<32x2x16x128xf32> to vector<32x1x16x128xf32>
    %squeeze3A_1374 = vector.shape_cast %slice3A_1373 : vector<32x1x16x128xf32> to vector<32x16x128xf32>
    %slice3A_1375 = vector.extract_strided_slice %reshape3A_1370 {offsets = [0, 0, 0, 0], sizes = [32, 1, 16, 128], strides = [1, 1, 1, 1]} : vector<32x2x16x128xi32> to vector<32x1x16x128xi32>
    %squeeze3A_1376 = vector.shape_cast %slice3A_1375 : vector<32x1x16x128xi32> to vector<32x16x128xi32>
    %slice3A_1377 = vector.extract_strided_slice %reshape3A_1370 {offsets = [0, 1, 0, 0], sizes = [32, 1, 16, 128], strides = [1, 1, 1, 1]} : vector<32x2x16x128xi32> to vector<32x1x16x128xi32>
    %squeeze3A_1378 = vector.shape_cast %slice3A_1377 : vector<32x1x16x128xi32> to vector<32x16x128xi32>
    %lt3A_1379 = arith.cmpf olt, %squeeze3A_1372, %squeeze3A_1374 : vector<32x16x128xf32>
    %eq3A_1380 = arith.cmpf oeq, %squeeze3A_1372, %squeeze3A_1374 : vector<32x16x128xf32>
    %lt3A_1381 = arith.cmpi slt, %squeeze3A_1376, %squeeze3A_1378 : vector<32x16x128xi32>
    %and3A_1382 = arith.andi %eq3A_1380, %lt3A_1381 : vector<32x16x128xi1>
    %or3A_1383 = arith.ori %lt3A_1379, %and3A_1382 : vector<32x16x128xi1>
    %iota3A_1384 = tpu.iota {dimensions = array<i32: 1>} : vector<32x16x128xi32>
    %shift_right_arithmetic3A_1385 = arith.constant 1 : i32
    %shift_right_arithmetic3A_1386 = vector.broadcast %shift_right_arithmetic3A_1385 : i32 to vector<32x16x128xi32>
    %shift_right_arithmetic3A_1387 = arith.shrsi %iota3A_1384, %shift_right_arithmetic3A_1386 : vector<32x16x128xi32>
    %and3A_1388 = arith.constant 1 : i32
    %and3A_1389 = vector.broadcast %and3A_1388 : i32 to vector<32x16x128xi32>
    %and3A_1390 = arith.andi %shift_right_arithmetic3A_1387, %and3A_1389 : vector<32x16x128xi32>
    %eq3A_1391 = arith.constant 0 : i32
    %eq3A_1392 = vector.broadcast %eq3A_1391 : i32 to vector<32x16x128xi32>
    %eq3A_1393 = arith.cmpi eq, %and3A_1390, %eq3A_1392 : vector<32x16x128xi32>
    %eq3A_1394 = arith.xori %or3A_1383, %eq3A_1393 : vector<32x16x128xi1>
    %eq3A_1395 = arith.constant dense<true> : vector<32x16x128xi1>
    %eq3A_1396 = arith.xori %eq3A_1394, %eq3A_1395 : vector<32x16x128xi1>
    %select_n3A_1397 = arith.select %eq3A_1396, %squeeze3A_1372, %squeeze3A_1374 : vector<32x16x128xi1>, vector<32x16x128xf32>
    %select_n3A_1398 = arith.select %eq3A_1396, %squeeze3A_1374, %squeeze3A_1372 : vector<32x16x128xi1>, vector<32x16x128xf32>
    %select_n3A_1399 = arith.select %eq3A_1396, %squeeze3A_1376, %squeeze3A_1378 : vector<32x16x128xi1>, vector<32x16x128xi32>
    %select_n3A_1400 = arith.select %eq3A_1396, %squeeze3A_1378, %squeeze3A_1376 : vector<32x16x128xi1>, vector<32x16x128xi32>
    %broadcast_in_dim3A_1401 = vector.shape_cast %select_n3A_1397 : vector<32x16x128xf32> to vector<32x1x16x128xf32>
    %broadcast_in_dim3A_1402 = vector.shape_cast %select_n3A_1398 : vector<32x16x128xf32> to vector<32x1x16x128xf32>
    %concatenate3A_1403 = tpu.concatenate %broadcast_in_dim3A_1401, %broadcast_in_dim3A_1402 in 1 : vector<32x1x16x128xf32>, vector<32x1x16x128xf32> -> vector<32x2x16x128xf32>
    %reshape3A_1404 = vector.shape_cast %concatenate3A_1403 : vector<32x2x16x128xf32> to vector<1024x128xf32>
    %broadcast_in_dim3A_1405 = vector.shape_cast %select_n3A_1399 : vector<32x16x128xi32> to vector<32x1x16x128xi32>
    %broadcast_in_dim3A_1406 = vector.shape_cast %select_n3A_1400 : vector<32x16x128xi32> to vector<32x1x16x128xi32>
    %concatenate3A_1407 = tpu.concatenate %broadcast_in_dim3A_1405, %broadcast_in_dim3A_1406 in 1 : vector<32x1x16x128xi32>, vector<32x1x16x128xi32> -> vector<32x2x16x128xi32>
    %reshape3A_1408 = vector.shape_cast %concatenate3A_1407 : vector<32x2x16x128xi32> to vector<1024x128xi32>
    %reshape3A_1409 = vector.shape_cast %reshape3A_1404 : vector<1024x128xf32> to vector<64x2x8x128xf32>
    %reshape3A_1410 = vector.shape_cast %reshape3A_1408 : vector<1024x128xi32> to vector<64x2x8x128xi32>
    %slice3A_1411 = vector.extract_strided_slice %reshape3A_1409 {offsets = [0, 0, 0, 0], sizes = [64, 1, 8, 128], strides = [1, 1, 1, 1]} : vector<64x2x8x128xf32> to vector<64x1x8x128xf32>
    %squeeze3A_1412 = vector.shape_cast %slice3A_1411 : vector<64x1x8x128xf32> to vector<64x8x128xf32>
    %slice3A_1413 = vector.extract_strided_slice %reshape3A_1409 {offsets = [0, 1, 0, 0], sizes = [64, 1, 8, 128], strides = [1, 1, 1, 1]} : vector<64x2x8x128xf32> to vector<64x1x8x128xf32>
    %squeeze3A_1414 = vector.shape_cast %slice3A_1413 : vector<64x1x8x128xf32> to vector<64x8x128xf32>
    %slice3A_1415 = vector.extract_strided_slice %reshape3A_1410 {offsets = [0, 0, 0, 0], sizes = [64, 1, 8, 128], strides = [1, 1, 1, 1]} : vector<64x2x8x128xi32> to vector<64x1x8x128xi32>
    %squeeze3A_1416 = vector.shape_cast %slice3A_1415 : vector<64x1x8x128xi32> to vector<64x8x128xi32>
    %slice3A_1417 = vector.extract_strided_slice %reshape3A_1410 {offsets = [0, 1, 0, 0], sizes = [64, 1, 8, 128], strides = [1, 1, 1, 1]} : vector<64x2x8x128xi32> to vector<64x1x8x128xi32>
    %squeeze3A_1418 = vector.shape_cast %slice3A_1417 : vector<64x1x8x128xi32> to vector<64x8x128xi32>
    %lt3A_1419 = arith.cmpf olt, %squeeze3A_1412, %squeeze3A_1414 : vector<64x8x128xf32>
    %eq3A_1420 = arith.cmpf oeq, %squeeze3A_1412, %squeeze3A_1414 : vector<64x8x128xf32>
    %lt3A_1421 = arith.cmpi slt, %squeeze3A_1416, %squeeze3A_1418 : vector<64x8x128xi32>
    %and3A_1422 = arith.andi %eq3A_1420, %lt3A_1421 : vector<64x8x128xi1>
    %or3A_1423 = arith.ori %lt3A_1419, %and3A_1422 : vector<64x8x128xi1>
    %iota3A_1424 = tpu.iota {dimensions = array<i32: 1>} : vector<64x8x128xi32>
    %shift_right_arithmetic3A_1425 = arith.constant 1 : i32
    %shift_right_arithmetic3A_1426 = vector.broadcast %shift_right_arithmetic3A_1425 : i32 to vector<64x8x128xi32>
    %shift_right_arithmetic3A_1427 = arith.shrsi %iota3A_1424, %shift_right_arithmetic3A_1426 : vector<64x8x128xi32>
    %and3A_1428 = arith.constant 1 : i32
    %and3A_1429 = vector.broadcast %and3A_1428 : i32 to vector<64x8x128xi32>
    %and3A_1430 = arith.andi %shift_right_arithmetic3A_1427, %and3A_1429 : vector<64x8x128xi32>
    %eq3A_1431 = arith.constant 0 : i32
    %eq3A_1432 = vector.broadcast %eq3A_1431 : i32 to vector<64x8x128xi32>
    %eq3A_1433 = arith.cmpi eq, %and3A_1430, %eq3A_1432 : vector<64x8x128xi32>
    %eq3A_1434 = arith.xori %or3A_1423, %eq3A_1433 : vector<64x8x128xi1>
    %eq3A_1435 = arith.constant dense<true> : vector<64x8x128xi1>
    %eq3A_1436 = arith.xori %eq3A_1434, %eq3A_1435 : vector<64x8x128xi1>
    %select_n3A_1437 = arith.select %eq3A_1436, %squeeze3A_1412, %squeeze3A_1414 : vector<64x8x128xi1>, vector<64x8x128xf32>
    %select_n3A_1438 = arith.select %eq3A_1436, %squeeze3A_1414, %squeeze3A_1412 : vector<64x8x128xi1>, vector<64x8x128xf32>
    %select_n3A_1439 = arith.select %eq3A_1436, %squeeze3A_1416, %squeeze3A_1418 : vector<64x8x128xi1>, vector<64x8x128xi32>
    %select_n3A_1440 = arith.select %eq3A_1436, %squeeze3A_1418, %squeeze3A_1416 : vector<64x8x128xi1>, vector<64x8x128xi32>
    %broadcast_in_dim3A_1441 = vector.shape_cast %select_n3A_1437 : vector<64x8x128xf32> to vector<64x1x8x128xf32>
    %broadcast_in_dim3A_1442 = vector.shape_cast %select_n3A_1438 : vector<64x8x128xf32> to vector<64x1x8x128xf32>
    %concatenate3A_1443 = tpu.concatenate %broadcast_in_dim3A_1441, %broadcast_in_dim3A_1442 in 1 : vector<64x1x8x128xf32>, vector<64x1x8x128xf32> -> vector<64x2x8x128xf32>
    %reshape3A_1444 = vector.shape_cast %concatenate3A_1443 : vector<64x2x8x128xf32> to vector<1024x128xf32>
    %broadcast_in_dim3A_1445 = vector.shape_cast %select_n3A_1439 : vector<64x8x128xi32> to vector<64x1x8x128xi32>
    %broadcast_in_dim3A_1446 = vector.shape_cast %select_n3A_1440 : vector<64x8x128xi32> to vector<64x1x8x128xi32>
    %concatenate3A_1447 = tpu.concatenate %broadcast_in_dim3A_1445, %broadcast_in_dim3A_1446 in 1 : vector<64x1x8x128xi32>, vector<64x1x8x128xi32> -> vector<64x2x8x128xi32>
    %reshape3A_1448 = vector.shape_cast %concatenate3A_1447 : vector<64x2x8x128xi32> to vector<1024x128xi32>
    %and3A_1449 = arith.constant 2 : i32
    %and3A_1450 = vector.broadcast %and3A_1449 : i32 to vector<1024x128xi32>
    %and3A_1451 = arith.andi %iota3A, %and3A_1450 : vector<1024x128xi32>
    %eq3A_1452 = arith.constant 0 : i32
    %eq3A_1453 = vector.broadcast %eq3A_1452 : i32 to vector<1024x128xi32>
    %eq3A_1454 = arith.cmpi eq, %and3A_1451, %eq3A_1453 : vector<1024x128xi32>
    %slice3A_1455 = vector.extract_strided_slice %reshape3A_1444 {offsets = [2, 0], sizes = [1022, 128], strides = [1, 1]} : vector<1024x128xf32> to vector<1022x128xf32>
    %slice3A_1456 = vector.extract_strided_slice %reshape3A_1444 {offsets = [0, 0], sizes = [2, 128], strides = [1, 1]} : vector<1024x128xf32> to vector<2x128xf32>
    %concatenate3A_1457 = tpu.concatenate %slice3A_1455, %slice3A_1456 in 0 : vector<1022x128xf32>, vector<2x128xf32> -> vector<1024x128xf32>
    %slice3A_1458 = vector.extract_strided_slice %reshape3A_1444 {offsets = [1022, 0], sizes = [2, 128], strides = [1, 1]} : vector<1024x128xf32> to vector<2x128xf32>
    %slice3A_1459 = vector.extract_strided_slice %reshape3A_1444 {offsets = [0, 0], sizes = [1022, 128], strides = [1, 1]} : vector<1024x128xf32> to vector<1022x128xf32>
    %concatenate3A_1460 = tpu.concatenate %slice3A_1458, %slice3A_1459 in 0 : vector<2x128xf32>, vector<1022x128xf32> -> vector<1024x128xf32>
    %select_n3A_1461 = arith.select %eq3A_1454, %concatenate3A_1457, %concatenate3A_1460 : vector<1024x128xi1>, vector<1024x128xf32>
    %slice3A_1462 = vector.extract_strided_slice %reshape3A_1448 {offsets = [2, 0], sizes = [1022, 128], strides = [1, 1]} : vector<1024x128xi32> to vector<1022x128xi32>
    %slice3A_1463 = vector.extract_strided_slice %reshape3A_1448 {offsets = [0, 0], sizes = [2, 128], strides = [1, 1]} : vector<1024x128xi32> to vector<2x128xi32>
    %concatenate3A_1464 = tpu.concatenate %slice3A_1462, %slice3A_1463 in 0 : vector<1022x128xi32>, vector<2x128xi32> -> vector<1024x128xi32>
    %slice3A_1465 = vector.extract_strided_slice %reshape3A_1448 {offsets = [1022, 0], sizes = [2, 128], strides = [1, 1]} : vector<1024x128xi32> to vector<2x128xi32>
    %slice3A_1466 = vector.extract_strided_slice %reshape3A_1448 {offsets = [0, 0], sizes = [1022, 128], strides = [1, 1]} : vector<1024x128xi32> to vector<1022x128xi32>
    %concatenate3A_1467 = tpu.concatenate %slice3A_1465, %slice3A_1466 in 0 : vector<2x128xi32>, vector<1022x128xi32> -> vector<1024x128xi32>
    %select_n3A_1468 = arith.select %eq3A_1454, %concatenate3A_1464, %concatenate3A_1467 : vector<1024x128xi1>, vector<1024x128xi32>
    %lt3A_1469 = arith.cmpf olt, %reshape3A_1444, %select_n3A_1461 : vector<1024x128xf32>
    %eq3A_1470 = arith.cmpf oeq, %reshape3A_1444, %select_n3A_1461 : vector<1024x128xf32>
    %lt3A_1471 = arith.cmpi slt, %reshape3A_1448, %select_n3A_1468 : vector<1024x128xi32>
    %and3A_1472 = arith.andi %eq3A_1470, %lt3A_1471 : vector<1024x128xi1>
    %or3A_1473 = arith.ori %lt3A_1469, %and3A_1472 : vector<1024x128xi1>
    %shift_right_arithmetic3A_1474 = arith.constant 2 : i32
    %shift_right_arithmetic3A_1475 = vector.broadcast %shift_right_arithmetic3A_1474 : i32 to vector<1024x128xi32>
    %shift_right_arithmetic3A_1476 = arith.shrsi %iota3A, %shift_right_arithmetic3A_1475 : vector<1024x128xi32>
    %and3A_1477 = arith.constant 1 : i32
    %and3A_1478 = vector.broadcast %and3A_1477 : i32 to vector<1024x128xi32>
    %and3A_1479 = arith.andi %shift_right_arithmetic3A_1476, %and3A_1478 : vector<1024x128xi32>
    %eq3A_1480 = arith.constant 0 : i32
    %eq3A_1481 = vector.broadcast %eq3A_1480 : i32 to vector<1024x128xi32>
    %eq3A_1482 = arith.cmpi eq, %and3A_1479, %eq3A_1481 : vector<1024x128xi32>
    %xor3A_1483 = arith.xori %or3A_1473, %eq3A_1482 : vector<1024x128xi1>
    %xor3A_1484 = arith.xori %xor3A_1483, %eq3A_1454 : vector<1024x128xi1>
    %select_n3A_1485 = arith.select %xor3A_1484, %reshape3A_1444, %select_n3A_1461 : vector<1024x128xi1>, vector<1024x128xf32>
    %select_n3A_1486 = arith.select %xor3A_1484, %reshape3A_1448, %select_n3A_1468 : vector<1024x128xi1>, vector<1024x128xi32>
    %and3A_1487 = arith.constant 1 : i32
    %and3A_1488 = vector.broadcast %and3A_1487 : i32 to vector<1024x128xi32>
    %and3A_1489 = arith.andi %iota3A, %and3A_1488 : vector<1024x128xi32>
    %eq3A_1490 = arith.constant 0 : i32
    %eq3A_1491 = vector.broadcast %eq3A_1490 : i32 to vector<1024x128xi32>
    %eq3A_1492 = arith.cmpi eq, %and3A_1489, %eq3A_1491 : vector<1024x128xi32>
    %slice3A_1493 = vector.extract_strided_slice %select_n3A_1485 {offsets = [1, 0], sizes = [1023, 128], strides = [1, 1]} : vector<1024x128xf32> to vector<1023x128xf32>
    %slice3A_1494 = vector.extract_strided_slice %select_n3A_1485 {offsets = [0, 0], sizes = [1, 128], strides = [1, 1]} : vector<1024x128xf32> to vector<1x128xf32>
    %concatenate3A_1495 = tpu.concatenate %slice3A_1493, %slice3A_1494 in 0 : vector<1023x128xf32>, vector<1x128xf32> -> vector<1024x128xf32>
    %slice3A_1496 = vector.extract_strided_slice %select_n3A_1485 {offsets = [1023, 0], sizes = [1, 128], strides = [1, 1]} : vector<1024x128xf32> to vector<1x128xf32>
    %slice3A_1497 = vector.extract_strided_slice %select_n3A_1485 {offsets = [0, 0], sizes = [1023, 128], strides = [1, 1]} : vector<1024x128xf32> to vector<1023x128xf32>
    %concatenate3A_1498 = tpu.concatenate %slice3A_1496, %slice3A_1497 in 0 : vector<1x128xf32>, vector<1023x128xf32> -> vector<1024x128xf32>
    %select_n3A_1499 = arith.select %eq3A_1492, %concatenate3A_1495, %concatenate3A_1498 : vector<1024x128xi1>, vector<1024x128xf32>
    %slice3A_1500 = vector.extract_strided_slice %select_n3A_1486 {offsets = [1, 0], sizes = [1023, 128], strides = [1, 1]} : vector<1024x128xi32> to vector<1023x128xi32>
    %slice3A_1501 = vector.extract_strided_slice %select_n3A_1486 {offsets = [0, 0], sizes = [1, 128], strides = [1, 1]} : vector<1024x128xi32> to vector<1x128xi32>
    %concatenate3A_1502 = tpu.concatenate %slice3A_1500, %slice3A_1501 in 0 : vector<1023x128xi32>, vector<1x128xi32> -> vector<1024x128xi32>
    %slice3A_1503 = vector.extract_strided_slice %select_n3A_1486 {offsets = [1023, 0], sizes = [1, 128], strides = [1, 1]} : vector<1024x128xi32> to vector<1x128xi32>
    %slice3A_1504 = vector.extract_strided_slice %select_n3A_1486 {offsets = [0, 0], sizes = [1023, 128], strides = [1, 1]} : vector<1024x128xi32> to vector<1023x128xi32>
    %concatenate3A_1505 = tpu.concatenate %slice3A_1503, %slice3A_1504 in 0 : vector<1x128xi32>, vector<1023x128xi32> -> vector<1024x128xi32>
    %select_n3A_1506 = arith.select %eq3A_1492, %concatenate3A_1502, %concatenate3A_1505 : vector<1024x128xi1>, vector<1024x128xi32>
    %lt3A_1507 = arith.cmpf olt, %select_n3A_1485, %select_n3A_1499 : vector<1024x128xf32>
    %eq3A_1508 = arith.cmpf oeq, %select_n3A_1485, %select_n3A_1499 : vector<1024x128xf32>
    %lt3A_1509 = arith.cmpi slt, %select_n3A_1486, %select_n3A_1506 : vector<1024x128xi32>
    %and3A_1510 = arith.andi %eq3A_1508, %lt3A_1509 : vector<1024x128xi1>
    %or3A_1511 = arith.ori %lt3A_1507, %and3A_1510 : vector<1024x128xi1>
    %shift_right_arithmetic3A_1512 = arith.constant 2 : i32
    %shift_right_arithmetic3A_1513 = vector.broadcast %shift_right_arithmetic3A_1512 : i32 to vector<1024x128xi32>
    %shift_right_arithmetic3A_1514 = arith.shrsi %iota3A, %shift_right_arithmetic3A_1513 : vector<1024x128xi32>
    %and3A_1515 = arith.constant 1 : i32
    %and3A_1516 = vector.broadcast %and3A_1515 : i32 to vector<1024x128xi32>
    %and3A_1517 = arith.andi %shift_right_arithmetic3A_1514, %and3A_1516 : vector<1024x128xi32>
    %eq3A_1518 = arith.constant 0 : i32
    %eq3A_1519 = vector.broadcast %eq3A_1518 : i32 to vector<1024x128xi32>
    %eq3A_1520 = arith.cmpi eq, %and3A_1517, %eq3A_1519 : vector<1024x128xi32>
    %xor3A_1521 = arith.xori %or3A_1511, %eq3A_1520 : vector<1024x128xi1>
    %xor3A_1522 = arith.xori %xor3A_1521, %eq3A_1492 : vector<1024x128xi1>
    %select_n3A_1523 = arith.select %xor3A_1522, %select_n3A_1485, %select_n3A_1499 : vector<1024x128xi1>, vector<1024x128xf32>
    %select_n3A_1524 = arith.select %xor3A_1522, %select_n3A_1486, %select_n3A_1506 : vector<1024x128xi1>, vector<1024x128xi32>
    %reshape3A_1525 = vector.shape_cast %select_n3A_1523 : vector<1024x128xf32> to vector<1x2x512x128xf32>
    %reshape3A_1526 = vector.shape_cast %select_n3A_1524 : vector<1024x128xi32> to vector<1x2x512x128xi32>
    %slice3A_1527 = vector.extract_strided_slice %reshape3A_1525 {offsets = [0, 0, 0, 0], sizes = [1, 1, 512, 128], strides = [1, 1, 1, 1]} : vector<1x2x512x128xf32> to vector<1x1x512x128xf32>
    %squeeze3A_1528 = vector.shape_cast %slice3A_1527 : vector<1x1x512x128xf32> to vector<1x512x128xf32>
    %slice3A_1529 = vector.extract_strided_slice %reshape3A_1525 {offsets = [0, 1, 0, 0], sizes = [1, 1, 512, 128], strides = [1, 1, 1, 1]} : vector<1x2x512x128xf32> to vector<1x1x512x128xf32>
    %squeeze3A_1530 = vector.shape_cast %slice3A_1529 : vector<1x1x512x128xf32> to vector<1x512x128xf32>
    %slice3A_1531 = vector.extract_strided_slice %reshape3A_1526 {offsets = [0, 0, 0, 0], sizes = [1, 1, 512, 128], strides = [1, 1, 1, 1]} : vector<1x2x512x128xi32> to vector<1x1x512x128xi32>
    %squeeze3A_1532 = vector.shape_cast %slice3A_1531 : vector<1x1x512x128xi32> to vector<1x512x128xi32>
    %slice3A_1533 = vector.extract_strided_slice %reshape3A_1526 {offsets = [0, 1, 0, 0], sizes = [1, 1, 512, 128], strides = [1, 1, 1, 1]} : vector<1x2x512x128xi32> to vector<1x1x512x128xi32>
    %squeeze3A_1534 = vector.shape_cast %slice3A_1533 : vector<1x1x512x128xi32> to vector<1x512x128xi32>
    %lt3A_1535 = arith.cmpf olt, %squeeze3A_1528, %squeeze3A_1530 : vector<1x512x128xf32>
    %eq3A_1536 = arith.cmpf oeq, %squeeze3A_1528, %squeeze3A_1530 : vector<1x512x128xf32>
    %lt3A_1537 = arith.cmpi slt, %squeeze3A_1532, %squeeze3A_1534 : vector<1x512x128xi32>
    %and3A_1538 = arith.andi %eq3A_1536, %lt3A_1537 : vector<1x512x128xi1>
    %or3A_1539 = arith.ori %lt3A_1535, %and3A_1538 : vector<1x512x128xi1>
    %iota3A_1540 = tpu.iota {dimensions = array<i32: 1>} : vector<1x512x128xi32>
    %shift_right_arithmetic3A_1541 = arith.constant 2 : i32
    %shift_right_arithmetic3A_1542 = vector.broadcast %shift_right_arithmetic3A_1541 : i32 to vector<1x512x128xi32>
    %shift_right_arithmetic3A_1543 = arith.shrsi %iota3A_1540, %shift_right_arithmetic3A_1542 : vector<1x512x128xi32>
    %and3A_1544 = arith.constant 1 : i32
    %and3A_1545 = vector.broadcast %and3A_1544 : i32 to vector<1x512x128xi32>
    %and3A_1546 = arith.andi %shift_right_arithmetic3A_1543, %and3A_1545 : vector<1x512x128xi32>
    %eq3A_1547 = arith.constant 0 : i32
    %eq3A_1548 = vector.broadcast %eq3A_1547 : i32 to vector<1x512x128xi32>
    %eq3A_1549 = arith.cmpi eq, %and3A_1546, %eq3A_1548 : vector<1x512x128xi32>
    %eq3A_1550 = arith.xori %or3A_1539, %eq3A_1549 : vector<1x512x128xi1>
    %eq3A_1551 = arith.constant dense<true> : vector<1x512x128xi1>
    %eq3A_1552 = arith.xori %eq3A_1550, %eq3A_1551 : vector<1x512x128xi1>
    %select_n3A_1553 = arith.select %eq3A_1552, %squeeze3A_1528, %squeeze3A_1530 : vector<1x512x128xi1>, vector<1x512x128xf32>
    %select_n3A_1554 = arith.select %eq3A_1552, %squeeze3A_1530, %squeeze3A_1528 : vector<1x512x128xi1>, vector<1x512x128xf32>
    %select_n3A_1555 = arith.select %eq3A_1552, %squeeze3A_1532, %squeeze3A_1534 : vector<1x512x128xi1>, vector<1x512x128xi32>
    %select_n3A_1556 = arith.select %eq3A_1552, %squeeze3A_1534, %squeeze3A_1532 : vector<1x512x128xi1>, vector<1x512x128xi32>
    %broadcast_in_dim3A_1557 = vector.shape_cast %select_n3A_1553 : vector<1x512x128xf32> to vector<1x1x512x128xf32>
    %broadcast_in_dim3A_1558 = vector.shape_cast %select_n3A_1554 : vector<1x512x128xf32> to vector<1x1x512x128xf32>
    %concatenate3A_1559 = tpu.concatenate %broadcast_in_dim3A_1557, %broadcast_in_dim3A_1558 in 1 : vector<1x1x512x128xf32>, vector<1x1x512x128xf32> -> vector<1x2x512x128xf32>
    %reshape3A_1560 = vector.shape_cast %concatenate3A_1559 : vector<1x2x512x128xf32> to vector<1024x128xf32>
    %broadcast_in_dim3A_1561 = vector.shape_cast %select_n3A_1555 : vector<1x512x128xi32> to vector<1x1x512x128xi32>
    %broadcast_in_dim3A_1562 = vector.shape_cast %select_n3A_1556 : vector<1x512x128xi32> to vector<1x1x512x128xi32>
    %concatenate3A_1563 = tpu.concatenate %broadcast_in_dim3A_1561, %broadcast_in_dim3A_1562 in 1 : vector<1x1x512x128xi32>, vector<1x1x512x128xi32> -> vector<1x2x512x128xi32>
    %reshape3A_1564 = vector.shape_cast %concatenate3A_1563 : vector<1x2x512x128xi32> to vector<1024x128xi32>
    %reshape3A_1565 = vector.shape_cast %reshape3A_1560 : vector<1024x128xf32> to vector<2x2x256x128xf32>
    %reshape3A_1566 = vector.shape_cast %reshape3A_1564 : vector<1024x128xi32> to vector<2x2x256x128xi32>
    %slice3A_1567 = vector.extract_strided_slice %reshape3A_1565 {offsets = [0, 0, 0, 0], sizes = [2, 1, 256, 128], strides = [1, 1, 1, 1]} : vector<2x2x256x128xf32> to vector<2x1x256x128xf32>
    %squeeze3A_1568 = vector.shape_cast %slice3A_1567 : vector<2x1x256x128xf32> to vector<2x256x128xf32>
    %slice3A_1569 = vector.extract_strided_slice %reshape3A_1565 {offsets = [0, 1, 0, 0], sizes = [2, 1, 256, 128], strides = [1, 1, 1, 1]} : vector<2x2x256x128xf32> to vector<2x1x256x128xf32>
    %squeeze3A_1570 = vector.shape_cast %slice3A_1569 : vector<2x1x256x128xf32> to vector<2x256x128xf32>
    %slice3A_1571 = vector.extract_strided_slice %reshape3A_1566 {offsets = [0, 0, 0, 0], sizes = [2, 1, 256, 128], strides = [1, 1, 1, 1]} : vector<2x2x256x128xi32> to vector<2x1x256x128xi32>
    %squeeze3A_1572 = vector.shape_cast %slice3A_1571 : vector<2x1x256x128xi32> to vector<2x256x128xi32>
    %slice3A_1573 = vector.extract_strided_slice %reshape3A_1566 {offsets = [0, 1, 0, 0], sizes = [2, 1, 256, 128], strides = [1, 1, 1, 1]} : vector<2x2x256x128xi32> to vector<2x1x256x128xi32>
    %squeeze3A_1574 = vector.shape_cast %slice3A_1573 : vector<2x1x256x128xi32> to vector<2x256x128xi32>
    %lt3A_1575 = arith.cmpf olt, %squeeze3A_1568, %squeeze3A_1570 : vector<2x256x128xf32>
    %eq3A_1576 = arith.cmpf oeq, %squeeze3A_1568, %squeeze3A_1570 : vector<2x256x128xf32>
    %lt3A_1577 = arith.cmpi slt, %squeeze3A_1572, %squeeze3A_1574 : vector<2x256x128xi32>
    %and3A_1578 = arith.andi %eq3A_1576, %lt3A_1577 : vector<2x256x128xi1>
    %or3A_1579 = arith.ori %lt3A_1575, %and3A_1578 : vector<2x256x128xi1>
    %iota3A_1580 = tpu.iota {dimensions = array<i32: 1>} : vector<2x256x128xi32>
    %shift_right_arithmetic3A_1581 = arith.constant 2 : i32
    %shift_right_arithmetic3A_1582 = vector.broadcast %shift_right_arithmetic3A_1581 : i32 to vector<2x256x128xi32>
    %shift_right_arithmetic3A_1583 = arith.shrsi %iota3A_1580, %shift_right_arithmetic3A_1582 : vector<2x256x128xi32>
    %and3A_1584 = arith.constant 1 : i32
    %and3A_1585 = vector.broadcast %and3A_1584 : i32 to vector<2x256x128xi32>
    %and3A_1586 = arith.andi %shift_right_arithmetic3A_1583, %and3A_1585 : vector<2x256x128xi32>
    %eq3A_1587 = arith.constant 0 : i32
    %eq3A_1588 = vector.broadcast %eq3A_1587 : i32 to vector<2x256x128xi32>
    %eq3A_1589 = arith.cmpi eq, %and3A_1586, %eq3A_1588 : vector<2x256x128xi32>
    %eq3A_1590 = arith.xori %or3A_1579, %eq3A_1589 : vector<2x256x128xi1>
    %eq3A_1591 = arith.constant dense<true> : vector<2x256x128xi1>
    %eq3A_1592 = arith.xori %eq3A_1590, %eq3A_1591 : vector<2x256x128xi1>
    %select_n3A_1593 = arith.select %eq3A_1592, %squeeze3A_1568, %squeeze3A_1570 : vector<2x256x128xi1>, vector<2x256x128xf32>
    %select_n3A_1594 = arith.select %eq3A_1592, %squeeze3A_1570, %squeeze3A_1568 : vector<2x256x128xi1>, vector<2x256x128xf32>
    %select_n3A_1595 = arith.select %eq3A_1592, %squeeze3A_1572, %squeeze3A_1574 : vector<2x256x128xi1>, vector<2x256x128xi32>
    %select_n3A_1596 = arith.select %eq3A_1592, %squeeze3A_1574, %squeeze3A_1572 : vector<2x256x128xi1>, vector<2x256x128xi32>
    %broadcast_in_dim3A_1597 = vector.shape_cast %select_n3A_1593 : vector<2x256x128xf32> to vector<2x1x256x128xf32>
    %broadcast_in_dim3A_1598 = vector.shape_cast %select_n3A_1594 : vector<2x256x128xf32> to vector<2x1x256x128xf32>
    %concatenate3A_1599 = tpu.concatenate %broadcast_in_dim3A_1597, %broadcast_in_dim3A_1598 in 1 : vector<2x1x256x128xf32>, vector<2x1x256x128xf32> -> vector<2x2x256x128xf32>
    %reshape3A_1600 = vector.shape_cast %concatenate3A_1599 : vector<2x2x256x128xf32> to vector<1024x128xf32>
    %broadcast_in_dim3A_1601 = vector.shape_cast %select_n3A_1595 : vector<2x256x128xi32> to vector<2x1x256x128xi32>
    %broadcast_in_dim3A_1602 = vector.shape_cast %select_n3A_1596 : vector<2x256x128xi32> to vector<2x1x256x128xi32>
    %concatenate3A_1603 = tpu.concatenate %broadcast_in_dim3A_1601, %broadcast_in_dim3A_1602 in 1 : vector<2x1x256x128xi32>, vector<2x1x256x128xi32> -> vector<2x2x256x128xi32>
    %reshape3A_1604 = vector.shape_cast %concatenate3A_1603 : vector<2x2x256x128xi32> to vector<1024x128xi32>
    %reshape3A_1605 = vector.shape_cast %reshape3A_1600 : vector<1024x128xf32> to vector<4x2x128x128xf32>
    %reshape3A_1606 = vector.shape_cast %reshape3A_1604 : vector<1024x128xi32> to vector<4x2x128x128xi32>
    %slice3A_1607 = vector.extract_strided_slice %reshape3A_1605 {offsets = [0, 0, 0, 0], sizes = [4, 1, 128, 128], strides = [1, 1, 1, 1]} : vector<4x2x128x128xf32> to vector<4x1x128x128xf32>
    %squeeze3A_1608 = vector.shape_cast %slice3A_1607 : vector<4x1x128x128xf32> to vector<4x128x128xf32>
    %slice3A_1609 = vector.extract_strided_slice %reshape3A_1605 {offsets = [0, 1, 0, 0], sizes = [4, 1, 128, 128], strides = [1, 1, 1, 1]} : vector<4x2x128x128xf32> to vector<4x1x128x128xf32>
    %squeeze3A_1610 = vector.shape_cast %slice3A_1609 : vector<4x1x128x128xf32> to vector<4x128x128xf32>
    %slice3A_1611 = vector.extract_strided_slice %reshape3A_1606 {offsets = [0, 0, 0, 0], sizes = [4, 1, 128, 128], strides = [1, 1, 1, 1]} : vector<4x2x128x128xi32> to vector<4x1x128x128xi32>
    %squeeze3A_1612 = vector.shape_cast %slice3A_1611 : vector<4x1x128x128xi32> to vector<4x128x128xi32>
    %slice3A_1613 = vector.extract_strided_slice %reshape3A_1606 {offsets = [0, 1, 0, 0], sizes = [4, 1, 128, 128], strides = [1, 1, 1, 1]} : vector<4x2x128x128xi32> to vector<4x1x128x128xi32>
    %squeeze3A_1614 = vector.shape_cast %slice3A_1613 : vector<4x1x128x128xi32> to vector<4x128x128xi32>
    %lt3A_1615 = arith.cmpf olt, %squeeze3A_1608, %squeeze3A_1610 : vector<4x128x128xf32>
    %eq3A_1616 = arith.cmpf oeq, %squeeze3A_1608, %squeeze3A_1610 : vector<4x128x128xf32>
    %lt3A_1617 = arith.cmpi slt, %squeeze3A_1612, %squeeze3A_1614 : vector<4x128x128xi32>
    %and3A_1618 = arith.andi %eq3A_1616, %lt3A_1617 : vector<4x128x128xi1>
    %or3A_1619 = arith.ori %lt3A_1615, %and3A_1618 : vector<4x128x128xi1>
    %iota3A_1620 = tpu.iota {dimensions = array<i32: 1>} : vector<4x128x128xi32>
    %shift_right_arithmetic3A_1621 = arith.constant 2 : i32
    %shift_right_arithmetic3A_1622 = vector.broadcast %shift_right_arithmetic3A_1621 : i32 to vector<4x128x128xi32>
    %shift_right_arithmetic3A_1623 = arith.shrsi %iota3A_1620, %shift_right_arithmetic3A_1622 : vector<4x128x128xi32>
    %and3A_1624 = arith.constant 1 : i32
    %and3A_1625 = vector.broadcast %and3A_1624 : i32 to vector<4x128x128xi32>
    %and3A_1626 = arith.andi %shift_right_arithmetic3A_1623, %and3A_1625 : vector<4x128x128xi32>
    %eq3A_1627 = arith.constant 0 : i32
    %eq3A_1628 = vector.broadcast %eq3A_1627 : i32 to vector<4x128x128xi32>
    %eq3A_1629 = arith.cmpi eq, %and3A_1626, %eq3A_1628 : vector<4x128x128xi32>
    %eq3A_1630 = arith.xori %or3A_1619, %eq3A_1629 : vector<4x128x128xi1>
    %eq3A_1631 = arith.constant dense<true> : vector<4x128x128xi1>
    %eq3A_1632 = arith.xori %eq3A_1630, %eq3A_1631 : vector<4x128x128xi1>
    %select_n3A_1633 = arith.select %eq3A_1632, %squeeze3A_1608, %squeeze3A_1610 : vector<4x128x128xi1>, vector<4x128x128xf32>
    %select_n3A_1634 = arith.select %eq3A_1632, %squeeze3A_1610, %squeeze3A_1608 : vector<4x128x128xi1>, vector<4x128x128xf32>
    %select_n3A_1635 = arith.select %eq3A_1632, %squeeze3A_1612, %squeeze3A_1614 : vector<4x128x128xi1>, vector<4x128x128xi32>
    %select_n3A_1636 = arith.select %eq3A_1632, %squeeze3A_1614, %squeeze3A_1612 : vector<4x128x128xi1>, vector<4x128x128xi32>
    %broadcast_in_dim3A_1637 = vector.shape_cast %select_n3A_1633 : vector<4x128x128xf32> to vector<4x1x128x128xf32>
    %broadcast_in_dim3A_1638 = vector.shape_cast %select_n3A_1634 : vector<4x128x128xf32> to vector<4x1x128x128xf32>
    %concatenate3A_1639 = tpu.concatenate %broadcast_in_dim3A_1637, %broadcast_in_dim3A_1638 in 1 : vector<4x1x128x128xf32>, vector<4x1x128x128xf32> -> vector<4x2x128x128xf32>
    %reshape3A_1640 = vector.shape_cast %concatenate3A_1639 : vector<4x2x128x128xf32> to vector<1024x128xf32>
    %broadcast_in_dim3A_1641 = vector.shape_cast %select_n3A_1635 : vector<4x128x128xi32> to vector<4x1x128x128xi32>
    %broadcast_in_dim3A_1642 = vector.shape_cast %select_n3A_1636 : vector<4x128x128xi32> to vector<4x1x128x128xi32>
    %concatenate3A_1643 = tpu.concatenate %broadcast_in_dim3A_1641, %broadcast_in_dim3A_1642 in 1 : vector<4x1x128x128xi32>, vector<4x1x128x128xi32> -> vector<4x2x128x128xi32>
    %reshape3A_1644 = vector.shape_cast %concatenate3A_1643 : vector<4x2x128x128xi32> to vector<1024x128xi32>
    %reshape3A_1645 = vector.shape_cast %reshape3A_1640 : vector<1024x128xf32> to vector<8x2x64x128xf32>
    %reshape3A_1646 = vector.shape_cast %reshape3A_1644 : vector<1024x128xi32> to vector<8x2x64x128xi32>
    %slice3A_1647 = vector.extract_strided_slice %reshape3A_1645 {offsets = [0, 0, 0, 0], sizes = [8, 1, 64, 128], strides = [1, 1, 1, 1]} : vector<8x2x64x128xf32> to vector<8x1x64x128xf32>
    %squeeze3A_1648 = vector.shape_cast %slice3A_1647 : vector<8x1x64x128xf32> to vector<8x64x128xf32>
    %slice3A_1649 = vector.extract_strided_slice %reshape3A_1645 {offsets = [0, 1, 0, 0], sizes = [8, 1, 64, 128], strides = [1, 1, 1, 1]} : vector<8x2x64x128xf32> to vector<8x1x64x128xf32>
    %squeeze3A_1650 = vector.shape_cast %slice3A_1649 : vector<8x1x64x128xf32> to vector<8x64x128xf32>
    %slice3A_1651 = vector.extract_strided_slice %reshape3A_1646 {offsets = [0, 0, 0, 0], sizes = [8, 1, 64, 128], strides = [1, 1, 1, 1]} : vector<8x2x64x128xi32> to vector<8x1x64x128xi32>
    %squeeze3A_1652 = vector.shape_cast %slice3A_1651 : vector<8x1x64x128xi32> to vector<8x64x128xi32>
    %slice3A_1653 = vector.extract_strided_slice %reshape3A_1646 {offsets = [0, 1, 0, 0], sizes = [8, 1, 64, 128], strides = [1, 1, 1, 1]} : vector<8x2x64x128xi32> to vector<8x1x64x128xi32>
    %squeeze3A_1654 = vector.shape_cast %slice3A_1653 : vector<8x1x64x128xi32> to vector<8x64x128xi32>
    %lt3A_1655 = arith.cmpf olt, %squeeze3A_1648, %squeeze3A_1650 : vector<8x64x128xf32>
    %eq3A_1656 = arith.cmpf oeq, %squeeze3A_1648, %squeeze3A_1650 : vector<8x64x128xf32>
    %lt3A_1657 = arith.cmpi slt, %squeeze3A_1652, %squeeze3A_1654 : vector<8x64x128xi32>
    %and3A_1658 = arith.andi %eq3A_1656, %lt3A_1657 : vector<8x64x128xi1>
    %or3A_1659 = arith.ori %lt3A_1655, %and3A_1658 : vector<8x64x128xi1>
    %iota3A_1660 = tpu.iota {dimensions = array<i32: 1>} : vector<8x64x128xi32>
    %shift_right_arithmetic3A_1661 = arith.constant 2 : i32
    %shift_right_arithmetic3A_1662 = vector.broadcast %shift_right_arithmetic3A_1661 : i32 to vector<8x64x128xi32>
    %shift_right_arithmetic3A_1663 = arith.shrsi %iota3A_1660, %shift_right_arithmetic3A_1662 : vector<8x64x128xi32>
    %and3A_1664 = arith.constant 1 : i32
    %and3A_1665 = vector.broadcast %and3A_1664 : i32 to vector<8x64x128xi32>
    %and3A_1666 = arith.andi %shift_right_arithmetic3A_1663, %and3A_1665 : vector<8x64x128xi32>
    %eq3A_1667 = arith.constant 0 : i32
    %eq3A_1668 = vector.broadcast %eq3A_1667 : i32 to vector<8x64x128xi32>
    %eq3A_1669 = arith.cmpi eq, %and3A_1666, %eq3A_1668 : vector<8x64x128xi32>
    %eq3A_1670 = arith.xori %or3A_1659, %eq3A_1669 : vector<8x64x128xi1>
    %eq3A_1671 = arith.constant dense<true> : vector<8x64x128xi1>
    %eq3A_1672 = arith.xori %eq3A_1670, %eq3A_1671 : vector<8x64x128xi1>
    %select_n3A_1673 = arith.select %eq3A_1672, %squeeze3A_1648, %squeeze3A_1650 : vector<8x64x128xi1>, vector<8x64x128xf32>
    %select_n3A_1674 = arith.select %eq3A_1672, %squeeze3A_1650, %squeeze3A_1648 : vector<8x64x128xi1>, vector<8x64x128xf32>
    %select_n3A_1675 = arith.select %eq3A_1672, %squeeze3A_1652, %squeeze3A_1654 : vector<8x64x128xi1>, vector<8x64x128xi32>
    %select_n3A_1676 = arith.select %eq3A_1672, %squeeze3A_1654, %squeeze3A_1652 : vector<8x64x128xi1>, vector<8x64x128xi32>
    %broadcast_in_dim3A_1677 = vector.shape_cast %select_n3A_1673 : vector<8x64x128xf32> to vector<8x1x64x128xf32>
    %broadcast_in_dim3A_1678 = vector.shape_cast %select_n3A_1674 : vector<8x64x128xf32> to vector<8x1x64x128xf32>
    %concatenate3A_1679 = tpu.concatenate %broadcast_in_dim3A_1677, %broadcast_in_dim3A_1678 in 1 : vector<8x1x64x128xf32>, vector<8x1x64x128xf32> -> vector<8x2x64x128xf32>
    %reshape3A_1680 = vector.shape_cast %concatenate3A_1679 : vector<8x2x64x128xf32> to vector<1024x128xf32>
    %broadcast_in_dim3A_1681 = vector.shape_cast %select_n3A_1675 : vector<8x64x128xi32> to vector<8x1x64x128xi32>
    %broadcast_in_dim3A_1682 = vector.shape_cast %select_n3A_1676 : vector<8x64x128xi32> to vector<8x1x64x128xi32>
    %concatenate3A_1683 = tpu.concatenate %broadcast_in_dim3A_1681, %broadcast_in_dim3A_1682 in 1 : vector<8x1x64x128xi32>, vector<8x1x64x128xi32> -> vector<8x2x64x128xi32>
    %reshape3A_1684 = vector.shape_cast %concatenate3A_1683 : vector<8x2x64x128xi32> to vector<1024x128xi32>
    %reshape3A_1685 = vector.shape_cast %reshape3A_1680 : vector<1024x128xf32> to vector<16x2x32x128xf32>
    %reshape3A_1686 = vector.shape_cast %reshape3A_1684 : vector<1024x128xi32> to vector<16x2x32x128xi32>
    %slice3A_1687 = vector.extract_strided_slice %reshape3A_1685 {offsets = [0, 0, 0, 0], sizes = [16, 1, 32, 128], strides = [1, 1, 1, 1]} : vector<16x2x32x128xf32> to vector<16x1x32x128xf32>
    %squeeze3A_1688 = vector.shape_cast %slice3A_1687 : vector<16x1x32x128xf32> to vector<16x32x128xf32>
    %slice3A_1689 = vector.extract_strided_slice %reshape3A_1685 {offsets = [0, 1, 0, 0], sizes = [16, 1, 32, 128], strides = [1, 1, 1, 1]} : vector<16x2x32x128xf32> to vector<16x1x32x128xf32>
    %squeeze3A_1690 = vector.shape_cast %slice3A_1689 : vector<16x1x32x128xf32> to vector<16x32x128xf32>
    %slice3A_1691 = vector.extract_strided_slice %reshape3A_1686 {offsets = [0, 0, 0, 0], sizes = [16, 1, 32, 128], strides = [1, 1, 1, 1]} : vector<16x2x32x128xi32> to vector<16x1x32x128xi32>
    %squeeze3A_1692 = vector.shape_cast %slice3A_1691 : vector<16x1x32x128xi32> to vector<16x32x128xi32>
    %slice3A_1693 = vector.extract_strided_slice %reshape3A_1686 {offsets = [0, 1, 0, 0], sizes = [16, 1, 32, 128], strides = [1, 1, 1, 1]} : vector<16x2x32x128xi32> to vector<16x1x32x128xi32>
    %squeeze3A_1694 = vector.shape_cast %slice3A_1693 : vector<16x1x32x128xi32> to vector<16x32x128xi32>
    %lt3A_1695 = arith.cmpf olt, %squeeze3A_1688, %squeeze3A_1690 : vector<16x32x128xf32>
    %eq3A_1696 = arith.cmpf oeq, %squeeze3A_1688, %squeeze3A_1690 : vector<16x32x128xf32>
    %lt3A_1697 = arith.cmpi slt, %squeeze3A_1692, %squeeze3A_1694 : vector<16x32x128xi32>
    %and3A_1698 = arith.andi %eq3A_1696, %lt3A_1697 : vector<16x32x128xi1>
    %or3A_1699 = arith.ori %lt3A_1695, %and3A_1698 : vector<16x32x128xi1>
    %iota3A_1700 = tpu.iota {dimensions = array<i32: 1>} : vector<16x32x128xi32>
    %shift_right_arithmetic3A_1701 = arith.constant 2 : i32
    %shift_right_arithmetic3A_1702 = vector.broadcast %shift_right_arithmetic3A_1701 : i32 to vector<16x32x128xi32>
    %shift_right_arithmetic3A_1703 = arith.shrsi %iota3A_1700, %shift_right_arithmetic3A_1702 : vector<16x32x128xi32>
    %and3A_1704 = arith.constant 1 : i32
    %and3A_1705 = vector.broadcast %and3A_1704 : i32 to vector<16x32x128xi32>
    %and3A_1706 = arith.andi %shift_right_arithmetic3A_1703, %and3A_1705 : vector<16x32x128xi32>
    %eq3A_1707 = arith.constant 0 : i32
    %eq3A_1708 = vector.broadcast %eq3A_1707 : i32 to vector<16x32x128xi32>
    %eq3A_1709 = arith.cmpi eq, %and3A_1706, %eq3A_1708 : vector<16x32x128xi32>
    %eq3A_1710 = arith.xori %or3A_1699, %eq3A_1709 : vector<16x32x128xi1>
    %eq3A_1711 = arith.constant dense<true> : vector<16x32x128xi1>
    %eq3A_1712 = arith.xori %eq3A_1710, %eq3A_1711 : vector<16x32x128xi1>
    %select_n3A_1713 = arith.select %eq3A_1712, %squeeze3A_1688, %squeeze3A_1690 : vector<16x32x128xi1>, vector<16x32x128xf32>
    %select_n3A_1714 = arith.select %eq3A_1712, %squeeze3A_1690, %squeeze3A_1688 : vector<16x32x128xi1>, vector<16x32x128xf32>
    %select_n3A_1715 = arith.select %eq3A_1712, %squeeze3A_1692, %squeeze3A_1694 : vector<16x32x128xi1>, vector<16x32x128xi32>
    %select_n3A_1716 = arith.select %eq3A_1712, %squeeze3A_1694, %squeeze3A_1692 : vector<16x32x128xi1>, vector<16x32x128xi32>
    %broadcast_in_dim3A_1717 = vector.shape_cast %select_n3A_1713 : vector<16x32x128xf32> to vector<16x1x32x128xf32>
    %broadcast_in_dim3A_1718 = vector.shape_cast %select_n3A_1714 : vector<16x32x128xf32> to vector<16x1x32x128xf32>
    %concatenate3A_1719 = tpu.concatenate %broadcast_in_dim3A_1717, %broadcast_in_dim3A_1718 in 1 : vector<16x1x32x128xf32>, vector<16x1x32x128xf32> -> vector<16x2x32x128xf32>
    %reshape3A_1720 = vector.shape_cast %concatenate3A_1719 : vector<16x2x32x128xf32> to vector<1024x128xf32>
    %broadcast_in_dim3A_1721 = vector.shape_cast %select_n3A_1715 : vector<16x32x128xi32> to vector<16x1x32x128xi32>
    %broadcast_in_dim3A_1722 = vector.shape_cast %select_n3A_1716 : vector<16x32x128xi32> to vector<16x1x32x128xi32>
    %concatenate3A_1723 = tpu.concatenate %broadcast_in_dim3A_1721, %broadcast_in_dim3A_1722 in 1 : vector<16x1x32x128xi32>, vector<16x1x32x128xi32> -> vector<16x2x32x128xi32>
    %reshape3A_1724 = vector.shape_cast %concatenate3A_1723 : vector<16x2x32x128xi32> to vector<1024x128xi32>
    %reshape3A_1725 = vector.shape_cast %reshape3A_1720 : vector<1024x128xf32> to vector<32x2x16x128xf32>
    %reshape3A_1726 = vector.shape_cast %reshape3A_1724 : vector<1024x128xi32> to vector<32x2x16x128xi32>
    %slice3A_1727 = vector.extract_strided_slice %reshape3A_1725 {offsets = [0, 0, 0, 0], sizes = [32, 1, 16, 128], strides = [1, 1, 1, 1]} : vector<32x2x16x128xf32> to vector<32x1x16x128xf32>
    %squeeze3A_1728 = vector.shape_cast %slice3A_1727 : vector<32x1x16x128xf32> to vector<32x16x128xf32>
    %slice3A_1729 = vector.extract_strided_slice %reshape3A_1725 {offsets = [0, 1, 0, 0], sizes = [32, 1, 16, 128], strides = [1, 1, 1, 1]} : vector<32x2x16x128xf32> to vector<32x1x16x128xf32>
    %squeeze3A_1730 = vector.shape_cast %slice3A_1729 : vector<32x1x16x128xf32> to vector<32x16x128xf32>
    %slice3A_1731 = vector.extract_strided_slice %reshape3A_1726 {offsets = [0, 0, 0, 0], sizes = [32, 1, 16, 128], strides = [1, 1, 1, 1]} : vector<32x2x16x128xi32> to vector<32x1x16x128xi32>
    %squeeze3A_1732 = vector.shape_cast %slice3A_1731 : vector<32x1x16x128xi32> to vector<32x16x128xi32>
    %slice3A_1733 = vector.extract_strided_slice %reshape3A_1726 {offsets = [0, 1, 0, 0], sizes = [32, 1, 16, 128], strides = [1, 1, 1, 1]} : vector<32x2x16x128xi32> to vector<32x1x16x128xi32>
    %squeeze3A_1734 = vector.shape_cast %slice3A_1733 : vector<32x1x16x128xi32> to vector<32x16x128xi32>
    %lt3A_1735 = arith.cmpf olt, %squeeze3A_1728, %squeeze3A_1730 : vector<32x16x128xf32>
    %eq3A_1736 = arith.cmpf oeq, %squeeze3A_1728, %squeeze3A_1730 : vector<32x16x128xf32>
    %lt3A_1737 = arith.cmpi slt, %squeeze3A_1732, %squeeze3A_1734 : vector<32x16x128xi32>
    %and3A_1738 = arith.andi %eq3A_1736, %lt3A_1737 : vector<32x16x128xi1>
    %or3A_1739 = arith.ori %lt3A_1735, %and3A_1738 : vector<32x16x128xi1>
    %iota3A_1740 = tpu.iota {dimensions = array<i32: 1>} : vector<32x16x128xi32>
    %shift_right_arithmetic3A_1741 = arith.constant 2 : i32
    %shift_right_arithmetic3A_1742 = vector.broadcast %shift_right_arithmetic3A_1741 : i32 to vector<32x16x128xi32>
    %shift_right_arithmetic3A_1743 = arith.shrsi %iota3A_1740, %shift_right_arithmetic3A_1742 : vector<32x16x128xi32>
    %and3A_1744 = arith.constant 1 : i32
    %and3A_1745 = vector.broadcast %and3A_1744 : i32 to vector<32x16x128xi32>
    %and3A_1746 = arith.andi %shift_right_arithmetic3A_1743, %and3A_1745 : vector<32x16x128xi32>
    %eq3A_1747 = arith.constant 0 : i32
    %eq3A_1748 = vector.broadcast %eq3A_1747 : i32 to vector<32x16x128xi32>
    %eq3A_1749 = arith.cmpi eq, %and3A_1746, %eq3A_1748 : vector<32x16x128xi32>
    %eq3A_1750 = arith.xori %or3A_1739, %eq3A_1749 : vector<32x16x128xi1>
    %eq3A_1751 = arith.constant dense<true> : vector<32x16x128xi1>
    %eq3A_1752 = arith.xori %eq3A_1750, %eq3A_1751 : vector<32x16x128xi1>
    %select_n3A_1753 = arith.select %eq3A_1752, %squeeze3A_1728, %squeeze3A_1730 : vector<32x16x128xi1>, vector<32x16x128xf32>
    %select_n3A_1754 = arith.select %eq3A_1752, %squeeze3A_1730, %squeeze3A_1728 : vector<32x16x128xi1>, vector<32x16x128xf32>
    %select_n3A_1755 = arith.select %eq3A_1752, %squeeze3A_1732, %squeeze3A_1734 : vector<32x16x128xi1>, vector<32x16x128xi32>
    %select_n3A_1756 = arith.select %eq3A_1752, %squeeze3A_1734, %squeeze3A_1732 : vector<32x16x128xi1>, vector<32x16x128xi32>
    %broadcast_in_dim3A_1757 = vector.shape_cast %select_n3A_1753 : vector<32x16x128xf32> to vector<32x1x16x128xf32>
    %broadcast_in_dim3A_1758 = vector.shape_cast %select_n3A_1754 : vector<32x16x128xf32> to vector<32x1x16x128xf32>
    %concatenate3A_1759 = tpu.concatenate %broadcast_in_dim3A_1757, %broadcast_in_dim3A_1758 in 1 : vector<32x1x16x128xf32>, vector<32x1x16x128xf32> -> vector<32x2x16x128xf32>
    %reshape3A_1760 = vector.shape_cast %concatenate3A_1759 : vector<32x2x16x128xf32> to vector<1024x128xf32>
    %broadcast_in_dim3A_1761 = vector.shape_cast %select_n3A_1755 : vector<32x16x128xi32> to vector<32x1x16x128xi32>
    %broadcast_in_dim3A_1762 = vector.shape_cast %select_n3A_1756 : vector<32x16x128xi32> to vector<32x1x16x128xi32>
    %concatenate3A_1763 = tpu.concatenate %broadcast_in_dim3A_1761, %broadcast_in_dim3A_1762 in 1 : vector<32x1x16x128xi32>, vector<32x1x16x128xi32> -> vector<32x2x16x128xi32>
    %reshape3A_1764 = vector.shape_cast %concatenate3A_1763 : vector<32x2x16x128xi32> to vector<1024x128xi32>
    %reshape3A_1765 = vector.shape_cast %reshape3A_1760 : vector<1024x128xf32> to vector<64x2x8x128xf32>
    %reshape3A_1766 = vector.shape_cast %reshape3A_1764 : vector<1024x128xi32> to vector<64x2x8x128xi32>
    %slice3A_1767 = vector.extract_strided_slice %reshape3A_1765 {offsets = [0, 0, 0, 0], sizes = [64, 1, 8, 128], strides = [1, 1, 1, 1]} : vector<64x2x8x128xf32> to vector<64x1x8x128xf32>
    %squeeze3A_1768 = vector.shape_cast %slice3A_1767 : vector<64x1x8x128xf32> to vector<64x8x128xf32>
    %slice3A_1769 = vector.extract_strided_slice %reshape3A_1765 {offsets = [0, 1, 0, 0], sizes = [64, 1, 8, 128], strides = [1, 1, 1, 1]} : vector<64x2x8x128xf32> to vector<64x1x8x128xf32>
    %squeeze3A_1770 = vector.shape_cast %slice3A_1769 : vector<64x1x8x128xf32> to vector<64x8x128xf32>
    %slice3A_1771 = vector.extract_strided_slice %reshape3A_1766 {offsets = [0, 0, 0, 0], sizes = [64, 1, 8, 128], strides = [1, 1, 1, 1]} : vector<64x2x8x128xi32> to vector<64x1x8x128xi32>
    %squeeze3A_1772 = vector.shape_cast %slice3A_1771 : vector<64x1x8x128xi32> to vector<64x8x128xi32>
    %slice3A_1773 = vector.extract_strided_slice %reshape3A_1766 {offsets = [0, 1, 0, 0], sizes = [64, 1, 8, 128], strides = [1, 1, 1, 1]} : vector<64x2x8x128xi32> to vector<64x1x8x128xi32>
    %squeeze3A_1774 = vector.shape_cast %slice3A_1773 : vector<64x1x8x128xi32> to vector<64x8x128xi32>
    %lt3A_1775 = arith.cmpf olt, %squeeze3A_1768, %squeeze3A_1770 : vector<64x8x128xf32>
    %eq3A_1776 = arith.cmpf oeq, %squeeze3A_1768, %squeeze3A_1770 : vector<64x8x128xf32>
    %lt3A_1777 = arith.cmpi slt, %squeeze3A_1772, %squeeze3A_1774 : vector<64x8x128xi32>
    %and3A_1778 = arith.andi %eq3A_1776, %lt3A_1777 : vector<64x8x128xi1>
    %or3A_1779 = arith.ori %lt3A_1775, %and3A_1778 : vector<64x8x128xi1>
    %iota3A_1780 = tpu.iota {dimensions = array<i32: 1>} : vector<64x8x128xi32>
    %shift_right_arithmetic3A_1781 = arith.constant 2 : i32
    %shift_right_arithmetic3A_1782 = vector.broadcast %shift_right_arithmetic3A_1781 : i32 to vector<64x8x128xi32>
    %shift_right_arithmetic3A_1783 = arith.shrsi %iota3A_1780, %shift_right_arithmetic3A_1782 : vector<64x8x128xi32>
    %and3A_1784 = arith.constant 1 : i32
    %and3A_1785 = vector.broadcast %and3A_1784 : i32 to vector<64x8x128xi32>
    %and3A_1786 = arith.andi %shift_right_arithmetic3A_1783, %and3A_1785 : vector<64x8x128xi32>
    %eq3A_1787 = arith.constant 0 : i32
    %eq3A_1788 = vector.broadcast %eq3A_1787 : i32 to vector<64x8x128xi32>
    %eq3A_1789 = arith.cmpi eq, %and3A_1786, %eq3A_1788 : vector<64x8x128xi32>
    %eq3A_1790 = arith.xori %or3A_1779, %eq3A_1789 : vector<64x8x128xi1>
    %eq3A_1791 = arith.constant dense<true> : vector<64x8x128xi1>
    %eq3A_1792 = arith.xori %eq3A_1790, %eq3A_1791 : vector<64x8x128xi1>
    %select_n3A_1793 = arith.select %eq3A_1792, %squeeze3A_1768, %squeeze3A_1770 : vector<64x8x128xi1>, vector<64x8x128xf32>
    %select_n3A_1794 = arith.select %eq3A_1792, %squeeze3A_1770, %squeeze3A_1768 : vector<64x8x128xi1>, vector<64x8x128xf32>
    %select_n3A_1795 = arith.select %eq3A_1792, %squeeze3A_1772, %squeeze3A_1774 : vector<64x8x128xi1>, vector<64x8x128xi32>
    %select_n3A_1796 = arith.select %eq3A_1792, %squeeze3A_1774, %squeeze3A_1772 : vector<64x8x128xi1>, vector<64x8x128xi32>
    %broadcast_in_dim3A_1797 = vector.shape_cast %select_n3A_1793 : vector<64x8x128xf32> to vector<64x1x8x128xf32>
    %broadcast_in_dim3A_1798 = vector.shape_cast %select_n3A_1794 : vector<64x8x128xf32> to vector<64x1x8x128xf32>
    %concatenate3A_1799 = tpu.concatenate %broadcast_in_dim3A_1797, %broadcast_in_dim3A_1798 in 1 : vector<64x1x8x128xf32>, vector<64x1x8x128xf32> -> vector<64x2x8x128xf32>
    %reshape3A_1800 = vector.shape_cast %concatenate3A_1799 : vector<64x2x8x128xf32> to vector<1024x128xf32>
    %broadcast_in_dim3A_1801 = vector.shape_cast %select_n3A_1795 : vector<64x8x128xi32> to vector<64x1x8x128xi32>
    %broadcast_in_dim3A_1802 = vector.shape_cast %select_n3A_1796 : vector<64x8x128xi32> to vector<64x1x8x128xi32>
    %concatenate3A_1803 = tpu.concatenate %broadcast_in_dim3A_1801, %broadcast_in_dim3A_1802 in 1 : vector<64x1x8x128xi32>, vector<64x1x8x128xi32> -> vector<64x2x8x128xi32>
    %reshape3A_1804 = vector.shape_cast %concatenate3A_1803 : vector<64x2x8x128xi32> to vector<1024x128xi32>
    %and3A_1805 = arith.constant 4 : i32
    %and3A_1806 = vector.broadcast %and3A_1805 : i32 to vector<1024x128xi32>
    %and3A_1807 = arith.andi %iota3A, %and3A_1806 : vector<1024x128xi32>
    %eq3A_1808 = arith.constant 0 : i32
    %eq3A_1809 = vector.broadcast %eq3A_1808 : i32 to vector<1024x128xi32>
    %eq3A_1810 = arith.cmpi eq, %and3A_1807, %eq3A_1809 : vector<1024x128xi32>
    %slice3A_1811 = vector.extract_strided_slice %reshape3A_1800 {offsets = [4, 0], sizes = [1020, 128], strides = [1, 1]} : vector<1024x128xf32> to vector<1020x128xf32>
    %slice3A_1812 = vector.extract_strided_slice %reshape3A_1800 {offsets = [0, 0], sizes = [4, 128], strides = [1, 1]} : vector<1024x128xf32> to vector<4x128xf32>
    %concatenate3A_1813 = tpu.concatenate %slice3A_1811, %slice3A_1812 in 0 : vector<1020x128xf32>, vector<4x128xf32> -> vector<1024x128xf32>
    %slice3A_1814 = vector.extract_strided_slice %reshape3A_1800 {offsets = [1020, 0], sizes = [4, 128], strides = [1, 1]} : vector<1024x128xf32> to vector<4x128xf32>
    %slice3A_1815 = vector.extract_strided_slice %reshape3A_1800 {offsets = [0, 0], sizes = [1020, 128], strides = [1, 1]} : vector<1024x128xf32> to vector<1020x128xf32>
    %concatenate3A_1816 = tpu.concatenate %slice3A_1814, %slice3A_1815 in 0 : vector<4x128xf32>, vector<1020x128xf32> -> vector<1024x128xf32>
    %select_n3A_1817 = arith.select %eq3A_1810, %concatenate3A_1813, %concatenate3A_1816 : vector<1024x128xi1>, vector<1024x128xf32>
    %slice3A_1818 = vector.extract_strided_slice %reshape3A_1804 {offsets = [4, 0], sizes = [1020, 128], strides = [1, 1]} : vector<1024x128xi32> to vector<1020x128xi32>
    %slice3A_1819 = vector.extract_strided_slice %reshape3A_1804 {offsets = [0, 0], sizes = [4, 128], strides = [1, 1]} : vector<1024x128xi32> to vector<4x128xi32>
    %concatenate3A_1820 = tpu.concatenate %slice3A_1818, %slice3A_1819 in 0 : vector<1020x128xi32>, vector<4x128xi32> -> vector<1024x128xi32>
    %slice3A_1821 = vector.extract_strided_slice %reshape3A_1804 {offsets = [1020, 0], sizes = [4, 128], strides = [1, 1]} : vector<1024x128xi32> to vector<4x128xi32>
    %slice3A_1822 = vector.extract_strided_slice %reshape3A_1804 {offsets = [0, 0], sizes = [1020, 128], strides = [1, 1]} : vector<1024x128xi32> to vector<1020x128xi32>
    %concatenate3A_1823 = tpu.concatenate %slice3A_1821, %slice3A_1822 in 0 : vector<4x128xi32>, vector<1020x128xi32> -> vector<1024x128xi32>
    %select_n3A_1824 = arith.select %eq3A_1810, %concatenate3A_1820, %concatenate3A_1823 : vector<1024x128xi1>, vector<1024x128xi32>
    %lt3A_1825 = arith.cmpf olt, %reshape3A_1800, %select_n3A_1817 : vector<1024x128xf32>
    %eq3A_1826 = arith.cmpf oeq, %reshape3A_1800, %select_n3A_1817 : vector<1024x128xf32>
    %lt3A_1827 = arith.cmpi slt, %reshape3A_1804, %select_n3A_1824 : vector<1024x128xi32>
    %and3A_1828 = arith.andi %eq3A_1826, %lt3A_1827 : vector<1024x128xi1>
    %or3A_1829 = arith.ori %lt3A_1825, %and3A_1828 : vector<1024x128xi1>
    %broadcast_in_dim3A_1830 = arith.constant true
    %broadcast_in_dim3A_1831 = vector.broadcast %broadcast_in_dim3A_1830 : i1 to vector<1024x128xi1>
    %xor3A_1832 = arith.xori %or3A_1829, %broadcast_in_dim3A_1831 : vector<1024x128xi1>
    %xor3A_1833 = arith.xori %xor3A_1832, %eq3A_1810 : vector<1024x128xi1>
    %select_n3A_1834 = arith.select %xor3A_1833, %reshape3A_1800, %select_n3A_1817 : vector<1024x128xi1>, vector<1024x128xf32>
    %select_n3A_1835 = arith.select %xor3A_1833, %reshape3A_1804, %select_n3A_1824 : vector<1024x128xi1>, vector<1024x128xi32>
    %and3A_1836 = arith.constant 2 : i32
    %and3A_1837 = vector.broadcast %and3A_1836 : i32 to vector<1024x128xi32>
    %and3A_1838 = arith.andi %iota3A, %and3A_1837 : vector<1024x128xi32>
    %eq3A_1839 = arith.constant 0 : i32
    %eq3A_1840 = vector.broadcast %eq3A_1839 : i32 to vector<1024x128xi32>
    %eq3A_1841 = arith.cmpi eq, %and3A_1838, %eq3A_1840 : vector<1024x128xi32>
    %slice3A_1842 = vector.extract_strided_slice %select_n3A_1834 {offsets = [2, 0], sizes = [1022, 128], strides = [1, 1]} : vector<1024x128xf32> to vector<1022x128xf32>
    %slice3A_1843 = vector.extract_strided_slice %select_n3A_1834 {offsets = [0, 0], sizes = [2, 128], strides = [1, 1]} : vector<1024x128xf32> to vector<2x128xf32>
    %concatenate3A_1844 = tpu.concatenate %slice3A_1842, %slice3A_1843 in 0 : vector<1022x128xf32>, vector<2x128xf32> -> vector<1024x128xf32>
    %slice3A_1845 = vector.extract_strided_slice %select_n3A_1834 {offsets = [1022, 0], sizes = [2, 128], strides = [1, 1]} : vector<1024x128xf32> to vector<2x128xf32>
    %slice3A_1846 = vector.extract_strided_slice %select_n3A_1834 {offsets = [0, 0], sizes = [1022, 128], strides = [1, 1]} : vector<1024x128xf32> to vector<1022x128xf32>
    %concatenate3A_1847 = tpu.concatenate %slice3A_1845, %slice3A_1846 in 0 : vector<2x128xf32>, vector<1022x128xf32> -> vector<1024x128xf32>
    %select_n3A_1848 = arith.select %eq3A_1841, %concatenate3A_1844, %concatenate3A_1847 : vector<1024x128xi1>, vector<1024x128xf32>
    %slice3A_1849 = vector.extract_strided_slice %select_n3A_1835 {offsets = [2, 0], sizes = [1022, 128], strides = [1, 1]} : vector<1024x128xi32> to vector<1022x128xi32>
    %slice3A_1850 = vector.extract_strided_slice %select_n3A_1835 {offsets = [0, 0], sizes = [2, 128], strides = [1, 1]} : vector<1024x128xi32> to vector<2x128xi32>
    %concatenate3A_1851 = tpu.concatenate %slice3A_1849, %slice3A_1850 in 0 : vector<1022x128xi32>, vector<2x128xi32> -> vector<1024x128xi32>
    %slice3A_1852 = vector.extract_strided_slice %select_n3A_1835 {offsets = [1022, 0], sizes = [2, 128], strides = [1, 1]} : vector<1024x128xi32> to vector<2x128xi32>
    %slice3A_1853 = vector.extract_strided_slice %select_n3A_1835 {offsets = [0, 0], sizes = [1022, 128], strides = [1, 1]} : vector<1024x128xi32> to vector<1022x128xi32>
    %concatenate3A_1854 = tpu.concatenate %slice3A_1852, %slice3A_1853 in 0 : vector<2x128xi32>, vector<1022x128xi32> -> vector<1024x128xi32>
    %select_n3A_1855 = arith.select %eq3A_1841, %concatenate3A_1851, %concatenate3A_1854 : vector<1024x128xi1>, vector<1024x128xi32>
    %lt3A_1856 = arith.cmpf olt, %select_n3A_1834, %select_n3A_1848 : vector<1024x128xf32>
    %eq3A_1857 = arith.cmpf oeq, %select_n3A_1834, %select_n3A_1848 : vector<1024x128xf32>
    %lt3A_1858 = arith.cmpi slt, %select_n3A_1835, %select_n3A_1855 : vector<1024x128xi32>
    %and3A_1859 = arith.andi %eq3A_1857, %lt3A_1858 : vector<1024x128xi1>
    %or3A_1860 = arith.ori %lt3A_1856, %and3A_1859 : vector<1024x128xi1>
    %broadcast_in_dim3A_1861 = arith.constant true
    %broadcast_in_dim3A_1862 = vector.broadcast %broadcast_in_dim3A_1861 : i1 to vector<1024x128xi1>
    %xor3A_1863 = arith.xori %or3A_1860, %broadcast_in_dim3A_1862 : vector<1024x128xi1>
    %xor3A_1864 = arith.xori %xor3A_1863, %eq3A_1841 : vector<1024x128xi1>
    %select_n3A_1865 = arith.select %xor3A_1864, %select_n3A_1834, %select_n3A_1848 : vector<1024x128xi1>, vector<1024x128xf32>
    %select_n3A_1866 = arith.select %xor3A_1864, %select_n3A_1835, %select_n3A_1855 : vector<1024x128xi1>, vector<1024x128xi32>
    %and3A_1867 = arith.constant 1 : i32
    %and3A_1868 = vector.broadcast %and3A_1867 : i32 to vector<1024x128xi32>
    %and3A_1869 = arith.andi %iota3A, %and3A_1868 : vector<1024x128xi32>
    %eq3A_1870 = arith.constant 0 : i32
    %eq3A_1871 = vector.broadcast %eq3A_1870 : i32 to vector<1024x128xi32>
    %eq3A_1872 = arith.cmpi eq, %and3A_1869, %eq3A_1871 : vector<1024x128xi32>
    %slice3A_1873 = vector.extract_strided_slice %select_n3A_1865 {offsets = [1, 0], sizes = [1023, 128], strides = [1, 1]} : vector<1024x128xf32> to vector<1023x128xf32>
    %slice3A_1874 = vector.extract_strided_slice %select_n3A_1865 {offsets = [0, 0], sizes = [1, 128], strides = [1, 1]} : vector<1024x128xf32> to vector<1x128xf32>
    %concatenate3A_1875 = tpu.concatenate %slice3A_1873, %slice3A_1874 in 0 : vector<1023x128xf32>, vector<1x128xf32> -> vector<1024x128xf32>
    %slice3A_1876 = vector.extract_strided_slice %select_n3A_1865 {offsets = [1023, 0], sizes = [1, 128], strides = [1, 1]} : vector<1024x128xf32> to vector<1x128xf32>
    %slice3A_1877 = vector.extract_strided_slice %select_n3A_1865 {offsets = [0, 0], sizes = [1023, 128], strides = [1, 1]} : vector<1024x128xf32> to vector<1023x128xf32>
    %concatenate3A_1878 = tpu.concatenate %slice3A_1876, %slice3A_1877 in 0 : vector<1x128xf32>, vector<1023x128xf32> -> vector<1024x128xf32>
    %select_n3A_1879 = arith.select %eq3A_1872, %concatenate3A_1875, %concatenate3A_1878 : vector<1024x128xi1>, vector<1024x128xf32>
    %slice3A_1880 = vector.extract_strided_slice %select_n3A_1866 {offsets = [1, 0], sizes = [1023, 128], strides = [1, 1]} : vector<1024x128xi32> to vector<1023x128xi32>
    %slice3A_1881 = vector.extract_strided_slice %select_n3A_1866 {offsets = [0, 0], sizes = [1, 128], strides = [1, 1]} : vector<1024x128xi32> to vector<1x128xi32>
    %concatenate3A_1882 = tpu.concatenate %slice3A_1880, %slice3A_1881 in 0 : vector<1023x128xi32>, vector<1x128xi32> -> vector<1024x128xi32>
    %slice3A_1883 = vector.extract_strided_slice %select_n3A_1866 {offsets = [1023, 0], sizes = [1, 128], strides = [1, 1]} : vector<1024x128xi32> to vector<1x128xi32>
    %slice3A_1884 = vector.extract_strided_slice %select_n3A_1866 {offsets = [0, 0], sizes = [1023, 128], strides = [1, 1]} : vector<1024x128xi32> to vector<1023x128xi32>
    %concatenate3A_1885 = tpu.concatenate %slice3A_1883, %slice3A_1884 in 0 : vector<1x128xi32>, vector<1023x128xi32> -> vector<1024x128xi32>
    %select_n3A_1886 = arith.select %eq3A_1872, %concatenate3A_1882, %concatenate3A_1885 : vector<1024x128xi1>, vector<1024x128xi32>
    %lt3A_1887 = arith.cmpf olt, %select_n3A_1865, %select_n3A_1879 : vector<1024x128xf32>
    %eq3A_1888 = arith.cmpf oeq, %select_n3A_1865, %select_n3A_1879 : vector<1024x128xf32>
    %lt3A_1889 = arith.cmpi slt, %select_n3A_1866, %select_n3A_1886 : vector<1024x128xi32>
    %and3A_1890 = arith.andi %eq3A_1888, %lt3A_1889 : vector<1024x128xi1>
    %or3A_1891 = arith.ori %lt3A_1887, %and3A_1890 : vector<1024x128xi1>
    %broadcast_in_dim3A_1892 = arith.constant true
    %broadcast_in_dim3A_1893 = vector.broadcast %broadcast_in_dim3A_1892 : i1 to vector<1024x128xi1>
    %xor3A_1894 = arith.xori %or3A_1891, %broadcast_in_dim3A_1893 : vector<1024x128xi1>
    %xor3A_1895 = arith.xori %xor3A_1894, %eq3A_1872 : vector<1024x128xi1>
    %select_n3A_1896 = arith.select %xor3A_1895, %select_n3A_1865, %select_n3A_1879 : vector<1024x128xi1>, vector<1024x128xf32>
    %select_n3A_1897 = arith.select %xor3A_1895, %select_n3A_1866, %select_n3A_1886 : vector<1024x128xi1>, vector<1024x128xi32>
    %reshape3A_1898 = vector.shape_cast %select_n3A_1896 : vector<1024x128xf32> to vector<1x2x512x128xf32>
    %reshape3A_1899 = vector.shape_cast %select_n3A_1897 : vector<1024x128xi32> to vector<1x2x512x128xi32>
    %slice3A_1900 = vector.extract_strided_slice %reshape3A_1898 {offsets = [0, 0, 0, 0], sizes = [1, 1, 512, 128], strides = [1, 1, 1, 1]} : vector<1x2x512x128xf32> to vector<1x1x512x128xf32>
    %squeeze3A_1901 = vector.shape_cast %slice3A_1900 : vector<1x1x512x128xf32> to vector<1x512x128xf32>
    %slice3A_1902 = vector.extract_strided_slice %reshape3A_1898 {offsets = [0, 1, 0, 0], sizes = [1, 1, 512, 128], strides = [1, 1, 1, 1]} : vector<1x2x512x128xf32> to vector<1x1x512x128xf32>
    %squeeze3A_1903 = vector.shape_cast %slice3A_1902 : vector<1x1x512x128xf32> to vector<1x512x128xf32>
    %slice3A_1904 = vector.extract_strided_slice %reshape3A_1899 {offsets = [0, 0, 0, 0], sizes = [1, 1, 512, 128], strides = [1, 1, 1, 1]} : vector<1x2x512x128xi32> to vector<1x1x512x128xi32>
    %squeeze3A_1905 = vector.shape_cast %slice3A_1904 : vector<1x1x512x128xi32> to vector<1x512x128xi32>
    %slice3A_1906 = vector.extract_strided_slice %reshape3A_1899 {offsets = [0, 1, 0, 0], sizes = [1, 1, 512, 128], strides = [1, 1, 1, 1]} : vector<1x2x512x128xi32> to vector<1x1x512x128xi32>
    %squeeze3A_1907 = vector.shape_cast %slice3A_1906 : vector<1x1x512x128xi32> to vector<1x512x128xi32>
    %lt3A_1908 = arith.cmpf olt, %squeeze3A_1901, %squeeze3A_1903 : vector<1x512x128xf32>
    %eq3A_1909 = arith.cmpf oeq, %squeeze3A_1901, %squeeze3A_1903 : vector<1x512x128xf32>
    %lt3A_1910 = arith.cmpi slt, %squeeze3A_1905, %squeeze3A_1907 : vector<1x512x128xi32>
    %and3A_1911 = arith.andi %eq3A_1909, %lt3A_1910 : vector<1x512x128xi1>
    %or3A_1912 = arith.ori %lt3A_1908, %and3A_1911 : vector<1x512x128xi1>
    %select_n3A_1913 = arith.select %or3A_1912, %squeeze3A_1901, %squeeze3A_1903 : vector<1x512x128xi1>, vector<1x512x128xf32>
    %select_n3A_1914 = arith.select %or3A_1912, %squeeze3A_1903, %squeeze3A_1901 : vector<1x512x128xi1>, vector<1x512x128xf32>
    %select_n3A_1915 = arith.select %or3A_1912, %squeeze3A_1905, %squeeze3A_1907 : vector<1x512x128xi1>, vector<1x512x128xi32>
    %select_n3A_1916 = arith.select %or3A_1912, %squeeze3A_1907, %squeeze3A_1905 : vector<1x512x128xi1>, vector<1x512x128xi32>
    %broadcast_in_dim3A_1917 = vector.shape_cast %select_n3A_1913 : vector<1x512x128xf32> to vector<1x1x512x128xf32>
    %broadcast_in_dim3A_1918 = vector.shape_cast %select_n3A_1914 : vector<1x512x128xf32> to vector<1x1x512x128xf32>
    %concatenate3A_1919 = tpu.concatenate %broadcast_in_dim3A_1917, %broadcast_in_dim3A_1918 in 1 : vector<1x1x512x128xf32>, vector<1x1x512x128xf32> -> vector<1x2x512x128xf32>
    %reshape3A_1920 = vector.shape_cast %concatenate3A_1919 : vector<1x2x512x128xf32> to vector<1024x128xf32>
    %broadcast_in_dim3A_1921 = vector.shape_cast %select_n3A_1915 : vector<1x512x128xi32> to vector<1x1x512x128xi32>
    %broadcast_in_dim3A_1922 = vector.shape_cast %select_n3A_1916 : vector<1x512x128xi32> to vector<1x1x512x128xi32>
    %concatenate3A_1923 = tpu.concatenate %broadcast_in_dim3A_1921, %broadcast_in_dim3A_1922 in 1 : vector<1x1x512x128xi32>, vector<1x1x512x128xi32> -> vector<1x2x512x128xi32>
    %reshape3A_1924 = vector.shape_cast %concatenate3A_1923 : vector<1x2x512x128xi32> to vector<1024x128xi32>
    %reshape3A_1925 = vector.shape_cast %reshape3A_1920 : vector<1024x128xf32> to vector<2x2x256x128xf32>
    %reshape3A_1926 = vector.shape_cast %reshape3A_1924 : vector<1024x128xi32> to vector<2x2x256x128xi32>
    %slice3A_1927 = vector.extract_strided_slice %reshape3A_1925 {offsets = [0, 0, 0, 0], sizes = [2, 1, 256, 128], strides = [1, 1, 1, 1]} : vector<2x2x256x128xf32> to vector<2x1x256x128xf32>
    %squeeze3A_1928 = vector.shape_cast %slice3A_1927 : vector<2x1x256x128xf32> to vector<2x256x128xf32>
    %slice3A_1929 = vector.extract_strided_slice %reshape3A_1925 {offsets = [0, 1, 0, 0], sizes = [2, 1, 256, 128], strides = [1, 1, 1, 1]} : vector<2x2x256x128xf32> to vector<2x1x256x128xf32>
    %squeeze3A_1930 = vector.shape_cast %slice3A_1929 : vector<2x1x256x128xf32> to vector<2x256x128xf32>
    %slice3A_1931 = vector.extract_strided_slice %reshape3A_1926 {offsets = [0, 0, 0, 0], sizes = [2, 1, 256, 128], strides = [1, 1, 1, 1]} : vector<2x2x256x128xi32> to vector<2x1x256x128xi32>
    %squeeze3A_1932 = vector.shape_cast %slice3A_1931 : vector<2x1x256x128xi32> to vector<2x256x128xi32>
    %slice3A_1933 = vector.extract_strided_slice %reshape3A_1926 {offsets = [0, 1, 0, 0], sizes = [2, 1, 256, 128], strides = [1, 1, 1, 1]} : vector<2x2x256x128xi32> to vector<2x1x256x128xi32>
    %squeeze3A_1934 = vector.shape_cast %slice3A_1933 : vector<2x1x256x128xi32> to vector<2x256x128xi32>
    %lt3A_1935 = arith.cmpf olt, %squeeze3A_1928, %squeeze3A_1930 : vector<2x256x128xf32>
    %eq3A_1936 = arith.cmpf oeq, %squeeze3A_1928, %squeeze3A_1930 : vector<2x256x128xf32>
    %lt3A_1937 = arith.cmpi slt, %squeeze3A_1932, %squeeze3A_1934 : vector<2x256x128xi32>
    %and3A_1938 = arith.andi %eq3A_1936, %lt3A_1937 : vector<2x256x128xi1>
    %or3A_1939 = arith.ori %lt3A_1935, %and3A_1938 : vector<2x256x128xi1>
    %select_n3A_1940 = arith.select %or3A_1939, %squeeze3A_1928, %squeeze3A_1930 : vector<2x256x128xi1>, vector<2x256x128xf32>
    %select_n3A_1941 = arith.select %or3A_1939, %squeeze3A_1930, %squeeze3A_1928 : vector<2x256x128xi1>, vector<2x256x128xf32>
    %select_n3A_1942 = arith.select %or3A_1939, %squeeze3A_1932, %squeeze3A_1934 : vector<2x256x128xi1>, vector<2x256x128xi32>
    %select_n3A_1943 = arith.select %or3A_1939, %squeeze3A_1934, %squeeze3A_1932 : vector<2x256x128xi1>, vector<2x256x128xi32>
    %broadcast_in_dim3A_1944 = vector.shape_cast %select_n3A_1940 : vector<2x256x128xf32> to vector<2x1x256x128xf32>
    %broadcast_in_dim3A_1945 = vector.shape_cast %select_n3A_1941 : vector<2x256x128xf32> to vector<2x1x256x128xf32>
    %concatenate3A_1946 = tpu.concatenate %broadcast_in_dim3A_1944, %broadcast_in_dim3A_1945 in 1 : vector<2x1x256x128xf32>, vector<2x1x256x128xf32> -> vector<2x2x256x128xf32>
    %reshape3A_1947 = vector.shape_cast %concatenate3A_1946 : vector<2x2x256x128xf32> to vector<1024x128xf32>
    %broadcast_in_dim3A_1948 = vector.shape_cast %select_n3A_1942 : vector<2x256x128xi32> to vector<2x1x256x128xi32>
    %broadcast_in_dim3A_1949 = vector.shape_cast %select_n3A_1943 : vector<2x256x128xi32> to vector<2x1x256x128xi32>
    %concatenate3A_1950 = tpu.concatenate %broadcast_in_dim3A_1948, %broadcast_in_dim3A_1949 in 1 : vector<2x1x256x128xi32>, vector<2x1x256x128xi32> -> vector<2x2x256x128xi32>
    %reshape3A_1951 = vector.shape_cast %concatenate3A_1950 : vector<2x2x256x128xi32> to vector<1024x128xi32>
    %reshape3A_1952 = vector.shape_cast %reshape3A_1947 : vector<1024x128xf32> to vector<4x2x128x128xf32>
    %reshape3A_1953 = vector.shape_cast %reshape3A_1951 : vector<1024x128xi32> to vector<4x2x128x128xi32>
    %slice3A_1954 = vector.extract_strided_slice %reshape3A_1952 {offsets = [0, 0, 0, 0], sizes = [4, 1, 128, 128], strides = [1, 1, 1, 1]} : vector<4x2x128x128xf32> to vector<4x1x128x128xf32>
    %squeeze3A_1955 = vector.shape_cast %slice3A_1954 : vector<4x1x128x128xf32> to vector<4x128x128xf32>
    %slice3A_1956 = vector.extract_strided_slice %reshape3A_1952 {offsets = [0, 1, 0, 0], sizes = [4, 1, 128, 128], strides = [1, 1, 1, 1]} : vector<4x2x128x128xf32> to vector<4x1x128x128xf32>
    %squeeze3A_1957 = vector.shape_cast %slice3A_1956 : vector<4x1x128x128xf32> to vector<4x128x128xf32>
    %slice3A_1958 = vector.extract_strided_slice %reshape3A_1953 {offsets = [0, 0, 0, 0], sizes = [4, 1, 128, 128], strides = [1, 1, 1, 1]} : vector<4x2x128x128xi32> to vector<4x1x128x128xi32>
    %squeeze3A_1959 = vector.shape_cast %slice3A_1958 : vector<4x1x128x128xi32> to vector<4x128x128xi32>
    %slice3A_1960 = vector.extract_strided_slice %reshape3A_1953 {offsets = [0, 1, 0, 0], sizes = [4, 1, 128, 128], strides = [1, 1, 1, 1]} : vector<4x2x128x128xi32> to vector<4x1x128x128xi32>
    %squeeze3A_1961 = vector.shape_cast %slice3A_1960 : vector<4x1x128x128xi32> to vector<4x128x128xi32>
    %lt3A_1962 = arith.cmpf olt, %squeeze3A_1955, %squeeze3A_1957 : vector<4x128x128xf32>
    %eq3A_1963 = arith.cmpf oeq, %squeeze3A_1955, %squeeze3A_1957 : vector<4x128x128xf32>
    %lt3A_1964 = arith.cmpi slt, %squeeze3A_1959, %squeeze3A_1961 : vector<4x128x128xi32>
    %and3A_1965 = arith.andi %eq3A_1963, %lt3A_1964 : vector<4x128x128xi1>
    %or3A_1966 = arith.ori %lt3A_1962, %and3A_1965 : vector<4x128x128xi1>
    %select_n3A_1967 = arith.select %or3A_1966, %squeeze3A_1955, %squeeze3A_1957 : vector<4x128x128xi1>, vector<4x128x128xf32>
    %select_n3A_1968 = arith.select %or3A_1966, %squeeze3A_1957, %squeeze3A_1955 : vector<4x128x128xi1>, vector<4x128x128xf32>
    %select_n3A_1969 = arith.select %or3A_1966, %squeeze3A_1959, %squeeze3A_1961 : vector<4x128x128xi1>, vector<4x128x128xi32>
    %select_n3A_1970 = arith.select %or3A_1966, %squeeze3A_1961, %squeeze3A_1959 : vector<4x128x128xi1>, vector<4x128x128xi32>
    %broadcast_in_dim3A_1971 = vector.shape_cast %select_n3A_1967 : vector<4x128x128xf32> to vector<4x1x128x128xf32>
    %broadcast_in_dim3A_1972 = vector.shape_cast %select_n3A_1968 : vector<4x128x128xf32> to vector<4x1x128x128xf32>
    %concatenate3A_1973 = tpu.concatenate %broadcast_in_dim3A_1971, %broadcast_in_dim3A_1972 in 1 : vector<4x1x128x128xf32>, vector<4x1x128x128xf32> -> vector<4x2x128x128xf32>
    %reshape3A_1974 = vector.shape_cast %concatenate3A_1973 : vector<4x2x128x128xf32> to vector<1024x128xf32>
    %broadcast_in_dim3A_1975 = vector.shape_cast %select_n3A_1969 : vector<4x128x128xi32> to vector<4x1x128x128xi32>
    %broadcast_in_dim3A_1976 = vector.shape_cast %select_n3A_1970 : vector<4x128x128xi32> to vector<4x1x128x128xi32>
    %concatenate3A_1977 = tpu.concatenate %broadcast_in_dim3A_1975, %broadcast_in_dim3A_1976 in 1 : vector<4x1x128x128xi32>, vector<4x1x128x128xi32> -> vector<4x2x128x128xi32>
    %reshape3A_1978 = vector.shape_cast %concatenate3A_1977 : vector<4x2x128x128xi32> to vector<1024x128xi32>
    %reshape3A_1979 = vector.shape_cast %reshape3A_1974 : vector<1024x128xf32> to vector<8x2x64x128xf32>
    %reshape3A_1980 = vector.shape_cast %reshape3A_1978 : vector<1024x128xi32> to vector<8x2x64x128xi32>
    %slice3A_1981 = vector.extract_strided_slice %reshape3A_1979 {offsets = [0, 0, 0, 0], sizes = [8, 1, 64, 128], strides = [1, 1, 1, 1]} : vector<8x2x64x128xf32> to vector<8x1x64x128xf32>
    %squeeze3A_1982 = vector.shape_cast %slice3A_1981 : vector<8x1x64x128xf32> to vector<8x64x128xf32>
    %slice3A_1983 = vector.extract_strided_slice %reshape3A_1979 {offsets = [0, 1, 0, 0], sizes = [8, 1, 64, 128], strides = [1, 1, 1, 1]} : vector<8x2x64x128xf32> to vector<8x1x64x128xf32>
    %squeeze3A_1984 = vector.shape_cast %slice3A_1983 : vector<8x1x64x128xf32> to vector<8x64x128xf32>
    %slice3A_1985 = vector.extract_strided_slice %reshape3A_1980 {offsets = [0, 0, 0, 0], sizes = [8, 1, 64, 128], strides = [1, 1, 1, 1]} : vector<8x2x64x128xi32> to vector<8x1x64x128xi32>
    %squeeze3A_1986 = vector.shape_cast %slice3A_1985 : vector<8x1x64x128xi32> to vector<8x64x128xi32>
    %slice3A_1987 = vector.extract_strided_slice %reshape3A_1980 {offsets = [0, 1, 0, 0], sizes = [8, 1, 64, 128], strides = [1, 1, 1, 1]} : vector<8x2x64x128xi32> to vector<8x1x64x128xi32>
    %squeeze3A_1988 = vector.shape_cast %slice3A_1987 : vector<8x1x64x128xi32> to vector<8x64x128xi32>
    %lt3A_1989 = arith.cmpf olt, %squeeze3A_1982, %squeeze3A_1984 : vector<8x64x128xf32>
    %eq3A_1990 = arith.cmpf oeq, %squeeze3A_1982, %squeeze3A_1984 : vector<8x64x128xf32>
    %lt3A_1991 = arith.cmpi slt, %squeeze3A_1986, %squeeze3A_1988 : vector<8x64x128xi32>
    %and3A_1992 = arith.andi %eq3A_1990, %lt3A_1991 : vector<8x64x128xi1>
    %or3A_1993 = arith.ori %lt3A_1989, %and3A_1992 : vector<8x64x128xi1>
    %select_n3A_1994 = arith.select %or3A_1993, %squeeze3A_1982, %squeeze3A_1984 : vector<8x64x128xi1>, vector<8x64x128xf32>
    %select_n3A_1995 = arith.select %or3A_1993, %squeeze3A_1984, %squeeze3A_1982 : vector<8x64x128xi1>, vector<8x64x128xf32>
    %select_n3A_1996 = arith.select %or3A_1993, %squeeze3A_1986, %squeeze3A_1988 : vector<8x64x128xi1>, vector<8x64x128xi32>
    %select_n3A_1997 = arith.select %or3A_1993, %squeeze3A_1988, %squeeze3A_1986 : vector<8x64x128xi1>, vector<8x64x128xi32>
    %broadcast_in_dim3A_1998 = vector.shape_cast %select_n3A_1994 : vector<8x64x128xf32> to vector<8x1x64x128xf32>
    %broadcast_in_dim3A_1999 = vector.shape_cast %select_n3A_1995 : vector<8x64x128xf32> to vector<8x1x64x128xf32>
    %concatenate3A_2000 = tpu.concatenate %broadcast_in_dim3A_1998, %broadcast_in_dim3A_1999 in 1 : vector<8x1x64x128xf32>, vector<8x1x64x128xf32> -> vector<8x2x64x128xf32>
    %reshape3A_2001 = vector.shape_cast %concatenate3A_2000 : vector<8x2x64x128xf32> to vector<1024x128xf32>
    %broadcast_in_dim3A_2002 = vector.shape_cast %select_n3A_1996 : vector<8x64x128xi32> to vector<8x1x64x128xi32>
    %broadcast_in_dim3A_2003 = vector.shape_cast %select_n3A_1997 : vector<8x64x128xi32> to vector<8x1x64x128xi32>
    %concatenate3A_2004 = tpu.concatenate %broadcast_in_dim3A_2002, %broadcast_in_dim3A_2003 in 1 : vector<8x1x64x128xi32>, vector<8x1x64x128xi32> -> vector<8x2x64x128xi32>
    %reshape3A_2005 = vector.shape_cast %concatenate3A_2004 : vector<8x2x64x128xi32> to vector<1024x128xi32>
    %reshape3A_2006 = vector.shape_cast %reshape3A_2001 : vector<1024x128xf32> to vector<16x2x32x128xf32>
    %reshape3A_2007 = vector.shape_cast %reshape3A_2005 : vector<1024x128xi32> to vector<16x2x32x128xi32>
    %slice3A_2008 = vector.extract_strided_slice %reshape3A_2006 {offsets = [0, 0, 0, 0], sizes = [16, 1, 32, 128], strides = [1, 1, 1, 1]} : vector<16x2x32x128xf32> to vector<16x1x32x128xf32>
    %squeeze3A_2009 = vector.shape_cast %slice3A_2008 : vector<16x1x32x128xf32> to vector<16x32x128xf32>
    %slice3A_2010 = vector.extract_strided_slice %reshape3A_2006 {offsets = [0, 1, 0, 0], sizes = [16, 1, 32, 128], strides = [1, 1, 1, 1]} : vector<16x2x32x128xf32> to vector<16x1x32x128xf32>
    %squeeze3A_2011 = vector.shape_cast %slice3A_2010 : vector<16x1x32x128xf32> to vector<16x32x128xf32>
    %slice3A_2012 = vector.extract_strided_slice %reshape3A_2007 {offsets = [0, 0, 0, 0], sizes = [16, 1, 32, 128], strides = [1, 1, 1, 1]} : vector<16x2x32x128xi32> to vector<16x1x32x128xi32>
    %squeeze3A_2013 = vector.shape_cast %slice3A_2012 : vector<16x1x32x128xi32> to vector<16x32x128xi32>
    %slice3A_2014 = vector.extract_strided_slice %reshape3A_2007 {offsets = [0, 1, 0, 0], sizes = [16, 1, 32, 128], strides = [1, 1, 1, 1]} : vector<16x2x32x128xi32> to vector<16x1x32x128xi32>
    %squeeze3A_2015 = vector.shape_cast %slice3A_2014 : vector<16x1x32x128xi32> to vector<16x32x128xi32>
    %lt3A_2016 = arith.cmpf olt, %squeeze3A_2009, %squeeze3A_2011 : vector<16x32x128xf32>
    %eq3A_2017 = arith.cmpf oeq, %squeeze3A_2009, %squeeze3A_2011 : vector<16x32x128xf32>
    %lt3A_2018 = arith.cmpi slt, %squeeze3A_2013, %squeeze3A_2015 : vector<16x32x128xi32>
    %and3A_2019 = arith.andi %eq3A_2017, %lt3A_2018 : vector<16x32x128xi1>
    %or3A_2020 = arith.ori %lt3A_2016, %and3A_2019 : vector<16x32x128xi1>
    %select_n3A_2021 = arith.select %or3A_2020, %squeeze3A_2009, %squeeze3A_2011 : vector<16x32x128xi1>, vector<16x32x128xf32>
    %select_n3A_2022 = arith.select %or3A_2020, %squeeze3A_2011, %squeeze3A_2009 : vector<16x32x128xi1>, vector<16x32x128xf32>
    %select_n3A_2023 = arith.select %or3A_2020, %squeeze3A_2013, %squeeze3A_2015 : vector<16x32x128xi1>, vector<16x32x128xi32>
    %select_n3A_2024 = arith.select %or3A_2020, %squeeze3A_2015, %squeeze3A_2013 : vector<16x32x128xi1>, vector<16x32x128xi32>
    %broadcast_in_dim3A_2025 = vector.shape_cast %select_n3A_2021 : vector<16x32x128xf32> to vector<16x1x32x128xf32>
    %broadcast_in_dim3A_2026 = vector.shape_cast %select_n3A_2022 : vector<16x32x128xf32> to vector<16x1x32x128xf32>
    %concatenate3A_2027 = tpu.concatenate %broadcast_in_dim3A_2025, %broadcast_in_dim3A_2026 in 1 : vector<16x1x32x128xf32>, vector<16x1x32x128xf32> -> vector<16x2x32x128xf32>
    %reshape3A_2028 = vector.shape_cast %concatenate3A_2027 : vector<16x2x32x128xf32> to vector<1024x128xf32>
    %broadcast_in_dim3A_2029 = vector.shape_cast %select_n3A_2023 : vector<16x32x128xi32> to vector<16x1x32x128xi32>
    %broadcast_in_dim3A_2030 = vector.shape_cast %select_n3A_2024 : vector<16x32x128xi32> to vector<16x1x32x128xi32>
    %concatenate3A_2031 = tpu.concatenate %broadcast_in_dim3A_2029, %broadcast_in_dim3A_2030 in 1 : vector<16x1x32x128xi32>, vector<16x1x32x128xi32> -> vector<16x2x32x128xi32>
    %reshape3A_2032 = vector.shape_cast %concatenate3A_2031 : vector<16x2x32x128xi32> to vector<1024x128xi32>
    %reshape3A_2033 = vector.shape_cast %reshape3A_2028 : vector<1024x128xf32> to vector<32x2x16x128xf32>
    %reshape3A_2034 = vector.shape_cast %reshape3A_2032 : vector<1024x128xi32> to vector<32x2x16x128xi32>
    %slice3A_2035 = vector.extract_strided_slice %reshape3A_2033 {offsets = [0, 0, 0, 0], sizes = [32, 1, 16, 128], strides = [1, 1, 1, 1]} : vector<32x2x16x128xf32> to vector<32x1x16x128xf32>
    %squeeze3A_2036 = vector.shape_cast %slice3A_2035 : vector<32x1x16x128xf32> to vector<32x16x128xf32>
    %slice3A_2037 = vector.extract_strided_slice %reshape3A_2033 {offsets = [0, 1, 0, 0], sizes = [32, 1, 16, 128], strides = [1, 1, 1, 1]} : vector<32x2x16x128xf32> to vector<32x1x16x128xf32>
    %squeeze3A_2038 = vector.shape_cast %slice3A_2037 : vector<32x1x16x128xf32> to vector<32x16x128xf32>
    %slice3A_2039 = vector.extract_strided_slice %reshape3A_2034 {offsets = [0, 0, 0, 0], sizes = [32, 1, 16, 128], strides = [1, 1, 1, 1]} : vector<32x2x16x128xi32> to vector<32x1x16x128xi32>
    %squeeze3A_2040 = vector.shape_cast %slice3A_2039 : vector<32x1x16x128xi32> to vector<32x16x128xi32>
    %slice3A_2041 = vector.extract_strided_slice %reshape3A_2034 {offsets = [0, 1, 0, 0], sizes = [32, 1, 16, 128], strides = [1, 1, 1, 1]} : vector<32x2x16x128xi32> to vector<32x1x16x128xi32>
    %squeeze3A_2042 = vector.shape_cast %slice3A_2041 : vector<32x1x16x128xi32> to vector<32x16x128xi32>
    %lt3A_2043 = arith.cmpf olt, %squeeze3A_2036, %squeeze3A_2038 : vector<32x16x128xf32>
    %eq3A_2044 = arith.cmpf oeq, %squeeze3A_2036, %squeeze3A_2038 : vector<32x16x128xf32>
    %lt3A_2045 = arith.cmpi slt, %squeeze3A_2040, %squeeze3A_2042 : vector<32x16x128xi32>
    %and3A_2046 = arith.andi %eq3A_2044, %lt3A_2045 : vector<32x16x128xi1>
    %or3A_2047 = arith.ori %lt3A_2043, %and3A_2046 : vector<32x16x128xi1>
    %select_n3A_2048 = arith.select %or3A_2047, %squeeze3A_2036, %squeeze3A_2038 : vector<32x16x128xi1>, vector<32x16x128xf32>
    %select_n3A_2049 = arith.select %or3A_2047, %squeeze3A_2038, %squeeze3A_2036 : vector<32x16x128xi1>, vector<32x16x128xf32>
    %select_n3A_2050 = arith.select %or3A_2047, %squeeze3A_2040, %squeeze3A_2042 : vector<32x16x128xi1>, vector<32x16x128xi32>
    %select_n3A_2051 = arith.select %or3A_2047, %squeeze3A_2042, %squeeze3A_2040 : vector<32x16x128xi1>, vector<32x16x128xi32>
    %broadcast_in_dim3A_2052 = vector.shape_cast %select_n3A_2048 : vector<32x16x128xf32> to vector<32x1x16x128xf32>
    %broadcast_in_dim3A_2053 = vector.shape_cast %select_n3A_2049 : vector<32x16x128xf32> to vector<32x1x16x128xf32>
    %concatenate3A_2054 = tpu.concatenate %broadcast_in_dim3A_2052, %broadcast_in_dim3A_2053 in 1 : vector<32x1x16x128xf32>, vector<32x1x16x128xf32> -> vector<32x2x16x128xf32>
    %reshape3A_2055 = vector.shape_cast %concatenate3A_2054 : vector<32x2x16x128xf32> to vector<1024x128xf32>
    %broadcast_in_dim3A_2056 = vector.shape_cast %select_n3A_2050 : vector<32x16x128xi32> to vector<32x1x16x128xi32>
    %broadcast_in_dim3A_2057 = vector.shape_cast %select_n3A_2051 : vector<32x16x128xi32> to vector<32x1x16x128xi32>
    %concatenate3A_2058 = tpu.concatenate %broadcast_in_dim3A_2056, %broadcast_in_dim3A_2057 in 1 : vector<32x1x16x128xi32>, vector<32x1x16x128xi32> -> vector<32x2x16x128xi32>
    %reshape3A_2059 = vector.shape_cast %concatenate3A_2058 : vector<32x2x16x128xi32> to vector<1024x128xi32>
    %reshape3A_2060 = vector.shape_cast %reshape3A_2055 : vector<1024x128xf32> to vector<64x2x8x128xf32>
    %reshape3A_2061 = vector.shape_cast %reshape3A_2059 : vector<1024x128xi32> to vector<64x2x8x128xi32>
    %slice3A_2062 = vector.extract_strided_slice %reshape3A_2060 {offsets = [0, 0, 0, 0], sizes = [64, 1, 8, 128], strides = [1, 1, 1, 1]} : vector<64x2x8x128xf32> to vector<64x1x8x128xf32>
    %squeeze3A_2063 = vector.shape_cast %slice3A_2062 : vector<64x1x8x128xf32> to vector<64x8x128xf32>
    %slice3A_2064 = vector.extract_strided_slice %reshape3A_2060 {offsets = [0, 1, 0, 0], sizes = [64, 1, 8, 128], strides = [1, 1, 1, 1]} : vector<64x2x8x128xf32> to vector<64x1x8x128xf32>
    %squeeze3A_2065 = vector.shape_cast %slice3A_2064 : vector<64x1x8x128xf32> to vector<64x8x128xf32>
    %slice3A_2066 = vector.extract_strided_slice %reshape3A_2061 {offsets = [0, 0, 0, 0], sizes = [64, 1, 8, 128], strides = [1, 1, 1, 1]} : vector<64x2x8x128xi32> to vector<64x1x8x128xi32>
    %squeeze3A_2067 = vector.shape_cast %slice3A_2066 : vector<64x1x8x128xi32> to vector<64x8x128xi32>
    %slice3A_2068 = vector.extract_strided_slice %reshape3A_2061 {offsets = [0, 1, 0, 0], sizes = [64, 1, 8, 128], strides = [1, 1, 1, 1]} : vector<64x2x8x128xi32> to vector<64x1x8x128xi32>
    %squeeze3A_2069 = vector.shape_cast %slice3A_2068 : vector<64x1x8x128xi32> to vector<64x8x128xi32>
    %lt3A_2070 = arith.cmpf olt, %squeeze3A_2063, %squeeze3A_2065 : vector<64x8x128xf32>
    %eq3A_2071 = arith.cmpf oeq, %squeeze3A_2063, %squeeze3A_2065 : vector<64x8x128xf32>
    %lt3A_2072 = arith.cmpi slt, %squeeze3A_2067, %squeeze3A_2069 : vector<64x8x128xi32>
    %and3A_2073 = arith.andi %eq3A_2071, %lt3A_2072 : vector<64x8x128xi1>
    %or3A_2074 = arith.ori %lt3A_2070, %and3A_2073 : vector<64x8x128xi1>
    %select_n3A_2075 = arith.select %or3A_2074, %squeeze3A_2063, %squeeze3A_2065 : vector<64x8x128xi1>, vector<64x8x128xf32>
    %select_n3A_2076 = arith.select %or3A_2074, %squeeze3A_2065, %squeeze3A_2063 : vector<64x8x128xi1>, vector<64x8x128xf32>
    %select_n3A_2077 = arith.select %or3A_2074, %squeeze3A_2067, %squeeze3A_2069 : vector<64x8x128xi1>, vector<64x8x128xi32>
    %select_n3A_2078 = arith.select %or3A_2074, %squeeze3A_2069, %squeeze3A_2067 : vector<64x8x128xi1>, vector<64x8x128xi32>
    %broadcast_in_dim3A_2079 = vector.shape_cast %select_n3A_2075 : vector<64x8x128xf32> to vector<64x1x8x128xf32>
    %broadcast_in_dim3A_2080 = vector.shape_cast %select_n3A_2076 : vector<64x8x128xf32> to vector<64x1x8x128xf32>
    %concatenate3A_2081 = tpu.concatenate %broadcast_in_dim3A_2079, %broadcast_in_dim3A_2080 in 1 : vector<64x1x8x128xf32>, vector<64x1x8x128xf32> -> vector<64x2x8x128xf32>
    %reshape3A_2082 = vector.shape_cast %concatenate3A_2081 : vector<64x2x8x128xf32> to vector<1024x128xf32>
    %broadcast_in_dim3A_2083 = vector.shape_cast %select_n3A_2077 : vector<64x8x128xi32> to vector<64x1x8x128xi32>
    %broadcast_in_dim3A_2084 = vector.shape_cast %select_n3A_2078 : vector<64x8x128xi32> to vector<64x1x8x128xi32>
    %concatenate3A_2085 = tpu.concatenate %broadcast_in_dim3A_2083, %broadcast_in_dim3A_2084 in 1 : vector<64x1x8x128xi32>, vector<64x1x8x128xi32> -> vector<64x2x8x128xi32>
    %reshape3A_2086 = vector.shape_cast %concatenate3A_2085 : vector<64x2x8x128xi32> to vector<1024x128xi32>
    %jit3A_2087 = arith.constant 8 : i32
    %eq3A_2088 = arith.constant 0 : i32
    %eq3A_2089 = arith.cmpi eq, %jit3A_2087, %eq3A_2088 : i32
    %jit3A_2090 = arith.constant 1 : i32
    %select_n3A_2091 = arith.select %eq3A_2089, %jit3A_2090, %jit3A_2087 : i32
    %rem3A = vector.broadcast %select_n3A_2091 : i32 to vector<1024x128xi32>
    %rem3A_2092 = arith.remsi %iota3A, %rem3A : vector<1024x128xi32>
    %ne3A = arith.constant 0 : i32
    %ne3A_2093 = vector.broadcast %ne3A : i32 to vector<1024x128xi32>
    %ne3A_2094 = arith.cmpi ne, %rem3A_2092, %ne3A_2093 : vector<1024x128xi32>
    %lt3A_2095 = arith.constant 0 : i32
    %lt3A_2096 = vector.broadcast %lt3A_2095 : i32 to vector<1024x128xi32>
    %lt3A_2097 = arith.cmpi slt, %rem3A_2092, %lt3A_2096 : vector<1024x128xi32>
    %lt3A_2098 = arith.constant 0 : i32
    %lt3A_2099 = arith.cmpi slt, %select_n3A_2091, %lt3A_2098 : i32
    %ne3A_2100 = vector.broadcast %lt3A_2099 : i1 to vector<1024x128xi1>
    %ne3A_2101 = vector.broadcast %ne3A_2100 : vector<1024x128xi1> to vector<1024x128xi1>
    %ne3A_2102 = arith.xori %lt3A_2097, %ne3A_2101 : vector<1024x128xi1>
    %and3A_2103 = arith.andi %ne3A_2102, %ne3A_2094 : vector<1024x128xi1>
    %add3A_2104 = vector.broadcast %select_n3A_2091 : i32 to vector<1024x128xi32>
    %add3A_2105 = arith.addi %rem3A_2092, %add3A_2104 : vector<1024x128xi32>
    %select_n3A_2106 = arith.select %and3A_2103, %add3A_2105, %rem3A_2092 : vector<1024x128xi1>, vector<1024x128xi32>
    %mul3A_2107 = arith.constant 128 : i32
    %mul3A_2108 = vector.broadcast %mul3A_2107 : i32 to vector<1024x128xi32>
    %mul3A_2109 = arith.muli %select_n3A_2106, %mul3A_2108 : vector<1024x128xi32>
    %jit3A_2110 = arith.constant 8 : i32
    %div3A = vector.broadcast %jit3A_2110 : i32 to vector<1024x128xi32>
    %div3A_2111 = arith.divsi %iota3A, %div3A : vector<1024x128xi32>
    %sign3A = arith.constant 0 : i32
    %sign3A_2112 = vector.broadcast %sign3A : i32 to vector<1024x128xi32>
    %sign3A_2113 = arith.cmpi sgt, %iota3A, %sign3A_2112 : vector<1024x128xi32>
    %sign3A_2114 = arith.extui %sign3A_2113 : vector<1024x128xi1> to vector<1024x128xi32>
    %sign3A_2115 = arith.constant 0 : i32
    %sign3A_2116 = vector.broadcast %sign3A_2115 : i32 to vector<1024x128xi32>
    %sign3A_2117 = arith.cmpi slt, %iota3A, %sign3A_2116 : vector<1024x128xi32>
    %sign3A_2118 = arith.extui %sign3A_2117 : vector<1024x128xi1> to vector<1024x128xi32>
    %sign3A_2119 = arith.subi %sign3A_2114, %sign3A_2118 : vector<1024x128xi32>
    %sign3A_2120 = arith.constant 0 : i32
    %sign3A_2121 = arith.cmpi sgt, %jit3A_2110, %sign3A_2120 : i32
    %sign3A_2122 = arith.extui %sign3A_2121 : i1 to i32
    %sign3A_2123 = arith.constant 0 : i32
    %sign3A_2124 = arith.cmpi slt, %jit3A_2110, %sign3A_2123 : i32
    %sign3A_2125 = arith.extui %sign3A_2124 : i1 to i32
    %sign3A_2126 = arith.subi %sign3A_2122, %sign3A_2125 : i32
    %ne3A_2127 = vector.broadcast %sign3A_2126 : i32 to vector<1024x128xi32>
    %ne3A_2128 = arith.cmpi ne, %sign3A_2119, %ne3A_2127 : vector<1024x128xi32>
    %rem3A_2129 = vector.broadcast %jit3A_2110 : i32 to vector<1024x128xi32>
    %rem3A_2130 = arith.remsi %iota3A, %rem3A_2129 : vector<1024x128xi32>
    %ne3A_2131 = arith.constant 0 : i32
    %ne3A_2132 = vector.broadcast %ne3A_2131 : i32 to vector<1024x128xi32>
    %ne3A_2133 = arith.cmpi ne, %rem3A_2130, %ne3A_2132 : vector<1024x128xi32>
    %and3A_2134 = arith.andi %ne3A_2128, %ne3A_2133 : vector<1024x128xi1>
    %sub3A = arith.constant 1 : i32
    %sub3A_2135 = vector.broadcast %sub3A : i32 to vector<1024x128xi32>
    %sub3A_2136 = arith.subi %div3A_2111, %sub3A_2135 : vector<1024x128xi32>
    %select_n3A_2137 = arith.select %and3A_2134, %sub3A_2136, %div3A_2111 : vector<1024x128xi1>, vector<1024x128xi32>
    %add3A_2138 = arith.addi %mul3A_2109, %select_n3A_2137 : vector<1024x128xi32>
    %convert_element_type3A = arith.sitofp %add3A_2138 : vector<1024x128xi32> to vector<1024x128xf32>
    %mul3A_2139 = arith.constant 7.000000e+00 : f32
    %mul3A_2140 = vector.broadcast %mul3A_2139 : f32 to vector<1024x128xf32>
    %mul3A_2141 = arith.mulf %mul3A_2140, %convert_element_type3A : vector<1024x128xf32>
    %sub3A_2142 = arith.constant 2.000000e+00 : f32
    %sub3A_2143 = vector.broadcast %sub3A_2142 : f32 to vector<1024x128xf32>
    %sub3A_2144 = arith.subf %sub3A_2143, %mul3A_2141 : vector<1024x128xf32>
    %get3A_2145 = arith.constant 0 : index
    %get3A_2146 = arith.constant 0 : index
    %get3A_2147 = vector.load %arg2[%get3A_2145, %get3A_2146] : memref<1x128xf32, #tpu.memory_space<vmem>>, vector<1x128xf32>
    %sub3A_2148 = arith.constant 1.000000e+00 : f32
    %sub3A_2149 = vector.broadcast %sub3A_2148 : f32 to vector<1x128xf32>
    %sub3A_2150 = arith.subf %get3A_2147, %sub3A_2149 : vector<1x128xf32>
    %neg3A_2151 = arith.constant 0.000000e+00 : f32
    %neg3A_2152 = vector.broadcast %neg3A_2151 : f32 to vector<1x128xf32>
    %neg3A_2153 = arith.subf %neg3A_2152, %sub3A_2150 : vector<1x128xf32>
    %mul3A_2154 = arith.constant -7.000000e+00 : f32
    %mul3A_2155 = vector.broadcast %mul3A_2154 : f32 to vector<1x128xf32>
    %mul3A_2156 = arith.mulf %neg3A_2153, %mul3A_2155 : vector<1x128xf32>
    %add3A_2157 = vector.broadcast %mul3A_2156 : vector<1x128xf32> to vector<1024x128xf32>
    %add3A_2158 = arith.addf %sub3A_2144, %add3A_2157 : vector<1024x128xf32>
    %logistic3A = arith.negf %add3A_2158 : vector<1024x128xf32>
    %logistic3A_2159 = math.exp %logistic3A : vector<1024x128xf32>
    %logistic3A_2160 = arith.constant 1.000000e+00 : f32
    %logistic3A_2161 = vector.broadcast %logistic3A_2160 : f32 to vector<1024x128xf32>
    %logistic3A_2162 = arith.addf %logistic3A_2161, %logistic3A_2159 : vector<1024x128xf32>
    %logistic3A_2163 = arith.divf %logistic3A_2161, %logistic3A_2162 : vector<1024x128xf32>
    %neg3A_2164 = arith.constant 0.000000e+00 : f32
    %neg3A_2165 = vector.broadcast %neg3A_2164 : f32 to vector<1024x128xf32>
    %neg3A_2166 = arith.subf %neg3A_2165, %reshape3A_2082 : vector<1024x128xf32>
    %mul3A_2167 = arith.mulf %neg3A_2166, %logistic3A_2163 : vector<1024x128xf32>
    %swap3A = arith.constant 0 : index
    %swap3A_2168 = arith.constant 0 : index
    %swap3A_2169 = vector.load %arg3[%swap3A, %swap3A_2168] : memref<1024x128xf32, #tpu.memory_space<vmem>>, vector<1024x128xf32>
    tpu.vector_store %arg3[%swap3A, %swap3A_2168], %mul3A_2167 {strides = array<i32>} : memref<1024x128xf32, #tpu.memory_space<vmem>>, vector<1024x128xf32>,
    %swap3A_2170 = arith.constant 0 : index
    %swap3A_2171 = arith.constant 0 : index
    %swap3A_2172 = vector.load %arg4[%swap3A_2170, %swap3A_2171] : memref<1024x128xi32, #tpu.memory_space<vmem>>, vector<1024x128xi32>
    tpu.vector_store %arg4[%swap3A_2170, %swap3A_2171], %reshape3A_2086 {strides = array<i32>} : memref<1024x128xi32, #tpu.memory_space<vmem>>, vector<1024x128xi32>,
    return
  }
  func.func @transform_0(%arg0: i32) -> (i32, i32) {
    %c0_i32 = arith.constant 0 : i32
    %c0_i32_0 = arith.constant 0 : i32
    return %c0_i32, %arg0 : i32, i32
  }
  func.func @transform_1(%arg0: i32) -> (i32, i32) {
    %c0_i32 = arith.constant 0 : i32
    %c0_i32_0 = arith.constant 0 : i32
    return %c0_i32, %arg0 : i32, i32
  }
  func.func @transform_2(%arg0: i32) -> (i32, i32) {
    %c0_i32 = arith.constant 0 : i32
    %c0_i32_0 = arith.constant 0 : i32
    return %c0_i32, %arg0 : i32, i32
  }
  func.func @transform_3(%arg0: i32) -> (i32, i32) {
    %c0_i32 = arith.constant 0 : i32
    %c0_i32_0 = arith.constant 0 : i32
    return %c0_i32, %arg0 : i32, i32
  }
}

module attributes {stable_mosaic.version = 14 : i64} {
  func.func @_window_body(%arg0: i32, %arg1: memref<64x128xf32, #tpu.memory_space<vmem>>, %arg2: memref<64x128xi32, #tpu.memory_space<vmem>>, %arg3: memref<1x128xf32, #tpu.memory_space<vmem>>, %arg4: memref<64x128xf32, #tpu.memory_space<vmem>>) attributes {dimension_semantics = [#tpu.dimension_semantics<arbitrary>], iteration_bounds = array<i64: 8>, scalar_prefetch = 0 : i64, scratch_operands = 0 : i64, tpu.core_type = #tpu.core_type<tc>, window_params = [{transform_indices = @transform_0, window_bounds = array<i64: 64, 128>}, {transform_indices = @transform_1, window_bounds = array<i64: 64, 128>}, {transform_indices = @transform_2, window_bounds = array<i64: 1, 128>}, {transform_indices = @transform_3, window_bounds = array<i64: 64, 128>}]} {
    %get3A = arith.constant 0 : index
    %get3A_0 = arith.constant 0 : index
    %get3A_1 = vector.load %arg1[%get3A, %get3A_0] : memref<64x128xf32, #tpu.memory_space<vmem>>, vector<64x128xf32>
    %get3A_2 = arith.constant 0 : index
    %get3A_3 = arith.constant 0 : index
    %get3A_4 = vector.load %arg2[%get3A_2, %get3A_3] : memref<64x128xi32, #tpu.memory_space<vmem>>, vector<64x128xi32>
    %broadcast_in_dim3A = vector.shape_cast %get3A_1 : vector<64x128xf32> to vector<64x1x128xf32>
    %broadcast_in_dim3A_5 = vector.shape_cast %get3A_1 : vector<64x128xf32> to vector<1x64x128xf32>
    %broadcast_in_dim3A_6 = vector.shape_cast %get3A_4 : vector<64x128xi32> to vector<64x1x128xi32>
    %broadcast_in_dim3A_7 = vector.shape_cast %get3A_4 : vector<64x128xi32> to vector<1x64x128xi32>
    %gt3A = vector.broadcast %broadcast_in_dim3A_5 : vector<1x64x128xf32> to vector<64x64x128xf32>
    %gt3A_8 = vector.broadcast %broadcast_in_dim3A : vector<64x1x128xf32> to vector<64x64x128xf32>
    %gt3A_9 = arith.cmpf ogt, %gt3A, %gt3A_8 : vector<64x64x128xf32>
    %eq3A = vector.broadcast %broadcast_in_dim3A_5 : vector<1x64x128xf32> to vector<64x64x128xf32>
    %eq3A_10 = vector.broadcast %broadcast_in_dim3A : vector<64x1x128xf32> to vector<64x64x128xf32>
    %eq3A_11 = arith.cmpf oeq, %eq3A, %eq3A_10 : vector<64x64x128xf32>
    %lt3A = vector.broadcast %broadcast_in_dim3A_7 : vector<1x64x128xi32> to vector<64x64x128xi32>
    %lt3A_12 = vector.broadcast %broadcast_in_dim3A_6 : vector<64x1x128xi32> to vector<64x64x128xi32>
    %lt3A_13 = arith.cmpi slt, %lt3A, %lt3A_12 : vector<64x64x128xi32>
    %and3A = arith.andi %eq3A_11, %lt3A_13 : vector<64x64x128xi1>
    %or3A = arith.ori %gt3A_9, %and3A : vector<64x64x128xi1>
    %convert_element_type3A = arith.extui %or3A : vector<64x64x128xi1> to vector<64x64x128xi32>
    %reduce_sum3A = arith.constant dense<0> : vector<64x128xi32>
    %reduce_sum3A_14 = vector.multi_reduction <add>, %convert_element_type3A, %reduce_sum3A [1] : vector<64x64x128xi32> to vector<64x128xi32>
    %convert_element_type3A_15 = arith.sitofp %reduce_sum3A_14 : vector<64x128xi32> to vector<64x128xf32>
    %mul3A = arith.constant 7.000000e+00 : f32
    %mul3A_16 = vector.broadcast %mul3A : f32 to vector<64x128xf32>
    %mul3A_17 = arith.mulf %mul3A_16, %convert_element_type3A_15 : vector<64x128xf32>
    %sub3A = arith.constant 2.000000e+00 : f32
    %sub3A_18 = vector.broadcast %sub3A : f32 to vector<64x128xf32>
    %sub3A_19 = arith.subf %sub3A_18, %mul3A_17 : vector<64x128xf32>
    %get3A_20 = arith.constant 0 : index
    %get3A_21 = arith.constant 0 : index
    %get3A_22 = vector.load %arg3[%get3A_20, %get3A_21] : memref<1x128xf32, #tpu.memory_space<vmem>>, vector<1x128xf32>
    %sub3A_23 = arith.constant 1.000000e+00 : f32
    %sub3A_24 = vector.broadcast %sub3A_23 : f32 to vector<1x128xf32>
    %sub3A_25 = arith.subf %get3A_22, %sub3A_24 : vector<1x128xf32>
    %neg3A = arith.constant 0.000000e+00 : f32
    %neg3A_26 = vector.broadcast %neg3A : f32 to vector<1x128xf32>
    %neg3A_27 = arith.subf %neg3A_26, %sub3A_25 : vector<1x128xf32>
    %mul3A_28 = arith.constant -7.000000e+00 : f32
    %mul3A_29 = vector.broadcast %mul3A_28 : f32 to vector<1x128xf32>
    %mul3A_30 = arith.mulf %neg3A_27, %mul3A_29 : vector<1x128xf32>
    %add3A = vector.broadcast %mul3A_30 : vector<1x128xf32> to vector<64x128xf32>
    %add3A_31 = arith.addf %sub3A_19, %add3A : vector<64x128xf32>
    %logistic3A = arith.negf %add3A_31 : vector<64x128xf32>
    %logistic3A_32 = math.exp %logistic3A : vector<64x128xf32>
    %logistic3A_33 = arith.constant 1.000000e+00 : f32
    %logistic3A_34 = vector.broadcast %logistic3A_33 : f32 to vector<64x128xf32>
    %logistic3A_35 = arith.addf %logistic3A_34, %logistic3A_32 : vector<64x128xf32>
    %logistic3A_36 = arith.divf %logistic3A_34, %logistic3A_35 : vector<64x128xf32>
    %lt3A_37 = arith.constant 0 : i32
    %lt3A_38 = vector.broadcast %lt3A_37 : i32 to vector<64x128xi32>
    %lt3A_39 = arith.cmpi slt, %get3A_4, %lt3A_38 : vector<64x128xi32>
    %mul3A_40 = arith.mulf %get3A_1, %logistic3A_36 : vector<64x128xf32>
    %jit3A = arith.constant 0.000000e+00 : f32
    %broadcast_in_dim3A_41 = vector.broadcast %jit3A : f32 to vector<64x128xf32>
    %select_n3A = arith.select %lt3A_39, %broadcast_in_dim3A_41, %mul3A_40 : vector<64x128xi1>, vector<64x128xf32>
    %swap3A = arith.constant 0 : index
    %swap3A_42 = arith.constant 0 : index
    %swap3A_43 = vector.load %arg4[%swap3A, %swap3A_42] : memref<64x128xf32, #tpu.memory_space<vmem>>, vector<64x128xf32>
    tpu.vector_store %arg4[%swap3A, %swap3A_42], %select_n3A {strides = array<i32>} : memref<64x128xf32, #tpu.memory_space<vmem>>, vector<64x128xf32>,
    return
  }
  func.func @transform_0(%arg0: i32) -> (i32, i32) {
    %c0_i32 = arith.constant 0 : i32
    %c0_i32_0 = arith.constant 0 : i32
    return %c0_i32, %arg0 : i32, i32
  }
  func.func @transform_1(%arg0: i32) -> (i32, i32) {
    %c0_i32 = arith.constant 0 : i32
    %c0_i32_0 = arith.constant 0 : i32
    return %c0_i32, %arg0 : i32, i32
  }
  func.func @transform_2(%arg0: i32) -> (i32, i32) {
    %c0_i32 = arith.constant 0 : i32
    %c0_i32_0 = arith.constant 0 : i32
    return %c0_i32, %arg0 : i32, i32
  }
  func.func @transform_3(%arg0: i32) -> (i32, i32) {
    %c0_i32 = arith.constant 0 : i32
    %c0_i32_0 = arith.constant 0 : i32
    return %c0_i32, %arg0 : i32, i32
  }
}

</mosaic_0001>

<sc_bundles>
// kernel: branch_0_fun.4.cloned.1.call-start
scs
__scs_entry_jumppad:
0x0: {  	(pc) =	sbr.rel $0x88, $3  }
0x1: {  	(tag) =	ssettag $0x0;
	lr =	simm.s32 $0x1  }
0x2: {  	[smem:$0x3F99] =	sst lr;
	_ =	strace $0xD0000000  }
0x3: {  	_ = 	snop  }
0x4: {  	_ = 	snop  }
0x5: {  	_ = 	snop  }
0x6: {  	_ = 	snop  }
0x7: {  	_ = 	snop  }
__scs_overlays_trampoline_lowered:
0x8: {  	[smem:$0x3FA8] =	sst s0  }
0x9: {  	[smem:$0x3FA9] =	sst s1  }
0xa: {  	[smem:$0x3FAA] =	sst s2  }
0xb: {  	[smem:$0x3FAB] =	sst s3  }
0xc: {  	[smem:$0x3FAC] =	sst s4  }
0xd: {  	[smem:$0x3FAD] =	sst s5  }
0xe: {  	[smem:$0x3FAE] =	sst s6  }
0xf: {  	[smem:$0x3FAF] =	sst s7  }
0x10: {  	[smem:$0x3FB0] =	sst s8  }
0x11: {  	[smem:$0x3FB1] =	sst s9;
	s0 =	simm.s32 @!p0 $0x0  }
0x12: {  	s1 =	sld [smem:$0x3F97];
	s0 =	simm.s32 @p0 $0x1  }
0x13: {  	[smem:$0x3FB2] =	sst s0;
	s0 =	simm.s32 @!p1 $0x0  }
0x14: {  	s2 =	sld [smem:$0x3F96];
	s0 =	simm.s32 @p1 $0x1  }
0x15: {  	[smem:$0x3FB3] =	sst s0;
	s0 =	simm.s32 @!p2 $0x0  }
0x16: {  	s3 =	sld [smem:$0x3FDB];
	s0 =	simm.s32 @p2 $0x1  }
0x17: {  	s4 =	simm.s32 $0x1BF5;
	[smem:$0x3FB5] =	sst s0  }
0x18: {  	s0 =	sld [smem:$0x3F98];
	_ =	swait.ge [sflag:s4], $0x0  }
0x19: {  	s7 =	sld [smem:$0x3F99]  }
0x1a: {  	s8 =	sadd.s32 $0xFFFFE003, lr  }
0x1b: {  	s9 =	sadd.s32 $0xFFFFFEF7, lr;
	s5 =	simm.s32 $0xFFFFFFFF;
	p2 =	slt.u32 s8, $0xFFFFF086  }
0x1c: {  	p1 =	slt.u32 s9, $0xF7A;
	s5 =	simm.s32 @!p2 $0x0  }
0x1d: {  	s5 =	simm.s32 @p1 $0x1;
	p0 =	seq.s32 s7, s2  }
0x1e: {  	s7 =	smul.u32 @!p0 $0xF7A, s2;
	p2 =	seq.s32 @!p0 s5, $0x0  }
0x1f: {  	s9 =	smul.u32 $0xF7A, s1;
	s8 =	simm.s32 @!p0 $0x1BF5;
	p2 =	por !p2, p0  }
0x20: {  	[sflag:s8] =	ssyncset.s32 @!p0 $0xFFFFF086;
	s6 =	sadd.s32 @!p0 s3, s7;
	s7 =	simm.s32 @!p0 $0x108  }
0x21: {  	s3 =	sadd.s32 s3, s9;
	s6 =	sadd.s32 @!p0 $0x88, s6;
	s7 =	simm.s32 @p2 $0x1082  }
0x22: {  	[simem:s7], [sflag:s8] =	dma.local @!p0 [hbm:s6], $0xF7A  }
0x23: {  	s9 =	sor.u32 $0xD0000000, s2;
	s6 =	simm.s32 $0x108;
	_ =	swait.ge @!p0 [sflag:s8], $0x0  }
0x24: {  	s3 =	sadd.s32 $0x88, s3;
	s6 =	simm.s32 @!p1 $0x1082;
	[sflag:s4] =	ssyncset.s32 $0xFFFFF086  }
0x25: {  	[simem:s6], [sflag:s4] =	dma.local [hbm:s3], $0xF7A  }
0x26: {  	[smem:$0x3F99] =	sst s1;
	(tag) =	ssettag s2;
	_ =	strace s9  }
0x27: {  	s1 =	sld [smem:$0x3FA9]  }
0x28: {  	s2 =	sld [smem:$0x3FAA]  }
0x29: {  	s4 =	sld [smem:$0x3FAC]  }
0x2a: {  	p0 =	seq.s32 s5, $0x0;
	s5 =	sld [smem:$0x3FAD]  }
0x2b: {  	s6 =	sld [smem:$0x3FAE]  }
0x2c: {  	s7 =	sld [smem:$0x3FAF]  }
0x2d: {  	s3 =	simm.s32 $0x108;
	s8 =	sld [smem:$0x3FB0]  }
0x2e: {  	s3 =	simm.s32 @!p0 $0x1082;
	s9 =	sld [smem:$0x3FB1]  }
0x2f: {  	lr =	sadd.s32 s0, s3;
	s0 =	sld [smem:$0x3FA8]  }
0x30: {  	s3 =	sld [smem:$0x3FAB]  }
0x31: {  	[smem:$0x3FB4] =	sst s10  }
0x32: {  	s10 =	sld [smem:$0x3FB2];
	_ =	sdelay $0x3  }
0x33: {  	p0 =	seq.s32 s10, $0x1;
	s10 =	sld [smem:$0x3FB4];
	_ =	sdelay $0x3  }
0x34: {  	[smem:$0x3FB4] =	sst s10  }
0x35: {  	s10 =	sld [smem:$0x3FB3];
	_ =	sdelay $0x3  }
0x36: {  	p1 =	seq.s32 s10, $0x1;
	s10 =	sld [smem:$0x3FB4];
	_ =	sdelay $0x3  }
0x37: {  	[smem:$0x3FB4] =	sst s10  }
0x38: {  	s10 =	sld [smem:$0x3FB5]  }
0x39: {  	_ = 	snop;
	(pc) =	sbr.ind lr, $3  }
0x3a: {  	_ = 	snop  }
0x3b: {  	_ = 	snop  }
0x3c: {  	p2 =	seq.s32 s10, $0x1;
	s10 =	sld [smem:$0x3FB4]  }
0x3d: {  	_ =	shalt  }
0x3e: {  	_ =	shalt  }
0x3f: {  	_ =	shalt  }
0x40: {  	_ =	shalt  }
0x41: {  	_ =	shalt  }
0x42: {  	_ =	shalt  }
0x43: {  	_ =	shalt  }
0x44: {  	_ =	shalt  }
0x45: {  	_ =	shalt  }
0x46: {  	_ =	shalt  }
0x47: {  	_ =	shalt  }
0x48: {  	_ =	shalt  }
0x49: {  	_ =	shalt  }
0x4a: {  	_ =	shalt  }
0x4b: {  	_ =	shalt  }
0x4c: {  	_ =	shalt  }
0x4d: {  	_ =	shalt  }
0x4e: {  	_ =	shalt  }
0x4f: {  	_ =	shalt  }
0x50: {  	_ =	shalt  }
0x51: {  	_ =	shalt  }
0x52: {  	_ =	shalt  }
0x53: {  	_ =	shalt  }
0x54: {  	_ =	shalt  }
0x55: {  	_ =	shalt  }
0x56: {  	_ =	shalt  }
0x57: {  	_ =	shalt  }
0x58: {  	_ =	shalt  }
0x59: {  	_ =	shalt  }
0x5a: {  	_ =	shalt  }
0x5b: {  	_ =	shalt  }
0x5c: {  	_ =	shalt  }
0x5d: {  	_ =	shalt  }
0x5e: {  	_ =	shalt  }
0x5f: {  	_ =	shalt  }
0x60: {  	_ =	shalt  }
0x61: {  	_ =	shalt  }
0x62: {  	_ =	shalt  }
0x63: {  	_ =	shalt  }
0x64: {  	_ =	shalt  }
0x65: {  	_ =	shalt  }
0x66: {  	_ =	shalt  }
0x67: {  	_ =	shalt  }
0x68: {  	_ =	shalt  }
0x69: {  	_ =	shalt  }
0x6a: {  	_ =	shalt  }
0x6b: {  	_ =	shalt  }
0x6c: {  	_ =	shalt  }
0x6d: {  	_ =	shalt  }
0x6e: {  	_ =	shalt  }
0x6f: {  	_ =	shalt  }
0x70: {  	_ =	shalt  }
0x71: {  	_ =	shalt  }
0x72: {  	_ =	shalt  }
0x73: {  	_ =	shalt  }
0x74: {  	_ =	shalt  }
0x75: {  	_ =	shalt  }
0x76: {  	_ =	shalt  }
0x77: {  	_ =	shalt  }
0x78: {  	_ =	shalt  }
0x79: {  	_ =	shalt  }
0x7a: {  	_ =	shalt  }
0x7b: {  	_ =	shalt  }
0x7c: {  	_ =	shalt  }
0x7d: {  	_ =	shalt  }
0x7e: {  	_ =	shalt  }
0x7f: {  	_ =	shalt  }
0x80: {  	_ =	shalt  }
0x81: {  	_ =	shalt  }
0x82: {  	_ =	shalt  }
0x83: {  	_ =	shalt  }
0x84: {  	_ =	shalt  }
0x85: {  	_ =	shalt  }
0x86: {  	_ =	shalt  }
0x87: {  	_ =	shalt  }
.Lfunc_end0:
.L_simem_size_0:
called_computation_lowered:
.L_overlay_start_0:
0x88: {  	s2 =	sld [smem:$0x3FD9]  }
0x89: {  	s3 =	sld [smem:$0x3FFE];
	_ =	sdelay $0x1  }
0x8a: {  	s1 =	srdreg.scid  }
0x8b: {  	s0 =	sand.u32 $0x1, s1  }
0x8c: {  	s14 =	sshll.u32 s0, $0xA;
	s2 =	sadd.s32 s3, s2  }
0x8d: {  	s2 =	sadd.s32 s2, s14  }
0x8e: {  	[smem:$0x3FC0] =	sst s2  }
0x8f: {  	_ = 	snop  }
0x90: {  	s2 =	sld [smem:$0x3FD0];
	_ =	sdelay $0x2  }
0x91: {  	s15 =	simm.s32 $0xA;
	s4 =	simm.s32 $0x10  }
0x92: {  	[smem:s4], [sflag:s15] =	dma.local [hbm:s2], $0x1  }
0x93: {  	_ =	swait.eq [sflag:s15], $0x1  }
0x94: {  	[sflag:s15] =	ssyncset.done $0x0  }
0x95: {  	[sflag:s15] =	ssyncadd.s32 $0xFFFFFFFF  }
0x96: {  	s16 =	sld [smem:$0x10];
	(tm) =	ssettm $0x1  }
0x97: {  	s17 =	sld [smem:$0x3FFB];
	_ =	sdelay $0x3  }
0x98: {  	_ =	strace s17  }
0x99: {  	s3 =	sld [smem:$0x3FFC];
	_ =	sdelay $0x3  }
0x9a: {  	_ =	strace s3  }
0x9b: {  	s3 =	sld [smem:$0x3FFD];
	_ =	sdelay $0x3  }
0x9c: {  	_ =	strace s3  }
0x9d: {  	_ =	strace $0x8FFFFFFF  }
0x9e: {  	s18 =	sld [smem:$0x3FDB];
	_ =	sdelay $0x1  }
0x9f: {  	s19 =	simm.s32 $_scs_section_size  }
0xa0: {  	s5 =	simm.s32 $_size__tile_overlayer_lowered;
	s6 =	simm.s32 $_tile_overlayer_lowered  }
0xa1: {  	s22 =	simm.s32 $0x1BFF;
	s21 =	sshll.u32 s6, $0x1;
	s3 =	sadd.s32 s19, s18  }
0xa2: {  	s7 =	simm.s32 $0x0;
	s20 =	sshll.u32 s5, $0x1;
	s5 =	sadd.s32 s21, s3  }
0xa3: {  	[timem:s7], [sflag:s22] =	dma.local [hbm:s5], s20  }
0xa4: {  	_ =	swait.ge [sflag:s22], s20  }
0xa5: {  	s4 =	ssub.s32 $0x0, s20;
	[sflag:s22] =	ssyncset.done $0x0  }
0xa6: {  	[sflag:s22] =	ssyncadd.s32 s4;
	_ =	sdelay $0x1  }
0xa7: {  	s23 =	simm.s32 $0x1B8B  }
0xa8: {  	_ =	swait.ge [sflag:s23], $0x1  }
0xa9: {  	[sflag:s23] =	ssyncset.done $0x0  }
0xaa: {  	s25 =	simm.s32 $0x1B8E;
	s24 =	sld [smem:$0x3FFE];
	[sflag:s23] =	ssyncadd.s32 $0xFFFFFFFF  }
0xab: {  	s26 =	simm.s32 $execute0_lowered;
	[smem:$0x3FD2] =	sst s25  }
0xac: {  	s5 =	sshll.u32 s26, $0x1;
	_ =	strace $0x80000046;
	[dreg:$0x1] =	wrdreg $0xFFFFFFFF  }
0xad: {  	s28 =	simm.s32 $_size_execute0_lowered;
	s3 =	sadd.s32 s3, s5;
	[dreg:$0x0] =	wrdreg $0x0  }
0xae: {  	s5 =	sshll.u32 s28, $0x1;
	[dreg:$0x2] =	wrdreg s3  }
0xaf: {  	[dreg:$0x3] =	wrdreg s5  }
0xb0: {  	[dreg:$0x4] =	wrdreg $0xC0  }
0xb1: {  	_ =	task [dreg:s7], $0x5FFFF  }
0xb2: {  	[dreg:$0x1] =	wrdreg $0xFFFFFFFF  }
0xb3: {  	[dreg:$0x0] =	wrdreg $0x60  }
0xb4: {  	[dreg:$0x2] =	wrdreg s24  }
0xb5: {  	[dreg:$0x3] =	wrdreg s16  }
0xb6: {  	[dreg:$0x4] =	wrdreg $0x9  }
0xb7: {  	_ =	task.clear_ibuf [dreg:s7], $0x5FFFF;
	_ =	strace $0x90000046  }
0xb8: {  	s29 =	simm.s32 $0x9;
	_ =	strace $0x80000048  }
0xb9: {  	_ =	swait.ge [sflag:s29], $0x1  }
0xba: {  	[sflag:s29] =	ssyncadd.s32 $0xFFFFFFFF  }
0xbb: {  	_ =	strace $0x90000048  }
0xbc: {  	_ =	sfence  }
0xbd: {  	s30 =	sld [smem:$0x0];
	_ =	sdelay $0x2  }
0xbe: {  	s31 =	sshll.u32 s1, $0xD;
	s1 =	sshrl.u32 s1, $0x2  }
0xbf: {  	s3 =	sand.u32 $0x4000, s31;
	s1 =	sadd.s32 s1, s30  }
0xc0: {  	s0 =	sor.u32 s3, s0;
	s1 =	sshll.u32 s1, $0x11  }
0xc1: {  	s0 =	sor.u32 s1, s0  }
0xc2: {  	s0 =	sadd.s32 $0x8F2B, s0  }
0xc3: {  	[sflag:s0] =	ssyncadd.remote.s32 $0x1  }
0xc4: {  	_ =	sfence.sel $0xFFFF  }
0xc5: {  	[dreg:$0x0] =	wrdreg $0xFFFFFFFF;
	(pc) =	sbr.abs _section_cstart, $3  }
0xc6: {  	[dreg:$0x1] =	wrdreg $0xFFFFFFFF  }
0xc7: {  	_ =	task.clear_ibuf [dreg:s7], $0x2FFFF;
	_ =	strace $0x9FFFFFFF  }
0xc8: {  	(tm) =	ssettm $0x7FFFFFFF  }
0xc9: {  	_ =	shalt  }
tec
execute0_lowered:
.L_overlay_start_1:
0x0: {  	(tag) =	ssettag $0x1  }
0x1: {  	s3 =	rddreg [dreg:$0x0]  }
0x2: {  	s5 =	rddreg [dreg:$0x1];
	s2 =	srdreg.scid  }
0x3: {  	s0 =	rddreg [dreg:$0x2];
	s1 =	stileid.u32;
	s9 =	simm.s32 $0x10000  }
0x4: {  	s10 =	simm.s32 $0x0;
	s4 =	sand.u32 $0x1, s2;
	s2 =	simm.s32 $0x0  }
0x5: {  	s6 =	sshll.u32 s1, $0xD;
	s7 =	sshll.u32 s4, $0xC;
	s4 =	ssub.s32 $0x2, s4  }
0x6: {  	[smem:$0x7FF] =	sst s2;
	s6 =	sor.u32 s7, s6;
	s31 =	sshrl.u32 s4, $0x1  }
0x7: {  	_ =	strace $0x80000047;
	s7 =	sadd.s32 s6, s3;
	s8 =	ssub.s32 s4, s31  }
0x8: {  	s5 =	sadd.s32 s5, s6;
	s3 =	sadd.s32 $0x1800, s7;
	s4 =	sadd.s32 $0x21800, s7  }
0x9: {  	s6 =	smax.u32 s8, $0x1;
	s7 =	simm.s32 $0x1;
	s8 =	simm.s32 $0x8000  }
.LBB2_1:
0xa: {  	[tilespmem:s2], [sflag:$0x1] =	stream.linear.gather [hbm4b:s3+s2], $0x8000, $0x38;
	[tilespmem:$0x18000] =	vst v63  }
0xb: {  	_ =	swait.ge [sflag:s7], $0x8000  }
0xc: {  	[sflag:s7] =	ssyncset.done $0x0  }
0xd: {  	[sflag:s7] =	ssyncadd.s32 $0xFFFF8000  }
0xe: {  	[tilespmem:s8], [sflag:$0x1] =	stream.linear.gather [hbm4b:s4+s2], $0x8000, $0x38;
	[tilespmem:$0x18000] =	vst v63  }
0xf: {  	_ =	swait.ge [sflag:s7], $0x8000  }
0x10: {  	[sflag:s7] =	ssyncset.done $0x0  }
0x11: {  	s11 =	simm.s32 $0x0;
	[sflag:s7] =	ssyncadd.s32 $0xFFFF8000  }
.LBB2_2:
0x12: {  	v0 =	vmov s11;
	s12 =	sshll.u32 s11, $0xA;
	s13 =	sshll.u32 s11, $0x7  }
0x13: {  	s12 =	sand.u32 $0x6000, s12;
	s13 =	sand.u32 $0x380, s13;
	v1 =	vshll.u32 v0, $0xA;
	v2 =	vshll.u32 v0, $0x7  }
0x14: {  	s14 =	simm.s32 $0x0;
	s12 =	sor.u32 s12, s13;
	v0 =	vand.u32 $0x6000, v1;
	v1 =	vand.u32 $0x380, v2;
	s13 =	simm.s32 $0x0  }
.LBB2_3:
0x15: {  	s15 =	sand.u32 $0x40, s14  }
0x16: {  	s16 =	sand.u32 $0x1C00, s13;
	s15 =	sor.u32 s15, s12  }
0x17: {  	s15 =	sor.u32 s16, s15  }
0x18: {  	v2 =	vld [tilespmem:s15+$0x8000];
	_ =	sdelay $0x4  }
0x19: {  	v3 =	vshll.u32 v2, $0x3  }
0x1a: {  	v3 =	vand.u32 $0xFFFFFC00, v3  }
0x1b: {  	v2 =	vand.u32 $0x7F, v2;
	v3 =	vadd.s32 v0, v3  }
0x1c: {  	v2 =	vor.u32 v2, v3  }
0x1d: {  	v3 =	vld [tilespmem:s15+$0x0];
	v2 =	vor.u32 v1, v2;
	_ =	sdelay $0x4  }
0x1e: {  	s16 =	sor.u32 $0x8010, s15;
	[tilespmem:v2+s9+$0x0] =	vst.idx.msk $0xffff, v3  }
0x1f: {  	v2 =	vld [tilespmem:s16+$0x0];
	_ =	sdelay $0x4  }
0x20: {  	v3 =	vshll.u32 v2, $0x3  }
0x21: {  	v3 =	vand.u32 $0xFFFFFC00, v3  }
0x22: {  	v2 =	vand.u32 $0x7F, v2;
	v3 =	vadd.s32 v0, v3  }
0x23: {  	s28 =	sor.u32 $0x10, s15;
	v2 =	vor.u32 v2, v3  }
0x24: {  	v3 =	vld [tilespmem:s28+$0x0];
	v2 =	vor.u32 v1, v2;
	_ =	sdelay $0x4  }
0x25: {  	s29 =	sor.u32 $0x8020, s15;
	[tilespmem:v2+s9+$0x0] =	vst.idx.msk $0xffff, v3  }
0x26: {  	v2 =	vld [tilespmem:s29+$0x0];
	_ =	sdelay $0x4  }
0x27: {  	v3 =	vshll.u32 v2, $0x3  }
0x28: {  	v3 =	vand.u32 $0xFFFFFC00, v3  }
0x29: {  	v2 =	vand.u32 $0x7F, v2;
	v3 =	vadd.s32 v0, v3  }
0x2a: {  	s30 =	sor.u32 $0x20, s15;
	v2 =	vor.u32 v2, v3  }
0x2b: {  	v3 =	vld [tilespmem:s30+$0x0];
	v2 =	vor.u32 v1, v2;
	_ =	sdelay $0x4  }
0x2c: {  	s31 =	sor.u32 $0x8030, s15;
	[tilespmem:v2+s9+$0x0] =	vst.idx.msk $0xffff, v3  }
0x2d: {  	v2 =	vld [tilespmem:s31+$0x0];
	_ =	sdelay $0x4  }
0x2e: {  	v3 =	vshll.u32 v2, $0x3  }
0x2f: {  	v3 =	vand.u32 $0xFFFFFC00, v3  }
0x30: {  	v2 =	vand.u32 $0x7F, v2;
	v3 =	vadd.s32 v0, v3  }
0x31: {  	s15 =	sor.u32 $0x30, s15;
	v2 =	vor.u32 v2, v3  }
0x32: {  	p0 =	sne.s32 s14, $0x3C0;
	v3 =	vld [tilespmem:s15+$0x0];
	v2 =	vor.u32 v1, v2  }
.Ltmp0:
0x33: {  	_ = 	snop;
	(pc) =	sbr.rel @p0 .LBB2_3-.Ltmp0, $2  }
0x34: {  	_ =	sdelay $0x2  }
0x35: {  	s13 =	sadd.s32 $0x200, s13;
	s14 =	sadd.s32 $0x40, s14;
	[tilespmem:v2+s9+$0x0] =	vst.idx.msk $0xffff, v3  }
0x36: {  	s11 =	sadd.s32 $0x1, s11  }
0x37: {  	p0 =	sne.s32 s11, $0x20  }
.Ltmp1:
0x38: {  	_ = 	snop;
	(pc) =	sbr.rel @p0 .LBB2_2-.Ltmp1, $1  }
0x39: {  	_ =	sdelay $0x3  }
0x3a: {  	s10 =	sadd.s32 $0x1, s10  }
0x3b: {  	p0 =	sne.s32 s10, s6  }
.Ltmp2:
0x3c: {  	_ = 	snop;
	(pc) =	sbr.rel @p0 .LBB2_1-.Ltmp2, $4  }
0x3d: {  	[hbm4b:s5+s2] =	stream.linear.scatter [tilespmem:s9], [sflag:$0x1], $0x8000, $0x38;
	[tilespmem:$0x18000] =	vst v63  }
0x3e: {  	_ =	swait.ge [sflag:s7], $0x8000  }
0x3f: {  	[sflag:s7] =	ssyncset.done $0x0  }
0x40: {  	[sflag:s7] =	ssyncadd.s32 $0xFFFF8000  }
0x41: {  	_ =	sfence.sel $0x180000  }
0x42: {  	[bflag:$0x0] =	sbarrier.arrive $0xFFFF  }
0x43: {  	p0 =	sne.s32 s1, $0x0;
	_ =	strace $0x90000047  }
0x44: {  	s0 =	sadd.s32 @!p0 $0x100000, s0;
	[bflag:$0x2] =	sbarrier.arrive $0xFFFF  }
0x45: {  	[sflag:s0] =	ssyncadd.tile.s32 @!p0 $0x1;
	_ =	shalt  }
.Lfunc_end2:
_tile_overlayer_lowered:
.L_overlay_start_2:
0x46: {  	(tag) =	ssettag $0x2  }
0x47: {  	s0 =	rddreg [dreg:$0x0];
	s2 =	stileid.u32  }
0x48: {  	s1 =	rddreg [dreg:$0x1];
	p0 =	sne.s32 s2, $0x0  }
0x49: {  	s3 =	rddreg [dreg:$0x2];
	[bflag:$0x3] =	sbarrier.arrive $0xFFFF;
	s2 =	simm.s32 @!p0 $0x1C01  }
0x4a: {  	[timem:s3], [sflag:s2] =	dma.local @!p0 [hbm:s0], s1  }
0x4b: {  	s0 =	simm.s32 @!p0 $0x1  }
0x4c: {  	_ =	swait.ge @!p0 [sflag:s0], s1  }
0x4d: {  	s1 =	ssub.s32 @!p0 $0x0, s1;
	[sflag:s0] =	ssyncset.done @!p0 $0x0  }
0x4e: {  	[sflag:s0] =	ssyncadd.s32 @!p0 s1  }
0x4f: {  	[bflag:$0x3] =	sbarrier.arrive $0xFFFF  }
0x50: {  	_ =	shalt  }

// kernel: branch_1_fun.5.cloned.1.call-start
scs
__scs_entry_jumppad:
0x0: {  	(pc) =	sbr.rel $0x88, $3  }
0x1: {  	(tag) =	ssettag $0x0;
	lr =	simm.s32 $0x1  }
0x2: {  	[smem:$0x3F99] =	sst lr;
	_ =	strace $0xD0000000  }
0x3: {  	_ = 	snop  }
0x4: {  	_ = 	snop  }
0x5: {  	_ = 	snop  }
0x6: {  	_ = 	snop  }
0x7: {  	_ = 	snop  }
__scs_overlays_trampoline_lowered:
0x8: {  	[smem:$0x3FA8] =	sst s0  }
0x9: {  	[smem:$0x3FA9] =	sst s1  }
0xa: {  	[smem:$0x3FAA] =	sst s2  }
0xb: {  	[smem:$0x3FAB] =	sst s3  }
0xc: {  	[smem:$0x3FAC] =	sst s4  }
0xd: {  	[smem:$0x3FAD] =	sst s5  }
0xe: {  	[smem:$0x3FAE] =	sst s6  }
0xf: {  	[smem:$0x3FAF] =	sst s7  }
0x10: {  	[smem:$0x3FB0] =	sst s8  }
0x11: {  	[smem:$0x3FB1] =	sst s9;
	s0 =	simm.s32 @!p0 $0x0  }
0x12: {  	s1 =	sld [smem:$0x3F97];
	s0 =	simm.s32 @p0 $0x1  }
0x13: {  	[smem:$0x3FB2] =	sst s0;
	s0 =	simm.s32 @!p1 $0x0  }
0x14: {  	s2 =	sld [smem:$0x3F96];
	s0 =	simm.s32 @p1 $0x1  }
0x15: {  	[smem:$0x3FB3] =	sst s0;
	s0 =	simm.s32 @!p2 $0x0  }
0x16: {  	s3 =	sld [smem:$0x3FDB];
	s0 =	simm.s32 @p2 $0x1  }
0x17: {  	s4 =	simm.s32 $0x1BF5;
	[smem:$0x3FB5] =	sst s0  }
0x18: {  	s0 =	sld [smem:$0x3F98];
	_ =	swait.ge [sflag:s4], $0x0  }
0x19: {  	s7 =	sld [smem:$0x3F99]  }
0x1a: {  	s8 =	sadd.s32 $0xFFFFE003, lr  }
0x1b: {  	s9 =	sadd.s32 $0xFFFFFEF7, lr;
	s5 =	simm.s32 $0xFFFFFFFF;
	p2 =	slt.u32 s8, $0xFFFFF086  }
0x1c: {  	p1 =	slt.u32 s9, $0xF7A;
	s5 =	simm.s32 @!p2 $0x0  }
0x1d: {  	s5 =	simm.s32 @p1 $0x1;
	p0 =	seq.s32 s7, s2  }
0x1e: {  	s7 =	smul.u32 @!p0 $0xF7A, s2;
	p2 =	seq.s32 @!p0 s5, $0x0  }
0x1f: {  	s9 =	smul.u32 $0xF7A, s1;
	s8 =	simm.s32 @!p0 $0x1BF5;
	p2 =	por !p2, p0  }
0x20: {  	[sflag:s8] =	ssyncset.s32 @!p0 $0xFFFFF086;
	s6 =	sadd.s32 @!p0 s3, s7;
	s7 =	simm.s32 @!p0 $0x108  }
0x21: {  	s3 =	sadd.s32 s3, s9;
	s6 =	sadd.s32 @!p0 $0x88, s6;
	s7 =	simm.s32 @p2 $0x1082  }
0x22: {  	[simem:s7], [sflag:s8] =	dma.local @!p0 [hbm:s6], $0xF7A  }
0x23: {  	s9 =	sor.u32 $0xD0000000, s2;
	s6 =	simm.s32 $0x108;
	_ =	swait.ge @!p0 [sflag:s8], $0x0  }
0x24: {  	s3 =	sadd.s32 $0x88, s3;
	s6 =	simm.s32 @!p1 $0x1082;
	[sflag:s4] =	ssyncset.s32 $0xFFFFF086  }
0x25: {  	[simem:s6], [sflag:s4] =	dma.local [hbm:s3], $0xF7A  }
0x26: {  	[smem:$0x3F99] =	sst s1;
	(tag) =	ssettag s2;
	_ =	strace s9  }
0x27: {  	s1 =	sld [smem:$0x3FA9]  }
0x28: {  	s2 =	sld [smem:$0x3FAA]  }
0x29: {  	s4 =	sld [smem:$0x3FAC]  }
0x2a: {  	p0 =	seq.s32 s5, $0x0;
	s5 =	sld [smem:$0x3FAD]  }
0x2b: {  	s6 =	sld [smem:$0x3FAE]  }
0x2c: {  	s7 =	sld [smem:$0x3FAF]  }
0x2d: {  	s3 =	simm.s32 $0x108;
	s8 =	sld [smem:$0x3FB0]  }
0x2e: {  	s3 =	simm.s32 @!p0 $0x1082;
	s9 =	sld [smem:$0x3FB1]  }
0x2f: {  	lr =	sadd.s32 s0, s3;
	s0 =	sld [smem:$0x3FA8]  }
0x30: {  	s3 =	sld [smem:$0x3FAB]  }
0x31: {  	[smem:$0x3FB4] =	sst s10  }
0x32: {  	s10 =	sld [smem:$0x3FB2];
	_ =	sdelay $0x3  }
0x33: {  	p0 =	seq.s32 s10, $0x1;
	s10 =	sld [smem:$0x3FB4];
	_ =	sdelay $0x3  }
0x34: {  	[smem:$0x3FB4] =	sst s10  }
0x35: {  	s10 =	sld [smem:$0x3FB3];
	_ =	sdelay $0x3  }
0x36: {  	p1 =	seq.s32 s10, $0x1;
	s10 =	sld [smem:$0x3FB4];
	_ =	sdelay $0x3  }
0x37: {  	[smem:$0x3FB4] =	sst s10  }
0x38: {  	s10 =	sld [smem:$0x3FB5]  }
0x39: {  	_ = 	snop;
	(pc) =	sbr.ind lr, $3  }
0x3a: {  	_ = 	snop  }
0x3b: {  	_ = 	snop  }
0x3c: {  	p2 =	seq.s32 s10, $0x1;
	s10 =	sld [smem:$0x3FB4]  }
0x3d: {  	_ =	shalt  }
0x3e: {  	_ =	shalt  }
0x3f: {  	_ =	shalt  }
0x40: {  	_ =	shalt  }
0x41: {  	_ =	shalt  }
0x42: {  	_ =	shalt  }
0x43: {  	_ =	shalt  }
0x44: {  	_ =	shalt  }
0x45: {  	_ =	shalt  }
0x46: {  	_ =	shalt  }
0x47: {  	_ =	shalt  }
0x48: {  	_ =	shalt  }
0x49: {  	_ =	shalt  }
0x4a: {  	_ =	shalt  }
0x4b: {  	_ =	shalt  }
0x4c: {  	_ =	shalt  }
0x4d: {  	_ =	shalt  }
0x4e: {  	_ =	shalt  }
0x4f: {  	_ =	shalt  }
0x50: {  	_ =	shalt  }
0x51: {  	_ =	shalt  }
0x52: {  	_ =	shalt  }
0x53: {  	_ =	shalt  }
0x54: {  	_ =	shalt  }
0x55: {  	_ =	shalt  }
0x56: {  	_ =	shalt  }
0x57: {  	_ =	shalt  }
0x58: {  	_ =	shalt  }
0x59: {  	_ =	shalt  }
0x5a: {  	_ =	shalt  }
0x5b: {  	_ =	shalt  }
0x5c: {  	_ =	shalt  }
0x5d: {  	_ =	shalt  }
0x5e: {  	_ =	shalt  }
0x5f: {  	_ =	shalt  }
0x60: {  	_ =	shalt  }
0x61: {  	_ =	shalt  }
0x62: {  	_ =	shalt  }
0x63: {  	_ =	shalt  }
0x64: {  	_ =	shalt  }
0x65: {  	_ =	shalt  }
0x66: {  	_ =	shalt  }
0x67: {  	_ =	shalt  }
0x68: {  	_ =	shalt  }
0x69: {  	_ =	shalt  }
0x6a: {  	_ =	shalt  }
0x6b: {  	_ =	shalt  }
0x6c: {  	_ =	shalt  }
0x6d: {  	_ =	shalt  }
0x6e: {  	_ =	shalt  }
0x6f: {  	_ =	shalt  }
0x70: {  	_ =	shalt  }
0x71: {  	_ =	shalt  }
0x72: {  	_ =	shalt  }
0x73: {  	_ =	shalt  }
0x74: {  	_ =	shalt  }
0x75: {  	_ =	shalt  }
0x76: {  	_ =	shalt  }
0x77: {  	_ =	shalt  }
0x78: {  	_ =	shalt  }
0x79: {  	_ =	shalt  }
0x7a: {  	_ =	shalt  }
0x7b: {  	_ =	shalt  }
0x7c: {  	_ =	shalt  }
0x7d: {  	_ =	shalt  }
0x7e: {  	_ =	shalt  }
0x7f: {  	_ =	shalt  }
0x80: {  	_ =	shalt  }
0x81: {  	_ =	shalt  }
0x82: {  	_ =	shalt  }
0x83: {  	_ =	shalt  }
0x84: {  	_ =	shalt  }
0x85: {  	_ =	shalt  }
0x86: {  	_ =	shalt  }
0x87: {  	_ =	shalt  }
.Lfunc_end0:
.L_simem_size_0:
called_computation.1_lowered:
.L_overlay_start_0:
0x88: {  	s2 =	sld [smem:$0x3FD9]  }
0x89: {  	s3 =	sld [smem:$0x3FFE];
	_ =	sdelay $0x1  }
0x8a: {  	s1 =	srdreg.scid  }
0x8b: {  	s0 =	sand.u32 $0x1, s1  }
0x8c: {  	s14 =	sshll.u32 s0, $0xA;
	s2 =	sadd.s32 s3, s2  }
0x8d: {  	s2 =	sadd.s32 s2, s14  }
0x8e: {  	[smem:$0x3FC0] =	sst s2  }
0x8f: {  	_ = 	snop  }
0x90: {  	s2 =	sld [smem:$0x3FD0];
	_ =	sdelay $0x2  }
0x91: {  	s15 =	simm.s32 $0xA;
	s4 =	simm.s32 $0x10  }
0x92: {  	[smem:s4], [sflag:s15] =	dma.local [hbm:s2], $0x1  }
0x93: {  	_ =	swait.eq [sflag:s15], $0x1  }
0x94: {  	[sflag:s15] =	ssyncset.done $0x0  }
0x95: {  	[sflag:s15] =	ssyncadd.s32 $0xFFFFFFFF  }
0x96: {  	s16 =	sld [smem:$0x10];
	(tm) =	ssettm $0x1  }
0x97: {  	s17 =	sld [smem:$0x3FFB];
	_ =	sdelay $0x3  }
0x98: {  	_ =	strace s17  }
0x99: {  	s3 =	sld [smem:$0x3FFC];
	_ =	sdelay $0x3  }
0x9a: {  	_ =	strace s3  }
0x9b: {  	s3 =	sld [smem:$0x3FFD];
	_ =	sdelay $0x3  }
0x9c: {  	_ =	strace s3  }
0x9d: {  	_ =	strace $0x8FFFFFFF  }
0x9e: {  	s18 =	sld [smem:$0x3FDB];
	_ =	sdelay $0x1  }
0x9f: {  	s19 =	simm.s32 $_scs_section_size  }
0xa0: {  	s5 =	simm.s32 $_size__tile_overlayer_lowered;
	s6 =	simm.s32 $_tile_overlayer_lowered  }
0xa1: {  	s22 =	simm.s32 $0x1BFF;
	s21 =	sshll.u32 s6, $0x1;
	s3 =	sadd.s32 s19, s18  }
0xa2: {  	s7 =	simm.s32 $0x0;
	s20 =	sshll.u32 s5, $0x1;
	s5 =	sadd.s32 s21, s3  }
0xa3: {  	[timem:s7], [sflag:s22] =	dma.local [hbm:s5], s20  }
0xa4: {  	_ =	swait.ge [sflag:s22], s20  }
0xa5: {  	s4 =	ssub.s32 $0x0, s20;
	[sflag:s22] =	ssyncset.done $0x0  }
0xa6: {  	[sflag:s22] =	ssyncadd.s32 s4;
	_ =	sdelay $0x1  }
0xa7: {  	s23 =	simm.s32 $0x1B8B  }
0xa8: {  	_ =	swait.ge [sflag:s23], $0x1  }
0xa9: {  	[sflag:s23] =	ssyncset.done $0x0  }
0xaa: {  	s25 =	simm.s32 $0x1B8E;
	s24 =	sld [smem:$0x3FFE];
	[sflag:s23] =	ssyncadd.s32 $0xFFFFFFFF  }
0xab: {  	s26 =	simm.s32 $execute0_lowered;
	[smem:$0x3FD2] =	sst s25  }
0xac: {  	s5 =	sshll.u32 s26, $0x1;
	_ =	strace $0x80000049;
	[dreg:$0x1] =	wrdreg $0xFFFFFFFF  }
0xad: {  	s28 =	simm.s32 $_size_execute0_lowered;
	s3 =	sadd.s32 s3, s5;
	[dreg:$0x0] =	wrdreg $0x0  }
0xae: {  	s5 =	sshll.u32 s28, $0x1;
	[dreg:$0x2] =	wrdreg s3  }
0xaf: {  	[dreg:$0x3] =	wrdreg s5  }
0xb0: {  	[dreg:$0x4] =	wrdreg $0xC0  }
0xb1: {  	_ =	task [dreg:s7], $0x5FFFF  }
0xb2: {  	[dreg:$0x1] =	wrdreg $0xFFFFFFFF  }
0xb3: {  	[dreg:$0x0] =	wrdreg $0x60  }
0xb4: {  	[dreg:$0x2] =	wrdreg s16  }
0xb5: {  	[dreg:$0x3] =	wrdreg s24  }
0xb6: {  	[dreg:$0x4] =	wrdreg $0x9  }
0xb7: {  	_ =	task.clear_ibuf [dreg:s7], $0x5FFFF;
	_ =	strace $0x90000049  }
0xb8: {  	s29 =	simm.s32 $0x9;
	_ =	strace $0x8000004B  }
0xb9: {  	_ =	swait.ge [sflag:s29], $0x1  }
0xba: {  	[sflag:s29] =	ssyncadd.s32 $0xFFFFFFFF  }
0xbb: {  	_ =	strace $0x9000004B  }
0xbc: {  	_ =	sfence  }
0xbd: {  	s30 =	sld [smem:$0x0];
	_ =	sdelay $0x2  }
0xbe: {  	s31 =	sshll.u32 s1, $0xD;
	s1 =	sshrl.u32 s1, $0x2  }
0xbf: {  	s3 =	sand.u32 $0x4000, s31;
	s1 =	sadd.s32 s1, s30  }
0xc0: {  	s0 =	sor.u32 s3, s0;
	s1 =	sshll.u32 s1, $0x11  }
0xc1: {  	s0 =	sor.u32 s1, s0  }
0xc2: {  	s0 =	sadd.s32 $0x8F2B, s0  }
0xc3: {  	[sflag:s0] =	ssyncadd.remote.s32 $0x1  }
0xc4: {  	_ =	sfence.sel $0xFFFF  }
0xc5: {  	[dreg:$0x0] =	wrdreg $0xFFFFFFFF;
	(pc) =	sbr.abs _section_cstart, $3  }
0xc6: {  	[dreg:$0x1] =	wrdreg $0xFFFFFFFF  }
0xc7: {  	_ =	task.clear_ibuf [dreg:s7], $0x2FFFF;
	_ =	strace $0x9FFFFFFF  }
0xc8: {  	(tm) =	ssettm $0x7FFFFFFF  }
0xc9: {  	_ =	shalt  }
tec
execute0_lowered:
.L_overlay_start_1:
0x0: {  	(tag) =	ssettag $0x1  }
0x1: {  	s3 =	rddreg [dreg:$0x0]  }
0x2: {  	s4 =	rddreg [dreg:$0x1]  }
0x3: {  	s0 =	rddreg [dreg:$0x2];
	s5 =	srdreg.scid  }
0x4: {  	s1 =	stileid.u32;
	s2 =	simm.s32 $0x0;
	s10 =	simm.s32 $0x10000  }
0x5: {  	s11 =	simm.s32 $0x10800;
	s5 =	sand.u32 $0x1, s5;
	s6 =	sshll.u32 s1, $0x1  }
0x6: {  	s12 =	simm.s32 $0x0;
	[smem:$0x7FF] =	sst s2;
	s6 =	sor.u32 s5, s6  }
0x7: {  	_ =	strace $0x8000004A;
	s5 =	ssub.s32 $0x2, s5;
	s7 =	sshll.u32 s6, $0xC  }
0x8: {  	s6 =	sshll.u32 s6, $0x8;
	s9 =	sshrl.u32 s5, $0x1;
	s8 =	sadd.s32 s7, s4  }
0x9: {  	s6 =	sadd.s32 s6, s4;
	s9 =	ssub.s32 s5, s9;
	s3 =	sadd.s32 s3, s7  }
0xa: {  	s4 =	sadd.s32 $0x1800, s8;
	s5 =	sadd.s32 $0x23800, s6;
	s6 =	sadd.s32 $0x21800, s6  }
0xb: {  	v0 =	vimm.f32 $-Inf;
	v1 =	vimm.s32 $0xFFFFFFFF;
	v2 =	vlaneseq.u32;
	s7 =	smax.u32 s9, $0x1;
	s8 =	simm.s32 $0x1;
	s9 =	simm.s32 $0x8000  }
.LBB2_1:
0xc: {  	[tilespmem:s2], [sflag:$0x1] =	stream.linear.gather [hbm4b:s3+s2], $0x8000, $0x38;
	[tilespmem:$0x11000] =	vst v63  }
0xd: {  	_ =	swait.ge [sflag:s8], $0x8000  }
0xe: {  	[sflag:s8] =	ssyncset.done $0x0  }
0xf: {  	[sflag:s8] =	ssyncadd.s32 $0xFFFF8000  }
0x10: {  	[tilespmem:s9], [sflag:$0x1] =	stream.linear.gather [hbm4b:s4+s2], $0x8000, $0x38;
	[tilespmem:$0x11000] =	vst v63  }
0x11: {  	_ =	swait.ge [sflag:s8], $0x8000  }
0x12: {  	[sflag:s8] =	ssyncset.done $0x0  }
0x13: {  	s13 =	simm.s32 $0x0;
	s14 =	simm.s32 $0x200;
	[sflag:s8] =	ssyncadd.s32 $0xFFFF8000  }
.LBB2_2:
0x14: {  	p0 =	sne.s32 s14, $0x1E00;
	[tilespmem:s13+$0x10870] =	vst v1  }
0x15: {  	[tilespmem:s13+$0x10000] =	vst v0  }
0x16: {  	[tilespmem:s13+$0x10800] =	vst v1  }
0x17: {  	[tilespmem:s13+$0x10010] =	vst v0  }
0x18: {  	[tilespmem:s13+$0x10810] =	vst v1  }
0x19: {  	[tilespmem:s13+$0x10020] =	vst v0  }
0x1a: {  	[tilespmem:s13+$0x10820] =	vst v1  }
0x1b: {  	[tilespmem:s13+$0x10030] =	vst v0  }
0x1c: {  	[tilespmem:s13+$0x10830] =	vst v1  }
0x1d: {  	[tilespmem:s13+$0x10040] =	vst v0  }
0x1e: {  	[tilespmem:s13+$0x10840] =	vst v1  }
.Ltmp0:
0x1f: {  	[tilespmem:s13+$0x10050] =	vst v0;
	(pc) =	sbr.rel @p0 .LBB2_2-.Ltmp0, $4  }
0x20: {  	[tilespmem:s13+$0x10850] =	vst v1  }
0x21: {  	[tilespmem:s13+$0x10060] =	vst v0  }
0x22: {  	[tilespmem:s13+$0x10860] =	vst v1  }
0x23: {  	[tilespmem:s13+$0x10070] =	vst v0;
	s13 =	sshra.s32 s14, $0x2;
	s14 =	sadd.s32 $0x200, s14  }
0x24: {  	[tilespmem:s13+$0x10870] =	vst v1  }
0x25: {  	[tilespmem:s13+$0x10000] =	vst v0  }
0x26: {  	[tilespmem:s13+$0x10800] =	vst v1  }
0x27: {  	[tilespmem:s13+$0x10010] =	vst v0  }
0x28: {  	[tilespmem:s13+$0x10810] =	vst v1  }
0x29: {  	[tilespmem:s13+$0x10020] =	vst v0  }
0x2a: {  	[tilespmem:s13+$0x10820] =	vst v1  }
0x2b: {  	[tilespmem:s13+$0x10030] =	vst v0  }
0x2c: {  	[tilespmem:s13+$0x10830] =	vst v1  }
0x2d: {  	[tilespmem:s13+$0x10040] =	vst v0  }
0x2e: {  	[tilespmem:s13+$0x10840] =	vst v1  }
0x2f: {  	[tilespmem:s13+$0x10050] =	vst v0  }
0x30: {  	[tilespmem:s13+$0x10850] =	vst v1  }
0x31: {  	[tilespmem:s13+$0x10060] =	vst v0  }
0x32: {  	[tilespmem:s13+$0x10860] =	vst v1  }
0x33: {  	[tilespmem:s13+$0x10070] =	vst v0;
	s13 =	simm.s32 $0x0;
	s14 =	simm.s32 $0x8040;
	s15 =	simm.s32 $0x40  }
.LBB2_4:
0x34: {  	v3 =	vld [tilespmem:s14+$0xFFFFFFC0];
	_ =	sdelay $0x4  }
0x35: {  	vm0 =	vgt.s32 v3, $0xFFFFFFFF;
	vm1 =	vlt.s32 v3, $0x7FF  }
0x36: {  	v4 =	vld [tilespmem:s15+$0xFFFFFFC0];
	v3 =	vnsel vm1, $0x7FF, v3;
	_ =	sdelay $0x3  }
0x37: {  	s16 =	sand.u32 $0x380, s13  }
0x38: {  	v5 =	vor.u32 s16, v2;
	[tilespmem:v3+s10+$0x0] =	vst.idx.msk vm0, v4  }
0x39: {  	[tilespmem:v3+s11+$0x0] =	vst.idx.msk vm0, v5  }
0x3a: {  	v3 =	vld [tilespmem:s14+$0xFFFFFFD0];
	_ =	sdelay $0x4  }
0x3b: {  	vm14 =	vgt.s32 v3, $0xFFFFFFFF;
	vm15 =	vlt.s32 v3, $0x7FF  }
0x3c: {  	v4 =	vld [tilespmem:s15+$0xFFFFFFD0];
	v3 =	vnsel vm15, $0x7FF, v3;
	_ =	sdelay $0x3  }
0x3d: {  	s17 =	sor.u32 $0x10, s16  }
0x3e: {  	v57 =	vor.u32 s17, v2;
	[tilespmem:v3+s10+$0x0] =	vst.idx.msk vm14, v4  }
0x3f: {  	[tilespmem:v3+s11+$0x0] =	vst.idx.msk vm14, v57  }
0x40: {  	v3 =	vld [tilespmem:s14+$0xFFFFFFE0];
	_ =	sdelay $0x4  }
0x41: {  	vm4 =	vgt.s32 v3, $0xFFFFFFFF;
	vm5 =	vlt.s32 v3, $0x7FF  }
0x42: {  	v4 =	vld [tilespmem:s15+$0xFFFFFFE0];
	v3 =	vnsel vm5, $0x7FF, v3;
	_ =	sdelay $0x3  }
0x43: {  	s26 =	sor.u32 $0x20, s16  }
0x44: {  	v58 =	vor.u32 s26, v2;
	[tilespmem:v3+s10+$0x0] =	vst.idx.msk vm4, v4  }
0x45: {  	[tilespmem:v3+s11+$0x0] =	vst.idx.msk vm4, v58  }
0x46: {  	v3 =	vld [tilespmem:s14+$0xFFFFFFF0];
	_ =	sdelay $0x4  }
0x47: {  	vm6 =	vgt.s32 v3, $0xFFFFFFFF;
	vm7 =	vlt.s32 v3, $0x7FF  }
0x48: {  	v4 =	vld [tilespmem:s15+$0xFFFFFFF0];
	v3 =	vnsel vm7, $0x7FF, v3;
	_ =	sdelay $0x3  }
0x49: {  	s28 =	sor.u32 $0x30, s16  }
0x4a: {  	v59 =	vor.u32 s28, v2;
	[tilespmem:v3+s10+$0x0] =	vst.idx.msk vm6, v4  }
0x4b: {  	[tilespmem:v3+s11+$0x0] =	vst.idx.msk vm6, v59  }
0x4c: {  	v3 =	vld [tilespmem:s14+$0x0];
	_ =	sdelay $0x4  }
0x4d: {  	vm8 =	vgt.s32 v3, $0xFFFFFFFF;
	vm9 =	vlt.s32 v3, $0x7FF  }
0x4e: {  	v4 =	vld [tilespmem:s15+$0x0];
	v3 =	vnsel vm9, $0x7FF, v3;
	_ =	sdelay $0x3  }
0x4f: {  	s29 =	sor.u32 $0x40, s16  }
0x50: {  	v60 =	vor.u32 s29, v2;
	[tilespmem:v3+s10+$0x0] =	vst.idx.msk vm8, v4  }
0x51: {  	[tilespmem:v3+s11+$0x0] =	vst.idx.msk vm8, v60  }
0x52: {  	v3 =	vld [tilespmem:s14+$0x10];
	_ =	sdelay $0x4  }
0x53: {  	vm10 =	vgt.s32 v3, $0xFFFFFFFF;
	vm11 =	vlt.s32 v3, $0x7FF  }
0x54: {  	v4 =	vld [tilespmem:s15+$0x10];
	v3 =	vnsel vm11, $0x7FF, v3;
	_ =	sdelay $0x3  }
0x55: {  	s30 =	sor.u32 $0x50, s16  }
0x56: {  	v61 =	vor.u32 s30, v2;
	[tilespmem:v3+s10+$0x0] =	vst.idx.msk vm10, v4  }
0x57: {  	[tilespmem:v3+s11+$0x0] =	vst.idx.msk vm10, v61  }
0x58: {  	v3 =	vld [tilespmem:s14+$0x20];
	_ =	sdelay $0x4  }
0x59: {  	vm12 =	vgt.s32 v3, $0xFFFFFFFF;
	vm13 =	vlt.s32 v3, $0x7FF  }
0x5a: {  	v4 =	vld [tilespmem:s15+$0x20];
	v3 =	vnsel vm13, $0x7FF, v3;
	_ =	sdelay $0x3  }
0x5b: {  	s31 =	sor.u32 $0x60, s16  }
0x5c: {  	v62 =	vor.u32 s31, v2;
	[tilespmem:v3+s10+$0x0] =	vst.idx.msk vm12, v4  }
0x5d: {  	[tilespmem:v3+s11+$0x0] =	vst.idx.msk vm12, v62  }
0x5e: {  	v3 =	vld [tilespmem:s14+$0x30];
	_ =	sdelay $0x4  }
0x5f: {  	vm14 =	vgt.s32 v3, $0xFFFFFFFF;
	vm15 =	vlt.s32 v3, $0x7FF  }
0x60: {  	v4 =	vld [tilespmem:s15+$0x30];
	v3 =	vnsel vm15, $0x7FF, v3  }
0x61: {  	p0 =	sne.s32 s13, $0x7F80  }
.Ltmp1:
0x62: {  	_ = 	snop;
	(pc) =	sbr.rel @p0 .LBB2_4-.Ltmp1, $4  }
0x63: {  	_ = 	snop  }
0x64: {  	s16 =	sor.u32 $0x70, s16  }
0x65: {  	v63 =	vor.u32 s16, v2;
	[tilespmem:v3+s10+$0x0] =	vst.idx.msk vm14, v4  }
0x66: {  	s13 =	sadd.s32 $0x80, s13;
	s14 =	sadd.s32 $0x80, s14;
	s15 =	sadd.s32 $0x80, s15;
	[tilespmem:v3+s11+$0x0] =	vst.idx.msk vm14, v63  }
0x67: {  	[hbm4b:s5+s2] =	stream.linear.scatter [tilespmem:s10], [sflag:$0x1], $0x800, $0x38;
	[tilespmem:$0x11000] =	vst v63  }
0x68: {  	s12 =	sadd.s32 $0x1, s12;
	_ =	swait.ge [sflag:s8], $0x800  }
0x69: {  	p0 =	sne.s32 s12, s7;
	[sflag:s8] =	ssyncset.done $0x0  }
.Ltmp2:
0x6a: {  	[sflag:s8] =	ssyncadd.s32 $0xFFFFF800;
	(pc) =	sbr.rel @p0 .LBB2_1-.Ltmp2, $4  }
0x6b: {  	[hbm4b:s6+s2] =	stream.linear.scatter [tilespmem:s11], [sflag:$0x1], $0x800, $0x38;
	[tilespmem:$0x11000] =	vst v63  }
0x6c: {  	_ =	swait.ge [sflag:s8], $0x800  }
0x6d: {  	[sflag:s8] =	ssyncset.done $0x0  }
0x6e: {  	[sflag:s8] =	ssyncadd.s32 $0xFFFFF800  }
0x6f: {  	_ =	sfence.sel $0x180000  }
0x70: {  	[bflag:$0x0] =	sbarrier.arrive $0xFFFF  }
0x71: {  	p0 =	sne.s32 s1, $0x0;
	_ =	strace $0x9000004A  }
0x72: {  	s0 =	sadd.s32 @!p0 $0x100000, s0;
	[bflag:$0x2] =	sbarrier.arrive $0xFFFF  }
0x73: {  	[sflag:s0] =	ssyncadd.tile.s32 @!p0 $0x1;
	_ =	shalt  }
.Lfunc_end2:
_tile_overlayer_lowered:
.L_overlay_start_2:
0x74: {  	(tag) =	ssettag $0x2  }
0x75: {  	s0 =	rddreg [dreg:$0x0];
	s2 =	stileid.u32  }
0x76: {  	s1 =	rddreg [dreg:$0x1];
	p0 =	sne.s32 s2, $0x0  }
0x77: {  	s3 =	rddreg [dreg:$0x2];
	[bflag:$0x3] =	sbarrier.arrive $0xFFFF;
	s2 =	simm.s32 @!p0 $0x1C01  }
0x78: {  	[timem:s3], [sflag:s2] =	dma.local @!p0 [hbm:s0], s1  }
0x79: {  	s0 =	simm.s32 @!p0 $0x1  }
0x7a: {  	_ =	swait.ge @!p0 [sflag:s0], s1  }
0x7b: {  	s1 =	ssub.s32 @!p0 $0x0, s1;
	[sflag:s0] =	ssyncset.done @!p0 $0x0  }
0x7c: {  	[sflag:s0] =	ssyncadd.s32 @!p0 s1  }
0x7d: {  	[bflag:$0x3] =	sbarrier.arrive $0xFFFF  }
0x7e: {  	_ =	shalt  }

// kernel: branch_1_fun.8.cloned.1.call-start
scs
__scs_entry_jumppad:
0x0: {  	(pc) =	sbr.rel $0x88, $3  }
0x1: {  	(tag) =	ssettag $0x0;
	lr =	simm.s32 $0x1  }
0x2: {  	[smem:$0x3F99] =	sst lr;
	_ =	strace $0xD0000000  }
0x3: {  	_ = 	snop  }
0x4: {  	_ = 	snop  }
0x5: {  	_ = 	snop  }
0x6: {  	_ = 	snop  }
0x7: {  	_ = 	snop  }
__scs_overlays_trampoline_lowered:
0x8: {  	[smem:$0x3FA8] =	sst s0  }
0x9: {  	[smem:$0x3FA9] =	sst s1  }
0xa: {  	[smem:$0x3FAA] =	sst s2  }
0xb: {  	[smem:$0x3FAB] =	sst s3  }
0xc: {  	[smem:$0x3FAC] =	sst s4  }
0xd: {  	[smem:$0x3FAD] =	sst s5  }
0xe: {  	[smem:$0x3FAE] =	sst s6  }
0xf: {  	[smem:$0x3FAF] =	sst s7  }
0x10: {  	[smem:$0x3FB0] =	sst s8  }
0x11: {  	[smem:$0x3FB1] =	sst s9;
	s0 =	simm.s32 @!p0 $0x0  }
0x12: {  	s1 =	sld [smem:$0x3F97];
	s0 =	simm.s32 @p0 $0x1  }
0x13: {  	[smem:$0x3FB2] =	sst s0;
	s0 =	simm.s32 @!p1 $0x0  }
0x14: {  	s2 =	sld [smem:$0x3F96];
	s0 =	simm.s32 @p1 $0x1  }
0x15: {  	[smem:$0x3FB3] =	sst s0;
	s0 =	simm.s32 @!p2 $0x0  }
0x16: {  	s3 =	sld [smem:$0x3FDB];
	s0 =	simm.s32 @p2 $0x1  }
0x17: {  	s4 =	simm.s32 $0x1BF5;
	[smem:$0x3FB5] =	sst s0  }
0x18: {  	s0 =	sld [smem:$0x3F98];
	_ =	swait.ge [sflag:s4], $0x0  }
0x19: {  	s7 =	sld [smem:$0x3F99]  }
0x1a: {  	s8 =	sadd.s32 $0xFFFFE003, lr  }
0x1b: {  	s9 =	sadd.s32 $0xFFFFFEF7, lr;
	s5 =	simm.s32 $0xFFFFFFFF;
	p2 =	slt.u32 s8, $0xFFFFF086  }
0x1c: {  	p1 =	slt.u32 s9, $0xF7A;
	s5 =	simm.s32 @!p2 $0x0  }
0x1d: {  	s5 =	simm.s32 @p1 $0x1;
	p0 =	seq.s32 s7, s2  }
0x1e: {  	s7 =	smul.u32 @!p0 $0xF7A, s2;
	p2 =	seq.s32 @!p0 s5, $0x0  }
0x1f: {  	s9 =	smul.u32 $0xF7A, s1;
	s8 =	simm.s32 @!p0 $0x1BF5;
	p2 =	por !p2, p0  }
0x20: {  	[sflag:s8] =	ssyncset.s32 @!p0 $0xFFFFF086;
	s6 =	sadd.s32 @!p0 s3, s7;
	s7 =	simm.s32 @!p0 $0x108  }
0x21: {  	s3 =	sadd.s32 s3, s9;
	s6 =	sadd.s32 @!p0 $0x88, s6;
	s7 =	simm.s32 @p2 $0x1082  }
0x22: {  	[simem:s7], [sflag:s8] =	dma.local @!p0 [hbm:s6], $0xF7A  }
0x23: {  	s9 =	sor.u32 $0xD0000000, s2;
	s6 =	simm.s32 $0x108;
	_ =	swait.ge @!p0 [sflag:s8], $0x0  }
0x24: {  	s3 =	sadd.s32 $0x88, s3;
	s6 =	simm.s32 @!p1 $0x1082;
	[sflag:s4] =	ssyncset.s32 $0xFFFFF086  }
0x25: {  	[simem:s6], [sflag:s4] =	dma.local [hbm:s3], $0xF7A  }
0x26: {  	[smem:$0x3F99] =	sst s1;
	(tag) =	ssettag s2;
	_ =	strace s9  }
0x27: {  	s1 =	sld [smem:$0x3FA9]  }
0x28: {  	s2 =	sld [smem:$0x3FAA]  }
0x29: {  	s4 =	sld [smem:$0x3FAC]  }
0x2a: {  	p0 =	seq.s32 s5, $0x0;
	s5 =	sld [smem:$0x3FAD]  }
0x2b: {  	s6 =	sld [smem:$0x3FAE]  }
0x2c: {  	s7 =	sld [smem:$0x3FAF]  }
0x2d: {  	s3 =	simm.s32 $0x108;
	s8 =	sld [smem:$0x3FB0]  }
0x2e: {  	s3 =	simm.s32 @!p0 $0x1082;
	s9 =	sld [smem:$0x3FB1]  }
0x2f: {  	lr =	sadd.s32 s0, s3;
	s0 =	sld [smem:$0x3FA8]  }
0x30: {  	s3 =	sld [smem:$0x3FAB]  }
0x31: {  	[smem:$0x3FB4] =	sst s10  }
0x32: {  	s10 =	sld [smem:$0x3FB2];
	_ =	sdelay $0x3  }
0x33: {  	p0 =	seq.s32 s10, $0x1;
	s10 =	sld [smem:$0x3FB4];
	_ =	sdelay $0x3  }
0x34: {  	[smem:$0x3FB4] =	sst s10  }
0x35: {  	s10 =	sld [smem:$0x3FB3];
	_ =	sdelay $0x3  }
0x36: {  	p1 =	seq.s32 s10, $0x1;
	s10 =	sld [smem:$0x3FB4];
	_ =	sdelay $0x3  }
0x37: {  	[smem:$0x3FB4] =	sst s10  }
0x38: {  	s10 =	sld [smem:$0x3FB5]  }
0x39: {  	_ = 	snop;
	(pc) =	sbr.ind lr, $3  }
0x3a: {  	_ = 	snop  }
0x3b: {  	_ = 	snop  }
0x3c: {  	p2 =	seq.s32 s10, $0x1;
	s10 =	sld [smem:$0x3FB4]  }
0x3d: {  	_ =	shalt  }
0x3e: {  	_ =	shalt  }
0x3f: {  	_ =	shalt  }
0x40: {  	_ =	shalt  }
0x41: {  	_ =	shalt  }
0x42: {  	_ =	shalt  }
0x43: {  	_ =	shalt  }
0x44: {  	_ =	shalt  }
0x45: {  	_ =	shalt  }
0x46: {  	_ =	shalt  }
0x47: {  	_ =	shalt  }
0x48: {  	_ =	shalt  }
0x49: {  	_ =	shalt  }
0x4a: {  	_ =	shalt  }
0x4b: {  	_ =	shalt  }
0x4c: {  	_ =	shalt  }
0x4d: {  	_ =	shalt  }
0x4e: {  	_ =	shalt  }
0x4f: {  	_ =	shalt  }
0x50: {  	_ =	shalt  }
0x51: {  	_ =	shalt  }
0x52: {  	_ =	shalt  }
0x53: {  	_ =	shalt  }
0x54: {  	_ =	shalt  }
0x55: {  	_ =	shalt  }
0x56: {  	_ =	shalt  }
0x57: {  	_ =	shalt  }
0x58: {  	_ =	shalt  }
0x59: {  	_ =	shalt  }
0x5a: {  	_ =	shalt  }
0x5b: {  	_ =	shalt  }
0x5c: {  	_ =	shalt  }
0x5d: {  	_ =	shalt  }
0x5e: {  	_ =	shalt  }
0x5f: {  	_ =	shalt  }
0x60: {  	_ =	shalt  }
0x61: {  	_ =	shalt  }
0x62: {  	_ =	shalt  }
0x63: {  	_ =	shalt  }
0x64: {  	_ =	shalt  }
0x65: {  	_ =	shalt  }
0x66: {  	_ =	shalt  }
0x67: {  	_ =	shalt  }
0x68: {  	_ =	shalt  }
0x69: {  	_ =	shalt  }
0x6a: {  	_ =	shalt  }
0x6b: {  	_ =	shalt  }
0x6c: {  	_ =	shalt  }
0x6d: {  	_ =	shalt  }
0x6e: {  	_ =	shalt  }
0x6f: {  	_ =	shalt  }
0x70: {  	_ =	shalt  }
0x71: {  	_ =	shalt  }
0x72: {  	_ =	shalt  }
0x73: {  	_ =	shalt  }
0x74: {  	_ =	shalt  }
0x75: {  	_ =	shalt  }
0x76: {  	_ =	shalt  }
0x77: {  	_ =	shalt  }
0x78: {  	_ =	shalt  }
0x79: {  	_ =	shalt  }
0x7a: {  	_ =	shalt  }
0x7b: {  	_ =	shalt  }
0x7c: {  	_ =	shalt  }
0x7d: {  	_ =	shalt  }
0x7e: {  	_ =	shalt  }
0x7f: {  	_ =	shalt  }
0x80: {  	_ =	shalt  }
0x81: {  	_ =	shalt  }
0x82: {  	_ =	shalt  }
0x83: {  	_ =	shalt  }
0x84: {  	_ =	shalt  }
0x85: {  	_ =	shalt  }
0x86: {  	_ =	shalt  }
0x87: {  	_ =	shalt  }
.Lfunc_end0:
.L_simem_size_0:
called_computation.2_lowered:
.L_overlay_start_0:
0x88: {  	s2 =	sld [smem:$0x3FD9]  }
0x89: {  	s3 =	sld [smem:$0x3FFE];
	_ =	sdelay $0x1  }
0x8a: {  	s1 =	srdreg.scid  }
0x8b: {  	s0 =	sand.u32 $0x1, s1  }
0x8c: {  	s14 =	sshll.u32 s0, $0xA;
	s2 =	sadd.s32 s3, s2  }
0x8d: {  	s2 =	sadd.s32 s2, s14  }
0x8e: {  	[smem:$0x3FC0] =	sst s2  }
0x8f: {  	_ = 	snop  }
0x90: {  	s2 =	sld [smem:$0x3FD0];
	_ =	sdelay $0x2  }
0x91: {  	s15 =	simm.s32 $0xA;
	s4 =	simm.s32 $0x10  }
0x92: {  	[smem:s4], [sflag:s15] =	dma.local [hbm:s2], $0x1  }
0x93: {  	_ =	swait.eq [sflag:s15], $0x1  }
0x94: {  	[sflag:s15] =	ssyncset.done $0x0  }
0x95: {  	[sflag:s15] =	ssyncadd.s32 $0xFFFFFFFF  }
0x96: {  	s16 =	sld [smem:$0x10];
	(tm) =	ssettm $0x1  }
0x97: {  	s17 =	sld [smem:$0x3FFB];
	_ =	sdelay $0x3  }
0x98: {  	_ =	strace s17  }
0x99: {  	s3 =	sld [smem:$0x3FFC];
	_ =	sdelay $0x3  }
0x9a: {  	_ =	strace s3  }
0x9b: {  	s3 =	sld [smem:$0x3FFD];
	_ =	sdelay $0x3  }
0x9c: {  	_ =	strace s3  }
0x9d: {  	_ =	strace $0x8FFFFFFF  }
0x9e: {  	s18 =	sld [smem:$0x3FDB];
	_ =	sdelay $0x1  }
0x9f: {  	s19 =	simm.s32 $_scs_section_size  }
0xa0: {  	s5 =	simm.s32 $_size__tile_overlayer_lowered;
	s6 =	simm.s32 $_tile_overlayer_lowered  }
0xa1: {  	s22 =	simm.s32 $0x1BFF;
	s21 =	sshll.u32 s6, $0x1;
	s3 =	sadd.s32 s19, s18  }
0xa2: {  	s7 =	simm.s32 $0x0;
	s20 =	sshll.u32 s5, $0x1;
	s5 =	sadd.s32 s21, s3  }
0xa3: {  	[timem:s7], [sflag:s22] =	dma.local [hbm:s5], s20  }
0xa4: {  	_ =	swait.ge [sflag:s22], s20  }
0xa5: {  	s4 =	ssub.s32 $0x0, s20;
	[sflag:s22] =	ssyncset.done $0x0  }
0xa6: {  	[sflag:s22] =	ssyncadd.s32 s4;
	_ =	sdelay $0x1  }
0xa7: {  	s23 =	simm.s32 $0x1B8B  }
0xa8: {  	_ =	swait.ge [sflag:s23], $0x1  }
0xa9: {  	[sflag:s23] =	ssyncset.done $0x0  }
0xaa: {  	s25 =	simm.s32 $0x1B8E;
	s24 =	sld [smem:$0x3FFE];
	[sflag:s23] =	ssyncadd.s32 $0xFFFFFFFF  }
0xab: {  	s26 =	simm.s32 $execute0_lowered;
	[smem:$0x3FD2] =	sst s25  }
0xac: {  	s5 =	sshll.u32 s26, $0x1;
	_ =	strace $0x8000004C;
	[dreg:$0x1] =	wrdreg $0xFFFFFFFF  }
0xad: {  	s28 =	simm.s32 $_size_execute0_lowered;
	s3 =	sadd.s32 s3, s5;
	[dreg:$0x0] =	wrdreg $0x0  }
0xae: {  	s5 =	sshll.u32 s28, $0x1;
	[dreg:$0x2] =	wrdreg s3  }
0xaf: {  	[dreg:$0x3] =	wrdreg s5  }
0xb0: {  	[dreg:$0x4] =	wrdreg $0xC0  }
0xb1: {  	_ =	task [dreg:s7], $0x5FFFF  }
0xb2: {  	[dreg:$0x1] =	wrdreg $0xFFFFFFFF  }
0xb3: {  	[dreg:$0x0] =	wrdreg $0x60  }
0xb4: {  	[dreg:$0x2] =	wrdreg s24  }
0xb5: {  	[dreg:$0x3] =	wrdreg s16  }
0xb6: {  	[dreg:$0x4] =	wrdreg $0x9  }
0xb7: {  	_ =	task.clear_ibuf [dreg:s7], $0x5FFFF;
	_ =	strace $0x9000004C  }
0xb8: {  	s29 =	simm.s32 $0x9;
	_ =	strace $0x8000004E  }
0xb9: {  	_ =	swait.ge [sflag:s29], $0x1  }
0xba: {  	[sflag:s29] =	ssyncadd.s32 $0xFFFFFFFF  }
0xbb: {  	_ =	strace $0x9000004E  }
0xbc: {  	_ =	sfence  }
0xbd: {  	s30 =	sld [smem:$0x0];
	_ =	sdelay $0x2  }
0xbe: {  	s31 =	sshll.u32 s1, $0xD;
	s1 =	sshrl.u32 s1, $0x2  }
0xbf: {  	s3 =	sand.u32 $0x4000, s31;
	s1 =	sadd.s32 s1, s30  }
0xc0: {  	s0 =	sor.u32 s3, s0;
	s1 =	sshll.u32 s1, $0x11  }
0xc1: {  	s0 =	sor.u32 s1, s0  }
0xc2: {  	s0 =	sadd.s32 $0x8F2B, s0  }
0xc3: {  	[sflag:s0] =	ssyncadd.remote.s32 $0x1  }
0xc4: {  	_ =	sfence.sel $0xFFFF  }
0xc5: {  	[dreg:$0x0] =	wrdreg $0xFFFFFFFF;
	(pc) =	sbr.abs _section_cstart, $3  }
0xc6: {  	[dreg:$0x1] =	wrdreg $0xFFFFFFFF  }
0xc7: {  	_ =	task.clear_ibuf [dreg:s7], $0x2FFFF;
	_ =	strace $0x9FFFFFFF  }
0xc8: {  	(tm) =	ssettm $0x7FFFFFFF  }
0xc9: {  	_ =	shalt  }
tec
execute0_lowered:
.L_overlay_start_1:
0x0: {  	(tag) =	ssettag $0x1  }
0x1: {  	s3 =	rddreg [dreg:$0x0]  }
0x2: {  	s6 =	rddreg [dreg:$0x1];
	s2 =	srdreg.scid  }
0x3: {  	s0 =	rddreg [dreg:$0x2];
	s1 =	stileid.u32;
	s9 =	simm.s32 $0x1000  }
0x4: {  	s10 =	simm.s32 $0x2000;
	s11 =	simm.s32 $0x0;
	s4 =	sand.u32 $0x1, s2  }
0x5: {  	s2 =	simm.s32 $0x0;
	s5 =	sshll.u32 s1, $0x6;
	s7 =	sshll.u32 s4, $0x5  }
0x6: {  	[smem:$0x7FF] =	sst s2;
	s4 =	ssub.s32 $0x2, s4;
	s7 =	sor.u32 s7, s5  }
0x7: {  	_ =	strace $0x8000004D;
	s8 =	sshrl.u32 s4, $0x1;
	s5 =	sshll.u32 s7, $0x4  }
0x8: {  	s8 =	ssub.s32 s4, s8;
	s7 =	sshll.u32 s7, $0x7;
	s5 =	sadd.s32 s5, s3  }
0x9: {  	s3 =	sadd.s32 $0x9800, s3;
	s6 =	sadd.s32 s6, s7;
	s7 =	smax.u32 s8, $0x1  }
0xa: {  	s8 =	simm.s32 $0x1;
	s4 =	sadd.s32 $0x5800, s5;
	s5 =	sadd.s32 $0x1800, s5  }
.LBB2_1:
0xb: {  	[tilespmem:s2], [sflag:$0x1] =	stream.linear.gather [hbm4b:s4+s2], $0x1000, $0x38;
	[tilespmem:$0xA000] =	vst v63  }
0xc: {  	_ =	swait.ge [sflag:s8], $0x1000  }
0xd: {  	[sflag:s8] =	ssyncset.done $0x0  }
0xe: {  	[sflag:s8] =	ssyncadd.s32 $0xFFFFF000  }
0xf: {  	[tilespmem:s9], [sflag:$0x1] =	stream.linear.gather [hbm4b:s5+s2], $0x1000, $0x38;
	[tilespmem:$0xA000] =	vst v63  }
0x10: {  	_ =	swait.ge [sflag:s8], $0x1000  }
0x11: {  	[sflag:s8] =	ssyncset.done $0x0  }
0x12: {  	[sflag:s8] =	ssyncadd.s32 $0xFFFFF000  }
0x13: {  	[tilespmem:s10], [sflag:$0x1] =	stream.linear.gather [hbm4b:s3+s2], $0x8000, $0x38;
	[tilespmem:$0xA000] =	vst v63  }
0x14: {  	_ =	swait.ge [sflag:s8], $0x8000  }
0x15: {  	s12 =	simm.s32 $0x20;
	[sflag:s8] =	ssyncset.done $0x0  }
0x16: {  	s13 =	simm.s32 $0x1020;
	s14 =	simm.s32 $0x0;
	[sflag:s8] =	ssyncadd.s32 $0xFFFF8000  }
.LBB2_2:
0x17: {  	v0 =	vld [tilespmem:s13+$0xFFFFFFE0];
	_ =	sdelay $0x3  }
0x18: {  	v1 =	vmov s14  }
0x19: {  	v2 =	vshll.u32 v1, $0xA;
	v3 =	vshll.u32 v0, $0x3  }
0x1a: {  	v2 =	vand.u32 $0x6000, v2;
	v3 =	vand.u32 $0xFFFFFC00, v3  }
0x1b: {  	v1 =	vshll.u32 v1, $0x7;
	v4 =	vand.u32 $0x7F, v0;
	v3 =	vadd.s32 v2, v3  }
0x1c: {  	v49 =	vand.u32 $0x380, v1;
	vm0 =	vgt.s32 v0, $0xFFFFFFFF;
	v50 =	vor.u32 v4, v3  }
0x1d: {  	v51 =	vld [tilespmem:s12+$0xFFFFFFE0];
	v1 =	vor.u32 v49, v50;
	_ =	sdelay $0x4  }
0x1e: {  	[tilespmem:v1+s10+$0x0] =	vst.idx.msk vm0, v51  }
0x1f: {  	v1 =	vld [tilespmem:s13+$0xFFFFFFF0];
	_ =	sdelay $0x4  }
0x20: {  	v52 =	vshll.u32 v1, $0x3  }
0x21: {  	v3 =	vand.u32 $0xFFFFFC00, v52  }
0x22: {  	v53 =	vand.u32 $0x7F, v1;
	v3 =	vadd.s32 v2, v3  }
0x23: {  	vm13 =	vgt.s32 v1, $0xFFFFFFFF;
	v54 =	vor.u32 v53, v3  }
0x24: {  	v55 =	vld [tilespmem:s12+$0xFFFFFFF0];
	v1 =	vor.u32 v49, v54;
	_ =	sdelay $0x4  }
0x25: {  	[tilespmem:v1+s10+$0x0] =	vst.idx.msk vm13, v55  }
0x26: {  	v1 =	vld [tilespmem:s13+$0x0];
	_ =	sdelay $0x4  }
0x27: {  	v56 =	vshll.u32 v1, $0x3  }
0x28: {  	v3 =	vand.u32 $0xFFFFFC00, v56  }
0x29: {  	v57 =	vand.u32 $0x7F, v1;
	v3 =	vadd.s32 v2, v3  }
0x2a: {  	vm14 =	vgt.s32 v1, $0xFFFFFFFF;
	v58 =	vor.u32 v57, v3  }
0x2b: {  	v59 =	vld [tilespmem:s12+$0x0];
	v1 =	vor.u32 v49, v58;
	_ =	sdelay $0x4  }
0x2c: {  	[tilespmem:v1+s10+$0x0] =	vst.idx.msk vm14, v59  }
0x2d: {  	v1 =	vld [tilespmem:s13+$0x10];
	_ =	sdelay $0x4  }
0x2e: {  	v60 =	vshll.u32 v1, $0x3  }
0x2f: {  	v3 =	vand.u32 $0xFFFFFC00, v60  }
0x30: {  	v61 =	vand.u32 $0x7F, v1;
	v2 =	vadd.s32 v2, v3  }
0x31: {  	vm15 =	vgt.s32 v1, $0xFFFFFFFF;
	v62 =	vor.u32 v61, v2  }
0x32: {  	p0 =	sne.s32 s14, $0x1F;
	v63 =	vld [tilespmem:s12+$0x10];
	v0 =	vor.u32 v49, v62  }
.Ltmp0:
0x33: {  	_ = 	snop;
	(pc) =	sbr.rel @p0 .LBB2_2-.Ltmp0, $2  }
0x34: {  	_ =	sdelay $0x2  }
0x35: {  	s14 =	sadd.s32 $0x1, s14;
	s12 =	sadd.s32 $0x80, s12;
	s13 =	sadd.s32 $0x80, s13;
	[tilespmem:v0+s10+$0x0] =	vst.idx.msk vm15, v63  }
0x36: {  	s11 =	sadd.s32 $0x1, s11  }
0x37: {  	p0 =	sne.s32 s11, s7  }
.Ltmp1:
0x38: {  	_ = 	snop;
	(pc) =	sbr.rel @p0 .LBB2_1-.Ltmp1, $4  }
0x39: {  	[hbm4b:s6+s2] =	stream.linear.scatter [tilespmem:s10], [sflag:$0x1], $0x8000, $0x38;
	[tilespmem:$0xA000] =	vst v63  }
0x3a: {  	_ =	swait.ge [sflag:s8], $0x8000  }
0x3b: {  	[sflag:s8] =	ssyncset.done $0x0  }
0x3c: {  	[sflag:s8] =	ssyncadd.s32 $0xFFFF8000  }
0x3d: {  	_ =	sfence.sel $0x180000  }
0x3e: {  	[bflag:$0x0] =	sbarrier.arrive $0xFFFF  }
0x3f: {  	p0 =	sne.s32 s1, $0x0;
	_ =	strace $0x9000004D  }
0x40: {  	s0 =	sadd.s32 @!p0 $0x100000, s0;
	[bflag:$0x2] =	sbarrier.arrive $0xFFFF  }
0x41: {  	[sflag:s0] =	ssyncadd.tile.s32 @!p0 $0x1;
	_ =	shalt  }
.Lfunc_end2:
_tile_overlayer_lowered:
.L_overlay_start_2:
0x42: {  	(tag) =	ssettag $0x2  }
0x43: {  	s0 =	rddreg [dreg:$0x0];
	s2 =	stileid.u32  }
0x44: {  	s1 =	rddreg [dreg:$0x1];
	p0 =	sne.s32 s2, $0x0  }
0x45: {  	s3 =	rddreg [dreg:$0x2];
	[bflag:$0x3] =	sbarrier.arrive $0xFFFF;
	s2 =	simm.s32 @!p0 $0x1C01  }
0x46: {  	[timem:s3], [sflag:s2] =	dma.local @!p0 [hbm:s0], s1  }
0x47: {  	s0 =	simm.s32 @!p0 $0x1  }
0x48: {  	_ =	swait.ge @!p0 [sflag:s0], s1  }
0x49: {  	s1 =	ssub.s32 @!p0 $0x0, s1;
	[sflag:s0] =	ssyncset.done @!p0 $0x0  }
0x4a: {  	[sflag:s0] =	ssyncadd.s32 @!p0 s1  }
0x4b: {  	[bflag:$0x3] =	sbarrier.arrive $0xFFFF  }
0x4c: {  	_ =	shalt  }

</sc_bundles>
